<compile_context>
chip_gen: v7x
topology: tpu7x:2x2x1
jax: 0.10.2.dev20260603
libtpu: 0.0.44.dev20260713+nightly
codegen_flags: <defaults>
</compile_context>

<pallas_src>
import functools

import jax
import jax.numpy as jnp
from jax import lax
from jax.experimental import pallas as pl
from jax.experimental.pallas import tpu as pltpu
from jax.experimental.pallas import tpu_sc as plsc

N = 100000
E = 1600000
FIN = 16
HID = 32
HALF = 16
FOUT = 2

NCORES = 2
NSUB = 16

NP = 100096
NPF = NP // 8

DEG_SLICE = NP // NSUB
EDGES_PER_W = E // (NCORES * NSUB)
DEG_CHUNK = 5000
DEG_NCHUNK = EDGES_PER_W // DEG_CHUNK
DEG_BUF = 6256

DINV_SLICE = NP // (NCORES * NSUB)
DINV_BUF = 3136

EDGES_PER_SUB = E // NSUB
AGG_CHUNK = 800
AGG_NCHUNK = EDGES_PER_SUB // AGG_CHUNK
ROWS_PER_SUB = NP // NSUB
_STAGES = [(j * 800, 800) for j in range(7)] + [(5600, 656)]

_MESH = dict(
    mesh=plsc.VectorSubcoreMesh(core_axis_name="c", subcore_axis_name="s"),
    compiler_params=pltpu.CompilerParams(
        use_tc_tiling_on_sc=False, needs_layout_passes=False
    ),
)


def _fill1d(ref, n, value):
    vec = jnp.full((16,), value, dtype=ref.dtype)

    def body(i, c):
        ref[pl.ds(i * 16, 16)] = vec
        return c

    lax.fori_loop(0, n // 16, body, 0)


def _zero_rows(ref, nrows):
    z = jnp.zeros((16,), dtype=ref.dtype)

    def body(i, c):
        ref[i, :] = z
        return c

    lax.fori_loop(0, nrows, body, 0)


@functools.partial(
    pl.kernel,
    out_type=jax.ShapeDtypeStruct((NCORES * NP,), jnp.float32),
    scratch_types=[
        pltpu.VMEM((DEG_CHUNK,), jnp.int32),
        pltpu.VMEM((DEG_BUF,), jnp.float32),
        pltpu.VMEM_SHARED((NP,), jnp.float32),
    ],
    **_MESH,
)
def _deg_kernel(dst_hbm, out, idx_v, val_v, acc):
    cid = lax.axis_index("c")
    sid = lax.axis_index("s")
    base_r = sid * DEG_SLICE
    _fill1d(val_v, DEG_BUF, 0.0)
    pltpu.sync_copy(val_v, acc.at[pl.ds(base_r, DEG_SLICE)])
    _fill1d(val_v, DEG_BUF, 1.0)
    plsc.subcore_barrier()

    def chunk(k, c):
        base = E + (cid * NSUB + sid) * EDGES_PER_W + k * DEG_CHUNK
        pltpu.sync_copy(dst_hbm.at[pl.ds(base, DEG_CHUNK)], idx_v)
        pltpu.sync_copy(val_v.at[pl.ds(0, DEG_CHUNK)], acc.at[idx_v], add=True)
        return c

    lax.fori_loop(0, DEG_NCHUNK, chunk, 0)
    plsc.subcore_barrier()
    pltpu.sync_copy(acc.at[pl.ds(base_r, DEG_SLICE)], val_v)
    pltpu.sync_copy(val_v, out.at[pl.ds(cid * NP + base_r, DEG_SLICE)])


def _rsqrt16(d):
    i = plsc.bitcast(d, jnp.int32)
    i = jnp.int32(0x5F3759DF) - (i >> 1)
    y = plsc.bitcast(i, jnp.float32)
    for _ in range(3):
        y = y * (1.5 - 0.5 * d * y * y)
    return y


DINV_ROWS = DINV_SLICE * HALF // 128


@functools.partial(
    pl.kernel,
    out_type=jax.ShapeDtypeStruct((NPF, 128), jnp.float32),
    scratch_types=[
        pltpu.VMEM((DINV_BUF,), jnp.float32),
        pltpu.VMEM((DINV_BUF,), jnp.float32),
        pltpu.VMEM((DINV_BUF // 8, 128), jnp.float32),
        pltpu.SemaphoreType.DMA,
    ],
    **_MESH,
)
def _dinv_kernel(degp, out, p0b, p1b, ob, sem):
    cid = lax.axis_index("c")
    sid = lax.axis_index("s")
    t = cid * NSUB + sid
    base = t * DINV_SLICE
    pltpu.async_copy(degp.at[pl.ds(base, DINV_SLICE)], p0b.at[pl.ds(0, DINV_SLICE)], sem)
    pltpu.async_copy(degp.at[pl.ds(NP + base, DINV_SLICE)], p1b.at[pl.ds(0, DINV_SLICE)], sem)
    pltpu.make_async_copy(degp.at[pl.ds(0, DINV_SLICE)], p0b.at[pl.ds(0, DINV_SLICE)], sem).wait()
    pltpu.make_async_copy(degp.at[pl.ds(0, DINV_SLICE)], p1b.at[pl.ds(0, DINV_SLICE)], sem).wait()

    def group(g, c):
        d = p0b[pl.ds(g * 16, 16)] + p1b[pl.ds(g * 16, 16)] + 1.0
        yv = _rsqrt16(d)
        for l in range(16):
            ob[2 * g + l // 8, pl.ds((l % 8) * 16, 16)] = jnp.full(
                (16,), yv[l], jnp.float32
            )
        return c

    lax.fori_loop(0, DINV_BUF // 16, group, 0)
    pltpu.sync_copy(ob.at[pl.ds(0, DINV_ROWS)], out.at[pl.ds(t * DINV_ROWS, DINV_ROWS)])


@functools.partial(
    pl.kernel,
    out_type=(
        jax.ShapeDtypeStruct((NP, HALF), jnp.float32),
        jax.ShapeDtypeStruct((NP, HALF), jnp.float32),
    ),
    scratch_types=[
        pltpu.VMEM((AGG_CHUNK,), jnp.int32),
        pltpu.VMEM((AGG_CHUNK,), jnp.int32),
        pltpu.VMEM((AGG_CHUNK,), jnp.int32),
        pltpu.VMEM((AGG_CHUNK,), jnp.int32),
        pltpu.VMEM((AGG_CHUNK, HALF), jnp.float32),
        pltpu.VMEM((AGG_CHUNK, HALF), jnp.float32),
        pltpu.VMEM_SHARED((NP, HALF), jnp.float32),
        pltpu.SemaphoreType.DMA,
        pltpu.SemaphoreType.DMA,
        pltpu.SemaphoreType.DMA,
        pltpu.SemaphoreType.DMA,
        pltpu.SemaphoreType.DMA,
        pltpu.SemaphoreType.DMA,
    ],
    **_MESH,
)
def _agg_kernel(
    h0, h1, src_hbm, dst_hbm, z0, z1,
    src_b0, src_b1, dst_b0, dst_b1, rows0, rows1,
    acc, si0, si1, sg0, sg1, ss0, ss1,
):
    cid = lax.axis_index("c")
    sid = lax.axis_index("s")
    r0 = sid * ROWS_PER_SUB
    rows = (rows0, rows1)
    ss = (ss0, ss1)
    slots = (
        (src_b0, dst_b0, rows0, si0, sg0, ss0),
        (src_b1, dst_b1, rows1, si1, sg1, ss1),
    )

    _zero_rows(rows0, AGG_CHUNK)
    for off, size in _STAGES:
        pltpu.async_copy(rows0.at[pl.ds(0, size)], acc.at[pl.ds(r0 + off, size)], ss0)
    for off, size in _STAGES:
        pltpu.make_async_copy(rows0.at[pl.ds(0, size)], acc.at[pl.ds(r0 + off, size)], ss0).wait()
    plsc.subcore_barrier()

    def run(h_hbm):
        def chunk_ops(k, b, wait_prev):
            sb, db, rb, si, sg, so = slots[b]
            base = sid * EDGES_PER_SUB + k * AGG_CHUNK
            if wait_prev:
                pltpu.make_async_copy(rb, acc.at[db], so).wait()
            pltpu.async_copy(src_hbm.at[pl.ds(base, AGG_CHUNK)], sb, si)
            pltpu.async_copy(dst_hbm.at[pl.ds(E + base, AGG_CHUNK)], db, si)
            pltpu.make_async_copy(src_hbm.at[pl.ds(0, AGG_CHUNK)], sb, si).wait()
            pltpu.make_async_copy(dst_hbm.at[pl.ds(0, AGG_CHUNK)], db, si).wait()
            pltpu.async_copy(h_hbm.at[sb], rb, sg)
            pltpu.make_async_copy(h_hbm.at[sb], rb, sg).wait()
            pltpu.async_copy(rb, acc.at[db], so, add=True)

        chunk_ops(0, 0, False)
        chunk_ops(1, 1, False)

        def pair(kk, c):
            chunk_ops(2 * kk, 0, True)
            chunk_ops(2 * kk + 1, 1, True)
            return c

        lax.fori_loop(1, AGG_NCHUNK // 2, pair, 0)
        chunk_ops(AGG_NCHUNK - 1, 0, True)
        pltpu.make_async_copy(rows1, acc.at[dst_b1], ss1).wait()
        pltpu.make_async_copy(rows0, acc.at[dst_b0], ss0).wait()

    @pl.when(cid == 0)
    def _():
        run(h0)

    @pl.when(cid == 1)
    def _():
        run(h1)

    plsc.subcore_barrier()

    def copy_out(z_hbm):
        for j, (off, size) in enumerate(_STAGES):
            rb = rows[j % 2]
            so = ss[j % 2]
            if j >= 2:
                psize = _STAGES[j - 2][1]
                pltpu.make_async_copy(rb.at[pl.ds(0, psize)], z_hbm.at[pl.ds(0, psize)], so).wait()
            pltpu.sync_copy(acc.at[pl.ds(r0 + off, size)], rb.at[pl.ds(0, size)])
            pltpu.async_copy(rb.at[pl.ds(0, size)], z_hbm.at[pl.ds(r0 + off, size)], so)
        for j in (len(_STAGES) - 2, len(_STAGES) - 1):
            rb = rows[j % 2]
            so = ss[j % 2]
            size = _STAGES[j][1]
            pltpu.make_async_copy(rb.at[pl.ds(0, size)], z_hbm.at[pl.ds(0, size)], so).wait()

    @pl.when(cid == 0)
    def _():
        copy_out(z0)

    @pl.when(cid == 1)
    def _():
        copy_out(z1)


BLK = 736
GRID = NPF // BLK


def _nspec():
    return pl.BlockSpec((BLK, 128), lambda i: (i, 0))


def _wspec(shape):
    return pl.BlockSpec(shape, lambda i: (0, 0))


def _tc1_call(xf, dvf, a0, a1):
    def body(x_ref, dv_ref, a0_ref, a1_ref, h0_ref, h1_ref):
        xv = x_ref[...]
        dv = dv_ref[...]
        h0_ref[...] = jnp.dot(xv, a0_ref[...], preferred_element_type=jnp.float32) * dv
        h1_ref[...] = jnp.dot(xv, a1_ref[...], preferred_element_type=jnp.float32) * dv

    return pl.pallas_call(
        body,
        grid=(GRID,),
        in_specs=[_nspec(), _nspec(), _wspec((128, 128)), _wspec((128, 128))],
        out_specs=[_nspec(), _nspec()],
        out_shape=[
            jax.ShapeDtypeStruct((NPF, 128), jnp.float32),
            jax.ShapeDtypeStruct((NPF, 128), jnp.float32),
        ],
    )(xf, dvf, a0, a1)


def _tc2_call(z0f, z1f, h0f, h1f, dvf, b0, b1, w00, w01, w10, w11):
    def body(z0_ref, z1_ref, h0_ref, h1_ref, dv_ref, b0_ref, b1_ref,
             w00_ref, w01_ref, w10_ref, w11_ref, g0_ref, g1_ref):
        dv = dv_ref[...]
        a0 = jax.nn.sigmoid((z0_ref[...] + h0_ref[...]) * dv + b0_ref[...])
        a1 = jax.nn.sigmoid((z1_ref[...] + h1_ref[...]) * dv + b1_ref[...])
        g0_ref[...] = (
            jnp.dot(a0, w00_ref[...], preferred_element_type=jnp.float32)
            + jnp.dot(a1, w10_ref[...], preferred_element_type=jnp.float32)
        ) * dv
        g1_ref[...] = (
            jnp.dot(a0, w01_ref[...], preferred_element_type=jnp.float32)
            + jnp.dot(a1, w11_ref[...], preferred_element_type=jnp.float32)
        ) * dv

    return pl.pallas_call(
        body,
        grid=(GRID,),
        in_specs=[
            _nspec(), _nspec(), _nspec(), _nspec(), _nspec(),
            _wspec((1, 128)), _wspec((1, 128)),
            _wspec((128, 128)), _wspec((128, 128)),
            _wspec((128, 128)), _wspec((128, 128)),
        ],
        out_specs=[_nspec(), _nspec()],
        out_shape=[
            jax.ShapeDtypeStruct((NPF, 128), jnp.float32),
            jax.ShapeDtypeStruct((NPF, 128), jnp.float32),
        ],
    )(z0f, z1f, h0f, h1f, dvf, b0, b1, w00, w01, w10, w11)


def _tc3_call(y0f, y1f, g0f, g1f, dvf, b0, b1, l0, l1, blx):
    def body(y0_ref, y1_ref, g0_ref, g1_ref, dv_ref, b0_ref, b1_ref,
             l0_ref, l1_ref, bl_ref, o_ref):
        dv = dv_ref[...]
        a0 = jax.nn.sigmoid((y0_ref[...] + g0_ref[...]) * dv + b0_ref[...])
        a1 = jax.nn.sigmoid((y1_ref[...] + g1_ref[...]) * dv + b1_ref[...])
        o_ref[...] = jax.nn.sigmoid(
            jnp.dot(a0, l0_ref[...], preferred_element_type=jnp.float32)
            + jnp.dot(a1, l1_ref[...], preferred_element_type=jnp.float32)
            + bl_ref[...]
        )

    return pl.pallas_call(
        body,
        grid=(GRID,),
        in_specs=[
            _nspec(), _nspec(), _nspec(), _nspec(), _nspec(),
            _wspec((1, 128)), _wspec((1, 128)),
            _wspec((128, 2 * 8)), _wspec((128, 2 * 8)), _wspec((1, 2 * 8)),
        ],
        out_specs=pl.BlockSpec((BLK, 2 * 8), lambda i: (i, 0)),
        out_shape=jax.ShapeDtypeStruct((NPF, 2 * 8), jnp.float32),
    )(y0f, y1f, g0f, g1f, dvf, b0, b1, l0, l1, blx)


def kernel(x, edge_index, W1, b1, W2, b2, Wl, bl):
    f32 = jnp.float32
    eiflat = edge_index.astype(jnp.int32).reshape(2 * E)

    degp = _deg_kernel(eiflat)
    dvf = _dinv_kernel(degp)

    xf = jnp.pad(x, ((0, NP - N), (0, 0))).reshape(NPF, 128)
    eye8 = jnp.eye(8, dtype=f32)
    a0 = jnp.kron(eye8, W1[:, :HALF])
    a1 = jnp.kron(eye8, W1[:, HALF:])
    h0f, h1f = _tc1_call(xf, dvf, a0, a1)

    z0, z1 = _agg_kernel(
        h0f.reshape(NP, HALF), h1f.reshape(NP, HALF), eiflat, eiflat
    )

    b1x0 = jnp.tile(b1[:HALF], 8).reshape(1, 128)
    b1x1 = jnp.tile(b1[HALF:], 8).reshape(1, 128)
    w00 = jnp.kron(eye8, W2[:HALF, :HALF])
    w01 = jnp.kron(eye8, W2[:HALF, HALF:])
    w10 = jnp.kron(eye8, W2[HALF:, :HALF])
    w11 = jnp.kron(eye8, W2[HALF:, HALF:])
    g0f, g1f = _tc2_call(
        z0.reshape(NPF, 128), z1.reshape(NPF, 128), h0f, h1f, dvf,
        b1x0, b1x1, w00, w01, w10, w11,
    )

    y0, y1 = _agg_kernel(
        g0f.reshape(NP, HALF), g1f.reshape(NP, HALF), eiflat, eiflat
    )

    b2x0 = jnp.tile(b2[:HALF], 8).reshape(1, 128)
    b2x1 = jnp.tile(b2[HALF:], 8).reshape(1, 128)
    l0 = jnp.kron(eye8, Wl[:HALF, :])
    l1 = jnp.kron(eye8, Wl[HALF:, :])
    blx = jnp.tile(bl, 8).reshape(1, 16)
    outf = _tc3_call(
        y0.reshape(NPF, 128), y1.reshape(NPF, 128), g0f, g1f, dvf,
        b2x0, b2x1, l0, l1, blx,
    )
    return outf.reshape(NP, FOUT)[:N]

# --- scband reference (transcript-rebuilt; emitter-appended) ---
"""Pipeline reference for scband-gcn-29145648070708 (READ-ONLY COPY).

The authoritative reference and input builder live on the scoring server;
editing this copy changes nothing except your own understanding.
"""

import jax, jax.numpy as jnp
import numpy as np

N_NODES = 100000
N_EDGES = 1600000
F_IN = 16
HIDDEN = 32
F_OUT = 2


def setup_inputs(seed: int = 0) -> dict:
    key = jax.random.key(seed)
    ks = jax.random.split(key, 8)
    x = jax.random.normal(ks[0], (N_NODES, F_IN), dtype=jnp.float32)
    edge_index = jax.random.randint(ks[1], (2, N_EDGES), 0, N_NODES, dtype=jnp.int64)
    W1 = jax.random.normal(ks[2], (F_IN, HIDDEN), dtype=jnp.float32) * (1.0 / np.sqrt(F_IN))
    b1 = jnp.zeros((HIDDEN,), dtype=jnp.float32)
    W2 = jax.random.normal(ks[3], (HIDDEN, HIDDEN), dtype=jnp.float32) * (1.0 / np.sqrt(HIDDEN))
    b2 = jnp.zeros((HIDDEN,), dtype=jnp.float32)
    Wl = jax.random.normal(ks[4], (HIDDEN, F_OUT), dtype=jnp.float32) * (1.0 / np.sqrt(HIDDEN))
    bl = jnp.zeros((F_OUT,), dtype=jnp.float32)
    return {"x": x, "edge_index": edge_index, "W1": W1, "b1": b1, "W2": W2, "b2": b2, "Wl": Wl, "bl": bl}


def _gcn_conv(x, src, dst, norm, W, b, n_nodes):
    # PyG GCNConv: linear transform, then normalized message passing (scatter-add)
    h = x @ W
    msg = jnp.take(h, src, axis=0) * norm[:, None]
    out = jnp.zeros((n_nodes, W.shape[1]), dtype=x.dtype).at[dst].add(msg)
    return out + b


def reference(x, edge_index, W1, b1, W2, b2, Wl, bl):
    n = x.shape[0]
    loop = jnp.arange(n, dtype=edge_index.dtype)
    src = jnp.concatenate([edge_index[0], loop])
    dst = jnp.concatenate([edge_index[1], loop])
    # symmetric normalization with self-loops (GCN default)
    deg = jnp.zeros((n,), dtype=x.dtype).at[dst].add(1.0)
    dinv = 1.0 / jnp.sqrt(jnp.clip(deg, 1.0))
    norm = dinv[src] * dinv[dst]
    # eval mode: dropout is identity
    h = jax.nn.sigmoid(_gcn_conv(x, src, dst, norm, W1, b1, n))
    h = jax.nn.sigmoid(_gcn_conv(h, src, dst, norm, W2, b2, n))
    out = jax.nn.sigmoid(h @ Wl + bl)
    return out

if __name__ == "__main__":
    import jax
    _d = setup_inputs()
    print(jax.jit(kernel)(*tuple(_d.values())))

</pallas_src>

<mosaic_0001>
#map = affine_map<(d0, d1) -> (0)>
#map1 = affine_map<(d0, d1) -> (0, 0)>
module attributes {stable_mosaic.version = 14 : i64} {
  func.func @_dinv_kernel(%arg0: i32, %arg1: i32, %arg2: memref<200192xf32, #tpu.memory_space<hbm>>, %arg3: memref<12512x128xf32, #tpu.memory_space<hbm>>, %arg4: memref<3136xf32, #tpu.memory_space<vmem>>, %arg5: memref<3136xf32, #tpu.memory_space<vmem>>, %arg6: memref<392x128xf32, #tpu.memory_space<vmem>>, %arg7: memref<!tpu.dma_semaphore, #tpu.memory_space<semaphore_mem>>) attributes {dimension_semantics = [#tpu.dimension_semantics<core_parallel>, #tpu.dimension_semantics<subcore_parallel>], iteration_bounds = array<i64: 2, 16>, scalar_prefetch = 0 : i64, scratch_operands = 4 : i64, tpu.core_type = #tpu.core_type<sc_vector_subcore>, window_params = [{transform_indices = #map}, {transform_indices = #map1}]} {
    %mul3A = arith.constant 16 : i32
    %mul3A_0 = arith.muli %arg0, %mul3A : i32
    %add3A = arith.addi %mul3A_0, %arg1 : i32
    %mul3A_1 = arith.constant 3128 : i32
    %mul3A_2 = arith.muli %add3A, %mul3A_1 : i32
    %dma_start3A = arith.constant 0 : i32
    %dma_start3A_3 = tpu.memref_slice %arg4[%dma_start3A] : memref<3136xf32, #tpu.memory_space<vmem>> -> memref<3128xf32, #tpu.memory_space<vmem>>
    %dma_start3A_4 = tpu.memref_slice %arg2[%mul3A_2] : memref<200192xf32, #tpu.memory_space<hbm>> -> memref<3128xf32, #tpu.memory_space<hbm>>
    %dma_start3A_5 = arith.constant 0 : i32
    %dma_start3A_6 = tpu.memref_slice %arg4[%dma_start3A_5] : memref<3136xf32, #tpu.memory_space<vmem>> -> memref<3128xf32, #tpu.memory_space<vmem>>
    %dma_start3A_7 = tpu.memref_slice %arg2[%mul3A_2] : memref<200192xf32, #tpu.memory_space<hbm>> -> memref<3128xf32, #tpu.memory_space<hbm>>
    tpu.enqueue_dma source(%dma_start3A_7 : memref<3128xf32, #tpu.memory_space<hbm>>) target(%dma_start3A_6 : memref<3128xf32, #tpu.memory_space<vmem>>) target_semaphore(%arg7 : memref<!tpu.dma_semaphore, #tpu.memory_space<semaphore_mem>>)
    %add3A_8 = arith.constant 100096 : i32
    %add3A_9 = arith.addi %add3A_8, %mul3A_2 : i32
    %dma_start3A_10 = arith.constant 0 : i32
    %dma_start3A_11 = tpu.memref_slice %arg5[%dma_start3A_10] : memref<3136xf32, #tpu.memory_space<vmem>> -> memref<3128xf32, #tpu.memory_space<vmem>>
    %dma_start3A_12 = tpu.memref_slice %arg2[%add3A_9] : memref<200192xf32, #tpu.memory_space<hbm>> -> memref<3128xf32, #tpu.memory_space<hbm>>
    %dma_start3A_13 = arith.constant 0 : i32
    %dma_start3A_14 = tpu.memref_slice %arg5[%dma_start3A_13] : memref<3136xf32, #tpu.memory_space<vmem>> -> memref<3128xf32, #tpu.memory_space<vmem>>
    %dma_start3A_15 = tpu.memref_slice %arg2[%add3A_9] : memref<200192xf32, #tpu.memory_space<hbm>> -> memref<3128xf32, #tpu.memory_space<hbm>>
    tpu.enqueue_dma source(%dma_start3A_15 : memref<3128xf32, #tpu.memory_space<hbm>>) target(%dma_start3A_14 : memref<3128xf32, #tpu.memory_space<vmem>>) target_semaphore(%arg7 : memref<!tpu.dma_semaphore, #tpu.memory_space<semaphore_mem>>)
    %dma_wait3A = arith.constant 0 : i32
    %dma_wait3A_16 = tpu.memref_slice %arg4[%dma_wait3A] : memref<3136xf32, #tpu.memory_space<vmem>> -> memref<3128xf32, #tpu.memory_space<vmem>>
    %dma_wait3A_17 = arith.constant 0 : i32
    %dma_wait3A_18 = tpu.memref_slice %arg2[%dma_wait3A_17] : memref<200192xf32, #tpu.memory_space<hbm>> -> memref<3128xf32, #tpu.memory_space<hbm>>
    %dma_wait3A_19 = arith.constant 0 : i32
    %dma_wait3A_20 = tpu.memref_slice %arg4[%dma_wait3A_19] : memref<3136xf32, #tpu.memory_space<vmem>> -> memref<3128xf32, #tpu.memory_space<vmem>>
    %dma_wait3A_21 = arith.constant 0 : i32
    %dma_wait3A_22 = tpu.memref_slice %arg2[%dma_wait3A_21] : memref<200192xf32, #tpu.memory_space<hbm>> -> memref<3128xf32, #tpu.memory_space<hbm>>
    tpu.wait_dma2 semaphore(%arg7 : memref<!tpu.dma_semaphore, #tpu.memory_space<semaphore_mem>>) src(%dma_wait3A_22 : memref<3128xf32, #tpu.memory_space<hbm>>) dst(%dma_wait3A_20 : memref<3128xf32, #tpu.memory_space<vmem>>)
    %dma_wait3A_23 = arith.constant 0 : i32
    %dma_wait3A_24 = tpu.memref_slice %arg5[%dma_wait3A_23] : memref<3136xf32, #tpu.memory_space<vmem>> -> memref<3128xf32, #tpu.memory_space<vmem>>
    %dma_wait3A_25 = arith.constant 0 : i32
    %dma_wait3A_26 = tpu.memref_slice %arg2[%dma_wait3A_25] : memref<200192xf32, #tpu.memory_space<hbm>> -> memref<3128xf32, #tpu.memory_space<hbm>>
    %dma_wait3A_27 = arith.constant 0 : i32
    %dma_wait3A_28 = tpu.memref_slice %arg5[%dma_wait3A_27] : memref<3136xf32, #tpu.memory_space<vmem>> -> memref<3128xf32, #tpu.memory_space<vmem>>
    %dma_wait3A_29 = arith.constant 0 : i32
    %dma_wait3A_30 = tpu.memref_slice %arg2[%dma_wait3A_29] : memref<200192xf32, #tpu.memory_space<hbm>> -> memref<3128xf32, #tpu.memory_space<hbm>>
    tpu.wait_dma2 semaphore(%arg7 : memref<!tpu.dma_semaphore, #tpu.memory_space<semaphore_mem>>) src(%dma_wait3A_30 : memref<3128xf32, #tpu.memory_space<hbm>>) dst(%dma_wait3A_28 : memref<3128xf32, #tpu.memory_space<vmem>>)
    %scan3A = arith.constant 0 : i32
    %scan3A_31 = arith.constant 0 : i32
    %scan3A_32 = arith.constant 196 : i32
    %scan3A_33 = arith.addi %scan3A_31, %scan3A_32 : i32
    %scan3A_34 = arith.constant 1 : i32
    scf.for %scan3A_38 = %scan3A_31 to %scan3A_33 step %scan3A_34  : i32 {
      %mul3A_39 = arith.constant 16 : i32
      %mul3A_40 = arith.muli %scan3A_38, %mul3A_39 : i32
      %get3A = arith.index_cast %mul3A_40 : i32 to index
      %get3A_41 = tpu.vector_load %arg4[%get3A] {strides = array<i32>} : memref<3136xf32, #tpu.memory_space<vmem>>, vector<16xf32>,
      %mul3A_42 = arith.constant 16 : i32
      %mul3A_43 = arith.muli %scan3A_38, %mul3A_42 : i32
      %get3A_44 = arith.index_cast %mul3A_43 : i32 to index
      %get3A_45 = tpu.vector_load %arg5[%get3A_44] {strides = array<i32>} : memref<3136xf32, #tpu.memory_space<vmem>>, vector<16xf32>,
      %add3A_46 = arith.addf %get3A_41, %get3A_45 : vector<16xf32>
      %add3A_47 = arith.constant 1.000000e+00 : f32
      %add3A_48 = vector.broadcast %add3A_47 : f32 to vector<16xf32>
      %add3A_49 = arith.addf %add3A_46, %add3A_48 : vector<16xf32>
      %bitcast3A = vector.bitcast %add3A_49 : vector<16xf32> to vector<16xi32>
      %shift_right_arithmetic3A = arith.constant 1 : i32
      %shift_right_arithmetic3A_50 = vector.broadcast %shift_right_arithmetic3A : i32 to vector<16xi32>
      %shift_right_arithmetic3A_51 = arith.shrsi %bitcast3A, %shift_right_arithmetic3A_50 : vector<16xi32>
      %sub3A = arith.constant 1597463007 : i32
      %sub3A_52 = vector.broadcast %sub3A : i32 to vector<16xi32>
      %sub3A_53 = arith.subi %sub3A_52, %shift_right_arithmetic3A_51 : vector<16xi32>
      %bitcast3A_54 = vector.bitcast %sub3A_53 : vector<16xi32> to vector<16xf32>
      %mul3A_55 = arith.constant 5.000000e-01 : f32
      %mul3A_56 = vector.broadcast %mul3A_55 : f32 to vector<16xf32>
      %mul3A_57 = arith.mulf %mul3A_56, %add3A_49 : vector<16xf32>
      %mul3A_58 = arith.mulf %mul3A_57, %bitcast3A_54 : vector<16xf32>
      %mul3A_59 = arith.mulf %mul3A_58, %bitcast3A_54 : vector<16xf32>
      %sub3A_60 = arith.constant 1.500000e+00 : f32
      %sub3A_61 = vector.broadcast %sub3A_60 : f32 to vector<16xf32>
      %sub3A_62 = arith.subf %sub3A_61, %mul3A_59 : vector<16xf32>
      %mul3A_63 = arith.mulf %bitcast3A_54, %sub3A_62 : vector<16xf32>
      %mul3A_64 = arith.constant 5.000000e-01 : f32
      %mul3A_65 = vector.broadcast %mul3A_64 : f32 to vector<16xf32>
      %mul3A_66 = arith.mulf %mul3A_65, %add3A_49 : vector<16xf32>
      %mul3A_67 = arith.mulf %mul3A_66, %mul3A_63 : vector<16xf32>
      %mul3A_68 = arith.mulf %mul3A_67, %mul3A_63 : vector<16xf32>
      %sub3A_69 = arith.constant 1.500000e+00 : f32
      %sub3A_70 = vector.broadcast %sub3A_69 : f32 to vector<16xf32>
      %sub3A_71 = arith.subf %sub3A_70, %mul3A_68 : vector<16xf32>
      %mul3A_72 = arith.mulf %mul3A_63, %sub3A_71 : vector<16xf32>
      %mul3A_73 = arith.constant 5.000000e-01 : f32
      %mul3A_74 = vector.broadcast %mul3A_73 : f32 to vector<16xf32>
      %mul3A_75 = arith.mulf %mul3A_74, %add3A_49 : vector<16xf32>
      %mul3A_76 = arith.mulf %mul3A_75, %mul3A_72 : vector<16xf32>
      %mul3A_77 = arith.mulf %mul3A_76, %mul3A_72 : vector<16xf32>
      %sub3A_78 = arith.constant 1.500000e+00 : f32
      %sub3A_79 = vector.broadcast %sub3A_78 : f32 to vector<16xf32>
      %sub3A_80 = arith.subf %sub3A_79, %mul3A_77 : vector<16xf32>
      %mul3A_81 = arith.mulf %mul3A_72, %sub3A_80 : vector<16xf32>
      %slice3A = vector.extract_strided_slice %mul3A_81 {offsets = [0], sizes = [1], strides = [1]} : vector<16xf32> to vector<1xf32>
      %squeeze3A = vector.extract %slice3A[0] : f32 from vector<1xf32>
      %broadcast_in_dim3A = vector.broadcast %squeeze3A : f32 to vector<16xf32>
      %mul3A_82 = arith.constant 2 : i32
      %mul3A_83 = arith.muli %mul3A_82, %scan3A_38 : i32
      %add3A_84 = arith.constant 0 : i32
      %add3A_85 = arith.addi %mul3A_83, %add3A_84 : i32
      %swap3A = arith.index_cast %add3A_85 : i32 to index
      %swap3A_86 = arith.constant 0 : index
      %swap3A_87 = tpu.vector_load %arg6[%swap3A, %swap3A_86] {strides = array<i32>} : memref<392x128xf32, #tpu.memory_space<vmem>>, vector<16xf32>,
      tpu.vector_store %arg6[%swap3A, %swap3A_86], %broadcast_in_dim3A {strides = array<i32>} : memref<392x128xf32, #tpu.memory_space<vmem>>, vector<16xf32>,
      %slice3A_88 = vector.extract_strided_slice %mul3A_81 {offsets = [1], sizes = [1], strides = [1]} : vector<16xf32> to vector<1xf32>
      %squeeze3A_89 = vector.extract %slice3A_88[0] : f32 from vector<1xf32>
      %broadcast_in_dim3A_90 = vector.broadcast %squeeze3A_89 : f32 to vector<16xf32>
      %mul3A_91 = arith.constant 2 : i32
      %mul3A_92 = arith.muli %mul3A_91, %scan3A_38 : i32
      %add3A_93 = arith.constant 0 : i32
      %add3A_94 = arith.addi %mul3A_92, %add3A_93 : i32
      %swap3A_95 = arith.index_cast %add3A_94 : i32 to index
      %swap3A_96 = arith.constant 16 : index
      %swap3A_97 = tpu.vector_load %arg6[%swap3A_95, %swap3A_96] {strides = array<i32>} : memref<392x128xf32, #tpu.memory_space<vmem>>, vector<16xf32>,
      tpu.vector_store %arg6[%swap3A_95, %swap3A_96], %broadcast_in_dim3A_90 {strides = array<i32>} : memref<392x128xf32, #tpu.memory_space<vmem>>, vector<16xf32>,
      %slice3A_98 = vector.extract_strided_slice %mul3A_81 {offsets = [2], sizes = [1], strides = [1]} : vector<16xf32> to vector<1xf32>
      %squeeze3A_99 = vector.extract %slice3A_98[0] : f32 from vector<1xf32>
      %broadcast_in_dim3A_100 = vector.broadcast %squeeze3A_99 : f32 to vector<16xf32>
      %mul3A_101 = arith.constant 2 : i32
      %mul3A_102 = arith.muli %mul3A_101, %scan3A_38 : i32
      %add3A_103 = arith.constant 0 : i32
      %add3A_104 = arith.addi %mul3A_102, %add3A_103 : i32
      %swap3A_105 = arith.index_cast %add3A_104 : i32 to index
      %swap3A_106 = arith.constant 32 : index
      %swap3A_107 = tpu.vector_load %arg6[%swap3A_105, %swap3A_106] {strides = array<i32>} : memref<392x128xf32, #tpu.memory_space<vmem>>, vector<16xf32>,
      tpu.vector_store %arg6[%swap3A_105, %swap3A_106], %broadcast_in_dim3A_100 {strides = array<i32>} : memref<392x128xf32, #tpu.memory_space<vmem>>, vector<16xf32>,
      %slice3A_108 = vector.extract_strided_slice %mul3A_81 {offsets = [3], sizes = [1], strides = [1]} : vector<16xf32> to vector<1xf32>
      %squeeze3A_109 = vector.extract %slice3A_108[0] : f32 from vector<1xf32>
      %broadcast_in_dim3A_110 = vector.broadcast %squeeze3A_109 : f32 to vector<16xf32>
      %mul3A_111 = arith.constant 2 : i32
      %mul3A_112 = arith.muli %mul3A_111, %scan3A_38 : i32
      %add3A_113 = arith.constant 0 : i32
      %add3A_114 = arith.addi %mul3A_112, %add3A_113 : i32
      %swap3A_115 = arith.index_cast %add3A_114 : i32 to index
      %swap3A_116 = arith.constant 48 : index
      %swap3A_117 = tpu.vector_load %arg6[%swap3A_115, %swap3A_116] {strides = array<i32>} : memref<392x128xf32, #tpu.memory_space<vmem>>, vector<16xf32>,
      tpu.vector_store %arg6[%swap3A_115, %swap3A_116], %broadcast_in_dim3A_110 {strides = array<i32>} : memref<392x128xf32, #tpu.memory_space<vmem>>, vector<16xf32>,
      %slice3A_118 = vector.extract_strided_slice %mul3A_81 {offsets = [4], sizes = [1], strides = [1]} : vector<16xf32> to vector<1xf32>
      %squeeze3A_119 = vector.extract %slice3A_118[0] : f32 from vector<1xf32>
      %broadcast_in_dim3A_120 = vector.broadcast %squeeze3A_119 : f32 to vector<16xf32>
      %mul3A_121 = arith.constant 2 : i32
      %mul3A_122 = arith.muli %mul3A_121, %scan3A_38 : i32
      %add3A_123 = arith.constant 0 : i32
      %add3A_124 = arith.addi %mul3A_122, %add3A_123 : i32
      %swap3A_125 = arith.index_cast %add3A_124 : i32 to index
      %swap3A_126 = arith.constant 64 : index
      %swap3A_127 = tpu.vector_load %arg6[%swap3A_125, %swap3A_126] {strides = array<i32>} : memref<392x128xf32, #tpu.memory_space<vmem>>, vector<16xf32>,
      tpu.vector_store %arg6[%swap3A_125, %swap3A_126], %broadcast_in_dim3A_120 {strides = array<i32>} : memref<392x128xf32, #tpu.memory_space<vmem>>, vector<16xf32>,
      %slice3A_128 = vector.extract_strided_slice %mul3A_81 {offsets = [5], sizes = [1], strides = [1]} : vector<16xf32> to vector<1xf32>
      %squeeze3A_129 = vector.extract %slice3A_128[0] : f32 from vector<1xf32>
      %broadcast_in_dim3A_130 = vector.broadcast %squeeze3A_129 : f32 to vector<16xf32>
      %mul3A_131 = arith.constant 2 : i32
      %mul3A_132 = arith.muli %mul3A_131, %scan3A_38 : i32
      %add3A_133 = arith.constant 0 : i32
      %add3A_134 = arith.addi %mul3A_132, %add3A_133 : i32
      %swap3A_135 = arith.index_cast %add3A_134 : i32 to index
      %swap3A_136 = arith.constant 80 : index
      %swap3A_137 = tpu.vector_load %arg6[%swap3A_135, %swap3A_136] {strides = array<i32>} : memref<392x128xf32, #tpu.memory_space<vmem>>, vector<16xf32>,
      tpu.vector_store %arg6[%swap3A_135, %swap3A_136], %broadcast_in_dim3A_130 {strides = array<i32>} : memref<392x128xf32, #tpu.memory_space<vmem>>, vector<16xf32>,
      %slice3A_138 = vector.extract_strided_slice %mul3A_81 {offsets = [6], sizes = [1], strides = [1]} : vector<16xf32> to vector<1xf32>
      %squeeze3A_139 = vector.extract %slice3A_138[0] : f32 from vector<1xf32>
      %broadcast_in_dim3A_140 = vector.broadcast %squeeze3A_139 : f32 to vector<16xf32>
      %mul3A_141 = arith.constant 2 : i32
      %mul3A_142 = arith.muli %mul3A_141, %scan3A_38 : i32
      %add3A_143 = arith.constant 0 : i32
      %add3A_144 = arith.addi %mul3A_142, %add3A_143 : i32
      %swap3A_145 = arith.index_cast %add3A_144 : i32 to index
      %swap3A_146 = arith.constant 96 : index
      %swap3A_147 = tpu.vector_load %arg6[%swap3A_145, %swap3A_146] {strides = array<i32>} : memref<392x128xf32, #tpu.memory_space<vmem>>, vector<16xf32>,
      tpu.vector_store %arg6[%swap3A_145, %swap3A_146], %broadcast_in_dim3A_140 {strides = array<i32>} : memref<392x128xf32, #tpu.memory_space<vmem>>, vector<16xf32>,
      %slice3A_148 = vector.extract_strided_slice %mul3A_81 {offsets = [7], sizes = [1], strides = [1]} : vector<16xf32> to vector<1xf32>
      %squeeze3A_149 = vector.extract %slice3A_148[0] : f32 from vector<1xf32>
      %broadcast_in_dim3A_150 = vector.broadcast %squeeze3A_149 : f32 to vector<16xf32>
      %mul3A_151 = arith.constant 2 : i32
      %mul3A_152 = arith.muli %mul3A_151, %scan3A_38 : i32
      %add3A_153 = arith.constant 0 : i32
      %add3A_154 = arith.addi %mul3A_152, %add3A_153 : i32
      %swap3A_155 = arith.index_cast %add3A_154 : i32 to index
      %swap3A_156 = arith.constant 112 : index
      %swap3A_157 = tpu.vector_load %arg6[%swap3A_155, %swap3A_156] {strides = array<i32>} : memref<392x128xf32, #tpu.memory_space<vmem>>, vector<16xf32>,
      tpu.vector_store %arg6[%swap3A_155, %swap3A_156], %broadcast_in_dim3A_150 {strides = array<i32>} : memref<392x128xf32, #tpu.memory_space<vmem>>, vector<16xf32>,
      %slice3A_158 = vector.extract_strided_slice %mul3A_81 {offsets = [8], sizes = [1], strides = [1]} : vector<16xf32> to vector<1xf32>
      %squeeze3A_159 = vector.extract %slice3A_158[0] : f32 from vector<1xf32>
      %broadcast_in_dim3A_160 = vector.broadcast %squeeze3A_159 : f32 to vector<16xf32>
      %mul3A_161 = arith.constant 2 : i32
      %mul3A_162 = arith.muli %mul3A_161, %scan3A_38 : i32
      %add3A_163 = arith.constant 1 : i32
      %add3A_164 = arith.addi %mul3A_162, %add3A_163 : i32
      %swap3A_165 = arith.index_cast %add3A_164 : i32 to index
      %swap3A_166 = arith.constant 0 : index
      %swap3A_167 = tpu.vector_load %arg6[%swap3A_165, %swap3A_166] {strides = array<i32>} : memref<392x128xf32, #tpu.memory_space<vmem>>, vector<16xf32>,
      tpu.vector_store %arg6[%swap3A_165, %swap3A_166], %broadcast_in_dim3A_160 {strides = array<i32>} : memref<392x128xf32, #tpu.memory_space<vmem>>, vector<16xf32>,
      %slice3A_168 = vector.extract_strided_slice %mul3A_81 {offsets = [9], sizes = [1], strides = [1]} : vector<16xf32> to vector<1xf32>
      %squeeze3A_169 = vector.extract %slice3A_168[0] : f32 from vector<1xf32>
      %broadcast_in_dim3A_170 = vector.broadcast %squeeze3A_169 : f32 to vector<16xf32>
      %mul3A_171 = arith.constant 2 : i32
      %mul3A_172 = arith.muli %mul3A_171, %scan3A_38 : i32
      %add3A_173 = arith.constant 1 : i32
      %add3A_174 = arith.addi %mul3A_172, %add3A_173 : i32
      %swap3A_175 = arith.index_cast %add3A_174 : i32 to index
      %swap3A_176 = arith.constant 16 : index
      %swap3A_177 = tpu.vector_load %arg6[%swap3A_175, %swap3A_176] {strides = array<i32>} : memref<392x128xf32, #tpu.memory_space<vmem>>, vector<16xf32>,
      tpu.vector_store %arg6[%swap3A_175, %swap3A_176], %broadcast_in_dim3A_170 {strides = array<i32>} : memref<392x128xf32, #tpu.memory_space<vmem>>, vector<16xf32>,
      %slice3A_178 = vector.extract_strided_slice %mul3A_81 {offsets = [10], sizes = [1], strides = [1]} : vector<16xf32> to vector<1xf32>
      %squeeze3A_179 = vector.extract %slice3A_178[0] : f32 from vector<1xf32>
      %broadcast_in_dim3A_180 = vector.broadcast %squeeze3A_179 : f32 to vector<16xf32>
      %mul3A_181 = arith.constant 2 : i32
      %mul3A_182 = arith.muli %mul3A_181, %scan3A_38 : i32
      %add3A_183 = arith.constant 1 : i32
      %add3A_184 = arith.addi %mul3A_182, %add3A_183 : i32
      %swap3A_185 = arith.index_cast %add3A_184 : i32 to index
      %swap3A_186 = arith.constant 32 : index
      %swap3A_187 = tpu.vector_load %arg6[%swap3A_185, %swap3A_186] {strides = array<i32>} : memref<392x128xf32, #tpu.memory_space<vmem>>, vector<16xf32>,
      tpu.vector_store %arg6[%swap3A_185, %swap3A_186], %broadcast_in_dim3A_180 {strides = array<i32>} : memref<392x128xf32, #tpu.memory_space<vmem>>, vector<16xf32>,
      %slice3A_188 = vector.extract_strided_slice %mul3A_81 {offsets = [11], sizes = [1], strides = [1]} : vector<16xf32> to vector<1xf32>
      %squeeze3A_189 = vector.extract %slice3A_188[0] : f32 from vector<1xf32>
      %broadcast_in_dim3A_190 = vector.broadcast %squeeze3A_189 : f32 to vector<16xf32>
      %mul3A_191 = arith.constant 2 : i32
      %mul3A_192 = arith.muli %mul3A_191, %scan3A_38 : i32
      %add3A_193 = arith.constant 1 : i32
      %add3A_194 = arith.addi %mul3A_192, %add3A_193 : i32
      %swap3A_195 = arith.index_cast %add3A_194 : i32 to index
      %swap3A_196 = arith.constant 48 : index
      %swap3A_197 = tpu.vector_load %arg6[%swap3A_195, %swap3A_196] {strides = array<i32>} : memref<392x128xf32, #tpu.memory_space<vmem>>, vector<16xf32>,
      tpu.vector_store %arg6[%swap3A_195, %swap3A_196], %broadcast_in_dim3A_190 {strides = array<i32>} : memref<392x128xf32, #tpu.memory_space<vmem>>, vector<16xf32>,
      %slice3A_198 = vector.extract_strided_slice %mul3A_81 {offsets = [12], sizes = [1], strides = [1]} : vector<16xf32> to vector<1xf32>
      %squeeze3A_199 = vector.extract %slice3A_198[0] : f32 from vector<1xf32>
      %broadcast_in_dim3A_200 = vector.broadcast %squeeze3A_199 : f32 to vector<16xf32>
      %mul3A_201 = arith.constant 2 : i32
      %mul3A_202 = arith.muli %mul3A_201, %scan3A_38 : i32
      %add3A_203 = arith.constant 1 : i32
      %add3A_204 = arith.addi %mul3A_202, %add3A_203 : i32
      %swap3A_205 = arith.index_cast %add3A_204 : i32 to index
      %swap3A_206 = arith.constant 64 : index
      %swap3A_207 = tpu.vector_load %arg6[%swap3A_205, %swap3A_206] {strides = array<i32>} : memref<392x128xf32, #tpu.memory_space<vmem>>, vector<16xf32>,
      tpu.vector_store %arg6[%swap3A_205, %swap3A_206], %broadcast_in_dim3A_200 {strides = array<i32>} : memref<392x128xf32, #tpu.memory_space<vmem>>, vector<16xf32>,
      %slice3A_208 = vector.extract_strided_slice %mul3A_81 {offsets = [13], sizes = [1], strides = [1]} : vector<16xf32> to vector<1xf32>
      %squeeze3A_209 = vector.extract %slice3A_208[0] : f32 from vector<1xf32>
      %broadcast_in_dim3A_210 = vector.broadcast %squeeze3A_209 : f32 to vector<16xf32>
      %mul3A_211 = arith.constant 2 : i32
      %mul3A_212 = arith.muli %mul3A_211, %scan3A_38 : i32
      %add3A_213 = arith.constant 1 : i32
      %add3A_214 = arith.addi %mul3A_212, %add3A_213 : i32
      %swap3A_215 = arith.index_cast %add3A_214 : i32 to index
      %swap3A_216 = arith.constant 80 : index
      %swap3A_217 = tpu.vector_load %arg6[%swap3A_215, %swap3A_216] {strides = array<i32>} : memref<392x128xf32, #tpu.memory_space<vmem>>, vector<16xf32>,
      tpu.vector_store %arg6[%swap3A_215, %swap3A_216], %broadcast_in_dim3A_210 {strides = array<i32>} : memref<392x128xf32, #tpu.memory_space<vmem>>, vector<16xf32>,
      %slice3A_218 = vector.extract_strided_slice %mul3A_81 {offsets = [14], sizes = [1], strides = [1]} : vector<16xf32> to vector<1xf32>
      %squeeze3A_219 = vector.extract %slice3A_218[0] : f32 from vector<1xf32>
      %broadcast_in_dim3A_220 = vector.broadcast %squeeze3A_219 : f32 to vector<16xf32>
      %mul3A_221 = arith.constant 2 : i32
      %mul3A_222 = arith.muli %mul3A_221, %scan3A_38 : i32
      %add3A_223 = arith.constant 1 : i32
      %add3A_224 = arith.addi %mul3A_222, %add3A_223 : i32
      %swap3A_225 = arith.index_cast %add3A_224 : i32 to index
      %swap3A_226 = arith.constant 96 : index
      %swap3A_227 = tpu.vector_load %arg6[%swap3A_225, %swap3A_226] {strides = array<i32>} : memref<392x128xf32, #tpu.memory_space<vmem>>, vector<16xf32>,
      tpu.vector_store %arg6[%swap3A_225, %swap3A_226], %broadcast_in_dim3A_220 {strides = array<i32>} : memref<392x128xf32, #tpu.memory_space<vmem>>, vector<16xf32>,
      %slice3A_228 = vector.extract_strided_slice %mul3A_81 {offsets = [15], sizes = [1], strides = [1]} : vector<16xf32> to vector<1xf32>
      %squeeze3A_229 = vector.extract %slice3A_228[0] : f32 from vector<1xf32>
      %broadcast_in_dim3A_230 = vector.broadcast %squeeze3A_229 : f32 to vector<16xf32>
      %mul3A_231 = arith.constant 2 : i32
      %mul3A_232 = arith.muli %mul3A_231, %scan3A_38 : i32
      %add3A_233 = arith.constant 1 : i32
      %add3A_234 = arith.addi %mul3A_232, %add3A_233 : i32
      %swap3A_235 = arith.index_cast %add3A_234 : i32 to index
      %swap3A_236 = arith.constant 112 : index
      %swap3A_237 = tpu.vector_load %arg6[%swap3A_235, %swap3A_236] {strides = array<i32>} : memref<392x128xf32, #tpu.memory_space<vmem>>, vector<16xf32>,
      tpu.vector_store %arg6[%swap3A_235, %swap3A_236], %broadcast_in_dim3A_230 {strides = array<i32>} : memref<392x128xf32, #tpu.memory_space<vmem>>, vector<16xf32>,
    }
    %scan3A_35 = arith.constant 196 : i32
    %mul3A_36 = arith.constant 391 : i32
    %mul3A_37 = arith.muli %add3A, %mul3A_36 : i32
    "tpu.region"() ({
      %run_scoped3A = tpu.sem_alloc : memref<!tpu.dma_semaphore, #tpu.memory_space<semaphore_mem>>
      %dma_start3A_38 = arith.constant 0 : i32
      %dma_start3A_39 = arith.constant 0 : i32
      %dma_start3A_40 = tpu.memref_slice %arg6[%dma_start3A_38, %dma_start3A_39] : memref<392x128xf32, #tpu.memory_space<vmem>> -> memref<391x128xf32, #tpu.memory_space<vmem>>
      %dma_start3A_41 = arith.constant 0 : i32
      %dma_start3A_42 = tpu.memref_slice %arg3[%mul3A_37, %dma_start3A_41] : memref<12512x128xf32, #tpu.memory_space<hbm>> -> memref<391x128xf32, #tpu.memory_space<hbm>>
      %dma_start3A_43 = arith.constant 0 : i32
      %dma_start3A_44 = tpu.memref_slice %arg3[%mul3A_37, %dma_start3A_43] : memref<12512x128xf32, #tpu.memory_space<hbm>> -> memref<391x128xf32, #tpu.memory_space<hbm>>
      %dma_start3A_45 = arith.constant 0 : i32
      %dma_start3A_46 = arith.constant 0 : i32
      %dma_start3A_47 = tpu.memref_slice %arg6[%dma_start3A_45, %dma_start3A_46] : memref<392x128xf32, #tpu.memory_space<vmem>> -> memref<391x128xf32, #tpu.memory_space<vmem>>
      tpu.enqueue_dma source(%dma_start3A_47 : memref<391x128xf32, #tpu.memory_space<vmem>>) target(%dma_start3A_44 : memref<391x128xf32, #tpu.memory_space<hbm>>) target_semaphore(%run_scoped3A : memref<!tpu.dma_semaphore, #tpu.memory_space<semaphore_mem>>)
      %dma_wait3A_48 = arith.constant 0 : i32
      %dma_wait3A_49 = arith.constant 0 : i32
      %dma_wait3A_50 = tpu.memref_slice %arg6[%dma_wait3A_48, %dma_wait3A_49] : memref<392x128xf32, #tpu.memory_space<vmem>> -> memref<391x128xf32, #tpu.memory_space<vmem>>
      %dma_wait3A_51 = arith.constant 0 : i32
      %dma_wait3A_52 = tpu.memref_slice %arg3[%mul3A_37, %dma_wait3A_51] : memref<12512x128xf32, #tpu.memory_space<hbm>> -> memref<391x128xf32, #tpu.memory_space<hbm>>
      %dma_wait3A_53 = arith.constant 0 : i32
      %dma_wait3A_54 = tpu.memref_slice %arg3[%mul3A_37, %dma_wait3A_53] : memref<12512x128xf32, #tpu.memory_space<hbm>> -> memref<391x128xf32, #tpu.memory_space<hbm>>
      %dma_wait3A_55 = arith.constant 0 : i32
      %dma_wait3A_56 = arith.constant 0 : i32
      %dma_wait3A_57 = tpu.memref_slice %arg6[%dma_wait3A_55, %dma_wait3A_56] : memref<392x128xf32, #tpu.memory_space<vmem>> -> memref<391x128xf32, #tpu.memory_space<vmem>>
      tpu.wait_dma2 semaphore(%run_scoped3A : memref<!tpu.dma_semaphore, #tpu.memory_space<semaphore_mem>>) src(%dma_wait3A_57 : memref<391x128xf32, #tpu.memory_space<vmem>>) dst(%dma_wait3A_54 : memref<391x128xf32, #tpu.memory_space<hbm>>)
      tpu.yield
    }) : () -> ()
    return
  }
}

#map = affine_map<(d0, d1) -> (0, 0)>
#map1 = affine_map<(d0, d1) -> (0)>
module attributes {stable_mosaic.version = 14 : i64} {
  func.func @_agg_kernel(%arg0: i32, %arg1: i32, %arg2: memref<100096x16xf32, #tpu.memory_space<hbm>>, %arg3: memref<100096x16xf32, #tpu.memory_space<hbm>>, %arg4: memref<3200000xi32, #tpu.memory_space<hbm>>, %arg5: memref<3200000xi32, #tpu.memory_space<hbm>>, %arg6: memref<100096x16xf32, #tpu.memory_space<hbm>>, %arg7: memref<100096x16xf32, #tpu.memory_space<hbm>>, %arg8: memref<800xi32, #tpu.memory_space<vmem>>, %arg9: memref<800xi32, #tpu.memory_space<vmem>>, %arg10: memref<800xi32, #tpu.memory_space<vmem>>, %arg11: memref<800xi32, #tpu.memory_space<vmem>>, %arg12: memref<800x16xf32, #tpu.memory_space<vmem>>, %arg13: memref<800x16xf32, #tpu.memory_space<vmem>>, %arg14: memref<100096x16xf32, #tpu.memory_space<vmem_shared>>, %arg15: memref<!tpu.dma_semaphore, #tpu.memory_space<semaphore_mem>>, %arg16: memref<!tpu.dma_semaphore, #tpu.memory_space<semaphore_mem>>, %arg17: memref<!tpu.dma_semaphore, #tpu.memory_space<semaphore_mem>>, %arg18: memref<!tpu.dma_semaphore, #tpu.memory_space<semaphore_mem>>, %arg19: memref<!tpu.dma_semaphore, #tpu.memory_space<semaphore_mem>>, %arg20: memref<!tpu.dma_semaphore, #tpu.memory_space<semaphore_mem>>) attributes {dimension_semantics = [#tpu.dimension_semantics<core_parallel>, #tpu.dimension_semantics<subcore_parallel>], iteration_bounds = array<i64: 2, 16>, scalar_prefetch = 0 : i64, scratch_operands = 13 : i64, tpu.core_type = #tpu.core_type<sc_vector_subcore>, window_params = [{transform_indices = #map}, {transform_indices = #map}, {transform_indices = #map1}, {transform_indices = #map1}, {transform_indices = #map}, {transform_indices = #map}]} {
    %mul3A = arith.constant 6256 : i32
    %mul3A_0 = arith.muli %arg1, %mul3A : i32
    %broadcast_in_dim3A = arith.constant 0.000000e+00 : f32
    %broadcast_in_dim3A_1 = vector.broadcast %broadcast_in_dim3A : f32 to vector<16xf32>
    %scan3A = arith.constant 0 : i32
    %scan3A_2 = arith.constant 0 : i32
    %scan3A_3 = arith.constant 800 : i32
    %scan3A_4 = arith.addi %scan3A_2, %scan3A_3 : i32
    %scan3A_5 = arith.constant 1 : i32
    scf.for %scan3A_214 = %scan3A_2 to %scan3A_4 step %scan3A_5  : i32 {
      %swap3A = arith.index_cast %scan3A_214 : i32 to index
      %swap3A_215 = arith.constant 0 : index
      %swap3A_216 = tpu.vector_load %arg12[%swap3A, %swap3A_215] {strides = array<i32>} : memref<800x16xf32, #tpu.memory_space<vmem>>, vector<16xf32>,
      tpu.vector_store %arg12[%swap3A, %swap3A_215], %broadcast_in_dim3A_1 {strides = array<i32>} : memref<800x16xf32, #tpu.memory_space<vmem>>, vector<16xf32>,
    }
    %scan3A_6 = arith.constant 800 : i32
    %add3A = arith.constant 0 : i32
    %add3A_7 = arith.addi %mul3A_0, %add3A : i32
    %dma_start3A = arith.constant 0 : i32
    %dma_start3A_8 = arith.constant 0 : i32
    %dma_start3A_9 = tpu.memref_slice %arg12[%dma_start3A, %dma_start3A_8] : memref<800x16xf32, #tpu.memory_space<vmem>> -> memref<800x16xf32, #tpu.memory_space<vmem>>
    %dma_start3A_10 = arith.constant 0 : i32
    %dma_start3A_11 = tpu.memref_slice %arg14[%add3A_7, %dma_start3A_10] : memref<100096x16xf32, #tpu.memory_space<vmem_shared>> -> memref<800x16xf32, #tpu.memory_space<vmem_shared>>
    %dma_start3A_12 = arith.constant 0 : i32
    %dma_start3A_13 = tpu.memref_slice %arg14[%add3A_7, %dma_start3A_12] : memref<100096x16xf32, #tpu.memory_space<vmem_shared>> -> memref<800x16xf32, #tpu.memory_space<vmem_shared>>
    %dma_start3A_14 = arith.constant 0 : i32
    %dma_start3A_15 = arith.constant 0 : i32
    %dma_start3A_16 = tpu.memref_slice %arg12[%dma_start3A_14, %dma_start3A_15] : memref<800x16xf32, #tpu.memory_space<vmem>> -> memref<800x16xf32, #tpu.memory_space<vmem>>
    tpu.enqueue_dma source(%dma_start3A_16 : memref<800x16xf32, #tpu.memory_space<vmem>>) target(%dma_start3A_13 : memref<800x16xf32, #tpu.memory_space<vmem_shared>>) target_semaphore(%arg19 : memref<!tpu.dma_semaphore, #tpu.memory_space<semaphore_mem>>)
    %add3A_17 = arith.constant 800 : i32
    %add3A_18 = arith.addi %mul3A_0, %add3A_17 : i32
    %dma_start3A_19 = arith.constant 0 : i32
    %dma_start3A_20 = arith.constant 0 : i32
    %dma_start3A_21 = tpu.memref_slice %arg12[%dma_start3A_19, %dma_start3A_20] : memref<800x16xf32, #tpu.memory_space<vmem>> -> memref<800x16xf32, #tpu.memory_space<vmem>>
    %dma_start3A_22 = arith.constant 0 : i32
    %dma_start3A_23 = tpu.memref_slice %arg14[%add3A_18, %dma_start3A_22] : memref<100096x16xf32, #tpu.memory_space<vmem_shared>> -> memref<800x16xf32, #tpu.memory_space<vmem_shared>>
    %dma_start3A_24 = arith.constant 0 : i32
    %dma_start3A_25 = tpu.memref_slice %arg14[%add3A_18, %dma_start3A_24] : memref<100096x16xf32, #tpu.memory_space<vmem_shared>> -> memref<800x16xf32, #tpu.memory_space<vmem_shared>>
    %dma_start3A_26 = arith.constant 0 : i32
    %dma_start3A_27 = arith.constant 0 : i32
    %dma_start3A_28 = tpu.memref_slice %arg12[%dma_start3A_26, %dma_start3A_27] : memref<800x16xf32, #tpu.memory_space<vmem>> -> memref<800x16xf32, #tpu.memory_space<vmem>>
    tpu.enqueue_dma source(%dma_start3A_28 : memref<800x16xf32, #tpu.memory_space<vmem>>) target(%dma_start3A_25 : memref<800x16xf32, #tpu.memory_space<vmem_shared>>) target_semaphore(%arg19 : memref<!tpu.dma_semaphore, #tpu.memory_space<semaphore_mem>>)
    %add3A_29 = arith.constant 1600 : i32
    %add3A_30 = arith.addi %mul3A_0, %add3A_29 : i32
    %dma_start3A_31 = arith.constant 0 : i32
    %dma_start3A_32 = arith.constant 0 : i32
    %dma_start3A_33 = tpu.memref_slice %arg12[%dma_start3A_31, %dma_start3A_32] : memref<800x16xf32, #tpu.memory_space<vmem>> -> memref<800x16xf32, #tpu.memory_space<vmem>>
    %dma_start3A_34 = arith.constant 0 : i32
    %dma_start3A_35 = tpu.memref_slice %arg14[%add3A_30, %dma_start3A_34] : memref<100096x16xf32, #tpu.memory_space<vmem_shared>> -> memref<800x16xf32, #tpu.memory_space<vmem_shared>>
    %dma_start3A_36 = arith.constant 0 : i32
    %dma_start3A_37 = tpu.memref_slice %arg14[%add3A_30, %dma_start3A_36] : memref<100096x16xf32, #tpu.memory_space<vmem_shared>> -> memref<800x16xf32, #tpu.memory_space<vmem_shared>>
    %dma_start3A_38 = arith.constant 0 : i32
    %dma_start3A_39 = arith.constant 0 : i32
    %dma_start3A_40 = tpu.memref_slice %arg12[%dma_start3A_38, %dma_start3A_39] : memref<800x16xf32, #tpu.memory_space<vmem>> -> memref<800x16xf32, #tpu.memory_space<vmem>>
    tpu.enqueue_dma source(%dma_start3A_40 : memref<800x16xf32, #tpu.memory_space<vmem>>) target(%dma_start3A_37 : memref<800x16xf32, #tpu.memory_space<vmem_shared>>) target_semaphore(%arg19 : memref<!tpu.dma_semaphore, #tpu.memory_space<semaphore_mem>>)
    %add3A_41 = arith.constant 2400 : i32
    %add3A_42 = arith.addi %mul3A_0, %add3A_41 : i32
    %dma_start3A_43 = arith.constant 0 : i32
    %dma_start3A_44 = arith.constant 0 : i32
    %dma_start3A_45 = tpu.memref_slice %arg12[%dma_start3A_43, %dma_start3A_44] : memref<800x16xf32, #tpu.memory_space<vmem>> -> memref<800x16xf32, #tpu.memory_space<vmem>>
    %dma_start3A_46 = arith.constant 0 : i32
    %dma_start3A_47 = tpu.memref_slice %arg14[%add3A_42, %dma_start3A_46] : memref<100096x16xf32, #tpu.memory_space<vmem_shared>> -> memref<800x16xf32, #tpu.memory_space<vmem_shared>>
    %dma_start3A_48 = arith.constant 0 : i32
    %dma_start3A_49 = tpu.memref_slice %arg14[%add3A_42, %dma_start3A_48] : memref<100096x16xf32, #tpu.memory_space<vmem_shared>> -> memref<800x16xf32, #tpu.memory_space<vmem_shared>>
    %dma_start3A_50 = arith.constant 0 : i32
    %dma_start3A_51 = arith.constant 0 : i32
    %dma_start3A_52 = tpu.memref_slice %arg12[%dma_start3A_50, %dma_start3A_51] : memref<800x16xf32, #tpu.memory_space<vmem>> -> memref<800x16xf32, #tpu.memory_space<vmem>>
    tpu.enqueue_dma source(%dma_start3A_52 : memref<800x16xf32, #tpu.memory_space<vmem>>) target(%dma_start3A_49 : memref<800x16xf32, #tpu.memory_space<vmem_shared>>) target_semaphore(%arg19 : memref<!tpu.dma_semaphore, #tpu.memory_space<semaphore_mem>>)
    %add3A_53 = arith.constant 3200 : i32
    %add3A_54 = arith.addi %mul3A_0, %add3A_53 : i32
    %dma_start3A_55 = arith.constant 0 : i32
    %dma_start3A_56 = arith.constant 0 : i32
    %dma_start3A_57 = tpu.memref_slice %arg12[%dma_start3A_55, %dma_start3A_56] : memref<800x16xf32, #tpu.memory_space<vmem>> -> memref<800x16xf32, #tpu.memory_space<vmem>>
    %dma_start3A_58 = arith.constant 0 : i32
    %dma_start3A_59 = tpu.memref_slice %arg14[%add3A_54, %dma_start3A_58] : memref<100096x16xf32, #tpu.memory_space<vmem_shared>> -> memref<800x16xf32, #tpu.memory_space<vmem_shared>>
    %dma_start3A_60 = arith.constant 0 : i32
    %dma_start3A_61 = tpu.memref_slice %arg14[%add3A_54, %dma_start3A_60] : memref<100096x16xf32, #tpu.memory_space<vmem_shared>> -> memref<800x16xf32, #tpu.memory_space<vmem_shared>>
    %dma_start3A_62 = arith.constant 0 : i32
    %dma_start3A_63 = arith.constant 0 : i32
    %dma_start3A_64 = tpu.memref_slice %arg12[%dma_start3A_62, %dma_start3A_63] : memref<800x16xf32, #tpu.memory_space<vmem>> -> memref<800x16xf32, #tpu.memory_space<vmem>>
    tpu.enqueue_dma source(%dma_start3A_64 : memref<800x16xf32, #tpu.memory_space<vmem>>) target(%dma_start3A_61 : memref<800x16xf32, #tpu.memory_space<vmem_shared>>) target_semaphore(%arg19 : memref<!tpu.dma_semaphore, #tpu.memory_space<semaphore_mem>>)
    %add3A_65 = arith.constant 4000 : i32
    %add3A_66 = arith.addi %mul3A_0, %add3A_65 : i32
    %dma_start3A_67 = arith.constant 0 : i32
    %dma_start3A_68 = arith.constant 0 : i32
    %dma_start3A_69 = tpu.memref_slice %arg12[%dma_start3A_67, %dma_start3A_68] : memref<800x16xf32, #tpu.memory_space<vmem>> -> memref<800x16xf32, #tpu.memory_space<vmem>>
    %dma_start3A_70 = arith.constant 0 : i32
    %dma_start3A_71 = tpu.memref_slice %arg14[%add3A_66, %dma_start3A_70] : memref<100096x16xf32, #tpu.memory_space<vmem_shared>> -> memref<800x16xf32, #tpu.memory_space<vmem_shared>>
    %dma_start3A_72 = arith.constant 0 : i32
    %dma_start3A_73 = tpu.memref_slice %arg14[%add3A_66, %dma_start3A_72] : memref<100096x16xf32, #tpu.memory_space<vmem_shared>> -> memref<800x16xf32, #tpu.memory_space<vmem_shared>>
    %dma_start3A_74 = arith.constant 0 : i32
    %dma_start3A_75 = arith.constant 0 : i32
    %dma_start3A_76 = tpu.memref_slice %arg12[%dma_start3A_74, %dma_start3A_75] : memref<800x16xf32, #tpu.memory_space<vmem>> -> memref<800x16xf32, #tpu.memory_space<vmem>>
    tpu.enqueue_dma source(%dma_start3A_76 : memref<800x16xf32, #tpu.memory_space<vmem>>) target(%dma_start3A_73 : memref<800x16xf32, #tpu.memory_space<vmem_shared>>) target_semaphore(%arg19 : memref<!tpu.dma_semaphore, #tpu.memory_space<semaphore_mem>>)
    %add3A_77 = arith.constant 4800 : i32
    %add3A_78 = arith.addi %mul3A_0, %add3A_77 : i32
    %dma_start3A_79 = arith.constant 0 : i32
    %dma_start3A_80 = arith.constant 0 : i32
    %dma_start3A_81 = tpu.memref_slice %arg12[%dma_start3A_79, %dma_start3A_80] : memref<800x16xf32, #tpu.memory_space<vmem>> -> memref<800x16xf32, #tpu.memory_space<vmem>>
    %dma_start3A_82 = arith.constant 0 : i32
    %dma_start3A_83 = tpu.memref_slice %arg14[%add3A_78, %dma_start3A_82] : memref<100096x16xf32, #tpu.memory_space<vmem_shared>> -> memref<800x16xf32, #tpu.memory_space<vmem_shared>>
    %dma_start3A_84 = arith.constant 0 : i32
    %dma_start3A_85 = tpu.memref_slice %arg14[%add3A_78, %dma_start3A_84] : memref<100096x16xf32, #tpu.memory_space<vmem_shared>> -> memref<800x16xf32, #tpu.memory_space<vmem_shared>>
    %dma_start3A_86 = arith.constant 0 : i32
    %dma_start3A_87 = arith.constant 0 : i32
    %dma_start3A_88 = tpu.memref_slice %arg12[%dma_start3A_86, %dma_start3A_87] : memref<800x16xf32, #tpu.memory_space<vmem>> -> memref<800x16xf32, #tpu.memory_space<vmem>>
    tpu.enqueue_dma source(%dma_start3A_88 : memref<800x16xf32, #tpu.memory_space<vmem>>) target(%dma_start3A_85 : memref<800x16xf32, #tpu.memory_space<vmem_shared>>) target_semaphore(%arg19 : memref<!tpu.dma_semaphore, #tpu.memory_space<semaphore_mem>>)
    %add3A_89 = arith.constant 5600 : i32
    %add3A_90 = arith.addi %mul3A_0, %add3A_89 : i32
    %dma_start3A_91 = arith.constant 0 : i32
    %dma_start3A_92 = arith.constant 0 : i32
    %dma_start3A_93 = tpu.memref_slice %arg12[%dma_start3A_91, %dma_start3A_92] : memref<800x16xf32, #tpu.memory_space<vmem>> -> memref<656x16xf32, #tpu.memory_space<vmem>>
    %dma_start3A_94 = arith.constant 0 : i32
    %dma_start3A_95 = tpu.memref_slice %arg14[%add3A_90, %dma_start3A_94] : memref<100096x16xf32, #tpu.memory_space<vmem_shared>> -> memref<656x16xf32, #tpu.memory_space<vmem_shared>>
    %dma_start3A_96 = arith.constant 0 : i32
    %dma_start3A_97 = tpu.memref_slice %arg14[%add3A_90, %dma_start3A_96] : memref<100096x16xf32, #tpu.memory_space<vmem_shared>> -> memref<656x16xf32, #tpu.memory_space<vmem_shared>>
    %dma_start3A_98 = arith.constant 0 : i32
    %dma_start3A_99 = arith.constant 0 : i32
    %dma_start3A_100 = tpu.memref_slice %arg12[%dma_start3A_98, %dma_start3A_99] : memref<800x16xf32, #tpu.memory_space<vmem>> -> memref<656x16xf32, #tpu.memory_space<vmem>>
    tpu.enqueue_dma source(%dma_start3A_100 : memref<656x16xf32, #tpu.memory_space<vmem>>) target(%dma_start3A_97 : memref<656x16xf32, #tpu.memory_space<vmem_shared>>) target_semaphore(%arg19 : memref<!tpu.dma_semaphore, #tpu.memory_space<semaphore_mem>>)
    %add3A_101 = arith.constant 0 : i32
    %add3A_102 = arith.addi %mul3A_0, %add3A_101 : i32
    %dma_wait3A = arith.constant 0 : i32
    %dma_wait3A_103 = arith.constant 0 : i32
    %dma_wait3A_104 = tpu.memref_slice %arg12[%dma_wait3A, %dma_wait3A_103] : memref<800x16xf32, #tpu.memory_space<vmem>> -> memref<800x16xf32, #tpu.memory_space<vmem>>
    %dma_wait3A_105 = arith.constant 0 : i32
    %dma_wait3A_106 = tpu.memref_slice %arg14[%add3A_102, %dma_wait3A_105] : memref<100096x16xf32, #tpu.memory_space<vmem_shared>> -> memref<800x16xf32, #tpu.memory_space<vmem_shared>>
    %dma_wait3A_107 = arith.constant 0 : i32
    %dma_wait3A_108 = tpu.memref_slice %arg14[%add3A_102, %dma_wait3A_107] : memref<100096x16xf32, #tpu.memory_space<vmem_shared>> -> memref<800x16xf32, #tpu.memory_space<vmem_shared>>
    %dma_wait3A_109 = arith.constant 0 : i32
    %dma_wait3A_110 = arith.constant 0 : i32
    %dma_wait3A_111 = tpu.memref_slice %arg12[%dma_wait3A_109, %dma_wait3A_110] : memref<800x16xf32, #tpu.memory_space<vmem>> -> memref<800x16xf32, #tpu.memory_space<vmem>>
    tpu.wait_dma2 semaphore(%arg19 : memref<!tpu.dma_semaphore, #tpu.memory_space<semaphore_mem>>) src(%dma_wait3A_111 : memref<800x16xf32, #tpu.memory_space<vmem>>) dst(%dma_wait3A_108 : memref<800x16xf32, #tpu.memory_space<vmem_shared>>)
    %add3A_112 = arith.constant 800 : i32
    %add3A_113 = arith.addi %mul3A_0, %add3A_112 : i32
    %dma_wait3A_114 = arith.constant 0 : i32
    %dma_wait3A_115 = arith.constant 0 : i32
    %dma_wait3A_116 = tpu.memref_slice %arg12[%dma_wait3A_114, %dma_wait3A_115] : memref<800x16xf32, #tpu.memory_space<vmem>> -> memref<800x16xf32, #tpu.memory_space<vmem>>
    %dma_wait3A_117 = arith.constant 0 : i32
    %dma_wait3A_118 = tpu.memref_slice %arg14[%add3A_113, %dma_wait3A_117] : memref<100096x16xf32, #tpu.memory_space<vmem_shared>> -> memref<800x16xf32, #tpu.memory_space<vmem_shared>>
    %dma_wait3A_119 = arith.constant 0 : i32
    %dma_wait3A_120 = tpu.memref_slice %arg14[%add3A_113, %dma_wait3A_119] : memref<100096x16xf32, #tpu.memory_space<vmem_shared>> -> memref<800x16xf32, #tpu.memory_space<vmem_shared>>
    %dma_wait3A_121 = arith.constant 0 : i32
    %dma_wait3A_122 = arith.constant 0 : i32
    %dma_wait3A_123 = tpu.memref_slice %arg12[%dma_wait3A_121, %dma_wait3A_122] : memref<800x16xf32, #tpu.memory_space<vmem>> -> memref<800x16xf32, #tpu.memory_space<vmem>>
    tpu.wait_dma2 semaphore(%arg19 : memref<!tpu.dma_semaphore, #tpu.memory_space<semaphore_mem>>) src(%dma_wait3A_123 : memref<800x16xf32, #tpu.memory_space<vmem>>) dst(%dma_wait3A_120 : memref<800x16xf32, #tpu.memory_space<vmem_shared>>)
    %add3A_124 = arith.constant 1600 : i32
    %add3A_125 = arith.addi %mul3A_0, %add3A_124 : i32
    %dma_wait3A_126 = arith.constant 0 : i32
    %dma_wait3A_127 = arith.constant 0 : i32
    %dma_wait3A_128 = tpu.memref_slice %arg12[%dma_wait3A_126, %dma_wait3A_127] : memref<800x16xf32, #tpu.memory_space<vmem>> -> memref<800x16xf32, #tpu.memory_space<vmem>>
    %dma_wait3A_129 = arith.constant 0 : i32
    %dma_wait3A_130 = tpu.memref_slice %arg14[%add3A_125, %dma_wait3A_129] : memref<100096x16xf32, #tpu.memory_space<vmem_shared>> -> memref<800x16xf32, #tpu.memory_space<vmem_shared>>
    %dma_wait3A_131 = arith.constant 0 : i32
    %dma_wait3A_132 = tpu.memref_slice %arg14[%add3A_125, %dma_wait3A_131] : memref<100096x16xf32, #tpu.memory_space<vmem_shared>> -> memref<800x16xf32, #tpu.memory_space<vmem_shared>>
    %dma_wait3A_133 = arith.constant 0 : i32
    %dma_wait3A_134 = arith.constant 0 : i32
    %dma_wait3A_135 = tpu.memref_slice %arg12[%dma_wait3A_133, %dma_wait3A_134] : memref<800x16xf32, #tpu.memory_space<vmem>> -> memref<800x16xf32, #tpu.memory_space<vmem>>
    tpu.wait_dma2 semaphore(%arg19 : memref<!tpu.dma_semaphore, #tpu.memory_space<semaphore_mem>>) src(%dma_wait3A_135 : memref<800x16xf32, #tpu.memory_space<vmem>>) dst(%dma_wait3A_132 : memref<800x16xf32, #tpu.memory_space<vmem_shared>>)
    %add3A_136 = arith.constant 2400 : i32
    %add3A_137 = arith.addi %mul3A_0, %add3A_136 : i32
    %dma_wait3A_138 = arith.constant 0 : i32
    %dma_wait3A_139 = arith.constant 0 : i32
    %dma_wait3A_140 = tpu.memref_slice %arg12[%dma_wait3A_138, %dma_wait3A_139] : memref<800x16xf32, #tpu.memory_space<vmem>> -> memref<800x16xf32, #tpu.memory_space<vmem>>
    %dma_wait3A_141 = arith.constant 0 : i32
    %dma_wait3A_142 = tpu.memref_slice %arg14[%add3A_137, %dma_wait3A_141] : memref<100096x16xf32, #tpu.memory_space<vmem_shared>> -> memref<800x16xf32, #tpu.memory_space<vmem_shared>>
    %dma_wait3A_143 = arith.constant 0 : i32
    %dma_wait3A_144 = tpu.memref_slice %arg14[%add3A_137, %dma_wait3A_143] : memref<100096x16xf32, #tpu.memory_space<vmem_shared>> -> memref<800x16xf32, #tpu.memory_space<vmem_shared>>
    %dma_wait3A_145 = arith.constant 0 : i32
    %dma_wait3A_146 = arith.constant 0 : i32
    %dma_wait3A_147 = tpu.memref_slice %arg12[%dma_wait3A_145, %dma_wait3A_146] : memref<800x16xf32, #tpu.memory_space<vmem>> -> memref<800x16xf32, #tpu.memory_space<vmem>>
    tpu.wait_dma2 semaphore(%arg19 : memref<!tpu.dma_semaphore, #tpu.memory_space<semaphore_mem>>) src(%dma_wait3A_147 : memref<800x16xf32, #tpu.memory_space<vmem>>) dst(%dma_wait3A_144 : memref<800x16xf32, #tpu.memory_space<vmem_shared>>)
    %add3A_148 = arith.constant 3200 : i32
    %add3A_149 = arith.addi %mul3A_0, %add3A_148 : i32
    %dma_wait3A_150 = arith.constant 0 : i32
    %dma_wait3A_151 = arith.constant 0 : i32
    %dma_wait3A_152 = tpu.memref_slice %arg12[%dma_wait3A_150, %dma_wait3A_151] : memref<800x16xf32, #tpu.memory_space<vmem>> -> memref<800x16xf32, #tpu.memory_space<vmem>>
    %dma_wait3A_153 = arith.constant 0 : i32
    %dma_wait3A_154 = tpu.memref_slice %arg14[%add3A_149, %dma_wait3A_153] : memref<100096x16xf32, #tpu.memory_space<vmem_shared>> -> memref<800x16xf32, #tpu.memory_space<vmem_shared>>
    %dma_wait3A_155 = arith.constant 0 : i32
    %dma_wait3A_156 = tpu.memref_slice %arg14[%add3A_149, %dma_wait3A_155] : memref<100096x16xf32, #tpu.memory_space<vmem_shared>> -> memref<800x16xf32, #tpu.memory_space<vmem_shared>>
    %dma_wait3A_157 = arith.constant 0 : i32
    %dma_wait3A_158 = arith.constant 0 : i32
    %dma_wait3A_159 = tpu.memref_slice %arg12[%dma_wait3A_157, %dma_wait3A_158] : memref<800x16xf32, #tpu.memory_space<vmem>> -> memref<800x16xf32, #tpu.memory_space<vmem>>
    tpu.wait_dma2 semaphore(%arg19 : memref<!tpu.dma_semaphore, #tpu.memory_space<semaphore_mem>>) src(%dma_wait3A_159 : memref<800x16xf32, #tpu.memory_space<vmem>>) dst(%dma_wait3A_156 : memref<800x16xf32, #tpu.memory_space<vmem_shared>>)
    %add3A_160 = arith.constant 4000 : i32
    %add3A_161 = arith.addi %mul3A_0, %add3A_160 : i32
    %dma_wait3A_162 = arith.constant 0 : i32
    %dma_wait3A_163 = arith.constant 0 : i32
    %dma_wait3A_164 = tpu.memref_slice %arg12[%dma_wait3A_162, %dma_wait3A_163] : memref<800x16xf32, #tpu.memory_space<vmem>> -> memref<800x16xf32, #tpu.memory_space<vmem>>
    %dma_wait3A_165 = arith.constant 0 : i32
    %dma_wait3A_166 = tpu.memref_slice %arg14[%add3A_161, %dma_wait3A_165] : memref<100096x16xf32, #tpu.memory_space<vmem_shared>> -> memref<800x16xf32, #tpu.memory_space<vmem_shared>>
    %dma_wait3A_167 = arith.constant 0 : i32
    %dma_wait3A_168 = tpu.memref_slice %arg14[%add3A_161, %dma_wait3A_167] : memref<100096x16xf32, #tpu.memory_space<vmem_shared>> -> memref<800x16xf32, #tpu.memory_space<vmem_shared>>
    %dma_wait3A_169 = arith.constant 0 : i32
    %dma_wait3A_170 = arith.constant 0 : i32
    %dma_wait3A_171 = tpu.memref_slice %arg12[%dma_wait3A_169, %dma_wait3A_170] : memref<800x16xf32, #tpu.memory_space<vmem>> -> memref<800x16xf32, #tpu.memory_space<vmem>>
    tpu.wait_dma2 semaphore(%arg19 : memref<!tpu.dma_semaphore, #tpu.memory_space<semaphore_mem>>) src(%dma_wait3A_171 : memref<800x16xf32, #tpu.memory_space<vmem>>) dst(%dma_wait3A_168 : memref<800x16xf32, #tpu.memory_space<vmem_shared>>)
    %add3A_172 = arith.constant 4800 : i32
    %add3A_173 = arith.addi %mul3A_0, %add3A_172 : i32
    %dma_wait3A_174 = arith.constant 0 : i32
    %dma_wait3A_175 = arith.constant 0 : i32
    %dma_wait3A_176 = tpu.memref_slice %arg12[%dma_wait3A_174, %dma_wait3A_175] : memref<800x16xf32, #tpu.memory_space<vmem>> -> memref<800x16xf32, #tpu.memory_space<vmem>>
    %dma_wait3A_177 = arith.constant 0 : i32
    %dma_wait3A_178 = tpu.memref_slice %arg14[%add3A_173, %dma_wait3A_177] : memref<100096x16xf32, #tpu.memory_space<vmem_shared>> -> memref<800x16xf32, #tpu.memory_space<vmem_shared>>
    %dma_wait3A_179 = arith.constant 0 : i32
    %dma_wait3A_180 = tpu.memref_slice %arg14[%add3A_173, %dma_wait3A_179] : memref<100096x16xf32, #tpu.memory_space<vmem_shared>> -> memref<800x16xf32, #tpu.memory_space<vmem_shared>>
    %dma_wait3A_181 = arith.constant 0 : i32
    %dma_wait3A_182 = arith.constant 0 : i32
    %dma_wait3A_183 = tpu.memref_slice %arg12[%dma_wait3A_181, %dma_wait3A_182] : memref<800x16xf32, #tpu.memory_space<vmem>> -> memref<800x16xf32, #tpu.memory_space<vmem>>
    tpu.wait_dma2 semaphore(%arg19 : memref<!tpu.dma_semaphore, #tpu.memory_space<semaphore_mem>>) src(%dma_wait3A_183 : memref<800x16xf32, #tpu.memory_space<vmem>>) dst(%dma_wait3A_180 : memref<800x16xf32, #tpu.memory_space<vmem_shared>>)
    %add3A_184 = arith.constant 5600 : i32
    %add3A_185 = arith.addi %mul3A_0, %add3A_184 : i32
    %dma_wait3A_186 = arith.constant 0 : i32
    %dma_wait3A_187 = arith.constant 0 : i32
    %dma_wait3A_188 = tpu.memref_slice %arg12[%dma_wait3A_186, %dma_wait3A_187] : memref<800x16xf32, #tpu.memory_space<vmem>> -> memref<656x16xf32, #tpu.memory_space<vmem>>
    %dma_wait3A_189 = arith.constant 0 : i32
    %dma_wait3A_190 = tpu.memref_slice %arg14[%add3A_185, %dma_wait3A_189] : memref<100096x16xf32, #tpu.memory_space<vmem_shared>> -> memref<656x16xf32, #tpu.memory_space<vmem_shared>>
    %dma_wait3A_191 = arith.constant 0 : i32
    %dma_wait3A_192 = tpu.memref_slice %arg14[%add3A_185, %dma_wait3A_191] : memref<100096x16xf32, #tpu.memory_space<vmem_shared>> -> memref<656x16xf32, #tpu.memory_space<vmem_shared>>
    %dma_wait3A_193 = arith.constant 0 : i32
    %dma_wait3A_194 = arith.constant 0 : i32
    %dma_wait3A_195 = tpu.memref_slice %arg12[%dma_wait3A_193, %dma_wait3A_194] : memref<800x16xf32, #tpu.memory_space<vmem>> -> memref<656x16xf32, #tpu.memory_space<vmem>>
    tpu.wait_dma2 semaphore(%arg19 : memref<!tpu.dma_semaphore, #tpu.memory_space<semaphore_mem>>) src(%dma_wait3A_195 : memref<656x16xf32, #tpu.memory_space<vmem>>) dst(%dma_wait3A_192 : memref<656x16xf32, #tpu.memory_space<vmem_shared>>)
    %barrier3A = arith.constant 0 : index
    tpu.barrier barrier_id(%barrier3A)
    %eq3A = arith.constant 0 : i32
    %eq3A_196 = arith.cmpi eq, %arg0, %eq3A : i32
    %convert_element_type3A = arith.extui %eq3A_196 : i1 to i32
    %cond3A = arith.constant 0 : i32
    %cond3A_197 = arith.cmpi ne, %convert_element_type3A, %cond3A : i32
    scf.if %cond3A_197 {
      %mul3A_214 = arith.constant 100000 : i32
      %mul3A_215 = arith.muli %arg1, %mul3A_214 : i32
      %add3A_216 = arith.constant 0 : i32
      %add3A_217 = arith.addi %mul3A_215, %add3A_216 : i32
      %dma_start3A_218 = tpu.memref_slice %arg4[%add3A_217] : memref<3200000xi32, #tpu.memory_space<hbm>> -> memref<800xi32, #tpu.memory_space<hbm>>
      %dma_start3A_219 = tpu.memref_slice %arg4[%add3A_217] : memref<3200000xi32, #tpu.memory_space<hbm>> -> memref<800xi32, #tpu.memory_space<hbm>>
      tpu.enqueue_dma source(%dma_start3A_219 : memref<800xi32, #tpu.memory_space<hbm>>) target(%arg8 : memref<800xi32, #tpu.memory_space<vmem>>) target_semaphore(%arg15 : memref<!tpu.dma_semaphore, #tpu.memory_space<semaphore_mem>>)
      %add3A_220 = arith.constant 1600000 : i32
      %add3A_221 = arith.addi %add3A_220, %add3A_217 : i32
      %dma_start3A_222 = tpu.memref_slice %arg5[%add3A_221] : memref<3200000xi32, #tpu.memory_space<hbm>> -> memref<800xi32, #tpu.memory_space<hbm>>
      %dma_start3A_223 = tpu.memref_slice %arg5[%add3A_221] : memref<3200000xi32, #tpu.memory_space<hbm>> -> memref<800xi32, #tpu.memory_space<hbm>>
      tpu.enqueue_dma source(%dma_start3A_223 : memref<800xi32, #tpu.memory_space<hbm>>) target(%arg10 : memref<800xi32, #tpu.memory_space<vmem>>) target_semaphore(%arg15 : memref<!tpu.dma_semaphore, #tpu.memory_space<semaphore_mem>>)
      %dma_wait3A_224 = arith.constant 0 : i32
      %dma_wait3A_225 = tpu.memref_slice %arg4[%dma_wait3A_224] : memref<3200000xi32, #tpu.memory_space<hbm>> -> memref<800xi32, #tpu.memory_space<hbm>>
      %dma_wait3A_226 = arith.constant 0 : i32
      %dma_wait3A_227 = tpu.memref_slice %arg4[%dma_wait3A_226] : memref<3200000xi32, #tpu.memory_space<hbm>> -> memref<800xi32, #tpu.memory_space<hbm>>
      tpu.wait_dma2 semaphore(%arg15 : memref<!tpu.dma_semaphore, #tpu.memory_space<semaphore_mem>>) src(%dma_wait3A_227 : memref<800xi32, #tpu.memory_space<hbm>>) dst(%arg8 : memref<800xi32, #tpu.memory_space<vmem>>)
      %dma_wait3A_228 = arith.constant 0 : i32
      %dma_wait3A_229 = tpu.memref_slice %arg5[%dma_wait3A_228] : memref<3200000xi32, #tpu.memory_space<hbm>> -> memref<800xi32, #tpu.memory_space<hbm>>
      %dma_wait3A_230 = arith.constant 0 : i32
      %dma_wait3A_231 = tpu.memref_slice %arg5[%dma_wait3A_230] : memref<3200000xi32, #tpu.memory_space<hbm>> -> memref<800xi32, #tpu.memory_space<hbm>>
      tpu.wait_dma2 semaphore(%arg15 : memref<!tpu.dma_semaphore, #tpu.memory_space<semaphore_mem>>) src(%dma_wait3A_231 : memref<800xi32, #tpu.memory_space<hbm>>) dst(%arg10 : memref<800xi32, #tpu.memory_space<vmem>>)
      %dma_start3A_232 = arith.constant 0 : i32
      %dma_start3A_233 = arith.constant 0 : i32
      %dma_start3A_234 = tpu.memref_slice %arg2[%dma_start3A_232, %dma_start3A_233] : memref<100096x16xf32, #tpu.memory_space<hbm>> -> memref<100096x16xf32, #tpu.memory_space<hbm>>
      tpu.enqueue_indirect_dma source(%dma_start3A_234 : memref<100096x16xf32, #tpu.memory_space<hbm>>) target(%arg12 : memref<800x16xf32, #tpu.memory_space<vmem>>) offsets(%arg8 : memref<800xi32, #tpu.memory_space<vmem>>) semaphore(%arg17 : memref<!tpu.dma_semaphore, #tpu.memory_space<semaphore_mem>>)
      %dma_wait3A_235 = arith.constant 0 : i32
      %dma_wait3A_236 = arith.constant 0 : i32
      %dma_wait3A_237 = tpu.memref_slice %arg2[%dma_wait3A_235, %dma_wait3A_236] : memref<100096x16xf32, #tpu.memory_space<hbm>> -> memref<100096x16xf32, #tpu.memory_space<hbm>>
      tpu.wait_indirect_dma semaphore(%arg17 : memref<!tpu.dma_semaphore, #tpu.memory_space<semaphore_mem>>) src(%dma_wait3A_237 : memref<100096x16xf32, #tpu.memory_space<hbm>>) dst(%arg12 : memref<800x16xf32, #tpu.memory_space<vmem>>)
      %dma_start3A_238 = arith.constant 0 : i32
      %dma_start3A_239 = arith.constant 0 : i32
      %dma_start3A_240 = tpu.memref_slice %arg14[%dma_start3A_238, %dma_start3A_239] : memref<100096x16xf32, #tpu.memory_space<vmem_shared>> -> memref<100096x16xf32, #tpu.memory_space<vmem_shared>>
      tpu.enqueue_indirect_dma source(%arg12 : memref<800x16xf32, #tpu.memory_space<vmem>>) target(%dma_start3A_240 : memref<100096x16xf32, #tpu.memory_space<vmem_shared>>) offsets(%arg10 : memref<800xi32, #tpu.memory_space<vmem>>) semaphore(%arg19 : memref<!tpu.dma_semaphore, #tpu.memory_space<semaphore_mem>>) {add = true}
      %mul3A_241 = arith.constant 100000 : i32
      %mul3A_242 = arith.muli %arg1, %mul3A_241 : i32
      %add3A_243 = arith.constant 800 : i32
      %add3A_244 = arith.addi %mul3A_242, %add3A_243 : i32
      %dma_start3A_245 = tpu.memref_slice %arg4[%add3A_244] : memref<3200000xi32, #tpu.memory_space<hbm>> -> memref<800xi32, #tpu.memory_space<hbm>>
      %dma_start3A_246 = tpu.memref_slice %arg4[%add3A_244] : memref<3200000xi32, #tpu.memory_space<hbm>> -> memref<800xi32, #tpu.memory_space<hbm>>
      tpu.enqueue_dma source(%dma_start3A_246 : memref<800xi32, #tpu.memory_space<hbm>>) target(%arg9 : memref<800xi32, #tpu.memory_space<vmem>>) target_semaphore(%arg16 : memref<!tpu.dma_semaphore, #tpu.memory_space<semaphore_mem>>)
      %add3A_247 = arith.constant 1600000 : i32
      %add3A_248 = arith.addi %add3A_247, %add3A_244 : i32
      %dma_start3A_249 = tpu.memref_slice %arg5[%add3A_248] : memref<3200000xi32, #tpu.memory_space<hbm>> -> memref<800xi32, #tpu.memory_space<hbm>>
      %dma_start3A_250 = tpu.memref_slice %arg5[%add3A_248] : memref<3200000xi32, #tpu.memory_space<hbm>> -> memref<800xi32, #tpu.memory_space<hbm>>
      tpu.enqueue_dma source(%dma_start3A_250 : memref<800xi32, #tpu.memory_space<hbm>>) target(%arg11 : memref<800xi32, #tpu.memory_space<vmem>>) target_semaphore(%arg16 : memref<!tpu.dma_semaphore, #tpu.memory_space<semaphore_mem>>)
      %dma_wait3A_251 = arith.constant 0 : i32
      %dma_wait3A_252 = tpu.memref_slice %arg4[%dma_wait3A_251] : memref<3200000xi32, #tpu.memory_space<hbm>> -> memref<800xi32, #tpu.memory_space<hbm>>
      %dma_wait3A_253 = arith.constant 0 : i32
      %dma_wait3A_254 = tpu.memref_slice %arg4[%dma_wait3A_253] : memref<3200000xi32, #tpu.memory_space<hbm>> -> memref<800xi32, #tpu.memory_space<hbm>>
      tpu.wait_dma2 semaphore(%arg16 : memref<!tpu.dma_semaphore, #tpu.memory_space<semaphore_mem>>) src(%dma_wait3A_254 : memref<800xi32, #tpu.memory_space<hbm>>) dst(%arg9 : memref<800xi32, #tpu.memory_space<vmem>>)
      %dma_wait3A_255 = arith.constant 0 : i32
      %dma_wait3A_256 = tpu.memref_slice %arg5[%dma_wait3A_255] : memref<3200000xi32, #tpu.memory_space<hbm>> -> memref<800xi32, #tpu.memory_space<hbm>>
      %dma_wait3A_257 = arith.constant 0 : i32
      %dma_wait3A_258 = tpu.memref_slice %arg5[%dma_wait3A_257] : memref<3200000xi32, #tpu.memory_space<hbm>> -> memref<800xi32, #tpu.memory_space<hbm>>
      tpu.wait_dma2 semaphore(%arg16 : memref<!tpu.dma_semaphore, #tpu.memory_space<semaphore_mem>>) src(%dma_wait3A_258 : memref<800xi32, #tpu.memory_space<hbm>>) dst(%arg11 : memref<800xi32, #tpu.memory_space<vmem>>)
      %dma_start3A_259 = arith.constant 0 : i32
      %dma_start3A_260 = arith.constant 0 : i32
      %dma_start3A_261 = tpu.memref_slice %arg2[%dma_start3A_259, %dma_start3A_260] : memref<100096x16xf32, #tpu.memory_space<hbm>> -> memref<100096x16xf32, #tpu.memory_space<hbm>>
      tpu.enqueue_indirect_dma source(%dma_start3A_261 : memref<100096x16xf32, #tpu.memory_space<hbm>>) target(%arg13 : memref<800x16xf32, #tpu.memory_space<vmem>>) offsets(%arg9 : memref<800xi32, #tpu.memory_space<vmem>>) semaphore(%arg18 : memref<!tpu.dma_semaphore, #tpu.memory_space<semaphore_mem>>)
      %dma_wait3A_262 = arith.constant 0 : i32
      %dma_wait3A_263 = arith.constant 0 : i32
      %dma_wait3A_264 = tpu.memref_slice %arg2[%dma_wait3A_262, %dma_wait3A_263] : memref<100096x16xf32, #tpu.memory_space<hbm>> -> memref<100096x16xf32, #tpu.memory_space<hbm>>
      tpu.wait_indirect_dma semaphore(%arg18 : memref<!tpu.dma_semaphore, #tpu.memory_space<semaphore_mem>>) src(%dma_wait3A_264 : memref<100096x16xf32, #tpu.memory_space<hbm>>) dst(%arg13 : memref<800x16xf32, #tpu.memory_space<vmem>>)
      %dma_start3A_265 = arith.constant 0 : i32
      %dma_start3A_266 = arith.constant 0 : i32
      %dma_start3A_267 = tpu.memref_slice %arg14[%dma_start3A_265, %dma_start3A_266] : memref<100096x16xf32, #tpu.memory_space<vmem_shared>> -> memref<100096x16xf32, #tpu.memory_space<vmem_shared>>
      tpu.enqueue_indirect_dma source(%arg13 : memref<800x16xf32, #tpu.memory_space<vmem>>) target(%dma_start3A_267 : memref<100096x16xf32, #tpu.memory_space<vmem_shared>>) offsets(%arg11 : memref<800xi32, #tpu.memory_space<vmem>>) semaphore(%arg20 : memref<!tpu.dma_semaphore, #tpu.memory_space<semaphore_mem>>) {add = true}
      %scan3A_268 = arith.constant 0 : i32
      %scan3A_269 = arith.constant 1 : i32
      %scan3A_270 = arith.constant 61 : i32
      %scan3A_271 = arith.addi %scan3A_269, %scan3A_270 : i32
      %scan3A_272 = arith.constant 1 : i32
      scf.for %scan3A_310 = %scan3A_269 to %scan3A_271 step %scan3A_272  : i32 {
        %mul3A_311 = arith.constant 2 : i32
        %mul3A_312 = arith.muli %mul3A_311, %scan3A_310 : i32
        %mul3A_313 = arith.constant 100000 : i32
        %mul3A_314 = arith.muli %arg1, %mul3A_313 : i32
        %mul3A_315 = arith.constant 800 : i32
        %mul3A_316 = arith.muli %mul3A_312, %mul3A_315 : i32
        %add3A_317 = arith.addi %mul3A_314, %mul3A_316 : i32
        %dma_wait3A_318 = arith.constant 0 : i32
        %dma_wait3A_319 = arith.constant 0 : i32
        %dma_wait3A_320 = tpu.memref_slice %arg14[%dma_wait3A_318, %dma_wait3A_319] : memref<100096x16xf32, #tpu.memory_space<vmem_shared>> -> memref<100096x16xf32, #tpu.memory_space<vmem_shared>>
        tpu.wait_indirect_dma semaphore(%arg19 : memref<!tpu.dma_semaphore, #tpu.memory_space<semaphore_mem>>) src(%arg12 : memref<800x16xf32, #tpu.memory_space<vmem>>) dst(%dma_wait3A_320 : memref<100096x16xf32, #tpu.memory_space<vmem_shared>>)
        %dma_start3A_321 = tpu.memref_slice %arg4[%add3A_317] : memref<3200000xi32, #tpu.memory_space<hbm>> -> memref<800xi32, #tpu.memory_space<hbm>>
        %dma_start3A_322 = tpu.memref_slice %arg4[%add3A_317] : memref<3200000xi32, #tpu.memory_space<hbm>> -> memref<800xi32, #tpu.memory_space<hbm>>
        tpu.enqueue_dma source(%dma_start3A_322 : memref<800xi32, #tpu.memory_space<hbm>>) target(%arg8 : memref<800xi32, #tpu.memory_space<vmem>>) target_semaphore(%arg15 : memref<!tpu.dma_semaphore, #tpu.memory_space<semaphore_mem>>)
        %add3A_323 = arith.constant 1600000 : i32
        %add3A_324 = arith.addi %add3A_323, %add3A_317 : i32
        %dma_start3A_325 = tpu.memref_slice %arg5[%add3A_324] : memref<3200000xi32, #tpu.memory_space<hbm>> -> memref<800xi32, #tpu.memory_space<hbm>>
        %dma_start3A_326 = tpu.memref_slice %arg5[%add3A_324] : memref<3200000xi32, #tpu.memory_space<hbm>> -> memref<800xi32, #tpu.memory_space<hbm>>
        tpu.enqueue_dma source(%dma_start3A_326 : memref<800xi32, #tpu.memory_space<hbm>>) target(%arg10 : memref<800xi32, #tpu.memory_space<vmem>>) target_semaphore(%arg15 : memref<!tpu.dma_semaphore, #tpu.memory_space<semaphore_mem>>)
        %dma_wait3A_327 = arith.constant 0 : i32
        %dma_wait3A_328 = tpu.memref_slice %arg4[%dma_wait3A_327] : memref<3200000xi32, #tpu.memory_space<hbm>> -> memref<800xi32, #tpu.memory_space<hbm>>
        %dma_wait3A_329 = arith.constant 0 : i32
        %dma_wait3A_330 = tpu.memref_slice %arg4[%dma_wait3A_329] : memref<3200000xi32, #tpu.memory_space<hbm>> -> memref<800xi32, #tpu.memory_space<hbm>>
        tpu.wait_dma2 semaphore(%arg15 : memref<!tpu.dma_semaphore, #tpu.memory_space<semaphore_mem>>) src(%dma_wait3A_330 : memref<800xi32, #tpu.memory_space<hbm>>) dst(%arg8 : memref<800xi32, #tpu.memory_space<vmem>>)
        %dma_wait3A_331 = arith.constant 0 : i32
        %dma_wait3A_332 = tpu.memref_slice %arg5[%dma_wait3A_331] : memref<3200000xi32, #tpu.memory_space<hbm>> -> memref<800xi32, #tpu.memory_space<hbm>>
        %dma_wait3A_333 = arith.constant 0 : i32
        %dma_wait3A_334 = tpu.memref_slice %arg5[%dma_wait3A_333] : memref<3200000xi32, #tpu.memory_space<hbm>> -> memref<800xi32, #tpu.memory_space<hbm>>
        tpu.wait_dma2 semaphore(%arg15 : memref<!tpu.dma_semaphore, #tpu.memory_space<semaphore_mem>>) src(%dma_wait3A_334 : memref<800xi32, #tpu.memory_space<hbm>>) dst(%arg10 : memref<800xi32, #tpu.memory_space<vmem>>)
        %dma_start3A_335 = arith.constant 0 : i32
        %dma_start3A_336 = arith.constant 0 : i32
        %dma_start3A_337 = tpu.memref_slice %arg2[%dma_start3A_335, %dma_start3A_336] : memref<100096x16xf32, #tpu.memory_space<hbm>> -> memref<100096x16xf32, #tpu.memory_space<hbm>>
        tpu.enqueue_indirect_dma source(%dma_start3A_337 : memref<100096x16xf32, #tpu.memory_space<hbm>>) target(%arg12 : memref<800x16xf32, #tpu.memory_space<vmem>>) offsets(%arg8 : memref<800xi32, #tpu.memory_space<vmem>>) semaphore(%arg17 : memref<!tpu.dma_semaphore, #tpu.memory_space<semaphore_mem>>)
        %dma_wait3A_338 = arith.constant 0 : i32
        %dma_wait3A_339 = arith.constant 0 : i32
        %dma_wait3A_340 = tpu.memref_slice %arg2[%dma_wait3A_338, %dma_wait3A_339] : memref<100096x16xf32, #tpu.memory_space<hbm>> -> memref<100096x16xf32, #tpu.memory_space<hbm>>
        tpu.wait_indirect_dma semaphore(%arg17 : memref<!tpu.dma_semaphore, #tpu.memory_space<semaphore_mem>>) src(%dma_wait3A_340 : memref<100096x16xf32, #tpu.memory_space<hbm>>) dst(%arg12 : memref<800x16xf32, #tpu.memory_space<vmem>>)
        %dma_start3A_341 = arith.constant 0 : i32
        %dma_start3A_342 = arith.constant 0 : i32
        %dma_start3A_343 = tpu.memref_slice %arg14[%dma_start3A_341, %dma_start3A_342] : memref<100096x16xf32, #tpu.memory_space<vmem_shared>> -> memref<100096x16xf32, #tpu.memory_space<vmem_shared>>
        tpu.enqueue_indirect_dma source(%arg12 : memref<800x16xf32, #tpu.memory_space<vmem>>) target(%dma_start3A_343 : memref<100096x16xf32, #tpu.memory_space<vmem_shared>>) offsets(%arg10 : memref<800xi32, #tpu.memory_space<vmem>>) semaphore(%arg19 : memref<!tpu.dma_semaphore, #tpu.memory_space<semaphore_mem>>) {add = true}
        %mul3A_344 = arith.constant 2 : i32
        %mul3A_345 = arith.muli %mul3A_344, %scan3A_310 : i32
        %add3A_346 = arith.constant 1 : i32
        %add3A_347 = arith.addi %mul3A_345, %add3A_346 : i32
        %mul3A_348 = arith.constant 100000 : i32
        %mul3A_349 = arith.muli %arg1, %mul3A_348 : i32
        %mul3A_350 = arith.constant 800 : i32
        %mul3A_351 = arith.muli %add3A_347, %mul3A_350 : i32
        %add3A_352 = arith.addi %mul3A_349, %mul3A_351 : i32
        %dma_wait3A_353 = arith.constant 0 : i32
        %dma_wait3A_354 = arith.constant 0 : i32
        %dma_wait3A_355 = tpu.memref_slice %arg14[%dma_wait3A_353, %dma_wait3A_354] : memref<100096x16xf32, #tpu.memory_space<vmem_shared>> -> memref<100096x16xf32, #tpu.memory_space<vmem_shared>>
        tpu.wait_indirect_dma semaphore(%arg20 : memref<!tpu.dma_semaphore, #tpu.memory_space<semaphore_mem>>) src(%arg13 : memref<800x16xf32, #tpu.memory_space<vmem>>) dst(%dma_wait3A_355 : memref<100096x16xf32, #tpu.memory_space<vmem_shared>>)
        %dma_start3A_356 = tpu.memref_slice %arg4[%add3A_352] : memref<3200000xi32, #tpu.memory_space<hbm>> -> memref<800xi32, #tpu.memory_space<hbm>>
        %dma_start3A_357 = tpu.memref_slice %arg4[%add3A_352] : memref<3200000xi32, #tpu.memory_space<hbm>> -> memref<800xi32, #tpu.memory_space<hbm>>
        tpu.enqueue_dma source(%dma_start3A_357 : memref<800xi32, #tpu.memory_space<hbm>>) target(%arg9 : memref<800xi32, #tpu.memory_space<vmem>>) target_semaphore(%arg16 : memref<!tpu.dma_semaphore, #tpu.memory_space<semaphore_mem>>)
        %add3A_358 = arith.constant 1600000 : i32
        %add3A_359 = arith.addi %add3A_358, %add3A_352 : i32
        %dma_start3A_360 = tpu.memref_slice %arg5[%add3A_359] : memref<3200000xi32, #tpu.memory_space<hbm>> -> memref<800xi32, #tpu.memory_space<hbm>>
        %dma_start3A_361 = tpu.memref_slice %arg5[%add3A_359] : memref<3200000xi32, #tpu.memory_space<hbm>> -> memref<800xi32, #tpu.memory_space<hbm>>
        tpu.enqueue_dma source(%dma_start3A_361 : memref<800xi32, #tpu.memory_space<hbm>>) target(%arg11 : memref<800xi32, #tpu.memory_space<vmem>>) target_semaphore(%arg16 : memref<!tpu.dma_semaphore, #tpu.memory_space<semaphore_mem>>)
        %dma_wait3A_362 = arith.constant 0 : i32
        %dma_wait3A_363 = tpu.memref_slice %arg4[%dma_wait3A_362] : memref<3200000xi32, #tpu.memory_space<hbm>> -> memref<800xi32, #tpu.memory_space<hbm>>
        %dma_wait3A_364 = arith.constant 0 : i32
        %dma_wait3A_365 = tpu.memref_slice %arg4[%dma_wait3A_364] : memref<3200000xi32, #tpu.memory_space<hbm>> -> memref<800xi32, #tpu.memory_space<hbm>>
        tpu.wait_dma2 semaphore(%arg16 : memref<!tpu.dma_semaphore, #tpu.memory_space<semaphore_mem>>) src(%dma_wait3A_365 : memref<800xi32, #tpu.memory_space<hbm>>) dst(%arg9 : memref<800xi32, #tpu.memory_space<vmem>>)
        %dma_wait3A_366 = arith.constant 0 : i32
        %dma_wait3A_367 = tpu.memref_slice %arg5[%dma_wait3A_366] : memref<3200000xi32, #tpu.memory_space<hbm>> -> memref<800xi32, #tpu.memory_space<hbm>>
        %dma_wait3A_368 = arith.constant 0 : i32
        %dma_wait3A_369 = tpu.memref_slice %arg5[%dma_wait3A_368] : memref<3200000xi32, #tpu.memory_space<hbm>> -> memref<800xi32, #tpu.memory_space<hbm>>
        tpu.wait_dma2 semaphore(%arg16 : memref<!tpu.dma_semaphore, #tpu.memory_space<semaphore_mem>>) src(%dma_wait3A_369 : memref<800xi32, #tpu.memory_space<hbm>>) dst(%arg11 : memref<800xi32, #tpu.memory_space<vmem>>)
        %dma_start3A_370 = arith.constant 0 : i32
        %dma_start3A_371 = arith.constant 0 : i32
        %dma_start3A_372 = tpu.memref_slice %arg2[%dma_start3A_370, %dma_start3A_371] : memref<100096x16xf32, #tpu.memory_space<hbm>> -> memref<100096x16xf32, #tpu.memory_space<hbm>>
        tpu.enqueue_indirect_dma source(%dma_start3A_372 : memref<100096x16xf32, #tpu.memory_space<hbm>>) target(%arg13 : memref<800x16xf32, #tpu.memory_space<vmem>>) offsets(%arg9 : memref<800xi32, #tpu.memory_space<vmem>>) semaphore(%arg18 : memref<!tpu.dma_semaphore, #tpu.memory_space<semaphore_mem>>)
        %dma_wait3A_373 = arith.constant 0 : i32
        %dma_wait3A_374 = arith.constant 0 : i32
        %dma_wait3A_375 = tpu.memref_slice %arg2[%dma_wait3A_373, %dma_wait3A_374] : memref<100096x16xf32, #tpu.memory_space<hbm>> -> memref<100096x16xf32, #tpu.memory_space<hbm>>
        tpu.wait_indirect_dma semaphore(%arg18 : memref<!tpu.dma_semaphore, #tpu.memory_space<semaphore_mem>>) src(%dma_wait3A_375 : memref<100096x16xf32, #tpu.memory_space<hbm>>) dst(%arg13 : memref<800x16xf32, #tpu.memory_space<vmem>>)
        %dma_start3A_376 = arith.constant 0 : i32
        %dma_start3A_377 = arith.constant 0 : i32
        %dma_start3A_378 = tpu.memref_slice %arg14[%dma_start3A_376, %dma_start3A_377] : memref<100096x16xf32, #tpu.memory_space<vmem_shared>> -> memref<100096x16xf32, #tpu.memory_space<vmem_shared>>
        tpu.enqueue_indirect_dma source(%arg13 : memref<800x16xf32, #tpu.memory_space<vmem>>) target(%dma_start3A_378 : memref<100096x16xf32, #tpu.memory_space<vmem_shared>>) offsets(%arg11 : memref<800xi32, #tpu.memory_space<vmem>>) semaphore(%arg20 : memref<!tpu.dma_semaphore, #tpu.memory_space<semaphore_mem>>) {add = true}
      }
      %scan3A_273 = arith.constant 61 : i32
      %mul3A_274 = arith.constant 100000 : i32
      %mul3A_275 = arith.muli %arg1, %mul3A_274 : i32
      %add3A_276 = arith.constant 99200 : i32
      %add3A_277 = arith.addi %mul3A_275, %add3A_276 : i32
      %dma_wait3A_278 = arith.constant 0 : i32
      %dma_wait3A_279 = arith.constant 0 : i32
      %dma_wait3A_280 = tpu.memref_slice %arg14[%dma_wait3A_278, %dma_wait3A_279] : memref<100096x16xf32, #tpu.memory_space<vmem_shared>> -> memref<100096x16xf32, #tpu.memory_space<vmem_shared>>
      tpu.wait_indirect_dma semaphore(%arg19 : memref<!tpu.dma_semaphore, #tpu.memory_space<semaphore_mem>>) src(%arg12 : memref<800x16xf32, #tpu.memory_space<vmem>>) dst(%dma_wait3A_280 : memref<100096x16xf32, #tpu.memory_space<vmem_shared>>)
      %dma_start3A_281 = tpu.memref_slice %arg4[%add3A_277] : memref<3200000xi32, #tpu.memory_space<hbm>> -> memref<800xi32, #tpu.memory_space<hbm>>
      %dma_start3A_282 = tpu.memref_slice %arg4[%add3A_277] : memref<3200000xi32, #tpu.memory_space<hbm>> -> memref<800xi32, #tpu.memory_space<hbm>>
      tpu.enqueue_dma source(%dma_start3A_282 : memref<800xi32, #tpu.memory_space<hbm>>) target(%arg8 : memref<800xi32, #tpu.memory_space<vmem>>) target_semaphore(%arg15 : memref<!tpu.dma_semaphore, #tpu.memory_space<semaphore_mem>>)
      %add3A_283 = arith.constant 1600000 : i32
      %add3A_284 = arith.addi %add3A_283, %add3A_277 : i32
      %dma_start3A_285 = tpu.memref_slice %arg5[%add3A_284] : memref<3200000xi32, #tpu.memory_space<hbm>> -> memref<800xi32, #tpu.memory_space<hbm>>
      %dma_start3A_286 = tpu.memref_slice %arg5[%add3A_284] : memref<3200000xi32, #tpu.memory_space<hbm>> -> memref<800xi32, #tpu.memory_space<hbm>>
      tpu.enqueue_dma source(%dma_start3A_286 : memref<800xi32, #tpu.memory_space<hbm>>) target(%arg10 : memref<800xi32, #tpu.memory_space<vmem>>) target_semaphore(%arg15 : memref<!tpu.dma_semaphore, #tpu.memory_space<semaphore_mem>>)
      %dma_wait3A_287 = arith.constant 0 : i32
      %dma_wait3A_288 = tpu.memref_slice %arg4[%dma_wait3A_287] : memref<3200000xi32, #tpu.memory_space<hbm>> -> memref<800xi32, #tpu.memory_space<hbm>>
      %dma_wait3A_289 = arith.constant 0 : i32
      %dma_wait3A_290 = tpu.memref_slice %arg4[%dma_wait3A_289] : memref<3200000xi32, #tpu.memory_space<hbm>> -> memref<800xi32, #tpu.memory_space<hbm>>
      tpu.wait_dma2 semaphore(%arg15 : memref<!tpu.dma_semaphore, #tpu.memory_space<semaphore_mem>>) src(%dma_wait3A_290 : memref<800xi32, #tpu.memory_space<hbm>>) dst(%arg8 : memref<800xi32, #tpu.memory_space<vmem>>)
      %dma_wait3A_291 = arith.constant 0 : i32
      %dma_wait3A_292 = tpu.memref_slice %arg5[%dma_wait3A_291] : memref<3200000xi32, #tpu.memory_space<hbm>> -> memref<800xi32, #tpu.memory_space<hbm>>
      %dma_wait3A_293 = arith.constant 0 : i32
      %dma_wait3A_294 = tpu.memref_slice %arg5[%dma_wait3A_293] : memref<3200000xi32, #tpu.memory_space<hbm>> -> memref<800xi32, #tpu.memory_space<hbm>>
      tpu.wait_dma2 semaphore(%arg15 : memref<!tpu.dma_semaphore, #tpu.memory_space<semaphore_mem>>) src(%dma_wait3A_294 : memref<800xi32, #tpu.memory_space<hbm>>) dst(%arg10 : memref<800xi32, #tpu.memory_space<vmem>>)
      %dma_start3A_295 = arith.constant 0 : i32
      %dma_start3A_296 = arith.constant 0 : i32
      %dma_start3A_297 = tpu.memref_slice %arg2[%dma_start3A_295, %dma_start3A_296] : memref<100096x16xf32, #tpu.memory_space<hbm>> -> memref<100096x16xf32, #tpu.memory_space<hbm>>
      tpu.enqueue_indirect_dma source(%dma_start3A_297 : memref<100096x16xf32, #tpu.memory_space<hbm>>) target(%arg12 : memref<800x16xf32, #tpu.memory_space<vmem>>) offsets(%arg8 : memref<800xi32, #tpu.memory_space<vmem>>) semaphore(%arg17 : memref<!tpu.dma_semaphore, #tpu.memory_space<semaphore_mem>>)
      %dma_wait3A_298 = arith.constant 0 : i32
      %dma_wait3A_299 = arith.constant 0 : i32
      %dma_wait3A_300 = tpu.memref_slice %arg2[%dma_wait3A_298, %dma_wait3A_299] : memref<100096x16xf32, #tpu.memory_space<hbm>> -> memref<100096x16xf32, #tpu.memory_space<hbm>>
      tpu.wait_indirect_dma semaphore(%arg17 : memref<!tpu.dma_semaphore, #tpu.memory_space<semaphore_mem>>) src(%dma_wait3A_300 : memref<100096x16xf32, #tpu.memory_space<hbm>>) dst(%arg12 : memref<800x16xf32, #tpu.memory_space<vmem>>)
      %dma_start3A_301 = arith.constant 0 : i32
      %dma_start3A_302 = arith.constant 0 : i32
      %dma_start3A_303 = tpu.memref_slice %arg14[%dma_start3A_301, %dma_start3A_302] : memref<100096x16xf32, #tpu.memory_space<vmem_shared>> -> memref<100096x16xf32, #tpu.memory_space<vmem_shared>>
      tpu.enqueue_indirect_dma source(%arg12 : memref<800x16xf32, #tpu.memory_space<vmem>>) target(%dma_start3A_303 : memref<100096x16xf32, #tpu.memory_space<vmem_shared>>) offsets(%arg10 : memref<800xi32, #tpu.memory_space<vmem>>) semaphore(%arg19 : memref<!tpu.dma_semaphore, #tpu.memory_space<semaphore_mem>>) {add = true}
      %dma_wait3A_304 = arith.constant 0 : i32
      %dma_wait3A_305 = arith.constant 0 : i32
      %dma_wait3A_306 = tpu.memref_slice %arg14[%dma_wait3A_304, %dma_wait3A_305] : memref<100096x16xf32, #tpu.memory_space<vmem_shared>> -> memref<100096x16xf32, #tpu.memory_space<vmem_shared>>
      tpu.wait_indirect_dma semaphore(%arg20 : memref<!tpu.dma_semaphore, #tpu.memory_space<semaphore_mem>>) src(%arg13 : memref<800x16xf32, #tpu.memory_space<vmem>>) dst(%dma_wait3A_306 : memref<100096x16xf32, #tpu.memory_space<vmem_shared>>)
      %dma_wait3A_307 = arith.constant 0 : i32
      %dma_wait3A_308 = arith.constant 0 : i32
      %dma_wait3A_309 = tpu.memref_slice %arg14[%dma_wait3A_307, %dma_wait3A_308] : memref<100096x16xf32, #tpu.memory_space<vmem_shared>> -> memref<100096x16xf32, #tpu.memory_space<vmem_shared>>
      tpu.wait_indirect_dma semaphore(%arg19 : memref<!tpu.dma_semaphore, #tpu.memory_space<semaphore_mem>>) src(%arg12 : memref<800x16xf32, #tpu.memory_space<vmem>>) dst(%dma_wait3A_309 : memref<100096x16xf32, #tpu.memory_space<vmem_shared>>)
    } else {
    }
    %eq3A_198 = arith.constant 1 : i32
    %eq3A_199 = arith.cmpi eq, %arg0, %eq3A_198 : i32
    %convert_element_type3A_200 = arith.extui %eq3A_199 : i1 to i32
    %cond3A_201 = arith.constant 0 : i32
    %cond3A_202 = arith.cmpi ne, %convert_element_type3A_200, %cond3A_201 : i32
    scf.if %cond3A_202 {
      %mul3A_214 = arith.constant 100000 : i32
      %mul3A_215 = arith.muli %arg1, %mul3A_214 : i32
      %add3A_216 = arith.constant 0 : i32
      %add3A_217 = arith.addi %mul3A_215, %add3A_216 : i32
      %dma_start3A_218 = tpu.memref_slice %arg4[%add3A_217] : memref<3200000xi32, #tpu.memory_space<hbm>> -> memref<800xi32, #tpu.memory_space<hbm>>
      %dma_start3A_219 = tpu.memref_slice %arg4[%add3A_217] : memref<3200000xi32, #tpu.memory_space<hbm>> -> memref<800xi32, #tpu.memory_space<hbm>>
      tpu.enqueue_dma source(%dma_start3A_219 : memref<800xi32, #tpu.memory_space<hbm>>) target(%arg8 : memref<800xi32, #tpu.memory_space<vmem>>) target_semaphore(%arg15 : memref<!tpu.dma_semaphore, #tpu.memory_space<semaphore_mem>>)
      %add3A_220 = arith.constant 1600000 : i32
      %add3A_221 = arith.addi %add3A_220, %add3A_217 : i32
      %dma_start3A_222 = tpu.memref_slice %arg5[%add3A_221] : memref<3200000xi32, #tpu.memory_space<hbm>> -> memref<800xi32, #tpu.memory_space<hbm>>
      %dma_start3A_223 = tpu.memref_slice %arg5[%add3A_221] : memref<3200000xi32, #tpu.memory_space<hbm>> -> memref<800xi32, #tpu.memory_space<hbm>>
      tpu.enqueue_dma source(%dma_start3A_223 : memref<800xi32, #tpu.memory_space<hbm>>) target(%arg10 : memref<800xi32, #tpu.memory_space<vmem>>) target_semaphore(%arg15 : memref<!tpu.dma_semaphore, #tpu.memory_space<semaphore_mem>>)
      %dma_wait3A_224 = arith.constant 0 : i32
      %dma_wait3A_225 = tpu.memref_slice %arg4[%dma_wait3A_224] : memref<3200000xi32, #tpu.memory_space<hbm>> -> memref<800xi32, #tpu.memory_space<hbm>>
      %dma_wait3A_226 = arith.constant 0 : i32
      %dma_wait3A_227 = tpu.memref_slice %arg4[%dma_wait3A_226] : memref<3200000xi32, #tpu.memory_space<hbm>> -> memref<800xi32, #tpu.memory_space<hbm>>
      tpu.wait_dma2 semaphore(%arg15 : memref<!tpu.dma_semaphore, #tpu.memory_space<semaphore_mem>>) src(%dma_wait3A_227 : memref<800xi32, #tpu.memory_space<hbm>>) dst(%arg8 : memref<800xi32, #tpu.memory_space<vmem>>)
      %dma_wait3A_228 = arith.constant 0 : i32
      %dma_wait3A_229 = tpu.memref_slice %arg5[%dma_wait3A_228] : memref<3200000xi32, #tpu.memory_space<hbm>> -> memref<800xi32, #tpu.memory_space<hbm>>
      %dma_wait3A_230 = arith.constant 0 : i32
      %dma_wait3A_231 = tpu.memref_slice %arg5[%dma_wait3A_230] : memref<3200000xi32, #tpu.memory_space<hbm>> -> memref<800xi32, #tpu.memory_space<hbm>>
      tpu.wait_dma2 semaphore(%arg15 : memref<!tpu.dma_semaphore, #tpu.memory_space<semaphore_mem>>) src(%dma_wait3A_231 : memref<800xi32, #tpu.memory_space<hbm>>) dst(%arg10 : memref<800xi32, #tpu.memory_space<vmem>>)
      %dma_start3A_232 = arith.constant 0 : i32
      %dma_start3A_233 = arith.constant 0 : i32
      %dma_start3A_234 = tpu.memref_slice %arg3[%dma_start3A_232, %dma_start3A_233] : memref<100096x16xf32, #tpu.memory_space<hbm>> -> memref<100096x16xf32, #tpu.memory_space<hbm>>
      tpu.enqueue_indirect_dma source(%dma_start3A_234 : memref<100096x16xf32, #tpu.memory_space<hbm>>) target(%arg12 : memref<800x16xf32, #tpu.memory_space<vmem>>) offsets(%arg8 : memref<800xi32, #tpu.memory_space<vmem>>) semaphore(%arg17 : memref<!tpu.dma_semaphore, #tpu.memory_space<semaphore_mem>>)
      %dma_wait3A_235 = arith.constant 0 : i32
      %dma_wait3A_236 = arith.constant 0 : i32
      %dma_wait3A_237 = tpu.memref_slice %arg3[%dma_wait3A_235, %dma_wait3A_236] : memref<100096x16xf32, #tpu.memory_space<hbm>> -> memref<100096x16xf32, #tpu.memory_space<hbm>>
      tpu.wait_indirect_dma semaphore(%arg17 : memref<!tpu.dma_semaphore, #tpu.memory_space<semaphore_mem>>) src(%dma_wait3A_237 : memref<100096x16xf32, #tpu.memory_space<hbm>>) dst(%arg12 : memref<800x16xf32, #tpu.memory_space<vmem>>)
      %dma_start3A_238 = arith.constant 0 : i32
      %dma_start3A_239 = arith.constant 0 : i32
      %dma_start3A_240 = tpu.memref_slice %arg14[%dma_start3A_238, %dma_start3A_239] : memref<100096x16xf32, #tpu.memory_space<vmem_shared>> -> memref<100096x16xf32, #tpu.memory_space<vmem_shared>>
      tpu.enqueue_indirect_dma source(%arg12 : memref<800x16xf32, #tpu.memory_space<vmem>>) target(%dma_start3A_240 : memref<100096x16xf32, #tpu.memory_space<vmem_shared>>) offsets(%arg10 : memref<800xi32, #tpu.memory_space<vmem>>) semaphore(%arg19 : memref<!tpu.dma_semaphore, #tpu.memory_space<semaphore_mem>>) {add = true}
      %mul3A_241 = arith.constant 100000 : i32
      %mul3A_242 = arith.muli %arg1, %mul3A_241 : i32
      %add3A_243 = arith.constant 800 : i32
      %add3A_244 = arith.addi %mul3A_242, %add3A_243 : i32
      %dma_start3A_245 = tpu.memref_slice %arg4[%add3A_244] : memref<3200000xi32, #tpu.memory_space<hbm>> -> memref<800xi32, #tpu.memory_space<hbm>>
      %dma_start3A_246 = tpu.memref_slice %arg4[%add3A_244] : memref<3200000xi32, #tpu.memory_space<hbm>> -> memref<800xi32, #tpu.memory_space<hbm>>
      tpu.enqueue_dma source(%dma_start3A_246 : memref<800xi32, #tpu.memory_space<hbm>>) target(%arg9 : memref<800xi32, #tpu.memory_space<vmem>>) target_semaphore(%arg16 : memref<!tpu.dma_semaphore, #tpu.memory_space<semaphore_mem>>)
      %add3A_247 = arith.constant 1600000 : i32
      %add3A_248 = arith.addi %add3A_247, %add3A_244 : i32
      %dma_start3A_249 = tpu.memref_slice %arg5[%add3A_248] : memref<3200000xi32, #tpu.memory_space<hbm>> -> memref<800xi32, #tpu.memory_space<hbm>>
      %dma_start3A_250 = tpu.memref_slice %arg5[%add3A_248] : memref<3200000xi32, #tpu.memory_space<hbm>> -> memref<800xi32, #tpu.memory_space<hbm>>
      tpu.enqueue_dma source(%dma_start3A_250 : memref<800xi32, #tpu.memory_space<hbm>>) target(%arg11 : memref<800xi32, #tpu.memory_space<vmem>>) target_semaphore(%arg16 : memref<!tpu.dma_semaphore, #tpu.memory_space<semaphore_mem>>)
      %dma_wait3A_251 = arith.constant 0 : i32
      %dma_wait3A_252 = tpu.memref_slice %arg4[%dma_wait3A_251] : memref<3200000xi32, #tpu.memory_space<hbm>> -> memref<800xi32, #tpu.memory_space<hbm>>
      %dma_wait3A_253 = arith.constant 0 : i32
      %dma_wait3A_254 = tpu.memref_slice %arg4[%dma_wait3A_253] : memref<3200000xi32, #tpu.memory_space<hbm>> -> memref<800xi32, #tpu.memory_space<hbm>>
      tpu.wait_dma2 semaphore(%arg16 : memref<!tpu.dma_semaphore, #tpu.memory_space<semaphore_mem>>) src(%dma_wait3A_254 : memref<800xi32, #tpu.memory_space<hbm>>) dst(%arg9 : memref<800xi32, #tpu.memory_space<vmem>>)
      %dma_wait3A_255 = arith.constant 0 : i32
      %dma_wait3A_256 = tpu.memref_slice %arg5[%dma_wait3A_255] : memref<3200000xi32, #tpu.memory_space<hbm>> -> memref<800xi32, #tpu.memory_space<hbm>>
      %dma_wait3A_257 = arith.constant 0 : i32
      %dma_wait3A_258 = tpu.memref_slice %arg5[%dma_wait3A_257] : memref<3200000xi32, #tpu.memory_space<hbm>> -> memref<800xi32, #tpu.memory_space<hbm>>
      tpu.wait_dma2 semaphore(%arg16 : memref<!tpu.dma_semaphore, #tpu.memory_space<semaphore_mem>>) src(%dma_wait3A_258 : memref<800xi32, #tpu.memory_space<hbm>>) dst(%arg11 : memref<800xi32, #tpu.memory_space<vmem>>)
      %dma_start3A_259 = arith.constant 0 : i32
      %dma_start3A_260 = arith.constant 0 : i32
      %dma_start3A_261 = tpu.memref_slice %arg3[%dma_start3A_259, %dma_start3A_260] : memref<100096x16xf32, #tpu.memory_space<hbm>> -> memref<100096x16xf32, #tpu.memory_space<hbm>>
      tpu.enqueue_indirect_dma source(%dma_start3A_261 : memref<100096x16xf32, #tpu.memory_space<hbm>>) target(%arg13 : memref<800x16xf32, #tpu.memory_space<vmem>>) offsets(%arg9 : memref<800xi32, #tpu.memory_space<vmem>>) semaphore(%arg18 : memref<!tpu.dma_semaphore, #tpu.memory_space<semaphore_mem>>)
      %dma_wait3A_262 = arith.constant 0 : i32
      %dma_wait3A_263 = arith.constant 0 : i32
      %dma_wait3A_264 = tpu.memref_slice %arg3[%dma_wait3A_262, %dma_wait3A_263] : memref<100096x16xf32, #tpu.memory_space<hbm>> -> memref<100096x16xf32, #tpu.memory_space<hbm>>
      tpu.wait_indirect_dma semaphore(%arg18 : memref<!tpu.dma_semaphore, #tpu.memory_space<semaphore_mem>>) src(%dma_wait3A_264 : memref<100096x16xf32, #tpu.memory_space<hbm>>) dst(%arg13 : memref<800x16xf32, #tpu.memory_space<vmem>>)
      %dma_start3A_265 = arith.constant 0 : i32
      %dma_start3A_266 = arith.constant 0 : i32
      %dma_start3A_267 = tpu.memref_slice %arg14[%dma_start3A_265, %dma_start3A_266] : memref<100096x16xf32, #tpu.memory_space<vmem_shared>> -> memref<100096x16xf32, #tpu.memory_space<vmem_shared>>
      tpu.enqueue_indirect_dma source(%arg13 : memref<800x16xf32, #tpu.memory_space<vmem>>) target(%dma_start3A_267 : memref<100096x16xf32, #tpu.memory_space<vmem_shared>>) offsets(%arg11 : memref<800xi32, #tpu.memory_space<vmem>>) semaphore(%arg20 : memref<!tpu.dma_semaphore, #tpu.memory_space<semaphore_mem>>) {add = true}
      %scan3A_268 = arith.constant 0 : i32
      %scan3A_269 = arith.constant 1 : i32
      %scan3A_270 = arith.constant 61 : i32
      %scan3A_271 = arith.addi %scan3A_269, %scan3A_270 : i32
      %scan3A_272 = arith.constant 1 : i32
      scf.for %scan3A_310 = %scan3A_269 to %scan3A_271 step %scan3A_272  : i32 {
        %mul3A_311 = arith.constant 2 : i32
        %mul3A_312 = arith.muli %mul3A_311, %scan3A_310 : i32
        %mul3A_313 = arith.constant 100000 : i32
        %mul3A_314 = arith.muli %arg1, %mul3A_313 : i32
        %mul3A_315 = arith.constant 800 : i32
        %mul3A_316 = arith.muli %mul3A_312, %mul3A_315 : i32
        %add3A_317 = arith.addi %mul3A_314, %mul3A_316 : i32
        %dma_wait3A_318 = arith.constant 0 : i32
        %dma_wait3A_319 = arith.constant 0 : i32
        %dma_wait3A_320 = tpu.memref_slice %arg14[%dma_wait3A_318, %dma_wait3A_319] : memref<100096x16xf32, #tpu.memory_space<vmem_shared>> -> memref<100096x16xf32, #tpu.memory_space<vmem_shared>>
        tpu.wait_indirect_dma semaphore(%arg19 : memref<!tpu.dma_semaphore, #tpu.memory_space<semaphore_mem>>) src(%arg12 : memref<800x16xf32, #tpu.memory_space<vmem>>) dst(%dma_wait3A_320 : memref<100096x16xf32, #tpu.memory_space<vmem_shared>>)
        %dma_start3A_321 = tpu.memref_slice %arg4[%add3A_317] : memref<3200000xi32, #tpu.memory_space<hbm>> -> memref<800xi32, #tpu.memory_space<hbm>>
        %dma_start3A_322 = tpu.memref_slice %arg4[%add3A_317] : memref<3200000xi32, #tpu.memory_space<hbm>> -> memref<800xi32, #tpu.memory_space<hbm>>
        tpu.enqueue_dma source(%dma_start3A_322 : memref<800xi32, #tpu.memory_space<hbm>>) target(%arg8 : memref<800xi32, #tpu.memory_space<vmem>>) target_semaphore(%arg15 : memref<!tpu.dma_semaphore, #tpu.memory_space<semaphore_mem>>)
        %add3A_323 = arith.constant 1600000 : i32
        %add3A_324 = arith.addi %add3A_323, %add3A_317 : i32
        %dma_start3A_325 = tpu.memref_slice %arg5[%add3A_324] : memref<3200000xi32, #tpu.memory_space<hbm>> -> memref<800xi32, #tpu.memory_space<hbm>>
        %dma_start3A_326 = tpu.memref_slice %arg5[%add3A_324] : memref<3200000xi32, #tpu.memory_space<hbm>> -> memref<800xi32, #tpu.memory_space<hbm>>
        tpu.enqueue_dma source(%dma_start3A_326 : memref<800xi32, #tpu.memory_space<hbm>>) target(%arg10 : memref<800xi32, #tpu.memory_space<vmem>>) target_semaphore(%arg15 : memref<!tpu.dma_semaphore, #tpu.memory_space<semaphore_mem>>)
        %dma_wait3A_327 = arith.constant 0 : i32
        %dma_wait3A_328 = tpu.memref_slice %arg4[%dma_wait3A_327] : memref<3200000xi32, #tpu.memory_space<hbm>> -> memref<800xi32, #tpu.memory_space<hbm>>
        %dma_wait3A_329 = arith.constant 0 : i32
        %dma_wait3A_330 = tpu.memref_slice %arg4[%dma_wait3A_329] : memref<3200000xi32, #tpu.memory_space<hbm>> -> memref<800xi32, #tpu.memory_space<hbm>>
        tpu.wait_dma2 semaphore(%arg15 : memref<!tpu.dma_semaphore, #tpu.memory_space<semaphore_mem>>) src(%dma_wait3A_330 : memref<800xi32, #tpu.memory_space<hbm>>) dst(%arg8 : memref<800xi32, #tpu.memory_space<vmem>>)
        %dma_wait3A_331 = arith.constant 0 : i32
        %dma_wait3A_332 = tpu.memref_slice %arg5[%dma_wait3A_331] : memref<3200000xi32, #tpu.memory_space<hbm>> -> memref<800xi32, #tpu.memory_space<hbm>>
        %dma_wait3A_333 = arith.constant 0 : i32
        %dma_wait3A_334 = tpu.memref_slice %arg5[%dma_wait3A_333] : memref<3200000xi32, #tpu.memory_space<hbm>> -> memref<800xi32, #tpu.memory_space<hbm>>
        tpu.wait_dma2 semaphore(%arg15 : memref<!tpu.dma_semaphore, #tpu.memory_space<semaphore_mem>>) src(%dma_wait3A_334 : memref<800xi32, #tpu.memory_space<hbm>>) dst(%arg10 : memref<800xi32, #tpu.memory_space<vmem>>)
        %dma_start3A_335 = arith.constant 0 : i32
        %dma_start3A_336 = arith.constant 0 : i32
        %dma_start3A_337 = tpu.memref_slice %arg3[%dma_start3A_335, %dma_start3A_336] : memref<100096x16xf32, #tpu.memory_space<hbm>> -> memref<100096x16xf32, #tpu.memory_space<hbm>>
        tpu.enqueue_indirect_dma source(%dma_start3A_337 : memref<100096x16xf32, #tpu.memory_space<hbm>>) target(%arg12 : memref<800x16xf32, #tpu.memory_space<vmem>>) offsets(%arg8 : memref<800xi32, #tpu.memory_space<vmem>>) semaphore(%arg17 : memref<!tpu.dma_semaphore, #tpu.memory_space<semaphore_mem>>)
        %dma_wait3A_338 = arith.constant 0 : i32
        %dma_wait3A_339 = arith.constant 0 : i32
        %dma_wait3A_340 = tpu.memref_slice %arg3[%dma_wait3A_338, %dma_wait3A_339] : memref<100096x16xf32, #tpu.memory_space<hbm>> -> memref<100096x16xf32, #tpu.memory_space<hbm>>
        tpu.wait_indirect_dma semaphore(%arg17 : memref<!tpu.dma_semaphore, #tpu.memory_space<semaphore_mem>>) src(%dma_wait3A_340 : memref<100096x16xf32, #tpu.memory_space<hbm>>) dst(%arg12 : memref<800x16xf32, #tpu.memory_space<vmem>>)
        %dma_start3A_341 = arith.constant 0 : i32
        %dma_start3A_342 = arith.constant 0 : i32
        %dma_start3A_343 = tpu.memref_slice %arg14[%dma_start3A_341, %dma_start3A_342] : memref<100096x16xf32, #tpu.memory_space<vmem_shared>> -> memref<100096x16xf32, #tpu.memory_space<vmem_shared>>
        tpu.enqueue_indirect_dma source(%arg12 : memref<800x16xf32, #tpu.memory_space<vmem>>) target(%dma_start3A_343 : memref<100096x16xf32, #tpu.memory_space<vmem_shared>>) offsets(%arg10 : memref<800xi32, #tpu.memory_space<vmem>>) semaphore(%arg19 : memref<!tpu.dma_semaphore, #tpu.memory_space<semaphore_mem>>) {add = true}
        %mul3A_344 = arith.constant 2 : i32
        %mul3A_345 = arith.muli %mul3A_344, %scan3A_310 : i32
        %add3A_346 = arith.constant 1 : i32
        %add3A_347 = arith.addi %mul3A_345, %add3A_346 : i32
        %mul3A_348 = arith.constant 100000 : i32
        %mul3A_349 = arith.muli %arg1, %mul3A_348 : i32
        %mul3A_350 = arith.constant 800 : i32
        %mul3A_351 = arith.muli %add3A_347, %mul3A_350 : i32
        %add3A_352 = arith.addi %mul3A_349, %mul3A_351 : i32
        %dma_wait3A_353 = arith.constant 0 : i32
        %dma_wait3A_354 = arith.constant 0 : i32
        %dma_wait3A_355 = tpu.memref_slice %arg14[%dma_wait3A_353, %dma_wait3A_354] : memref<100096x16xf32, #tpu.memory_space<vmem_shared>> -> memref<100096x16xf32, #tpu.memory_space<vmem_shared>>
        tpu.wait_indirect_dma semaphore(%arg20 : memref<!tpu.dma_semaphore, #tpu.memory_space<semaphore_mem>>) src(%arg13 : memref<800x16xf32, #tpu.memory_space<vmem>>) dst(%dma_wait3A_355 : memref<100096x16xf32, #tpu.memory_space<vmem_shared>>)
        %dma_start3A_356 = tpu.memref_slice %arg4[%add3A_352] : memref<3200000xi32, #tpu.memory_space<hbm>> -> memref<800xi32, #tpu.memory_space<hbm>>
        %dma_start3A_357 = tpu.memref_slice %arg4[%add3A_352] : memref<3200000xi32, #tpu.memory_space<hbm>> -> memref<800xi32, #tpu.memory_space<hbm>>
        tpu.enqueue_dma source(%dma_start3A_357 : memref<800xi32, #tpu.memory_space<hbm>>) target(%arg9 : memref<800xi32, #tpu.memory_space<vmem>>) target_semaphore(%arg16 : memref<!tpu.dma_semaphore, #tpu.memory_space<semaphore_mem>>)
        %add3A_358 = arith.constant 1600000 : i32
        %add3A_359 = arith.addi %add3A_358, %add3A_352 : i32
        %dma_start3A_360 = tpu.memref_slice %arg5[%add3A_359] : memref<3200000xi32, #tpu.memory_space<hbm>> -> memref<800xi32, #tpu.memory_space<hbm>>
        %dma_start3A_361 = tpu.memref_slice %arg5[%add3A_359] : memref<3200000xi32, #tpu.memory_space<hbm>> -> memref<800xi32, #tpu.memory_space<hbm>>
        tpu.enqueue_dma source(%dma_start3A_361 : memref<800xi32, #tpu.memory_space<hbm>>) target(%arg11 : memref<800xi32, #tpu.memory_space<vmem>>) target_semaphore(%arg16 : memref<!tpu.dma_semaphore, #tpu.memory_space<semaphore_mem>>)
        %dma_wait3A_362 = arith.constant 0 : i32
        %dma_wait3A_363 = tpu.memref_slice %arg4[%dma_wait3A_362] : memref<3200000xi32, #tpu.memory_space<hbm>> -> memref<800xi32, #tpu.memory_space<hbm>>
        %dma_wait3A_364 = arith.constant 0 : i32
        %dma_wait3A_365 = tpu.memref_slice %arg4[%dma_wait3A_364] : memref<3200000xi32, #tpu.memory_space<hbm>> -> memref<800xi32, #tpu.memory_space<hbm>>
        tpu.wait_dma2 semaphore(%arg16 : memref<!tpu.dma_semaphore, #tpu.memory_space<semaphore_mem>>) src(%dma_wait3A_365 : memref<800xi32, #tpu.memory_space<hbm>>) dst(%arg9 : memref<800xi32, #tpu.memory_space<vmem>>)
        %dma_wait3A_366 = arith.constant 0 : i32
        %dma_wait3A_367 = tpu.memref_slice %arg5[%dma_wait3A_366] : memref<3200000xi32, #tpu.memory_space<hbm>> -> memref<800xi32, #tpu.memory_space<hbm>>
        %dma_wait3A_368 = arith.constant 0 : i32
        %dma_wait3A_369 = tpu.memref_slice %arg5[%dma_wait3A_368] : memref<3200000xi32, #tpu.memory_space<hbm>> -> memref<800xi32, #tpu.memory_space<hbm>>
        tpu.wait_dma2 semaphore(%arg16 : memref<!tpu.dma_semaphore, #tpu.memory_space<semaphore_mem>>) src(%dma_wait3A_369 : memref<800xi32, #tpu.memory_space<hbm>>) dst(%arg11 : memref<800xi32, #tpu.memory_space<vmem>>)
        %dma_start3A_370 = arith.constant 0 : i32
        %dma_start3A_371 = arith.constant 0 : i32
        %dma_start3A_372 = tpu.memref_slice %arg3[%dma_start3A_370, %dma_start3A_371] : memref<100096x16xf32, #tpu.memory_space<hbm>> -> memref<100096x16xf32, #tpu.memory_space<hbm>>
        tpu.enqueue_indirect_dma source(%dma_start3A_372 : memref<100096x16xf32, #tpu.memory_space<hbm>>) target(%arg13 : memref<800x16xf32, #tpu.memory_space<vmem>>) offsets(%arg9 : memref<800xi32, #tpu.memory_space<vmem>>) semaphore(%arg18 : memref<!tpu.dma_semaphore, #tpu.memory_space<semaphore_mem>>)
        %dma_wait3A_373 = arith.constant 0 : i32
        %dma_wait3A_374 = arith.constant 0 : i32
        %dma_wait3A_375 = tpu.memref_slice %arg3[%dma_wait3A_373, %dma_wait3A_374] : memref<100096x16xf32, #tpu.memory_space<hbm>> -> memref<100096x16xf32, #tpu.memory_space<hbm>>
        tpu.wait_indirect_dma semaphore(%arg18 : memref<!tpu.dma_semaphore, #tpu.memory_space<semaphore_mem>>) src(%dma_wait3A_375 : memref<100096x16xf32, #tpu.memory_space<hbm>>) dst(%arg13 : memref<800x16xf32, #tpu.memory_space<vmem>>)
        %dma_start3A_376 = arith.constant 0 : i32
        %dma_start3A_377 = arith.constant 0 : i32
        %dma_start3A_378 = tpu.memref_slice %arg14[%dma_start3A_376, %dma_start3A_377] : memref<100096x16xf32, #tpu.memory_space<vmem_shared>> -> memref<100096x16xf32, #tpu.memory_space<vmem_shared>>
        tpu.enqueue_indirect_dma source(%arg13 : memref<800x16xf32, #tpu.memory_space<vmem>>) target(%dma_start3A_378 : memref<100096x16xf32, #tpu.memory_space<vmem_shared>>) offsets(%arg11 : memref<800xi32, #tpu.memory_space<vmem>>) semaphore(%arg20 : memref<!tpu.dma_semaphore, #tpu.memory_space<semaphore_mem>>) {add = true}
      }
      %scan3A_273 = arith.constant 61 : i32
      %mul3A_274 = arith.constant 100000 : i32
      %mul3A_275 = arith.muli %arg1, %mul3A_274 : i32
      %add3A_276 = arith.constant 99200 : i32
      %add3A_277 = arith.addi %mul3A_275, %add3A_276 : i32
      %dma_wait3A_278 = arith.constant 0 : i32
      %dma_wait3A_279 = arith.constant 0 : i32
      %dma_wait3A_280 = tpu.memref_slice %arg14[%dma_wait3A_278, %dma_wait3A_279] : memref<100096x16xf32, #tpu.memory_space<vmem_shared>> -> memref<100096x16xf32, #tpu.memory_space<vmem_shared>>
      tpu.wait_indirect_dma semaphore(%arg19 : memref<!tpu.dma_semaphore, #tpu.memory_space<semaphore_mem>>) src(%arg12 : memref<800x16xf32, #tpu.memory_space<vmem>>) dst(%dma_wait3A_280 : memref<100096x16xf32, #tpu.memory_space<vmem_shared>>)
      %dma_start3A_281 = tpu.memref_slice %arg4[%add3A_277] : memref<3200000xi32, #tpu.memory_space<hbm>> -> memref<800xi32, #tpu.memory_space<hbm>>
      %dma_start3A_282 = tpu.memref_slice %arg4[%add3A_277] : memref<3200000xi32, #tpu.memory_space<hbm>> -> memref<800xi32, #tpu.memory_space<hbm>>
      tpu.enqueue_dma source(%dma_start3A_282 : memref<800xi32, #tpu.memory_space<hbm>>) target(%arg8 : memref<800xi32, #tpu.memory_space<vmem>>) target_semaphore(%arg15 : memref<!tpu.dma_semaphore, #tpu.memory_space<semaphore_mem>>)
      %add3A_283 = arith.constant 1600000 : i32
      %add3A_284 = arith.addi %add3A_283, %add3A_277 : i32
      %dma_start3A_285 = tpu.memref_slice %arg5[%add3A_284] : memref<3200000xi32, #tpu.memory_space<hbm>> -> memref<800xi32, #tpu.memory_space<hbm>>
      %dma_start3A_286 = tpu.memref_slice %arg5[%add3A_284] : memref<3200000xi32, #tpu.memory_space<hbm>> -> memref<800xi32, #tpu.memory_space<hbm>>
      tpu.enqueue_dma source(%dma_start3A_286 : memref<800xi32, #tpu.memory_space<hbm>>) target(%arg10 : memref<800xi32, #tpu.memory_space<vmem>>) target_semaphore(%arg15 : memref<!tpu.dma_semaphore, #tpu.memory_space<semaphore_mem>>)
      %dma_wait3A_287 = arith.constant 0 : i32
      %dma_wait3A_288 = tpu.memref_slice %arg4[%dma_wait3A_287] : memref<3200000xi32, #tpu.memory_space<hbm>> -> memref<800xi32, #tpu.memory_space<hbm>>
      %dma_wait3A_289 = arith.constant 0 : i32
      %dma_wait3A_290 = tpu.memref_slice %arg4[%dma_wait3A_289] : memref<3200000xi32, #tpu.memory_space<hbm>> -> memref<800xi32, #tpu.memory_space<hbm>>
      tpu.wait_dma2 semaphore(%arg15 : memref<!tpu.dma_semaphore, #tpu.memory_space<semaphore_mem>>) src(%dma_wait3A_290 : memref<800xi32, #tpu.memory_space<hbm>>) dst(%arg8 : memref<800xi32, #tpu.memory_space<vmem>>)
      %dma_wait3A_291 = arith.constant 0 : i32
      %dma_wait3A_292 = tpu.memref_slice %arg5[%dma_wait3A_291] : memref<3200000xi32, #tpu.memory_space<hbm>> -> memref<800xi32, #tpu.memory_space<hbm>>
      %dma_wait3A_293 = arith.constant 0 : i32
      %dma_wait3A_294 = tpu.memref_slice %arg5[%dma_wait3A_293] : memref<3200000xi32, #tpu.memory_space<hbm>> -> memref<800xi32, #tpu.memory_space<hbm>>
      tpu.wait_dma2 semaphore(%arg15 : memref<!tpu.dma_semaphore, #tpu.memory_space<semaphore_mem>>) src(%dma_wait3A_294 : memref<800xi32, #tpu.memory_space<hbm>>) dst(%arg10 : memref<800xi32, #tpu.memory_space<vmem>>)
      %dma_start3A_295 = arith.constant 0 : i32
      %dma_start3A_296 = arith.constant 0 : i32
      %dma_start3A_297 = tpu.memref_slice %arg3[%dma_start3A_295, %dma_start3A_296] : memref<100096x16xf32, #tpu.memory_space<hbm>> -> memref<100096x16xf32, #tpu.memory_space<hbm>>
      tpu.enqueue_indirect_dma source(%dma_start3A_297 : memref<100096x16xf32, #tpu.memory_space<hbm>>) target(%arg12 : memref<800x16xf32, #tpu.memory_space<vmem>>) offsets(%arg8 : memref<800xi32, #tpu.memory_space<vmem>>) semaphore(%arg17 : memref<!tpu.dma_semaphore, #tpu.memory_space<semaphore_mem>>)
      %dma_wait3A_298 = arith.constant 0 : i32
      %dma_wait3A_299 = arith.constant 0 : i32
      %dma_wait3A_300 = tpu.memref_slice %arg3[%dma_wait3A_298, %dma_wait3A_299] : memref<100096x16xf32, #tpu.memory_space<hbm>> -> memref<100096x16xf32, #tpu.memory_space<hbm>>
      tpu.wait_indirect_dma semaphore(%arg17 : memref<!tpu.dma_semaphore, #tpu.memory_space<semaphore_mem>>) src(%dma_wait3A_300 : memref<100096x16xf32, #tpu.memory_space<hbm>>) dst(%arg12 : memref<800x16xf32, #tpu.memory_space<vmem>>)
      %dma_start3A_301 = arith.constant 0 : i32
      %dma_start3A_302 = arith.constant 0 : i32
      %dma_start3A_303 = tpu.memref_slice %arg14[%dma_start3A_301, %dma_start3A_302] : memref<100096x16xf32, #tpu.memory_space<vmem_shared>> -> memref<100096x16xf32, #tpu.memory_space<vmem_shared>>
      tpu.enqueue_indirect_dma source(%arg12 : memref<800x16xf32, #tpu.memory_space<vmem>>) target(%dma_start3A_303 : memref<100096x16xf32, #tpu.memory_space<vmem_shared>>) offsets(%arg10 : memref<800xi32, #tpu.memory_space<vmem>>) semaphore(%arg19 : memref<!tpu.dma_semaphore, #tpu.memory_space<semaphore_mem>>) {add = true}
      %dma_wait3A_304 = arith.constant 0 : i32
      %dma_wait3A_305 = arith.constant 0 : i32
      %dma_wait3A_306 = tpu.memref_slice %arg14[%dma_wait3A_304, %dma_wait3A_305] : memref<100096x16xf32, #tpu.memory_space<vmem_shared>> -> memref<100096x16xf32, #tpu.memory_space<vmem_shared>>
      tpu.wait_indirect_dma semaphore(%arg20 : memref<!tpu.dma_semaphore, #tpu.memory_space<semaphore_mem>>) src(%arg13 : memref<800x16xf32, #tpu.memory_space<vmem>>) dst(%dma_wait3A_306 : memref<100096x16xf32, #tpu.memory_space<vmem_shared>>)
      %dma_wait3A_307 = arith.constant 0 : i32
      %dma_wait3A_308 = arith.constant 0 : i32
      %dma_wait3A_309 = tpu.memref_slice %arg14[%dma_wait3A_307, %dma_wait3A_308] : memref<100096x16xf32, #tpu.memory_space<vmem_shared>> -> memref<100096x16xf32, #tpu.memory_space<vmem_shared>>
      tpu.wait_indirect_dma semaphore(%arg19 : memref<!tpu.dma_semaphore, #tpu.memory_space<semaphore_mem>>) src(%arg12 : memref<800x16xf32, #tpu.memory_space<vmem>>) dst(%dma_wait3A_309 : memref<100096x16xf32, #tpu.memory_space<vmem_shared>>)
    } else {
    }
    %barrier3A_203 = arith.constant 0 : index
    tpu.barrier barrier_id(%barrier3A_203)
    %eq3A_204 = arith.constant 0 : i32
    %eq3A_205 = arith.cmpi eq, %arg0, %eq3A_204 : i32
    %convert_element_type3A_206 = arith.extui %eq3A_205 : i1 to i32
    %cond3A_207 = arith.constant 0 : i32
    %cond3A_208 = arith.cmpi ne, %convert_element_type3A_206, %cond3A_207 : i32
    scf.if %cond3A_208 {
      %add3A_214 = arith.constant 0 : i32
      %add3A_215 = arith.addi %mul3A_0, %add3A_214 : i32
      "tpu.region"() ({
        %run_scoped3A = tpu.sem_alloc : memref<!tpu.dma_semaphore, #tpu.memory_space<semaphore_mem>>
        %dma_start3A_422 = arith.constant 0 : i32
        %dma_start3A_423 = arith.constant 0 : i32
        %dma_start3A_424 = tpu.memref_slice %arg12[%dma_start3A_422, %dma_start3A_423] : memref<800x16xf32, #tpu.memory_space<vmem>> -> memref<800x16xf32, #tpu.memory_space<vmem>>
        %dma_start3A_425 = arith.constant 0 : i32
        %dma_start3A_426 = tpu.memref_slice %arg14[%add3A_215, %dma_start3A_425] : memref<100096x16xf32, #tpu.memory_space<vmem_shared>> -> memref<800x16xf32, #tpu.memory_space<vmem_shared>>
        %dma_start3A_427 = arith.constant 0 : i32
        %dma_start3A_428 = arith.constant 0 : i32
        %dma_start3A_429 = tpu.memref_slice %arg12[%dma_start3A_427, %dma_start3A_428] : memref<800x16xf32, #tpu.memory_space<vmem>> -> memref<800x16xf32, #tpu.memory_space<vmem>>
        %dma_start3A_430 = arith.constant 0 : i32
        %dma_start3A_431 = tpu.memref_slice %arg14[%add3A_215, %dma_start3A_430] : memref<100096x16xf32, #tpu.memory_space<vmem_shared>> -> memref<800x16xf32, #tpu.memory_space<vmem_shared>>
        tpu.enqueue_dma source(%dma_start3A_431 : memref<800x16xf32, #tpu.memory_space<vmem_shared>>) target(%dma_start3A_429 : memref<800x16xf32, #tpu.memory_space<vmem>>) target_semaphore(%run_scoped3A : memref<!tpu.dma_semaphore, #tpu.memory_space<semaphore_mem>>)
        %dma_wait3A_432 = arith.constant 0 : i32
        %dma_wait3A_433 = arith.constant 0 : i32
        %dma_wait3A_434 = tpu.memref_slice %arg12[%dma_wait3A_432, %dma_wait3A_433] : memref<800x16xf32, #tpu.memory_space<vmem>> -> memref<800x16xf32, #tpu.memory_space<vmem>>
        %dma_wait3A_435 = arith.constant 0 : i32
        %dma_wait3A_436 = tpu.memref_slice %arg14[%add3A_215, %dma_wait3A_435] : memref<100096x16xf32, #tpu.memory_space<vmem_shared>> -> memref<800x16xf32, #tpu.memory_space<vmem_shared>>
        %dma_wait3A_437 = arith.constant 0 : i32
        %dma_wait3A_438 = arith.constant 0 : i32
        %dma_wait3A_439 = tpu.memref_slice %arg12[%dma_wait3A_437, %dma_wait3A_438] : memref<800x16xf32, #tpu.memory_space<vmem>> -> memref<800x16xf32, #tpu.memory_space<vmem>>
        %dma_wait3A_440 = arith.constant 0 : i32
        %dma_wait3A_441 = tpu.memref_slice %arg14[%add3A_215, %dma_wait3A_440] : memref<100096x16xf32, #tpu.memory_space<vmem_shared>> -> memref<800x16xf32, #tpu.memory_space<vmem_shared>>
        tpu.wait_dma2 semaphore(%run_scoped3A : memref<!tpu.dma_semaphore, #tpu.memory_space<semaphore_mem>>) src(%dma_wait3A_441 : memref<800x16xf32, #tpu.memory_space<vmem_shared>>) dst(%dma_wait3A_439 : memref<800x16xf32, #tpu.memory_space<vmem>>)
        tpu.yield
      }) : () -> ()
      %add3A_216 = arith.constant 0 : i32
      %add3A_217 = arith.addi %mul3A_0, %add3A_216 : i32
      %dma_start3A_218 = arith.constant 0 : i32
      %dma_start3A_219 = arith.constant 0 : i32
      %dma_start3A_220 = tpu.memref_slice %arg12[%dma_start3A_218, %dma_start3A_219] : memref<800x16xf32, #tpu.memory_space<vmem>> -> memref<800x16xf32, #tpu.memory_space<vmem>>
      %dma_start3A_221 = arith.constant 0 : i32
      %dma_start3A_222 = tpu.memref_slice %arg6[%add3A_217, %dma_start3A_221] : memref<100096x16xf32, #tpu.memory_space<hbm>> -> memref<800x16xf32, #tpu.memory_space<hbm>>
      %dma_start3A_223 = arith.constant 0 : i32
      %dma_start3A_224 = tpu.memref_slice %arg6[%add3A_217, %dma_start3A_223] : memref<100096x16xf32, #tpu.memory_space<hbm>> -> memref<800x16xf32, #tpu.memory_space<hbm>>
      %dma_start3A_225 = arith.constant 0 : i32
      %dma_start3A_226 = arith.constant 0 : i32
      %dma_start3A_227 = tpu.memref_slice %arg12[%dma_start3A_225, %dma_start3A_226] : memref<800x16xf32, #tpu.memory_space<vmem>> -> memref<800x16xf32, #tpu.memory_space<vmem>>
      tpu.enqueue_dma source(%dma_start3A_227 : memref<800x16xf32, #tpu.memory_space<vmem>>) target(%dma_start3A_224 : memref<800x16xf32, #tpu.memory_space<hbm>>) target_semaphore(%arg19 : memref<!tpu.dma_semaphore, #tpu.memory_space<semaphore_mem>>)
      %add3A_228 = arith.constant 800 : i32
      %add3A_229 = arith.addi %mul3A_0, %add3A_228 : i32
      "tpu.region"() ({
        %run_scoped3A = tpu.sem_alloc : memref<!tpu.dma_semaphore, #tpu.memory_space<semaphore_mem>>
        %dma_start3A_422 = arith.constant 0 : i32
        %dma_start3A_423 = arith.constant 0 : i32
        %dma_start3A_424 = tpu.memref_slice %arg13[%dma_start3A_422, %dma_start3A_423] : memref<800x16xf32, #tpu.memory_space<vmem>> -> memref<800x16xf32, #tpu.memory_space<vmem>>
        %dma_start3A_425 = arith.constant 0 : i32
        %dma_start3A_426 = tpu.memref_slice %arg14[%add3A_229, %dma_start3A_425] : memref<100096x16xf32, #tpu.memory_space<vmem_shared>> -> memref<800x16xf32, #tpu.memory_space<vmem_shared>>
        %dma_start3A_427 = arith.constant 0 : i32
        %dma_start3A_428 = arith.constant 0 : i32
        %dma_start3A_429 = tpu.memref_slice %arg13[%dma_start3A_427, %dma_start3A_428] : memref<800x16xf32, #tpu.memory_space<vmem>> -> memref<800x16xf32, #tpu.memory_space<vmem>>
        %dma_start3A_430 = arith.constant 0 : i32
        %dma_start3A_431 = tpu.memref_slice %arg14[%add3A_229, %dma_start3A_430] : memref<100096x16xf32, #tpu.memory_space<vmem_shared>> -> memref<800x16xf32, #tpu.memory_space<vmem_shared>>
        tpu.enqueue_dma source(%dma_start3A_431 : memref<800x16xf32, #tpu.memory_space<vmem_shared>>) target(%dma_start3A_429 : memref<800x16xf32, #tpu.memory_space<vmem>>) target_semaphore(%run_scoped3A : memref<!tpu.dma_semaphore, #tpu.memory_space<semaphore_mem>>)
        %dma_wait3A_432 = arith.constant 0 : i32
        %dma_wait3A_433 = arith.constant 0 : i32
        %dma_wait3A_434 = tpu.memref_slice %arg13[%dma_wait3A_432, %dma_wait3A_433] : memref<800x16xf32, #tpu.memory_space<vmem>> -> memref<800x16xf32, #tpu.memory_space<vmem>>
        %dma_wait3A_435 = arith.constant 0 : i32
        %dma_wait3A_436 = tpu.memref_slice %arg14[%add3A_229, %dma_wait3A_435] : memref<100096x16xf32, #tpu.memory_space<vmem_shared>> -> memref<800x16xf32, #tpu.memory_space<vmem_shared>>
        %dma_wait3A_437 = arith.constant 0 : i32
        %dma_wait3A_438 = arith.constant 0 : i32
        %dma_wait3A_439 = tpu.memref_slice %arg13[%dma_wait3A_437, %dma_wait3A_438] : memref<800x16xf32, #tpu.memory_space<vmem>> -> memref<800x16xf32, #tpu.memory_space<vmem>>
        %dma_wait3A_440 = arith.constant 0 : i32
        %dma_wait3A_441 = tpu.memref_slice %arg14[%add3A_229, %dma_wait3A_440] : memref<100096x16xf32, #tpu.memory_space<vmem_shared>> -> memref<800x16xf32, #tpu.memory_space<vmem_shared>>
        tpu.wait_dma2 semaphore(%run_scoped3A : memref<!tpu.dma_semaphore, #tpu.memory_space<semaphore_mem>>) src(%dma_wait3A_441 : memref<800x16xf32, #tpu.memory_space<vmem_shared>>) dst(%dma_wait3A_439 : memref<800x16xf32, #tpu.memory_space<vmem>>)
        tpu.yield
      }) : () -> ()
      %add3A_230 = arith.constant 800 : i32
      %add3A_231 = arith.addi %mul3A_0, %add3A_230 : i32
      %dma_start3A_232 = arith.constant 0 : i32
      %dma_start3A_233 = arith.constant 0 : i32
      %dma_start3A_234 = tpu.memref_slice %arg13[%dma_start3A_232, %dma_start3A_233] : memref<800x16xf32, #tpu.memory_space<vmem>> -> memref<800x16xf32, #tpu.memory_space<vmem>>
      %dma_start3A_235 = arith.constant 0 : i32
      %dma_start3A_236 = tpu.memref_slice %arg6[%add3A_231, %dma_start3A_235] : memref<100096x16xf32, #tpu.memory_space<hbm>> -> memref<800x16xf32, #tpu.memory_space<hbm>>
      %dma_start3A_237 = arith.constant 0 : i32
      %dma_start3A_238 = tpu.memref_slice %arg6[%add3A_231, %dma_start3A_237] : memref<100096x16xf32, #tpu.memory_space<hbm>> -> memref<800x16xf32, #tpu.memory_space<hbm>>
      %dma_start3A_239 = arith.constant 0 : i32
      %dma_start3A_240 = arith.constant 0 : i32
      %dma_start3A_241 = tpu.memref_slice %arg13[%dma_start3A_239, %dma_start3A_240] : memref<800x16xf32, #tpu.memory_space<vmem>> -> memref<800x16xf32, #tpu.memory_space<vmem>>
      tpu.enqueue_dma source(%dma_start3A_241 : memref<800x16xf32, #tpu.memory_space<vmem>>) target(%dma_start3A_238 : memref<800x16xf32, #tpu.memory_space<hbm>>) target_semaphore(%arg20 : memref<!tpu.dma_semaphore, #tpu.memory_space<semaphore_mem>>)
      %dma_wait3A_242 = arith.constant 0 : i32
      %dma_wait3A_243 = arith.constant 0 : i32
      %dma_wait3A_244 = tpu.memref_slice %arg12[%dma_wait3A_242, %dma_wait3A_243] : memref<800x16xf32, #tpu.memory_space<vmem>> -> memref<800x16xf32, #tpu.memory_space<vmem>>
      %dma_wait3A_245 = arith.constant 0 : i32
      %dma_wait3A_246 = arith.constant 0 : i32
      %dma_wait3A_247 = tpu.memref_slice %arg6[%dma_wait3A_245, %dma_wait3A_246] : memref<100096x16xf32, #tpu.memory_space<hbm>> -> memref<800x16xf32, #tpu.memory_space<hbm>>
      %dma_wait3A_248 = arith.constant 0 : i32
      %dma_wait3A_249 = arith.constant 0 : i32
      %dma_wait3A_250 = tpu.memref_slice %arg6[%dma_wait3A_248, %dma_wait3A_249] : memref<100096x16xf32, #tpu.memory_space<hbm>> -> memref<800x16xf32, #tpu.memory_space<hbm>>
      %dma_wait3A_251 = arith.constant 0 : i32
      %dma_wait3A_252 = arith.constant 0 : i32
      %dma_wait3A_253 = tpu.memref_slice %arg12[%dma_wait3A_251, %dma_wait3A_252] : memref<800x16xf32, #tpu.memory_space<vmem>> -> memref<800x16xf32, #tpu.memory_space<vmem>>
      tpu.wait_dma2 semaphore(%arg19 : memref<!tpu.dma_semaphore, #tpu.memory_space<semaphore_mem>>) src(%dma_wait3A_253 : memref<800x16xf32, #tpu.memory_space<vmem>>) dst(%dma_wait3A_250 : memref<800x16xf32, #tpu.memory_space<hbm>>)
      %add3A_254 = arith.constant 1600 : i32
      %add3A_255 = arith.addi %mul3A_0, %add3A_254 : i32
      "tpu.region"() ({
        %run_scoped3A = tpu.sem_alloc : memref<!tpu.dma_semaphore, #tpu.memory_space<semaphore_mem>>
        %dma_start3A_422 = arith.constant 0 : i32
        %dma_start3A_423 = arith.constant 0 : i32
        %dma_start3A_424 = tpu.memref_slice %arg12[%dma_start3A_422, %dma_start3A_423] : memref<800x16xf32, #tpu.memory_space<vmem>> -> memref<800x16xf32, #tpu.memory_space<vmem>>
        %dma_start3A_425 = arith.constant 0 : i32
        %dma_start3A_426 = tpu.memref_slice %arg14[%add3A_255, %dma_start3A_425] : memref<100096x16xf32, #tpu.memory_space<vmem_shared>> -> memref<800x16xf32, #tpu.memory_space<vmem_shared>>
        %dma_start3A_427 = arith.constant 0 : i32
        %dma_start3A_428 = arith.constant 0 : i32
        %dma_start3A_429 = tpu.memref_slice %arg12[%dma_start3A_427, %dma_start3A_428] : memref<800x16xf32, #tpu.memory_space<vmem>> -> memref<800x16xf32, #tpu.memory_space<vmem>>
        %dma_start3A_430 = arith.constant 0 : i32
        %dma_start3A_431 = tpu.memref_slice %arg14[%add3A_255, %dma_start3A_430] : memref<100096x16xf32, #tpu.memory_space<vmem_shared>> -> memref<800x16xf32, #tpu.memory_space<vmem_shared>>
        tpu.enqueue_dma source(%dma_start3A_431 : memref<800x16xf32, #tpu.memory_space<vmem_shared>>) target(%dma_start3A_429 : memref<800x16xf32, #tpu.memory_space<vmem>>) target_semaphore(%run_scoped3A : memref<!tpu.dma_semaphore, #tpu.memory_space<semaphore_mem>>)
        %dma_wait3A_432 = arith.constant 0 : i32
        %dma_wait3A_433 = arith.constant 0 : i32
        %dma_wait3A_434 = tpu.memref_slice %arg12[%dma_wait3A_432, %dma_wait3A_433] : memref<800x16xf32, #tpu.memory_space<vmem>> -> memref<800x16xf32, #tpu.memory_space<vmem>>
        %dma_wait3A_435 = arith.constant 0 : i32
        %dma_wait3A_436 = tpu.memref_slice %arg14[%add3A_255, %dma_wait3A_435] : memref<100096x16xf32, #tpu.memory_space<vmem_shared>> -> memref<800x16xf32, #tpu.memory_space<vmem_shared>>
        %dma_wait3A_437 = arith.constant 0 : i32
        %dma_wait3A_438 = arith.constant 0 : i32
        %dma_wait3A_439 = tpu.memref_slice %arg12[%dma_wait3A_437, %dma_wait3A_438] : memref<800x16xf32, #tpu.memory_space<vmem>> -> memref<800x16xf32, #tpu.memory_space<vmem>>
        %dma_wait3A_440 = arith.constant 0 : i32
        %dma_wait3A_441 = tpu.memref_slice %arg14[%add3A_255, %dma_wait3A_440] : memref<100096x16xf32, #tpu.memory_space<vmem_shared>> -> memref<800x16xf32, #tpu.memory_space<vmem_shared>>
        tpu.wait_dma2 semaphore(%run_scoped3A : memref<!tpu.dma_semaphore, #tpu.memory_space<semaphore_mem>>) src(%dma_wait3A_441 : memref<800x16xf32, #tpu.memory_space<vmem_shared>>) dst(%dma_wait3A_439 : memref<800x16xf32, #tpu.memory_space<vmem>>)
        tpu.yield
      }) : () -> ()
      %add3A_256 = arith.constant 1600 : i32
      %add3A_257 = arith.addi %mul3A_0, %add3A_256 : i32
      %dma_start3A_258 = arith.constant 0 : i32
      %dma_start3A_259 = arith.constant 0 : i32
      %dma_start3A_260 = tpu.memref_slice %arg12[%dma_start3A_258, %dma_start3A_259] : memref<800x16xf32, #tpu.memory_space<vmem>> -> memref<800x16xf32, #tpu.memory_space<vmem>>
      %dma_start3A_261 = arith.constant 0 : i32
      %dma_start3A_262 = tpu.memref_slice %arg6[%add3A_257, %dma_start3A_261] : memref<100096x16xf32, #tpu.memory_space<hbm>> -> memref<800x16xf32, #tpu.memory_space<hbm>>
      %dma_start3A_263 = arith.constant 0 : i32
      %dma_start3A_264 = tpu.memref_slice %arg6[%add3A_257, %dma_start3A_263] : memref<100096x16xf32, #tpu.memory_space<hbm>> -> memref<800x16xf32, #tpu.memory_space<hbm>>
      %dma_start3A_265 = arith.constant 0 : i32
      %dma_start3A_266 = arith.constant 0 : i32
      %dma_start3A_267 = tpu.memref_slice %arg12[%dma_start3A_265, %dma_start3A_266] : memref<800x16xf32, #tpu.memory_space<vmem>> -> memref<800x16xf32, #tpu.memory_space<vmem>>
      tpu.enqueue_dma source(%dma_start3A_267 : memref<800x16xf32, #tpu.memory_space<vmem>>) target(%dma_start3A_264 : memref<800x16xf32, #tpu.memory_space<hbm>>) target_semaphore(%arg19 : memref<!tpu.dma_semaphore, #tpu.memory_space<semaphore_mem>>)
      %dma_wait3A_268 = arith.constant 0 : i32
      %dma_wait3A_269 = arith.constant 0 : i32
      %dma_wait3A_270 = tpu.memref_slice %arg13[%dma_wait3A_268, %dma_wait3A_269] : memref<800x16xf32, #tpu.memory_space<vmem>> -> memref<800x16xf32, #tpu.memory_space<vmem>>
      %dma_wait3A_271 = arith.constant 0 : i32
      %dma_wait3A_272 = arith.constant 0 : i32
      %dma_wait3A_273 = tpu.memref_slice %arg6[%dma_wait3A_271, %dma_wait3A_272] : memref<100096x16xf32, #tpu.memory_space<hbm>> -> memref<800x16xf32, #tpu.memory_space<hbm>>
      %dma_wait3A_274 = arith.constant 0 : i32
      %dma_wait3A_275 = arith.constant 0 : i32
      %dma_wait3A_276 = tpu.memref_slice %arg6[%dma_wait3A_274, %dma_wait3A_275] : memref<100096x16xf32, #tpu.memory_space<hbm>> -> memref<800x16xf32, #tpu.memory_space<hbm>>
      %dma_wait3A_277 = arith.constant 0 : i32
      %dma_wait3A_278 = arith.constant 0 : i32
      %dma_wait3A_279 = tpu.memref_slice %arg13[%dma_wait3A_277, %dma_wait3A_278] : memref<800x16xf32, #tpu.memory_space<vmem>> -> memref<800x16xf32, #tpu.memory_space<vmem>>
      tpu.wait_dma2 semaphore(%arg20 : memref<!tpu.dma_semaphore, #tpu.memory_space<semaphore_mem>>) src(%dma_wait3A_279 : memref<800x16xf32, #tpu.memory_space<vmem>>) dst(%dma_wait3A_276 : memref<800x16xf32, #tpu.memory_space<hbm>>)
      %add3A_280 = arith.constant 2400 : i32
      %add3A_281 = arith.addi %mul3A_0, %add3A_280 : i32
      "tpu.region"() ({
        %run_scoped3A = tpu.sem_alloc : memref<!tpu.dma_semaphore, #tpu.memory_space<semaphore_mem>>
        %dma_start3A_422 = arith.constant 0 : i32
        %dma_start3A_423 = arith.constant 0 : i32
        %dma_start3A_424 = tpu.memref_slice %arg13[%dma_start3A_422, %dma_start3A_423] : memref<800x16xf32, #tpu.memory_space<vmem>> -> memref<800x16xf32, #tpu.memory_space<vmem>>
        %dma_start3A_425 = arith.constant 0 : i32
        %dma_start3A_426 = tpu.memref_slice %arg14[%add3A_281, %dma_start3A_425] : memref<100096x16xf32, #tpu.memory_space<vmem_shared>> -> memref<800x16xf32, #tpu.memory_space<vmem_shared>>
        %dma_start3A_427 = arith.constant 0 : i32
        %dma_start3A_428 = arith.constant 0 : i32
        %dma_start3A_429 = tpu.memref_slice %arg13[%dma_start3A_427, %dma_start3A_428] : memref<800x16xf32, #tpu.memory_space<vmem>> -> memref<800x16xf32, #tpu.memory_space<vmem>>
        %dma_start3A_430 = arith.constant 0 : i32
        %dma_start3A_431 = tpu.memref_slice %arg14[%add3A_281, %dma_start3A_430] : memref<100096x16xf32, #tpu.memory_space<vmem_shared>> -> memref<800x16xf32, #tpu.memory_space<vmem_shared>>
        tpu.enqueue_dma source(%dma_start3A_431 : memref<800x16xf32, #tpu.memory_space<vmem_shared>>) target(%dma_start3A_429 : memref<800x16xf32, #tpu.memory_space<vmem>>) target_semaphore(%run_scoped3A : memref<!tpu.dma_semaphore, #tpu.memory_space<semaphore_mem>>)
        %dma_wait3A_432 = arith.constant 0 : i32
        %dma_wait3A_433 = arith.constant 0 : i32
        %dma_wait3A_434 = tpu.memref_slice %arg13[%dma_wait3A_432, %dma_wait3A_433] : memref<800x16xf32, #tpu.memory_space<vmem>> -> memref<800x16xf32, #tpu.memory_space<vmem>>
        %dma_wait3A_435 = arith.constant 0 : i32
        %dma_wait3A_436 = tpu.memref_slice %arg14[%add3A_281, %dma_wait3A_435] : memref<100096x16xf32, #tpu.memory_space<vmem_shared>> -> memref<800x16xf32, #tpu.memory_space<vmem_shared>>
        %dma_wait3A_437 = arith.constant 0 : i32
        %dma_wait3A_438 = arith.constant 0 : i32
        %dma_wait3A_439 = tpu.memref_slice %arg13[%dma_wait3A_437, %dma_wait3A_438] : memref<800x16xf32, #tpu.memory_space<vmem>> -> memref<800x16xf32, #tpu.memory_space<vmem>>
        %dma_wait3A_440 = arith.constant 0 : i32
        %dma_wait3A_441 = tpu.memref_slice %arg14[%add3A_281, %dma_wait3A_440] : memref<100096x16xf32, #tpu.memory_space<vmem_shared>> -> memref<800x16xf32, #tpu.memory_space<vmem_shared>>
        tpu.wait_dma2 semaphore(%run_scoped3A : memref<!tpu.dma_semaphore, #tpu.memory_space<semaphore_mem>>) src(%dma_wait3A_441 : memref<800x16xf32, #tpu.memory_space<vmem_shared>>) dst(%dma_wait3A_439 : memref<800x16xf32, #tpu.memory_space<vmem>>)
        tpu.yield
      }) : () -> ()
      %add3A_282 = arith.constant 2400 : i32
      %add3A_283 = arith.addi %mul3A_0, %add3A_282 : i32
      %dma_start3A_284 = arith.constant 0 : i32
      %dma_start3A_285 = arith.constant 0 : i32
      %dma_start3A_286 = tpu.memref_slice %arg13[%dma_start3A_284, %dma_start3A_285] : memref<800x16xf32, #tpu.memory_space<vmem>> -> memref<800x16xf32, #tpu.memory_space<vmem>>
      %dma_start3A_287 = arith.constant 0 : i32
      %dma_start3A_288 = tpu.memref_slice %arg6[%add3A_283, %dma_start3A_287] : memref<100096x16xf32, #tpu.memory_space<hbm>> -> memref<800x16xf32, #tpu.memory_space<hbm>>
      %dma_start3A_289 = arith.constant 0 : i32
      %dma_start3A_290 = tpu.memref_slice %arg6[%add3A_283, %dma_start3A_289] : memref<100096x16xf32, #tpu.memory_space<hbm>> -> memref<800x16xf32, #tpu.memory_space<hbm>>
      %dma_start3A_291 = arith.constant 0 : i32
      %dma_start3A_292 = arith.constant 0 : i32
      %dma_start3A_293 = tpu.memref_slice %arg13[%dma_start3A_291, %dma_start3A_292] : memref<800x16xf32, #tpu.memory_space<vmem>> -> memref<800x16xf32, #tpu.memory_space<vmem>>
      tpu.enqueue_dma source(%dma_start3A_293 : memref<800x16xf32, #tpu.memory_space<vmem>>) target(%dma_start3A_290 : memref<800x16xf32, #tpu.memory_space<hbm>>) target_semaphore(%arg20 : memref<!tpu.dma_semaphore, #tpu.memory_space<semaphore_mem>>)
      %dma_wait3A_294 = arith.constant 0 : i32
      %dma_wait3A_295 = arith.constant 0 : i32
      %dma_wait3A_296 = tpu.memref_slice %arg12[%dma_wait3A_294, %dma_wait3A_295] : memref<800x16xf32, #tpu.memory_space<vmem>> -> memref<800x16xf32, #tpu.memory_space<vmem>>
      %dma_wait3A_297 = arith.constant 0 : i32
      %dma_wait3A_298 = arith.constant 0 : i32
      %dma_wait3A_299 = tpu.memref_slice %arg6[%dma_wait3A_297, %dma_wait3A_298] : memref<100096x16xf32, #tpu.memory_space<hbm>> -> memref<800x16xf32, #tpu.memory_space<hbm>>
      %dma_wait3A_300 = arith.constant 0 : i32
      %dma_wait3A_301 = arith.constant 0 : i32
      %dma_wait3A_302 = tpu.memref_slice %arg6[%dma_wait3A_300, %dma_wait3A_301] : memref<100096x16xf32, #tpu.memory_space<hbm>> -> memref<800x16xf32, #tpu.memory_space<hbm>>
      %dma_wait3A_303 = arith.constant 0 : i32
      %dma_wait3A_304 = arith.constant 0 : i32
      %dma_wait3A_305 = tpu.memref_slice %arg12[%dma_wait3A_303, %dma_wait3A_304] : memref<800x16xf32, #tpu.memory_space<vmem>> -> memref<800x16xf32, #tpu.memory_space<vmem>>
      tpu.wait_dma2 semaphore(%arg19 : memref<!tpu.dma_semaphore, #tpu.memory_space<semaphore_mem>>) src(%dma_wait3A_305 : memref<800x16xf32, #tpu.memory_space<vmem>>) dst(%dma_wait3A_302 : memref<800x16xf32, #tpu.memory_space<hbm>>)
      %add3A_306 = arith.constant 3200 : i32
      %add3A_307 = arith.addi %mul3A_0, %add3A_306 : i32
      "tpu.region"() ({
        %run_scoped3A = tpu.sem_alloc : memref<!tpu.dma_semaphore, #tpu.memory_space<semaphore_mem>>
        %dma_start3A_422 = arith.constant 0 : i32
        %dma_start3A_423 = arith.constant 0 : i32
        %dma_start3A_424 = tpu.memref_slice %arg12[%dma_start3A_422, %dma_start3A_423] : memref<800x16xf32, #tpu.memory_space<vmem>> -> memref<800x16xf32, #tpu.memory_space<vmem>>
        %dma_start3A_425 = arith.constant 0 : i32
        %dma_start3A_426 = tpu.memref_slice %arg14[%add3A_307, %dma_start3A_425] : memref<100096x16xf32, #tpu.memory_space<vmem_shared>> -> memref<800x16xf32, #tpu.memory_space<vmem_shared>>
        %dma_start3A_427 = arith.constant 0 : i32
        %dma_start3A_428 = arith.constant 0 : i32
        %dma_start3A_429 = tpu.memref_slice %arg12[%dma_start3A_427, %dma_start3A_428] : memref<800x16xf32, #tpu.memory_space<vmem>> -> memref<800x16xf32, #tpu.memory_space<vmem>>
        %dma_start3A_430 = arith.constant 0 : i32
        %dma_start3A_431 = tpu.memref_slice %arg14[%add3A_307, %dma_start3A_430] : memref<100096x16xf32, #tpu.memory_space<vmem_shared>> -> memref<800x16xf32, #tpu.memory_space<vmem_shared>>
        tpu.enqueue_dma source(%dma_start3A_431 : memref<800x16xf32, #tpu.memory_space<vmem_shared>>) target(%dma_start3A_429 : memref<800x16xf32, #tpu.memory_space<vmem>>) target_semaphore(%run_scoped3A : memref<!tpu.dma_semaphore, #tpu.memory_space<semaphore_mem>>)
        %dma_wait3A_432 = arith.constant 0 : i32
        %dma_wait3A_433 = arith.constant 0 : i32
        %dma_wait3A_434 = tpu.memref_slice %arg12[%dma_wait3A_432, %dma_wait3A_433] : memref<800x16xf32, #tpu.memory_space<vmem>> -> memref<800x16xf32, #tpu.memory_space<vmem>>
        %dma_wait3A_435 = arith.constant 0 : i32
        %dma_wait3A_436 = tpu.memref_slice %arg14[%add3A_307, %dma_wait3A_435] : memref<100096x16xf32, #tpu.memory_space<vmem_shared>> -> memref<800x16xf32, #tpu.memory_space<vmem_shared>>
        %dma_wait3A_437 = arith.constant 0 : i32
        %dma_wait3A_438 = arith.constant 0 : i32
        %dma_wait3A_439 = tpu.memref_slice %arg12[%dma_wait3A_437, %dma_wait3A_438] : memref<800x16xf32, #tpu.memory_space<vmem>> -> memref<800x16xf32, #tpu.memory_space<vmem>>
        %dma_wait3A_440 = arith.constant 0 : i32
        %dma_wait3A_441 = tpu.memref_slice %arg14[%add3A_307, %dma_wait3A_440] : memref<100096x16xf32, #tpu.memory_space<vmem_shared>> -> memref<800x16xf32, #tpu.memory_space<vmem_shared>>
        tpu.wait_dma2 semaphore(%run_scoped3A : memref<!tpu.dma_semaphore, #tpu.memory_space<semaphore_mem>>) src(%dma_wait3A_441 : memref<800x16xf32, #tpu.memory_space<vmem_shared>>) dst(%dma_wait3A_439 : memref<800x16xf32, #tpu.memory_space<vmem>>)
        tpu.yield
      }) : () -> ()
      %add3A_308 = arith.constant 3200 : i32
      %add3A_309 = arith.addi %mul3A_0, %add3A_308 : i32
      %dma_start3A_310 = arith.constant 0 : i32
      %dma_start3A_311 = arith.constant 0 : i32
      %dma_start3A_312 = tpu.memref_slice %arg12[%dma_start3A_310, %dma_start3A_311] : memref<800x16xf32, #tpu.memory_space<vmem>> -> memref<800x16xf32, #tpu.memory_space<vmem>>
      %dma_start3A_313 = arith.constant 0 : i32
      %dma_start3A_314 = tpu.memref_slice %arg6[%add3A_309, %dma_start3A_313] : memref<100096x16xf32, #tpu.memory_space<hbm>> -> memref<800x16xf32, #tpu.memory_space<hbm>>
      %dma_start3A_315 = arith.constant 0 : i32
      %dma_start3A_316 = tpu.memref_slice %arg6[%add3A_309, %dma_start3A_315] : memref<100096x16xf32, #tpu.memory_space<hbm>> -> memref<800x16xf32, #tpu.memory_space<hbm>>
      %dma_start3A_317 = arith.constant 0 : i32
      %dma_start3A_318 = arith.constant 0 : i32
      %dma_start3A_319 = tpu.memref_slice %arg12[%dma_start3A_317, %dma_start3A_318] : memref<800x16xf32, #tpu.memory_space<vmem>> -> memref<800x16xf32, #tpu.memory_space<vmem>>
      tpu.enqueue_dma source(%dma_start3A_319 : memref<800x16xf32, #tpu.memory_space<vmem>>) target(%dma_start3A_316 : memref<800x16xf32, #tpu.memory_space<hbm>>) target_semaphore(%arg19 : memref<!tpu.dma_semaphore, #tpu.memory_space<semaphore_mem>>)
      %dma_wait3A_320 = arith.constant 0 : i32
      %dma_wait3A_321 = arith.constant 0 : i32
      %dma_wait3A_322 = tpu.memref_slice %arg13[%dma_wait3A_320, %dma_wait3A_321] : memref<800x16xf32, #tpu.memory_space<vmem>> -> memref<800x16xf32, #tpu.memory_space<vmem>>
      %dma_wait3A_323 = arith.constant 0 : i32
      %dma_wait3A_324 = arith.constant 0 : i32
      %dma_wait3A_325 = tpu.memref_slice %arg6[%dma_wait3A_323, %dma_wait3A_324] : memref<100096x16xf32, #tpu.memory_space<hbm>> -> memref<800x16xf32, #tpu.memory_space<hbm>>
      %dma_wait3A_326 = arith.constant 0 : i32
      %dma_wait3A_327 = arith.constant 0 : i32
      %dma_wait3A_328 = tpu.memref_slice %arg6[%dma_wait3A_326, %dma_wait3A_327] : memref<100096x16xf32, #tpu.memory_space<hbm>> -> memref<800x16xf32, #tpu.memory_space<hbm>>
      %dma_wait3A_329 = arith.constant 0 : i32
      %dma_wait3A_330 = arith.constant 0 : i32
      %dma_wait3A_331 = tpu.memref_slice %arg13[%dma_wait3A_329, %dma_wait3A_330] : memref<800x16xf32, #tpu.memory_space<vmem>> -> memref<800x16xf32, #tpu.memory_space<vmem>>
      tpu.wait_dma2 semaphore(%arg20 : memref<!tpu.dma_semaphore, #tpu.memory_space<semaphore_mem>>) src(%dma_wait3A_331 : memref<800x16xf32, #tpu.memory_space<vmem>>) dst(%dma_wait3A_328 : memref<800x16xf32, #tpu.memory_space<hbm>>)
      %add3A_332 = arith.constant 4000 : i32
      %add3A_333 = arith.addi %mul3A_0, %add3A_332 : i32
      "tpu.region"() ({
        %run_scoped3A = tpu.sem_alloc : memref<!tpu.dma_semaphore, #tpu.memory_space<semaphore_mem>>
        %dma_start3A_422 = arith.constant 0 : i32
        %dma_start3A_423 = arith.constant 0 : i32
        %dma_start3A_424 = tpu.memref_slice %arg13[%dma_start3A_422, %dma_start3A_423] : memref<800x16xf32, #tpu.memory_space<vmem>> -> memref<800x16xf32, #tpu.memory_space<vmem>>
        %dma_start3A_425 = arith.constant 0 : i32
        %dma_start3A_426 = tpu.memref_slice %arg14[%add3A_333, %dma_start3A_425] : memref<100096x16xf32, #tpu.memory_space<vmem_shared>> -> memref<800x16xf32, #tpu.memory_space<vmem_shared>>
        %dma_start3A_427 = arith.constant 0 : i32
        %dma_start3A_428 = arith.constant 0 : i32
        %dma_start3A_429 = tpu.memref_slice %arg13[%dma_start3A_427, %dma_start3A_428] : memref<800x16xf32, #tpu.memory_space<vmem>> -> memref<800x16xf32, #tpu.memory_space<vmem>>
        %dma_start3A_430 = arith.constant 0 : i32
        %dma_start3A_431 = tpu.memref_slice %arg14[%add3A_333, %dma_start3A_430] : memref<100096x16xf32, #tpu.memory_space<vmem_shared>> -> memref<800x16xf32, #tpu.memory_space<vmem_shared>>
        tpu.enqueue_dma source(%dma_start3A_431 : memref<800x16xf32, #tpu.memory_space<vmem_shared>>) target(%dma_start3A_429 : memref<800x16xf32, #tpu.memory_space<vmem>>) target_semaphore(%run_scoped3A : memref<!tpu.dma_semaphore, #tpu.memory_space<semaphore_mem>>)
        %dma_wait3A_432 = arith.constant 0 : i32
        %dma_wait3A_433 = arith.constant 0 : i32
        %dma_wait3A_434 = tpu.memref_slice %arg13[%dma_wait3A_432, %dma_wait3A_433] : memref<800x16xf32, #tpu.memory_space<vmem>> -> memref<800x16xf32, #tpu.memory_space<vmem>>
        %dma_wait3A_435 = arith.constant 0 : i32
        %dma_wait3A_436 = tpu.memref_slice %arg14[%add3A_333, %dma_wait3A_435] : memref<100096x16xf32, #tpu.memory_space<vmem_shared>> -> memref<800x16xf32, #tpu.memory_space<vmem_shared>>
        %dma_wait3A_437 = arith.constant 0 : i32
        %dma_wait3A_438 = arith.constant 0 : i32
        %dma_wait3A_439 = tpu.memref_slice %arg13[%dma_wait3A_437, %dma_wait3A_438] : memref<800x16xf32, #tpu.memory_space<vmem>> -> memref<800x16xf32, #tpu.memory_space<vmem>>
        %dma_wait3A_440 = arith.constant 0 : i32
        %dma_wait3A_441 = tpu.memref_slice %arg14[%add3A_333, %dma_wait3A_440] : memref<100096x16xf32, #tpu.memory_space<vmem_shared>> -> memref<800x16xf32, #tpu.memory_space<vmem_shared>>
        tpu.wait_dma2 semaphore(%run_scoped3A : memref<!tpu.dma_semaphore, #tpu.memory_space<semaphore_mem>>) src(%dma_wait3A_441 : memref<800x16xf32, #tpu.memory_space<vmem_shared>>) dst(%dma_wait3A_439 : memref<800x16xf32, #tpu.memory_space<vmem>>)
        tpu.yield
      }) : () -> ()
      %add3A_334 = arith.constant 4000 : i32
      %add3A_335 = arith.addi %mul3A_0, %add3A_334 : i32
      %dma_start3A_336 = arith.constant 0 : i32
      %dma_start3A_337 = arith.constant 0 : i32
      %dma_start3A_338 = tpu.memref_slice %arg13[%dma_start3A_336, %dma_start3A_337] : memref<800x16xf32, #tpu.memory_space<vmem>> -> memref<800x16xf32, #tpu.memory_space<vmem>>
      %dma_start3A_339 = arith.constant 0 : i32
      %dma_start3A_340 = tpu.memref_slice %arg6[%add3A_335, %dma_start3A_339] : memref<100096x16xf32, #tpu.memory_space<hbm>> -> memref<800x16xf32, #tpu.memory_space<hbm>>
      %dma_start3A_341 = arith.constant 0 : i32
      %dma_start3A_342 = tpu.memref_slice %arg6[%add3A_335, %dma_start3A_341] : memref<100096x16xf32, #tpu.memory_space<hbm>> -> memref<800x16xf32, #tpu.memory_space<hbm>>
      %dma_start3A_343 = arith.constant 0 : i32
      %dma_start3A_344 = arith.constant 0 : i32
      %dma_start3A_345 = tpu.memref_slice %arg13[%dma_start3A_343, %dma_start3A_344] : memref<800x16xf32, #tpu.memory_space<vmem>> -> memref<800x16xf32, #tpu.memory_space<vmem>>
      tpu.enqueue_dma source(%dma_start3A_345 : memref<800x16xf32, #tpu.memory_space<vmem>>) target(%dma_start3A_342 : memref<800x16xf32, #tpu.memory_space<hbm>>) target_semaphore(%arg20 : memref<!tpu.dma_semaphore, #tpu.memory_space<semaphore_mem>>)
      %dma_wait3A_346 = arith.constant 0 : i32
      %dma_wait3A_347 = arith.constant 0 : i32
      %dma_wait3A_348 = tpu.memref_slice %arg12[%dma_wait3A_346, %dma_wait3A_347] : memref<800x16xf32, #tpu.memory_space<vmem>> -> memref<800x16xf32, #tpu.memory_space<vmem>>
      %dma_wait3A_349 = arith.constant 0 : i32
      %dma_wait3A_350 = arith.constant 0 : i32
      %dma_wait3A_351 = tpu.memref_slice %arg6[%dma_wait3A_349, %dma_wait3A_350] : memref<100096x16xf32, #tpu.memory_space<hbm>> -> memref<800x16xf32, #tpu.memory_space<hbm>>
      %dma_wait3A_352 = arith.constant 0 : i32
      %dma_wait3A_353 = arith.constant 0 : i32
      %dma_wait3A_354 = tpu.memref_slice %arg6[%dma_wait3A_352, %dma_wait3A_353] : memref<100096x16xf32, #tpu.memory_space<hbm>> -> memref<800x16xf32, #tpu.memory_space<hbm>>
      %dma_wait3A_355 = arith.constant 0 : i32
      %dma_wait3A_356 = arith.constant 0 : i32
      %dma_wait3A_357 = tpu.memref_slice %arg12[%dma_wait3A_355, %dma_wait3A_356] : memref<800x16xf32, #tpu.memory_space<vmem>> -> memref<800x16xf32, #tpu.memory_space<vmem>>
      tpu.wait_dma2 semaphore(%arg19 : memref<!tpu.dma_semaphore, #tpu.memory_space<semaphore_mem>>) src(%dma_wait3A_357 : memref<800x16xf32, #tpu.memory_space<vmem>>) dst(%dma_wait3A_354 : memref<800x16xf32, #tpu.memory_space<hbm>>)
      %add3A_358 = arith.constant 4800 : i32
      %add3A_359 = arith.addi %mul3A_0, %add3A_358 : i32
      "tpu.region"() ({
        %run_scoped3A = tpu.sem_alloc : memref<!tpu.dma_semaphore, #tpu.memory_space<semaphore_mem>>
        %dma_start3A_422 = arith.constant 0 : i32
        %dma_start3A_423 = arith.constant 0 : i32
        %dma_start3A_424 = tpu.memref_slice %arg12[%dma_start3A_422, %dma_start3A_423] : memref<800x16xf32, #tpu.memory_space<vmem>> -> memref<800x16xf32, #tpu.memory_space<vmem>>
        %dma_start3A_425 = arith.constant 0 : i32
        %dma_start3A_426 = tpu.memref_slice %arg14[%add3A_359, %dma_start3A_425] : memref<100096x16xf32, #tpu.memory_space<vmem_shared>> -> memref<800x16xf32, #tpu.memory_space<vmem_shared>>
        %dma_start3A_427 = arith.constant 0 : i32
        %dma_start3A_428 = arith.constant 0 : i32
        %dma_start3A_429 = tpu.memref_slice %arg12[%dma_start3A_427, %dma_start3A_428] : memref<800x16xf32, #tpu.memory_space<vmem>> -> memref<800x16xf32, #tpu.memory_space<vmem>>
        %dma_start3A_430 = arith.constant 0 : i32
        %dma_start3A_431 = tpu.memref_slice %arg14[%add3A_359, %dma_start3A_430] : memref<100096x16xf32, #tpu.memory_space<vmem_shared>> -> memref<800x16xf32, #tpu.memory_space<vmem_shared>>
        tpu.enqueue_dma source(%dma_start3A_431 : memref<800x16xf32, #tpu.memory_space<vmem_shared>>) target(%dma_start3A_429 : memref<800x16xf32, #tpu.memory_space<vmem>>) target_semaphore(%run_scoped3A : memref<!tpu.dma_semaphore, #tpu.memory_space<semaphore_mem>>)
        %dma_wait3A_432 = arith.constant 0 : i32
        %dma_wait3A_433 = arith.constant 0 : i32
        %dma_wait3A_434 = tpu.memref_slice %arg12[%dma_wait3A_432, %dma_wait3A_433] : memref<800x16xf32, #tpu.memory_space<vmem>> -> memref<800x16xf32, #tpu.memory_space<vmem>>
        %dma_wait3A_435 = arith.constant 0 : i32
        %dma_wait3A_436 = tpu.memref_slice %arg14[%add3A_359, %dma_wait3A_435] : memref<100096x16xf32, #tpu.memory_space<vmem_shared>> -> memref<800x16xf32, #tpu.memory_space<vmem_shared>>
        %dma_wait3A_437 = arith.constant 0 : i32
        %dma_wait3A_438 = arith.constant 0 : i32
        %dma_wait3A_439 = tpu.memref_slice %arg12[%dma_wait3A_437, %dma_wait3A_438] : memref<800x16xf32, #tpu.memory_space<vmem>> -> memref<800x16xf32, #tpu.memory_space<vmem>>
        %dma_wait3A_440 = arith.constant 0 : i32
        %dma_wait3A_441 = tpu.memref_slice %arg14[%add3A_359, %dma_wait3A_440] : memref<100096x16xf32, #tpu.memory_space<vmem_shared>> -> memref<800x16xf32, #tpu.memory_space<vmem_shared>>
        tpu.wait_dma2 semaphore(%run_scoped3A : memref<!tpu.dma_semaphore, #tpu.memory_space<semaphore_mem>>) src(%dma_wait3A_441 : memref<800x16xf32, #tpu.memory_space<vmem_shared>>) dst(%dma_wait3A_439 : memref<800x16xf32, #tpu.memory_space<vmem>>)
        tpu.yield
      }) : () -> ()
      %add3A_360 = arith.constant 4800 : i32
      %add3A_361 = arith.addi %mul3A_0, %add3A_360 : i32
      %dma_start3A_362 = arith.constant 0 : i32
      %dma_start3A_363 = arith.constant 0 : i32
      %dma_start3A_364 = tpu.memref_slice %arg12[%dma_start3A_362, %dma_start3A_363] : memref<800x16xf32, #tpu.memory_space<vmem>> -> memref<800x16xf32, #tpu.memory_space<vmem>>
      %dma_start3A_365 = arith.constant 0 : i32
      %dma_start3A_366 = tpu.memref_slice %arg6[%add3A_361, %dma_start3A_365] : memref<100096x16xf32, #tpu.memory_space<hbm>> -> memref<800x16xf32, #tpu.memory_space<hbm>>
      %dma_start3A_367 = arith.constant 0 : i32
      %dma_start3A_368 = tpu.memref_slice %arg6[%add3A_361, %dma_start3A_367] : memref<100096x16xf32, #tpu.memory_space<hbm>> -> memref<800x16xf32, #tpu.memory_space<hbm>>
      %dma_start3A_369 = arith.constant 0 : i32
      %dma_start3A_370 = arith.constant 0 : i32
      %dma_start3A_371 = tpu.memref_slice %arg12[%dma_start3A_369, %dma_start3A_370] : memref<800x16xf32, #tpu.memory_space<vmem>> -> memref<800x16xf32, #tpu.memory_space<vmem>>
      tpu.enqueue_dma source(%dma_start3A_371 : memref<800x16xf32, #tpu.memory_space<vmem>>) target(%dma_start3A_368 : memref<800x16xf32, #tpu.memory_space<hbm>>) target_semaphore(%arg19 : memref<!tpu.dma_semaphore, #tpu.memory_space<semaphore_mem>>)
      %dma_wait3A_372 = arith.constant 0 : i32
      %dma_wait3A_373 = arith.constant 0 : i32
      %dma_wait3A_374 = tpu.memref_slice %arg13[%dma_wait3A_372, %dma_wait3A_373] : memref<800x16xf32, #tpu.memory_space<vmem>> -> memref<800x16xf32, #tpu.memory_space<vmem>>
      %dma_wait3A_375 = arith.constant 0 : i32
      %dma_wait3A_376 = arith.constant 0 : i32
      %dma_wait3A_377 = tpu.memref_slice %arg6[%dma_wait3A_375, %dma_wait3A_376] : memref<100096x16xf32, #tpu.memory_space<hbm>> -> memref<800x16xf32, #tpu.memory_space<hbm>>
      %dma_wait3A_378 = arith.constant 0 : i32
      %dma_wait3A_379 = arith.constant 0 : i32
      %dma_wait3A_380 = tpu.memref_slice %arg6[%dma_wait3A_378, %dma_wait3A_379] : memref<100096x16xf32, #tpu.memory_space<hbm>> -> memref<800x16xf32, #tpu.memory_space<hbm>>
      %dma_wait3A_381 = arith.constant 0 : i32
      %dma_wait3A_382 = arith.constant 0 : i32
      %dma_wait3A_383 = tpu.memref_slice %arg13[%dma_wait3A_381, %dma_wait3A_382] : memref<800x16xf32, #tpu.memory_space<vmem>> -> memref<800x16xf32, #tpu.memory_space<vmem>>
      tpu.wait_dma2 semaphore(%arg20 : memref<!tpu.dma_semaphore, #tpu.memory_space<semaphore_mem>>) src(%dma_wait3A_383 : memref<800x16xf32, #tpu.memory_space<vmem>>) dst(%dma_wait3A_380 : memref<800x16xf32, #tpu.memory_space<hbm>>)
      %add3A_384 = arith.constant 5600 : i32
      %add3A_385 = arith.addi %mul3A_0, %add3A_384 : i32
      "tpu.region"() ({
        %run_scoped3A = tpu.sem_alloc : memref<!tpu.dma_semaphore, #tpu.memory_space<semaphore_mem>>
        %dma_start3A_422 = arith.constant 0 : i32
        %dma_start3A_423 = arith.constant 0 : i32
        %dma_start3A_424 = tpu.memref_slice %arg13[%dma_start3A_422, %dma_start3A_423] : memref<800x16xf32, #tpu.memory_space<vmem>> -> memref<656x16xf32, #tpu.memory_space<vmem>>
        %dma_start3A_425 = arith.constant 0 : i32
        %dma_start3A_426 = tpu.memref_slice %arg14[%add3A_385, %dma_start3A_425] : memref<100096x16xf32, #tpu.memory_space<vmem_shared>> -> memref<656x16xf32, #tpu.memory_space<vmem_shared>>
        %dma_start3A_427 = arith.constant 0 : i32
        %dma_start3A_428 = arith.constant 0 : i32
        %dma_start3A_429 = tpu.memref_slice %arg13[%dma_start3A_427, %dma_start3A_428] : memref<800x16xf32, #tpu.memory_space<vmem>> -> memref<656x16xf32, #tpu.memory_space<vmem>>
        %dma_start3A_430 = arith.constant 0 : i32
        %dma_start3A_431 = tpu.memref_slice %arg14[%add3A_385, %dma_start3A_430] : memref<100096x16xf32, #tpu.memory_space<vmem_shared>> -> memref<656x16xf32, #tpu.memory_space<vmem_shared>>
        tpu.enqueue_dma source(%dma_start3A_431 : memref<656x16xf32, #tpu.memory_space<vmem_shared>>) target(%dma_start3A_429 : memref<656x16xf32, #tpu.memory_space<vmem>>) target_semaphore(%run_scoped3A : memref<!tpu.dma_semaphore, #tpu.memory_space<semaphore_mem>>)
        %dma_wait3A_432 = arith.constant 0 : i32
        %dma_wait3A_433 = arith.constant 0 : i32
        %dma_wait3A_434 = tpu.memref_slice %arg13[%dma_wait3A_432, %dma_wait3A_433] : memref<800x16xf32, #tpu.memory_space<vmem>> -> memref<656x16xf32, #tpu.memory_space<vmem>>
        %dma_wait3A_435 = arith.constant 0 : i32
        %dma_wait3A_436 = tpu.memref_slice %arg14[%add3A_385, %dma_wait3A_435] : memref<100096x16xf32, #tpu.memory_space<vmem_shared>> -> memref<656x16xf32, #tpu.memory_space<vmem_shared>>
        %dma_wait3A_437 = arith.constant 0 : i32
        %dma_wait3A_438 = arith.constant 0 : i32
        %dma_wait3A_439 = tpu.memref_slice %arg13[%dma_wait3A_437, %dma_wait3A_438] : memref<800x16xf32, #tpu.memory_space<vmem>> -> memref<656x16xf32, #tpu.memory_space<vmem>>
        %dma_wait3A_440 = arith.constant 0 : i32
        %dma_wait3A_441 = tpu.memref_slice %arg14[%add3A_385, %dma_wait3A_440] : memref<100096x16xf32, #tpu.memory_space<vmem_shared>> -> memref<656x16xf32, #tpu.memory_space<vmem_shared>>
        tpu.wait_dma2 semaphore(%run_scoped3A : memref<!tpu.dma_semaphore, #tpu.memory_space<semaphore_mem>>) src(%dma_wait3A_441 : memref<656x16xf32, #tpu.memory_space<vmem_shared>>) dst(%dma_wait3A_439 : memref<656x16xf32, #tpu.memory_space<vmem>>)
        tpu.yield
      }) : () -> ()
      %add3A_386 = arith.constant 5600 : i32
      %add3A_387 = arith.addi %mul3A_0, %add3A_386 : i32
      %dma_start3A_388 = arith.constant 0 : i32
      %dma_start3A_389 = arith.constant 0 : i32
      %dma_start3A_390 = tpu.memref_slice %arg13[%dma_start3A_388, %dma_start3A_389] : memref<800x16xf32, #tpu.memory_space<vmem>> -> memref<656x16xf32, #tpu.memory_space<vmem>>
      %dma_start3A_391 = arith.constant 0 : i32
      %dma_start3A_392 = tpu.memref_slice %arg6[%add3A_387, %dma_start3A_391] : memref<100096x16xf32, #tpu.memory_space<hbm>> -> memref<656x16xf32, #tpu.memory_space<hbm>>
      %dma_start3A_393 = arith.constant 0 : i32
      %dma_start3A_394 = tpu.memref_slice %arg6[%add3A_387, %dma_start3A_393] : memref<100096x16xf32, #tpu.memory_space<hbm>> -> memref<656x16xf32, #tpu.memory_space<hbm>>
      %dma_start3A_395 = arith.constant 0 : i32
      %dma_start3A_396 = arith.constant 0 : i32
      %dma_start3A_397 = tpu.memref_slice %arg13[%dma_start3A_395, %dma_start3A_396] : memref<800x16xf32, #tpu.memory_space<vmem>> -> memref<656x16xf32, #tpu.memory_space<vmem>>
      tpu.enqueue_dma source(%dma_start3A_397 : memref<656x16xf32, #tpu.memory_space<vmem>>) target(%dma_start3A_394 : memref<656x16xf32, #tpu.memory_space<hbm>>) target_semaphore(%arg20 : memref<!tpu.dma_semaphore, #tpu.memory_space<semaphore_mem>>)
      %dma_wait3A_398 = arith.constant 0 : i32
      %dma_wait3A_399 = arith.constant 0 : i32
      %dma_wait3A_400 = tpu.memref_slice %arg12[%dma_wait3A_398, %dma_wait3A_399] : memref<800x16xf32, #tpu.memory_space<vmem>> -> memref<800x16xf32, #tpu.memory_space<vmem>>
      %dma_wait3A_401 = arith.constant 0 : i32
      %dma_wait3A_402 = arith.constant 0 : i32
      %dma_wait3A_403 = tpu.memref_slice %arg6[%dma_wait3A_401, %dma_wait3A_402] : memref<100096x16xf32, #tpu.memory_space<hbm>> -> memref<800x16xf32, #tpu.memory_space<hbm>>
      %dma_wait3A_404 = arith.constant 0 : i32
      %dma_wait3A_405 = arith.constant 0 : i32
      %dma_wait3A_406 = tpu.memref_slice %arg6[%dma_wait3A_404, %dma_wait3A_405] : memref<100096x16xf32, #tpu.memory_space<hbm>> -> memref<800x16xf32, #tpu.memory_space<hbm>>
      %dma_wait3A_407 = arith.constant 0 : i32
      %dma_wait3A_408 = arith.constant 0 : i32
      %dma_wait3A_409 = tpu.memref_slice %arg12[%dma_wait3A_407, %dma_wait3A_408] : memref<800x16xf32, #tpu.memory_space<vmem>> -> memref<800x16xf32, #tpu.memory_space<vmem>>
      tpu.wait_dma2 semaphore(%arg19 : memref<!tpu.dma_semaphore, #tpu.memory_space<semaphore_mem>>) src(%dma_wait3A_409 : memref<800x16xf32, #tpu.memory_space<vmem>>) dst(%dma_wait3A_406 : memref<800x16xf32, #tpu.memory_space<hbm>>)
      %dma_wait3A_410 = arith.constant 0 : i32
      %dma_wait3A_411 = arith.constant 0 : i32
      %dma_wait3A_412 = tpu.memref_slice %arg13[%dma_wait3A_410, %dma_wait3A_411] : memref<800x16xf32, #tpu.memory_space<vmem>> -> memref<656x16xf32, #tpu.memory_space<vmem>>
      %dma_wait3A_413 = arith.constant 0 : i32
      %dma_wait3A_414 = arith.constant 0 : i32
      %dma_wait3A_415 = tpu.memref_slice %arg6[%dma_wait3A_413, %dma_wait3A_414] : memref<100096x16xf32, #tpu.memory_space<hbm>> -> memref<656x16xf32, #tpu.memory_space<hbm>>
      %dma_wait3A_416 = arith.constant 0 : i32
      %dma_wait3A_417 = arith.constant 0 : i32
      %dma_wait3A_418 = tpu.memref_slice %arg6[%dma_wait3A_416, %dma_wait3A_417] : memref<100096x16xf32, #tpu.memory_space<hbm>> -> memref<656x16xf32, #tpu.memory_space<hbm>>
      %dma_wait3A_419 = arith.constant 0 : i32
      %dma_wait3A_420 = arith.constant 0 : i32
      %dma_wait3A_421 = tpu.memref_slice %arg13[%dma_wait3A_419, %dma_wait3A_420] : memref<800x16xf32, #tpu.memory_space<vmem>> -> memref<656x16xf32, #tpu.memory_space<vmem>>
      tpu.wait_dma2 semaphore(%arg20 : memref<!tpu.dma_semaphore, #tpu.memory_space<semaphore_mem>>) src(%dma_wait3A_421 : memref<656x16xf32, #tpu.memory_space<vmem>>) dst(%dma_wait3A_418 : memref<656x16xf32, #tpu.memory_space<hbm>>)
    } else {
    }
    %eq3A_209 = arith.constant 1 : i32
    %eq3A_210 = arith.cmpi eq, %arg0, %eq3A_209 : i32
    %convert_element_type3A_211 = arith.extui %eq3A_210 : i1 to i32
    %cond3A_212 = arith.constant 0 : i32
    %cond3A_213 = arith.cmpi ne, %convert_element_type3A_211, %cond3A_212 : i32
    scf.if %cond3A_213 {
      %add3A_214 = arith.constant 0 : i32
      %add3A_215 = arith.addi %mul3A_0, %add3A_214 : i32
      "tpu.region"() ({
        %run_scoped3A = tpu.sem_alloc : memref<!tpu.dma_semaphore, #tpu.memory_space<semaphore_mem>>
        %dma_start3A_422 = arith.constant 0 : i32
        %dma_start3A_423 = arith.constant 0 : i32
        %dma_start3A_424 = tpu.memref_slice %arg12[%dma_start3A_422, %dma_start3A_423] : memref<800x16xf32, #tpu.memory_space<vmem>> -> memref<800x16xf32, #tpu.memory_space<vmem>>
        %dma_start3A_425 = arith.constant 0 : i32
        %dma_start3A_426 = tpu.memref_slice %arg14[%add3A_215, %dma_start3A_425] : memref<100096x16xf32, #tpu.memory_space<vmem_shared>> -> memref<800x16xf32, #tpu.memory_space<vmem_shared>>
        %dma_start3A_427 = arith.constant 0 : i32
        %dma_start3A_428 = arith.constant 0 : i32
        %dma_start3A_429 = tpu.memref_slice %arg12[%dma_start3A_427, %dma_start3A_428] : memref<800x16xf32, #tpu.memory_space<vmem>> -> memref<800x16xf32, #tpu.memory_space<vmem>>
        %dma_start3A_430 = arith.constant 0 : i32
        %dma_start3A_431 = tpu.memref_slice %arg14[%add3A_215, %dma_start3A_430] : memref<100096x16xf32, #tpu.memory_space<vmem_shared>> -> memref<800x16xf32, #tpu.memory_space<vmem_shared>>
        tpu.enqueue_dma source(%dma_start3A_431 : memref<800x16xf32, #tpu.memory_space<vmem_shared>>) target(%dma_start3A_429 : memref<800x16xf32, #tpu.memory_space<vmem>>) target_semaphore(%run_scoped3A : memref<!tpu.dma_semaphore, #tpu.memory_space<semaphore_mem>>)
        %dma_wait3A_432 = arith.constant 0 : i32
        %dma_wait3A_433 = arith.constant 0 : i32
        %dma_wait3A_434 = tpu.memref_slice %arg12[%dma_wait3A_432, %dma_wait3A_433] : memref<800x16xf32, #tpu.memory_space<vmem>> -> memref<800x16xf32, #tpu.memory_space<vmem>>
        %dma_wait3A_435 = arith.constant 0 : i32
        %dma_wait3A_436 = tpu.memref_slice %arg14[%add3A_215, %dma_wait3A_435] : memref<100096x16xf32, #tpu.memory_space<vmem_shared>> -> memref<800x16xf32, #tpu.memory_space<vmem_shared>>
        %dma_wait3A_437 = arith.constant 0 : i32
        %dma_wait3A_438 = arith.constant 0 : i32
        %dma_wait3A_439 = tpu.memref_slice %arg12[%dma_wait3A_437, %dma_wait3A_438] : memref<800x16xf32, #tpu.memory_space<vmem>> -> memref<800x16xf32, #tpu.memory_space<vmem>>
        %dma_wait3A_440 = arith.constant 0 : i32
        %dma_wait3A_441 = tpu.memref_slice %arg14[%add3A_215, %dma_wait3A_440] : memref<100096x16xf32, #tpu.memory_space<vmem_shared>> -> memref<800x16xf32, #tpu.memory_space<vmem_shared>>
        tpu.wait_dma2 semaphore(%run_scoped3A : memref<!tpu.dma_semaphore, #tpu.memory_space<semaphore_mem>>) src(%dma_wait3A_441 : memref<800x16xf32, #tpu.memory_space<vmem_shared>>) dst(%dma_wait3A_439 : memref<800x16xf32, #tpu.memory_space<vmem>>)
        tpu.yield
      }) : () -> ()
      %add3A_216 = arith.constant 0 : i32
      %add3A_217 = arith.addi %mul3A_0, %add3A_216 : i32
      %dma_start3A_218 = arith.constant 0 : i32
      %dma_start3A_219 = arith.constant 0 : i32
      %dma_start3A_220 = tpu.memref_slice %arg12[%dma_start3A_218, %dma_start3A_219] : memref<800x16xf32, #tpu.memory_space<vmem>> -> memref<800x16xf32, #tpu.memory_space<vmem>>
      %dma_start3A_221 = arith.constant 0 : i32
      %dma_start3A_222 = tpu.memref_slice %arg7[%add3A_217, %dma_start3A_221] : memref<100096x16xf32, #tpu.memory_space<hbm>> -> memref<800x16xf32, #tpu.memory_space<hbm>>
      %dma_start3A_223 = arith.constant 0 : i32
      %dma_start3A_224 = tpu.memref_slice %arg7[%add3A_217, %dma_start3A_223] : memref<100096x16xf32, #tpu.memory_space<hbm>> -> memref<800x16xf32, #tpu.memory_space<hbm>>
      %dma_start3A_225 = arith.constant 0 : i32
      %dma_start3A_226 = arith.constant 0 : i32
      %dma_start3A_227 = tpu.memref_slice %arg12[%dma_start3A_225, %dma_start3A_226] : memref<800x16xf32, #tpu.memory_space<vmem>> -> memref<800x16xf32, #tpu.memory_space<vmem>>
      tpu.enqueue_dma source(%dma_start3A_227 : memref<800x16xf32, #tpu.memory_space<vmem>>) target(%dma_start3A_224 : memref<800x16xf32, #tpu.memory_space<hbm>>) target_semaphore(%arg19 : memref<!tpu.dma_semaphore, #tpu.memory_space<semaphore_mem>>)
      %add3A_228 = arith.constant 800 : i32
      %add3A_229 = arith.addi %mul3A_0, %add3A_228 : i32
      "tpu.region"() ({
        %run_scoped3A = tpu.sem_alloc : memref<!tpu.dma_semaphore, #tpu.memory_space<semaphore_mem>>
        %dma_start3A_422 = arith.constant 0 : i32
        %dma_start3A_423 = arith.constant 0 : i32
        %dma_start3A_424 = tpu.memref_slice %arg13[%dma_start3A_422, %dma_start3A_423] : memref<800x16xf32, #tpu.memory_space<vmem>> -> memref<800x16xf32, #tpu.memory_space<vmem>>
        %dma_start3A_425 = arith.constant 0 : i32
        %dma_start3A_426 = tpu.memref_slice %arg14[%add3A_229, %dma_start3A_425] : memref<100096x16xf32, #tpu.memory_space<vmem_shared>> -> memref<800x16xf32, #tpu.memory_space<vmem_shared>>
        %dma_start3A_427 = arith.constant 0 : i32
        %dma_start3A_428 = arith.constant 0 : i32
        %dma_start3A_429 = tpu.memref_slice %arg13[%dma_start3A_427, %dma_start3A_428] : memref<800x16xf32, #tpu.memory_space<vmem>> -> memref<800x16xf32, #tpu.memory_space<vmem>>
        %dma_start3A_430 = arith.constant 0 : i32
        %dma_start3A_431 = tpu.memref_slice %arg14[%add3A_229, %dma_start3A_430] : memref<100096x16xf32, #tpu.memory_space<vmem_shared>> -> memref<800x16xf32, #tpu.memory_space<vmem_shared>>
        tpu.enqueue_dma source(%dma_start3A_431 : memref<800x16xf32, #tpu.memory_space<vmem_shared>>) target(%dma_start3A_429 : memref<800x16xf32, #tpu.memory_space<vmem>>) target_semaphore(%run_scoped3A : memref<!tpu.dma_semaphore, #tpu.memory_space<semaphore_mem>>)
        %dma_wait3A_432 = arith.constant 0 : i32
        %dma_wait3A_433 = arith.constant 0 : i32
        %dma_wait3A_434 = tpu.memref_slice %arg13[%dma_wait3A_432, %dma_wait3A_433] : memref<800x16xf32, #tpu.memory_space<vmem>> -> memref<800x16xf32, #tpu.memory_space<vmem>>
        %dma_wait3A_435 = arith.constant 0 : i32
        %dma_wait3A_436 = tpu.memref_slice %arg14[%add3A_229, %dma_wait3A_435] : memref<100096x16xf32, #tpu.memory_space<vmem_shared>> -> memref<800x16xf32, #tpu.memory_space<vmem_shared>>
        %dma_wait3A_437 = arith.constant 0 : i32
        %dma_wait3A_438 = arith.constant 0 : i32
        %dma_wait3A_439 = tpu.memref_slice %arg13[%dma_wait3A_437, %dma_wait3A_438] : memref<800x16xf32, #tpu.memory_space<vmem>> -> memref<800x16xf32, #tpu.memory_space<vmem>>
        %dma_wait3A_440 = arith.constant 0 : i32
        %dma_wait3A_441 = tpu.memref_slice %arg14[%add3A_229, %dma_wait3A_440] : memref<100096x16xf32, #tpu.memory_space<vmem_shared>> -> memref<800x16xf32, #tpu.memory_space<vmem_shared>>
        tpu.wait_dma2 semaphore(%run_scoped3A : memref<!tpu.dma_semaphore, #tpu.memory_space<semaphore_mem>>) src(%dma_wait3A_441 : memref<800x16xf32, #tpu.memory_space<vmem_shared>>) dst(%dma_wait3A_439 : memref<800x16xf32, #tpu.memory_space<vmem>>)
        tpu.yield
      }) : () -> ()
      %add3A_230 = arith.constant 800 : i32
      %add3A_231 = arith.addi %mul3A_0, %add3A_230 : i32
      %dma_start3A_232 = arith.constant 0 : i32
      %dma_start3A_233 = arith.constant 0 : i32
      %dma_start3A_234 = tpu.memref_slice %arg13[%dma_start3A_232, %dma_start3A_233] : memref<800x16xf32, #tpu.memory_space<vmem>> -> memref<800x16xf32, #tpu.memory_space<vmem>>
      %dma_start3A_235 = arith.constant 0 : i32
      %dma_start3A_236 = tpu.memref_slice %arg7[%add3A_231, %dma_start3A_235] : memref<100096x16xf32, #tpu.memory_space<hbm>> -> memref<800x16xf32, #tpu.memory_space<hbm>>
      %dma_start3A_237 = arith.constant 0 : i32
      %dma_start3A_238 = tpu.memref_slice %arg7[%add3A_231, %dma_start3A_237] : memref<100096x16xf32, #tpu.memory_space<hbm>> -> memref<800x16xf32, #tpu.memory_space<hbm>>
      %dma_start3A_239 = arith.constant 0 : i32
      %dma_start3A_240 = arith.constant 0 : i32
      %dma_start3A_241 = tpu.memref_slice %arg13[%dma_start3A_239, %dma_start3A_240] : memref<800x16xf32, #tpu.memory_space<vmem>> -> memref<800x16xf32, #tpu.memory_space<vmem>>
      tpu.enqueue_dma source(%dma_start3A_241 : memref<800x16xf32, #tpu.memory_space<vmem>>) target(%dma_start3A_238 : memref<800x16xf32, #tpu.memory_space<hbm>>) target_semaphore(%arg20 : memref<!tpu.dma_semaphore, #tpu.memory_space<semaphore_mem>>)
      %dma_wait3A_242 = arith.constant 0 : i32
      %dma_wait3A_243 = arith.constant 0 : i32
      %dma_wait3A_244 = tpu.memref_slice %arg12[%dma_wait3A_242, %dma_wait3A_243] : memref<800x16xf32, #tpu.memory_space<vmem>> -> memref<800x16xf32, #tpu.memory_space<vmem>>
      %dma_wait3A_245 = arith.constant 0 : i32
      %dma_wait3A_246 = arith.constant 0 : i32
      %dma_wait3A_247 = tpu.memref_slice %arg7[%dma_wait3A_245, %dma_wait3A_246] : memref<100096x16xf32, #tpu.memory_space<hbm>> -> memref<800x16xf32, #tpu.memory_space<hbm>>
      %dma_wait3A_248 = arith.constant 0 : i32
      %dma_wait3A_249 = arith.constant 0 : i32
      %dma_wait3A_250 = tpu.memref_slice %arg7[%dma_wait3A_248, %dma_wait3A_249] : memref<100096x16xf32, #tpu.memory_space<hbm>> -> memref<800x16xf32, #tpu.memory_space<hbm>>
      %dma_wait3A_251 = arith.constant 0 : i32
      %dma_wait3A_252 = arith.constant 0 : i32
      %dma_wait3A_253 = tpu.memref_slice %arg12[%dma_wait3A_251, %dma_wait3A_252] : memref<800x16xf32, #tpu.memory_space<vmem>> -> memref<800x16xf32, #tpu.memory_space<vmem>>
      tpu.wait_dma2 semaphore(%arg19 : memref<!tpu.dma_semaphore, #tpu.memory_space<semaphore_mem>>) src(%dma_wait3A_253 : memref<800x16xf32, #tpu.memory_space<vmem>>) dst(%dma_wait3A_250 : memref<800x16xf32, #tpu.memory_space<hbm>>)
      %add3A_254 = arith.constant 1600 : i32
      %add3A_255 = arith.addi %mul3A_0, %add3A_254 : i32
      "tpu.region"() ({
        %run_scoped3A = tpu.sem_alloc : memref<!tpu.dma_semaphore, #tpu.memory_space<semaphore_mem>>
        %dma_start3A_422 = arith.constant 0 : i32
        %dma_start3A_423 = arith.constant 0 : i32
        %dma_start3A_424 = tpu.memref_slice %arg12[%dma_start3A_422, %dma_start3A_423] : memref<800x16xf32, #tpu.memory_space<vmem>> -> memref<800x16xf32, #tpu.memory_space<vmem>>
        %dma_start3A_425 = arith.constant 0 : i32
        %dma_start3A_426 = tpu.memref_slice %arg14[%add3A_255, %dma_start3A_425] : memref<100096x16xf32, #tpu.memory_space<vmem_shared>> -> memref<800x16xf32, #tpu.memory_space<vmem_shared>>
        %dma_start3A_427 = arith.constant 0 : i32
        %dma_start3A_428 = arith.constant 0 : i32
        %dma_start3A_429 = tpu.memref_slice %arg12[%dma_start3A_427, %dma_start3A_428] : memref<800x16xf32, #tpu.memory_space<vmem>> -> memref<800x16xf32, #tpu.memory_space<vmem>>
        %dma_start3A_430 = arith.constant 0 : i32
        %dma_start3A_431 = tpu.memref_slice %arg14[%add3A_255, %dma_start3A_430] : memref<100096x16xf32, #tpu.memory_space<vmem_shared>> -> memref<800x16xf32, #tpu.memory_space<vmem_shared>>
        tpu.enqueue_dma source(%dma_start3A_431 : memref<800x16xf32, #tpu.memory_space<vmem_shared>>) target(%dma_start3A_429 : memref<800x16xf32, #tpu.memory_space<vmem>>) target_semaphore(%run_scoped3A : memref<!tpu.dma_semaphore, #tpu.memory_space<semaphore_mem>>)
        %dma_wait3A_432 = arith.constant 0 : i32
        %dma_wait3A_433 = arith.constant 0 : i32
        %dma_wait3A_434 = tpu.memref_slice %arg12[%dma_wait3A_432, %dma_wait3A_433] : memref<800x16xf32, #tpu.memory_space<vmem>> -> memref<800x16xf32, #tpu.memory_space<vmem>>
        %dma_wait3A_435 = arith.constant 0 : i32
        %dma_wait3A_436 = tpu.memref_slice %arg14[%add3A_255, %dma_wait3A_435] : memref<100096x16xf32, #tpu.memory_space<vmem_shared>> -> memref<800x16xf32, #tpu.memory_space<vmem_shared>>
        %dma_wait3A_437 = arith.constant 0 : i32
        %dma_wait3A_438 = arith.constant 0 : i32
        %dma_wait3A_439 = tpu.memref_slice %arg12[%dma_wait3A_437, %dma_wait3A_438] : memref<800x16xf32, #tpu.memory_space<vmem>> -> memref<800x16xf32, #tpu.memory_space<vmem>>
        %dma_wait3A_440 = arith.constant 0 : i32
        %dma_wait3A_441 = tpu.memref_slice %arg14[%add3A_255, %dma_wait3A_440] : memref<100096x16xf32, #tpu.memory_space<vmem_shared>> -> memref<800x16xf32, #tpu.memory_space<vmem_shared>>
        tpu.wait_dma2 semaphore(%run_scoped3A : memref<!tpu.dma_semaphore, #tpu.memory_space<semaphore_mem>>) src(%dma_wait3A_441 : memref<800x16xf32, #tpu.memory_space<vmem_shared>>) dst(%dma_wait3A_439 : memref<800x16xf32, #tpu.memory_space<vmem>>)
        tpu.yield
      }) : () -> ()
      %add3A_256 = arith.constant 1600 : i32
      %add3A_257 = arith.addi %mul3A_0, %add3A_256 : i32
      %dma_start3A_258 = arith.constant 0 : i32
      %dma_start3A_259 = arith.constant 0 : i32
      %dma_start3A_260 = tpu.memref_slice %arg12[%dma_start3A_258, %dma_start3A_259] : memref<800x16xf32, #tpu.memory_space<vmem>> -> memref<800x16xf32, #tpu.memory_space<vmem>>
      %dma_start3A_261 = arith.constant 0 : i32
      %dma_start3A_262 = tpu.memref_slice %arg7[%add3A_257, %dma_start3A_261] : memref<100096x16xf32, #tpu.memory_space<hbm>> -> memref<800x16xf32, #tpu.memory_space<hbm>>
      %dma_start3A_263 = arith.constant 0 : i32
      %dma_start3A_264 = tpu.memref_slice %arg7[%add3A_257, %dma_start3A_263] : memref<100096x16xf32, #tpu.memory_space<hbm>> -> memref<800x16xf32, #tpu.memory_space<hbm>>
      %dma_start3A_265 = arith.constant 0 : i32
      %dma_start3A_266 = arith.constant 0 : i32
      %dma_start3A_267 = tpu.memref_slice %arg12[%dma_start3A_265, %dma_start3A_266] : memref<800x16xf32, #tpu.memory_space<vmem>> -> memref<800x16xf32, #tpu.memory_space<vmem>>
      tpu.enqueue_dma source(%dma_start3A_267 : memref<800x16xf32, #tpu.memory_space<vmem>>) target(%dma_start3A_264 : memref<800x16xf32, #tpu.memory_space<hbm>>) target_semaphore(%arg19 : memref<!tpu.dma_semaphore, #tpu.memory_space<semaphore_mem>>)
      %dma_wait3A_268 = arith.constant 0 : i32
      %dma_wait3A_269 = arith.constant 0 : i32
      %dma_wait3A_270 = tpu.memref_slice %arg13[%dma_wait3A_268, %dma_wait3A_269] : memref<800x16xf32, #tpu.memory_space<vmem>> -> memref<800x16xf32, #tpu.memory_space<vmem>>
      %dma_wait3A_271 = arith.constant 0 : i32
      %dma_wait3A_272 = arith.constant 0 : i32
      %dma_wait3A_273 = tpu.memref_slice %arg7[%dma_wait3A_271, %dma_wait3A_272] : memref<100096x16xf32, #tpu.memory_space<hbm>> -> memref<800x16xf32, #tpu.memory_space<hbm>>
      %dma_wait3A_274 = arith.constant 0 : i32
      %dma_wait3A_275 = arith.constant 0 : i32
      %dma_wait3A_276 = tpu.memref_slice %arg7[%dma_wait3A_274, %dma_wait3A_275] : memref<100096x16xf32, #tpu.memory_space<hbm>> -> memref<800x16xf32, #tpu.memory_space<hbm>>
      %dma_wait3A_277 = arith.constant 0 : i32
      %dma_wait3A_278 = arith.constant 0 : i32
      %dma_wait3A_279 = tpu.memref_slice %arg13[%dma_wait3A_277, %dma_wait3A_278] : memref<800x16xf32, #tpu.memory_space<vmem>> -> memref<800x16xf32, #tpu.memory_space<vmem>>
      tpu.wait_dma2 semaphore(%arg20 : memref<!tpu.dma_semaphore, #tpu.memory_space<semaphore_mem>>) src(%dma_wait3A_279 : memref<800x16xf32, #tpu.memory_space<vmem>>) dst(%dma_wait3A_276 : memref<800x16xf32, #tpu.memory_space<hbm>>)
      %add3A_280 = arith.constant 2400 : i32
      %add3A_281 = arith.addi %mul3A_0, %add3A_280 : i32
      "tpu.region"() ({
        %run_scoped3A = tpu.sem_alloc : memref<!tpu.dma_semaphore, #tpu.memory_space<semaphore_mem>>
        %dma_start3A_422 = arith.constant 0 : i32
        %dma_start3A_423 = arith.constant 0 : i32
        %dma_start3A_424 = tpu.memref_slice %arg13[%dma_start3A_422, %dma_start3A_423] : memref<800x16xf32, #tpu.memory_space<vmem>> -> memref<800x16xf32, #tpu.memory_space<vmem>>
        %dma_start3A_425 = arith.constant 0 : i32
        %dma_start3A_426 = tpu.memref_slice %arg14[%add3A_281, %dma_start3A_425] : memref<100096x16xf32, #tpu.memory_space<vmem_shared>> -> memref<800x16xf32, #tpu.memory_space<vmem_shared>>
        %dma_start3A_427 = arith.constant 0 : i32
        %dma_start3A_428 = arith.constant 0 : i32
        %dma_start3A_429 = tpu.memref_slice %arg13[%dma_start3A_427, %dma_start3A_428] : memref<800x16xf32, #tpu.memory_space<vmem>> -> memref<800x16xf32, #tpu.memory_space<vmem>>
        %dma_start3A_430 = arith.constant 0 : i32
        %dma_start3A_431 = tpu.memref_slice %arg14[%add3A_281, %dma_start3A_430] : memref<100096x16xf32, #tpu.memory_space<vmem_shared>> -> memref<800x16xf32, #tpu.memory_space<vmem_shared>>
        tpu.enqueue_dma source(%dma_start3A_431 : memref<800x16xf32, #tpu.memory_space<vmem_shared>>) target(%dma_start3A_429 : memref<800x16xf32, #tpu.memory_space<vmem>>) target_semaphore(%run_scoped3A : memref<!tpu.dma_semaphore, #tpu.memory_space<semaphore_mem>>)
        %dma_wait3A_432 = arith.constant 0 : i32
        %dma_wait3A_433 = arith.constant 0 : i32
        %dma_wait3A_434 = tpu.memref_slice %arg13[%dma_wait3A_432, %dma_wait3A_433] : memref<800x16xf32, #tpu.memory_space<vmem>> -> memref<800x16xf32, #tpu.memory_space<vmem>>
        %dma_wait3A_435 = arith.constant 0 : i32
        %dma_wait3A_436 = tpu.memref_slice %arg14[%add3A_281, %dma_wait3A_435] : memref<100096x16xf32, #tpu.memory_space<vmem_shared>> -> memref<800x16xf32, #tpu.memory_space<vmem_shared>>
        %dma_wait3A_437 = arith.constant 0 : i32
        %dma_wait3A_438 = arith.constant 0 : i32
        %dma_wait3A_439 = tpu.memref_slice %arg13[%dma_wait3A_437, %dma_wait3A_438] : memref<800x16xf32, #tpu.memory_space<vmem>> -> memref<800x16xf32, #tpu.memory_space<vmem>>
        %dma_wait3A_440 = arith.constant 0 : i32
        %dma_wait3A_441 = tpu.memref_slice %arg14[%add3A_281, %dma_wait3A_440] : memref<100096x16xf32, #tpu.memory_space<vmem_shared>> -> memref<800x16xf32, #tpu.memory_space<vmem_shared>>
        tpu.wait_dma2 semaphore(%run_scoped3A : memref<!tpu.dma_semaphore, #tpu.memory_space<semaphore_mem>>) src(%dma_wait3A_441 : memref<800x16xf32, #tpu.memory_space<vmem_shared>>) dst(%dma_wait3A_439 : memref<800x16xf32, #tpu.memory_space<vmem>>)
        tpu.yield
      }) : () -> ()
      %add3A_282 = arith.constant 2400 : i32
      %add3A_283 = arith.addi %mul3A_0, %add3A_282 : i32
      %dma_start3A_284 = arith.constant 0 : i32
      %dma_start3A_285 = arith.constant 0 : i32
      %dma_start3A_286 = tpu.memref_slice %arg13[%dma_start3A_284, %dma_start3A_285] : memref<800x16xf32, #tpu.memory_space<vmem>> -> memref<800x16xf32, #tpu.memory_space<vmem>>
      %dma_start3A_287 = arith.constant 0 : i32
      %dma_start3A_288 = tpu.memref_slice %arg7[%add3A_283, %dma_start3A_287] : memref<100096x16xf32, #tpu.memory_space<hbm>> -> memref<800x16xf32, #tpu.memory_space<hbm>>
      %dma_start3A_289 = arith.constant 0 : i32
      %dma_start3A_290 = tpu.memref_slice %arg7[%add3A_283, %dma_start3A_289] : memref<100096x16xf32, #tpu.memory_space<hbm>> -> memref<800x16xf32, #tpu.memory_space<hbm>>
      %dma_start3A_291 = arith.constant 0 : i32
      %dma_start3A_292 = arith.constant 0 : i32
      %dma_start3A_293 = tpu.memref_slice %arg13[%dma_start3A_291, %dma_start3A_292] : memref<800x16xf32, #tpu.memory_space<vmem>> -> memref<800x16xf32, #tpu.memory_space<vmem>>
      tpu.enqueue_dma source(%dma_start3A_293 : memref<800x16xf32, #tpu.memory_space<vmem>>) target(%dma_start3A_290 : memref<800x16xf32, #tpu.memory_space<hbm>>) target_semaphore(%arg20 : memref<!tpu.dma_semaphore, #tpu.memory_space<semaphore_mem>>)
      %dma_wait3A_294 = arith.constant 0 : i32
      %dma_wait3A_295 = arith.constant 0 : i32
      %dma_wait3A_296 = tpu.memref_slice %arg12[%dma_wait3A_294, %dma_wait3A_295] : memref<800x16xf32, #tpu.memory_space<vmem>> -> memref<800x16xf32, #tpu.memory_space<vmem>>
      %dma_wait3A_297 = arith.constant 0 : i32
      %dma_wait3A_298 = arith.constant 0 : i32
      %dma_wait3A_299 = tpu.memref_slice %arg7[%dma_wait3A_297, %dma_wait3A_298] : memref<100096x16xf32, #tpu.memory_space<hbm>> -> memref<800x16xf32, #tpu.memory_space<hbm>>
      %dma_wait3A_300 = arith.constant 0 : i32
      %dma_wait3A_301 = arith.constant 0 : i32
      %dma_wait3A_302 = tpu.memref_slice %arg7[%dma_wait3A_300, %dma_wait3A_301] : memref<100096x16xf32, #tpu.memory_space<hbm>> -> memref<800x16xf32, #tpu.memory_space<hbm>>
      %dma_wait3A_303 = arith.constant 0 : i32
      %dma_wait3A_304 = arith.constant 0 : i32
      %dma_wait3A_305 = tpu.memref_slice %arg12[%dma_wait3A_303, %dma_wait3A_304] : memref<800x16xf32, #tpu.memory_space<vmem>> -> memref<800x16xf32, #tpu.memory_space<vmem>>
      tpu.wait_dma2 semaphore(%arg19 : memref<!tpu.dma_semaphore, #tpu.memory_space<semaphore_mem>>) src(%dma_wait3A_305 : memref<800x16xf32, #tpu.memory_space<vmem>>) dst(%dma_wait3A_302 : memref<800x16xf32, #tpu.memory_space<hbm>>)
      %add3A_306 = arith.constant 3200 : i32
      %add3A_307 = arith.addi %mul3A_0, %add3A_306 : i32
      "tpu.region"() ({
        %run_scoped3A = tpu.sem_alloc : memref<!tpu.dma_semaphore, #tpu.memory_space<semaphore_mem>>
        %dma_start3A_422 = arith.constant 0 : i32
        %dma_start3A_423 = arith.constant 0 : i32
        %dma_start3A_424 = tpu.memref_slice %arg12[%dma_start3A_422, %dma_start3A_423] : memref<800x16xf32, #tpu.memory_space<vmem>> -> memref<800x16xf32, #tpu.memory_space<vmem>>
        %dma_start3A_425 = arith.constant 0 : i32
        %dma_start3A_426 = tpu.memref_slice %arg14[%add3A_307, %dma_start3A_425] : memref<100096x16xf32, #tpu.memory_space<vmem_shared>> -> memref<800x16xf32, #tpu.memory_space<vmem_shared>>
        %dma_start3A_427 = arith.constant 0 : i32
        %dma_start3A_428 = arith.constant 0 : i32
        %dma_start3A_429 = tpu.memref_slice %arg12[%dma_start3A_427, %dma_start3A_428] : memref<800x16xf32, #tpu.memory_space<vmem>> -> memref<800x16xf32, #tpu.memory_space<vmem>>
        %dma_start3A_430 = arith.constant 0 : i32
        %dma_start3A_431 = tpu.memref_slice %arg14[%add3A_307, %dma_start3A_430] : memref<100096x16xf32, #tpu.memory_space<vmem_shared>> -> memref<800x16xf32, #tpu.memory_space<vmem_shared>>
        tpu.enqueue_dma source(%dma_start3A_431 : memref<800x16xf32, #tpu.memory_space<vmem_shared>>) target(%dma_start3A_429 : memref<800x16xf32, #tpu.memory_space<vmem>>) target_semaphore(%run_scoped3A : memref<!tpu.dma_semaphore, #tpu.memory_space<semaphore_mem>>)
        %dma_wait3A_432 = arith.constant 0 : i32
        %dma_wait3A_433 = arith.constant 0 : i32
        %dma_wait3A_434 = tpu.memref_slice %arg12[%dma_wait3A_432, %dma_wait3A_433] : memref<800x16xf32, #tpu.memory_space<vmem>> -> memref<800x16xf32, #tpu.memory_space<vmem>>
        %dma_wait3A_435 = arith.constant 0 : i32
        %dma_wait3A_436 = tpu.memref_slice %arg14[%add3A_307, %dma_wait3A_435] : memref<100096x16xf32, #tpu.memory_space<vmem_shared>> -> memref<800x16xf32, #tpu.memory_space<vmem_shared>>
        %dma_wait3A_437 = arith.constant 0 : i32
        %dma_wait3A_438 = arith.constant 0 : i32
        %dma_wait3A_439 = tpu.memref_slice %arg12[%dma_wait3A_437, %dma_wait3A_438] : memref<800x16xf32, #tpu.memory_space<vmem>> -> memref<800x16xf32, #tpu.memory_space<vmem>>
        %dma_wait3A_440 = arith.constant 0 : i32
        %dma_wait3A_441 = tpu.memref_slice %arg14[%add3A_307, %dma_wait3A_440] : memref<100096x16xf32, #tpu.memory_space<vmem_shared>> -> memref<800x16xf32, #tpu.memory_space<vmem_shared>>
        tpu.wait_dma2 semaphore(%run_scoped3A : memref<!tpu.dma_semaphore, #tpu.memory_space<semaphore_mem>>) src(%dma_wait3A_441 : memref<800x16xf32, #tpu.memory_space<vmem_shared>>) dst(%dma_wait3A_439 : memref<800x16xf32, #tpu.memory_space<vmem>>)
        tpu.yield
      }) : () -> ()
      %add3A_308 = arith.constant 3200 : i32
      %add3A_309 = arith.addi %mul3A_0, %add3A_308 : i32
      %dma_start3A_310 = arith.constant 0 : i32
      %dma_start3A_311 = arith.constant 0 : i32
      %dma_start3A_312 = tpu.memref_slice %arg12[%dma_start3A_310, %dma_start3A_311] : memref<800x16xf32, #tpu.memory_space<vmem>> -> memref<800x16xf32, #tpu.memory_space<vmem>>
      %dma_start3A_313 = arith.constant 0 : i32
      %dma_start3A_314 = tpu.memref_slice %arg7[%add3A_309, %dma_start3A_313] : memref<100096x16xf32, #tpu.memory_space<hbm>> -> memref<800x16xf32, #tpu.memory_space<hbm>>
      %dma_start3A_315 = arith.constant 0 : i32
      %dma_start3A_316 = tpu.memref_slice %arg7[%add3A_309, %dma_start3A_315] : memref<100096x16xf32, #tpu.memory_space<hbm>> -> memref<800x16xf32, #tpu.memory_space<hbm>>
      %dma_start3A_317 = arith.constant 0 : i32
      %dma_start3A_318 = arith.constant 0 : i32
      %dma_start3A_319 = tpu.memref_slice %arg12[%dma_start3A_317, %dma_start3A_318] : memref<800x16xf32, #tpu.memory_space<vmem>> -> memref<800x16xf32, #tpu.memory_space<vmem>>
      tpu.enqueue_dma source(%dma_start3A_319 : memref<800x16xf32, #tpu.memory_space<vmem>>) target(%dma_start3A_316 : memref<800x16xf32, #tpu.memory_space<hbm>>) target_semaphore(%arg19 : memref<!tpu.dma_semaphore, #tpu.memory_space<semaphore_mem>>)
      %dma_wait3A_320 = arith.constant 0 : i32
      %dma_wait3A_321 = arith.constant 0 : i32
      %dma_wait3A_322 = tpu.memref_slice %arg13[%dma_wait3A_320, %dma_wait3A_321] : memref<800x16xf32, #tpu.memory_space<vmem>> -> memref<800x16xf32, #tpu.memory_space<vmem>>
      %dma_wait3A_323 = arith.constant 0 : i32
      %dma_wait3A_324 = arith.constant 0 : i32
      %dma_wait3A_325 = tpu.memref_slice %arg7[%dma_wait3A_323, %dma_wait3A_324] : memref<100096x16xf32, #tpu.memory_space<hbm>> -> memref<800x16xf32, #tpu.memory_space<hbm>>
      %dma_wait3A_326 = arith.constant 0 : i32
      %dma_wait3A_327 = arith.constant 0 : i32
      %dma_wait3A_328 = tpu.memref_slice %arg7[%dma_wait3A_326, %dma_wait3A_327] : memref<100096x16xf32, #tpu.memory_space<hbm>> -> memref<800x16xf32, #tpu.memory_space<hbm>>
      %dma_wait3A_329 = arith.constant 0 : i32
      %dma_wait3A_330 = arith.constant 0 : i32
      %dma_wait3A_331 = tpu.memref_slice %arg13[%dma_wait3A_329, %dma_wait3A_330] : memref<800x16xf32, #tpu.memory_space<vmem>> -> memref<800x16xf32, #tpu.memory_space<vmem>>
      tpu.wait_dma2 semaphore(%arg20 : memref<!tpu.dma_semaphore, #tpu.memory_space<semaphore_mem>>) src(%dma_wait3A_331 : memref<800x16xf32, #tpu.memory_space<vmem>>) dst(%dma_wait3A_328 : memref<800x16xf32, #tpu.memory_space<hbm>>)
      %add3A_332 = arith.constant 4000 : i32
      %add3A_333 = arith.addi %mul3A_0, %add3A_332 : i32
      "tpu.region"() ({
        %run_scoped3A = tpu.sem_alloc : memref<!tpu.dma_semaphore, #tpu.memory_space<semaphore_mem>>
        %dma_start3A_422 = arith.constant 0 : i32
        %dma_start3A_423 = arith.constant 0 : i32
        %dma_start3A_424 = tpu.memref_slice %arg13[%dma_start3A_422, %dma_start3A_423] : memref<800x16xf32, #tpu.memory_space<vmem>> -> memref<800x16xf32, #tpu.memory_space<vmem>>
        %dma_start3A_425 = arith.constant 0 : i32
        %dma_start3A_426 = tpu.memref_slice %arg14[%add3A_333, %dma_start3A_425] : memref<100096x16xf32, #tpu.memory_space<vmem_shared>> -> memref<800x16xf32, #tpu.memory_space<vmem_shared>>
        %dma_start3A_427 = arith.constant 0 : i32
        %dma_start3A_428 = arith.constant 0 : i32
        %dma_start3A_429 = tpu.memref_slice %arg13[%dma_start3A_427, %dma_start3A_428] : memref<800x16xf32, #tpu.memory_space<vmem>> -> memref<800x16xf32, #tpu.memory_space<vmem>>
        %dma_start3A_430 = arith.constant 0 : i32
        %dma_start3A_431 = tpu.memref_slice %arg14[%add3A_333, %dma_start3A_430] : memref<100096x16xf32, #tpu.memory_space<vmem_shared>> -> memref<800x16xf32, #tpu.memory_space<vmem_shared>>
        tpu.enqueue_dma source(%dma_start3A_431 : memref<800x16xf32, #tpu.memory_space<vmem_shared>>) target(%dma_start3A_429 : memref<800x16xf32, #tpu.memory_space<vmem>>) target_semaphore(%run_scoped3A : memref<!tpu.dma_semaphore, #tpu.memory_space<semaphore_mem>>)
        %dma_wait3A_432 = arith.constant 0 : i32
        %dma_wait3A_433 = arith.constant 0 : i32
        %dma_wait3A_434 = tpu.memref_slice %arg13[%dma_wait3A_432, %dma_wait3A_433] : memref<800x16xf32, #tpu.memory_space<vmem>> -> memref<800x16xf32, #tpu.memory_space<vmem>>
        %dma_wait3A_435 = arith.constant 0 : i32
        %dma_wait3A_436 = tpu.memref_slice %arg14[%add3A_333, %dma_wait3A_435] : memref<100096x16xf32, #tpu.memory_space<vmem_shared>> -> memref<800x16xf32, #tpu.memory_space<vmem_shared>>
        %dma_wait3A_437 = arith.constant 0 : i32
        %dma_wait3A_438 = arith.constant 0 : i32
        %dma_wait3A_439 = tpu.memref_slice %arg13[%dma_wait3A_437, %dma_wait3A_438] : memref<800x16xf32, #tpu.memory_space<vmem>> -> memref<800x16xf32, #tpu.memory_space<vmem>>
        %dma_wait3A_440 = arith.constant 0 : i32
        %dma_wait3A_441 = tpu.memref_slice %arg14[%add3A_333, %dma_wait3A_440] : memref<100096x16xf32, #tpu.memory_space<vmem_shared>> -> memref<800x16xf32, #tpu.memory_space<vmem_shared>>
        tpu.wait_dma2 semaphore(%run_scoped3A : memref<!tpu.dma_semaphore, #tpu.memory_space<semaphore_mem>>) src(%dma_wait3A_441 : memref<800x16xf32, #tpu.memory_space<vmem_shared>>) dst(%dma_wait3A_439 : memref<800x16xf32, #tpu.memory_space<vmem>>)
        tpu.yield
      }) : () -> ()
      %add3A_334 = arith.constant 4000 : i32
      %add3A_335 = arith.addi %mul3A_0, %add3A_334 : i32
      %dma_start3A_336 = arith.constant 0 : i32
      %dma_start3A_337 = arith.constant 0 : i32
      %dma_start3A_338 = tpu.memref_slice %arg13[%dma_start3A_336, %dma_start3A_337] : memref<800x16xf32, #tpu.memory_space<vmem>> -> memref<800x16xf32, #tpu.memory_space<vmem>>
      %dma_start3A_339 = arith.constant 0 : i32
      %dma_start3A_340 = tpu.memref_slice %arg7[%add3A_335, %dma_start3A_339] : memref<100096x16xf32, #tpu.memory_space<hbm>> -> memref<800x16xf32, #tpu.memory_space<hbm>>
      %dma_start3A_341 = arith.constant 0 : i32
      %dma_start3A_342 = tpu.memref_slice %arg7[%add3A_335, %dma_start3A_341] : memref<100096x16xf32, #tpu.memory_space<hbm>> -> memref<800x16xf32, #tpu.memory_space<hbm>>
      %dma_start3A_343 = arith.constant 0 : i32
      %dma_start3A_344 = arith.constant 0 : i32
      %dma_start3A_345 = tpu.memref_slice %arg13[%dma_start3A_343, %dma_start3A_344] : memref<800x16xf32, #tpu.memory_space<vmem>> -> memref<800x16xf32, #tpu.memory_space<vmem>>
      tpu.enqueue_dma source(%dma_start3A_345 : memref<800x16xf32, #tpu.memory_space<vmem>>) target(%dma_start3A_342 : memref<800x16xf32, #tpu.memory_space<hbm>>) target_semaphore(%arg20 : memref<!tpu.dma_semaphore, #tpu.memory_space<semaphore_mem>>)
      %dma_wait3A_346 = arith.constant 0 : i32
      %dma_wait3A_347 = arith.constant 0 : i32
      %dma_wait3A_348 = tpu.memref_slice %arg12[%dma_wait3A_346, %dma_wait3A_347] : memref<800x16xf32, #tpu.memory_space<vmem>> -> memref<800x16xf32, #tpu.memory_space<vmem>>
      %dma_wait3A_349 = arith.constant 0 : i32
      %dma_wait3A_350 = arith.constant 0 : i32
      %dma_wait3A_351 = tpu.memref_slice %arg7[%dma_wait3A_349, %dma_wait3A_350] : memref<100096x16xf32, #tpu.memory_space<hbm>> -> memref<800x16xf32, #tpu.memory_space<hbm>>
      %dma_wait3A_352 = arith.constant 0 : i32
      %dma_wait3A_353 = arith.constant 0 : i32
      %dma_wait3A_354 = tpu.memref_slice %arg7[%dma_wait3A_352, %dma_wait3A_353] : memref<100096x16xf32, #tpu.memory_space<hbm>> -> memref<800x16xf32, #tpu.memory_space<hbm>>
      %dma_wait3A_355 = arith.constant 0 : i32
      %dma_wait3A_356 = arith.constant 0 : i32
      %dma_wait3A_357 = tpu.memref_slice %arg12[%dma_wait3A_355, %dma_wait3A_356] : memref<800x16xf32, #tpu.memory_space<vmem>> -> memref<800x16xf32, #tpu.memory_space<vmem>>
      tpu.wait_dma2 semaphore(%arg19 : memref<!tpu.dma_semaphore, #tpu.memory_space<semaphore_mem>>) src(%dma_wait3A_357 : memref<800x16xf32, #tpu.memory_space<vmem>>) dst(%dma_wait3A_354 : memref<800x16xf32, #tpu.memory_space<hbm>>)
      %add3A_358 = arith.constant 4800 : i32
      %add3A_359 = arith.addi %mul3A_0, %add3A_358 : i32
      "tpu.region"() ({
        %run_scoped3A = tpu.sem_alloc : memref<!tpu.dma_semaphore, #tpu.memory_space<semaphore_mem>>
        %dma_start3A_422 = arith.constant 0 : i32
        %dma_start3A_423 = arith.constant 0 : i32
        %dma_start3A_424 = tpu.memref_slice %arg12[%dma_start3A_422, %dma_start3A_423] : memref<800x16xf32, #tpu.memory_space<vmem>> -> memref<800x16xf32, #tpu.memory_space<vmem>>
        %dma_start3A_425 = arith.constant 0 : i32
        %dma_start3A_426 = tpu.memref_slice %arg14[%add3A_359, %dma_start3A_425] : memref<100096x16xf32, #tpu.memory_space<vmem_shared>> -> memref<800x16xf32, #tpu.memory_space<vmem_shared>>
        %dma_start3A_427 = arith.constant 0 : i32
        %dma_start3A_428 = arith.constant 0 : i32
        %dma_start3A_429 = tpu.memref_slice %arg12[%dma_start3A_427, %dma_start3A_428] : memref<800x16xf32, #tpu.memory_space<vmem>> -> memref<800x16xf32, #tpu.memory_space<vmem>>
        %dma_start3A_430 = arith.constant 0 : i32
        %dma_start3A_431 = tpu.memref_slice %arg14[%add3A_359, %dma_start3A_430] : memref<100096x16xf32, #tpu.memory_space<vmem_shared>> -> memref<800x16xf32, #tpu.memory_space<vmem_shared>>
        tpu.enqueue_dma source(%dma_start3A_431 : memref<800x16xf32, #tpu.memory_space<vmem_shared>>) target(%dma_start3A_429 : memref<800x16xf32, #tpu.memory_space<vmem>>) target_semaphore(%run_scoped3A : memref<!tpu.dma_semaphore, #tpu.memory_space<semaphore_mem>>)
        %dma_wait3A_432 = arith.constant 0 : i32
        %dma_wait3A_433 = arith.constant 0 : i32
        %dma_wait3A_434 = tpu.memref_slice %arg12[%dma_wait3A_432, %dma_wait3A_433] : memref<800x16xf32, #tpu.memory_space<vmem>> -> memref<800x16xf32, #tpu.memory_space<vmem>>
        %dma_wait3A_435 = arith.constant 0 : i32
        %dma_wait3A_436 = tpu.memref_slice %arg14[%add3A_359, %dma_wait3A_435] : memref<100096x16xf32, #tpu.memory_space<vmem_shared>> -> memref<800x16xf32, #tpu.memory_space<vmem_shared>>
        %dma_wait3A_437 = arith.constant 0 : i32
        %dma_wait3A_438 = arith.constant 0 : i32
        %dma_wait3A_439 = tpu.memref_slice %arg12[%dma_wait3A_437, %dma_wait3A_438] : memref<800x16xf32, #tpu.memory_space<vmem>> -> memref<800x16xf32, #tpu.memory_space<vmem>>
        %dma_wait3A_440 = arith.constant 0 : i32
        %dma_wait3A_441 = tpu.memref_slice %arg14[%add3A_359, %dma_wait3A_440] : memref<100096x16xf32, #tpu.memory_space<vmem_shared>> -> memref<800x16xf32, #tpu.memory_space<vmem_shared>>
        tpu.wait_dma2 semaphore(%run_scoped3A : memref<!tpu.dma_semaphore, #tpu.memory_space<semaphore_mem>>) src(%dma_wait3A_441 : memref<800x16xf32, #tpu.memory_space<vmem_shared>>) dst(%dma_wait3A_439 : memref<800x16xf32, #tpu.memory_space<vmem>>)
        tpu.yield
      }) : () -> ()
      %add3A_360 = arith.constant 4800 : i32
      %add3A_361 = arith.addi %mul3A_0, %add3A_360 : i32
      %dma_start3A_362 = arith.constant 0 : i32
      %dma_start3A_363 = arith.constant 0 : i32
      %dma_start3A_364 = tpu.memref_slice %arg12[%dma_start3A_362, %dma_start3A_363] : memref<800x16xf32, #tpu.memory_space<vmem>> -> memref<800x16xf32, #tpu.memory_space<vmem>>
      %dma_start3A_365 = arith.constant 0 : i32
      %dma_start3A_366 = tpu.memref_slice %arg7[%add3A_361, %dma_start3A_365] : memref<100096x16xf32, #tpu.memory_space<hbm>> -> memref<800x16xf32, #tpu.memory_space<hbm>>
      %dma_start3A_367 = arith.constant 0 : i32
      %dma_start3A_368 = tpu.memref_slice %arg7[%add3A_361, %dma_start3A_367] : memref<100096x16xf32, #tpu.memory_space<hbm>> -> memref<800x16xf32, #tpu.memory_space<hbm>>
      %dma_start3A_369 = arith.constant 0 : i32
      %dma_start3A_370 = arith.constant 0 : i32
      %dma_start3A_371 = tpu.memref_slice %arg12[%dma_start3A_369, %dma_start3A_370] : memref<800x16xf32, #tpu.memory_space<vmem>> -> memref<800x16xf32, #tpu.memory_space<vmem>>
      tpu.enqueue_dma source(%dma_start3A_371 : memref<800x16xf32, #tpu.memory_space<vmem>>) target(%dma_start3A_368 : memref<800x16xf32, #tpu.memory_space<hbm>>) target_semaphore(%arg19 : memref<!tpu.dma_semaphore, #tpu.memory_space<semaphore_mem>>)
      %dma_wait3A_372 = arith.constant 0 : i32
      %dma_wait3A_373 = arith.constant 0 : i32
      %dma_wait3A_374 = tpu.memref_slice %arg13[%dma_wait3A_372, %dma_wait3A_373] : memref<800x16xf32, #tpu.memory_space<vmem>> -> memref<800x16xf32, #tpu.memory_space<vmem>>
      %dma_wait3A_375 = arith.constant 0 : i32
      %dma_wait3A_376 = arith.constant 0 : i32
      %dma_wait3A_377 = tpu.memref_slice %arg7[%dma_wait3A_375, %dma_wait3A_376] : memref<100096x16xf32, #tpu.memory_space<hbm>> -> memref<800x16xf32, #tpu.memory_space<hbm>>
      %dma_wait3A_378 = arith.constant 0 : i32
      %dma_wait3A_379 = arith.constant 0 : i32
      %dma_wait3A_380 = tpu.memref_slice %arg7[%dma_wait3A_378, %dma_wait3A_379] : memref<100096x16xf32, #tpu.memory_space<hbm>> -> memref<800x16xf32, #tpu.memory_space<hbm>>
      %dma_wait3A_381 = arith.constant 0 : i32
      %dma_wait3A_382 = arith.constant 0 : i32
      %dma_wait3A_383 = tpu.memref_slice %arg13[%dma_wait3A_381, %dma_wait3A_382] : memref<800x16xf32, #tpu.memory_space<vmem>> -> memref<800x16xf32, #tpu.memory_space<vmem>>
      tpu.wait_dma2 semaphore(%arg20 : memref<!tpu.dma_semaphore, #tpu.memory_space<semaphore_mem>>) src(%dma_wait3A_383 : memref<800x16xf32, #tpu.memory_space<vmem>>) dst(%dma_wait3A_380 : memref<800x16xf32, #tpu.memory_space<hbm>>)
      %add3A_384 = arith.constant 5600 : i32
      %add3A_385 = arith.addi %mul3A_0, %add3A_384 : i32
      "tpu.region"() ({
        %run_scoped3A = tpu.sem_alloc : memref<!tpu.dma_semaphore, #tpu.memory_space<semaphore_mem>>
        %dma_start3A_422 = arith.constant 0 : i32
        %dma_start3A_423 = arith.constant 0 : i32
        %dma_start3A_424 = tpu.memref_slice %arg13[%dma_start3A_422, %dma_start3A_423] : memref<800x16xf32, #tpu.memory_space<vmem>> -> memref<656x16xf32, #tpu.memory_space<vmem>>
        %dma_start3A_425 = arith.constant 0 : i32
        %dma_start3A_426 = tpu.memref_slice %arg14[%add3A_385, %dma_start3A_425] : memref<100096x16xf32, #tpu.memory_space<vmem_shared>> -> memref<656x16xf32, #tpu.memory_space<vmem_shared>>
        %dma_start3A_427 = arith.constant 0 : i32
        %dma_start3A_428 = arith.constant 0 : i32
        %dma_start3A_429 = tpu.memref_slice %arg13[%dma_start3A_427, %dma_start3A_428] : memref<800x16xf32, #tpu.memory_space<vmem>> -> memref<656x16xf32, #tpu.memory_space<vmem>>
        %dma_start3A_430 = arith.constant 0 : i32
        %dma_start3A_431 = tpu.memref_slice %arg14[%add3A_385, %dma_start3A_430] : memref<100096x16xf32, #tpu.memory_space<vmem_shared>> -> memref<656x16xf32, #tpu.memory_space<vmem_shared>>
        tpu.enqueue_dma source(%dma_start3A_431 : memref<656x16xf32, #tpu.memory_space<vmem_shared>>) target(%dma_start3A_429 : memref<656x16xf32, #tpu.memory_space<vmem>>) target_semaphore(%run_scoped3A : memref<!tpu.dma_semaphore, #tpu.memory_space<semaphore_mem>>)
        %dma_wait3A_432 = arith.constant 0 : i32
        %dma_wait3A_433 = arith.constant 0 : i32
        %dma_wait3A_434 = tpu.memref_slice %arg13[%dma_wait3A_432, %dma_wait3A_433] : memref<800x16xf32, #tpu.memory_space<vmem>> -> memref<656x16xf32, #tpu.memory_space<vmem>>
        %dma_wait3A_435 = arith.constant 0 : i32
        %dma_wait3A_436 = tpu.memref_slice %arg14[%add3A_385, %dma_wait3A_435] : memref<100096x16xf32, #tpu.memory_space<vmem_shared>> -> memref<656x16xf32, #tpu.memory_space<vmem_shared>>
        %dma_wait3A_437 = arith.constant 0 : i32
        %dma_wait3A_438 = arith.constant 0 : i32
        %dma_wait3A_439 = tpu.memref_slice %arg13[%dma_wait3A_437, %dma_wait3A_438] : memref<800x16xf32, #tpu.memory_space<vmem>> -> memref<656x16xf32, #tpu.memory_space<vmem>>
        %dma_wait3A_440 = arith.constant 0 : i32
        %dma_wait3A_441 = tpu.memref_slice %arg14[%add3A_385, %dma_wait3A_440] : memref<100096x16xf32, #tpu.memory_space<vmem_shared>> -> memref<656x16xf32, #tpu.memory_space<vmem_shared>>
        tpu.wait_dma2 semaphore(%run_scoped3A : memref<!tpu.dma_semaphore, #tpu.memory_space<semaphore_mem>>) src(%dma_wait3A_441 : memref<656x16xf32, #tpu.memory_space<vmem_shared>>) dst(%dma_wait3A_439 : memref<656x16xf32, #tpu.memory_space<vmem>>)
        tpu.yield
      }) : () -> ()
      %add3A_386 = arith.constant 5600 : i32
      %add3A_387 = arith.addi %mul3A_0, %add3A_386 : i32
      %dma_start3A_388 = arith.constant 0 : i32
      %dma_start3A_389 = arith.constant 0 : i32
      %dma_start3A_390 = tpu.memref_slice %arg13[%dma_start3A_388, %dma_start3A_389] : memref<800x16xf32, #tpu.memory_space<vmem>> -> memref<656x16xf32, #tpu.memory_space<vmem>>
      %dma_start3A_391 = arith.constant 0 : i32
      %dma_start3A_392 = tpu.memref_slice %arg7[%add3A_387, %dma_start3A_391] : memref<100096x16xf32, #tpu.memory_space<hbm>> -> memref<656x16xf32, #tpu.memory_space<hbm>>
      %dma_start3A_393 = arith.constant 0 : i32
      %dma_start3A_394 = tpu.memref_slice %arg7[%add3A_387, %dma_start3A_393] : memref<100096x16xf32, #tpu.memory_space<hbm>> -> memref<656x16xf32, #tpu.memory_space<hbm>>
      %dma_start3A_395 = arith.constant 0 : i32
      %dma_start3A_396 = arith.constant 0 : i32
      %dma_start3A_397 = tpu.memref_slice %arg13[%dma_start3A_395, %dma_start3A_396] : memref<800x16xf32, #tpu.memory_space<vmem>> -> memref<656x16xf32, #tpu.memory_space<vmem>>
      tpu.enqueue_dma source(%dma_start3A_397 : memref<656x16xf32, #tpu.memory_space<vmem>>) target(%dma_start3A_394 : memref<656x16xf32, #tpu.memory_space<hbm>>) target_semaphore(%arg20 : memref<!tpu.dma_semaphore, #tpu.memory_space<semaphore_mem>>)
      %dma_wait3A_398 = arith.constant 0 : i32
      %dma_wait3A_399 = arith.constant 0 : i32
      %dma_wait3A_400 = tpu.memref_slice %arg12[%dma_wait3A_398, %dma_wait3A_399] : memref<800x16xf32, #tpu.memory_space<vmem>> -> memref<800x16xf32, #tpu.memory_space<vmem>>
      %dma_wait3A_401 = arith.constant 0 : i32
      %dma_wait3A_402 = arith.constant 0 : i32
      %dma_wait3A_403 = tpu.memref_slice %arg7[%dma_wait3A_401, %dma_wait3A_402] : memref<100096x16xf32, #tpu.memory_space<hbm>> -> memref<800x16xf32, #tpu.memory_space<hbm>>
      %dma_wait3A_404 = arith.constant 0 : i32
      %dma_wait3A_405 = arith.constant 0 : i32
      %dma_wait3A_406 = tpu.memref_slice %arg7[%dma_wait3A_404, %dma_wait3A_405] : memref<100096x16xf32, #tpu.memory_space<hbm>> -> memref<800x16xf32, #tpu.memory_space<hbm>>
      %dma_wait3A_407 = arith.constant 0 : i32
      %dma_wait3A_408 = arith.constant 0 : i32
      %dma_wait3A_409 = tpu.memref_slice %arg12[%dma_wait3A_407, %dma_wait3A_408] : memref<800x16xf32, #tpu.memory_space<vmem>> -> memref<800x16xf32, #tpu.memory_space<vmem>>
      tpu.wait_dma2 semaphore(%arg19 : memref<!tpu.dma_semaphore, #tpu.memory_space<semaphore_mem>>) src(%dma_wait3A_409 : memref<800x16xf32, #tpu.memory_space<vmem>>) dst(%dma_wait3A_406 : memref<800x16xf32, #tpu.memory_space<hbm>>)
      %dma_wait3A_410 = arith.constant 0 : i32
      %dma_wait3A_411 = arith.constant 0 : i32
      %dma_wait3A_412 = tpu.memref_slice %arg13[%dma_wait3A_410, %dma_wait3A_411] : memref<800x16xf32, #tpu.memory_space<vmem>> -> memref<656x16xf32, #tpu.memory_space<vmem>>
      %dma_wait3A_413 = arith.constant 0 : i32
      %dma_wait3A_414 = arith.constant 0 : i32
      %dma_wait3A_415 = tpu.memref_slice %arg7[%dma_wait3A_413, %dma_wait3A_414] : memref<100096x16xf32, #tpu.memory_space<hbm>> -> memref<656x16xf32, #tpu.memory_space<hbm>>
      %dma_wait3A_416 = arith.constant 0 : i32
      %dma_wait3A_417 = arith.constant 0 : i32
      %dma_wait3A_418 = tpu.memref_slice %arg7[%dma_wait3A_416, %dma_wait3A_417] : memref<100096x16xf32, #tpu.memory_space<hbm>> -> memref<656x16xf32, #tpu.memory_space<hbm>>
      %dma_wait3A_419 = arith.constant 0 : i32
      %dma_wait3A_420 = arith.constant 0 : i32
      %dma_wait3A_421 = tpu.memref_slice %arg13[%dma_wait3A_419, %dma_wait3A_420] : memref<800x16xf32, #tpu.memory_space<vmem>> -> memref<656x16xf32, #tpu.memory_space<vmem>>
      tpu.wait_dma2 semaphore(%arg20 : memref<!tpu.dma_semaphore, #tpu.memory_space<semaphore_mem>>) src(%dma_wait3A_421 : memref<656x16xf32, #tpu.memory_space<vmem>>) dst(%dma_wait3A_418 : memref<656x16xf32, #tpu.memory_space<hbm>>)
    } else {
    }
    return
  }
}

#map = affine_map<(d0, d1) -> (0)>
module attributes {stable_mosaic.version = 14 : i64} {
  func.func @_deg_kernel(%arg0: i32, %arg1: i32, %arg2: memref<3200000xi32, #tpu.memory_space<hbm>>, %arg3: memref<200192xf32, #tpu.memory_space<hbm>>, %arg4: memref<5000xi32, #tpu.memory_space<vmem>>, %arg5: memref<6256xf32, #tpu.memory_space<vmem>>, %arg6: memref<100096xf32, #tpu.memory_space<vmem_shared>>) attributes {dimension_semantics = [#tpu.dimension_semantics<core_parallel>, #tpu.dimension_semantics<subcore_parallel>], iteration_bounds = array<i64: 2, 16>, scalar_prefetch = 0 : i64, scratch_operands = 3 : i64, tpu.core_type = #tpu.core_type<sc_vector_subcore>, window_params = [{transform_indices = #map}, {transform_indices = #map}]} {
    %mul3A = arith.constant 6256 : i32
    %mul3A_0 = arith.muli %arg1, %mul3A : i32
    %broadcast_in_dim3A = arith.constant 0.000000e+00 : f32
    %broadcast_in_dim3A_1 = vector.broadcast %broadcast_in_dim3A : f32 to vector<16xf32>
    %scan3A = arith.constant 0 : i32
    %scan3A_2 = arith.constant 0 : i32
    %scan3A_3 = arith.constant 391 : i32
    %scan3A_4 = arith.addi %scan3A_2, %scan3A_3 : i32
    %scan3A_5 = arith.constant 1 : i32
    scf.for %scan3A_24 = %scan3A_2 to %scan3A_4 step %scan3A_5  : i32 {
      %mul3A_25 = arith.constant 16 : i32
      %mul3A_26 = arith.muli %scan3A_24, %mul3A_25 : i32
      %swap3A = arith.index_cast %mul3A_26 : i32 to index
      %swap3A_27 = tpu.vector_load %arg5[%swap3A] {strides = array<i32>} : memref<6256xf32, #tpu.memory_space<vmem>>, vector<16xf32>,
      tpu.vector_store %arg5[%swap3A], %broadcast_in_dim3A_1 {strides = array<i32>} : memref<6256xf32, #tpu.memory_space<vmem>>, vector<16xf32>,
    }
    %scan3A_6 = arith.constant 391 : i32
    "tpu.region"() ({
      %run_scoped3A = tpu.sem_alloc : memref<!tpu.dma_semaphore, #tpu.memory_space<semaphore_mem>>
      %dma_start3A = tpu.memref_slice %arg6[%mul3A_0] : memref<100096xf32, #tpu.memory_space<vmem_shared>> -> memref<6256xf32, #tpu.memory_space<vmem_shared>>
      %dma_start3A_24 = tpu.memref_slice %arg6[%mul3A_0] : memref<100096xf32, #tpu.memory_space<vmem_shared>> -> memref<6256xf32, #tpu.memory_space<vmem_shared>>
      tpu.enqueue_dma source(%arg5 : memref<6256xf32, #tpu.memory_space<vmem>>) target(%dma_start3A_24 : memref<6256xf32, #tpu.memory_space<vmem_shared>>) target_semaphore(%run_scoped3A : memref<!tpu.dma_semaphore, #tpu.memory_space<semaphore_mem>>)
      %dma_wait3A = tpu.memref_slice %arg6[%mul3A_0] : memref<100096xf32, #tpu.memory_space<vmem_shared>> -> memref<6256xf32, #tpu.memory_space<vmem_shared>>
      %dma_wait3A_25 = tpu.memref_slice %arg6[%mul3A_0] : memref<100096xf32, #tpu.memory_space<vmem_shared>> -> memref<6256xf32, #tpu.memory_space<vmem_shared>>
      tpu.wait_dma2 semaphore(%run_scoped3A : memref<!tpu.dma_semaphore, #tpu.memory_space<semaphore_mem>>) src(%arg5 : memref<6256xf32, #tpu.memory_space<vmem>>) dst(%dma_wait3A_25 : memref<6256xf32, #tpu.memory_space<vmem_shared>>)
      tpu.yield
    }) : () -> ()
    %broadcast_in_dim3A_7 = arith.constant 1.000000e+00 : f32
    %broadcast_in_dim3A_8 = vector.broadcast %broadcast_in_dim3A_7 : f32 to vector<16xf32>
    %scan3A_9 = arith.constant 0 : i32
    %scan3A_10 = arith.constant 0 : i32
    %scan3A_11 = arith.constant 391 : i32
    %scan3A_12 = arith.addi %scan3A_10, %scan3A_11 : i32
    %scan3A_13 = arith.constant 1 : i32
    scf.for %scan3A_24 = %scan3A_10 to %scan3A_12 step %scan3A_13  : i32 {
      %mul3A_25 = arith.constant 16 : i32
      %mul3A_26 = arith.muli %scan3A_24, %mul3A_25 : i32
      %swap3A = arith.index_cast %mul3A_26 : i32 to index
      %swap3A_27 = tpu.vector_load %arg5[%swap3A] {strides = array<i32>} : memref<6256xf32, #tpu.memory_space<vmem>>, vector<16xf32>,
      tpu.vector_store %arg5[%swap3A], %broadcast_in_dim3A_8 {strides = array<i32>} : memref<6256xf32, #tpu.memory_space<vmem>>, vector<16xf32>,
    }
    %scan3A_14 = arith.constant 391 : i32
    %barrier3A = arith.constant 0 : index
    tpu.barrier barrier_id(%barrier3A)
    %scan3A_15 = arith.constant 0 : i32
    %scan3A_16 = arith.constant 0 : i32
    %scan3A_17 = arith.constant 10 : i32
    %scan3A_18 = arith.addi %scan3A_16, %scan3A_17 : i32
    %scan3A_19 = arith.constant 1 : i32
    scf.for %scan3A_24 = %scan3A_16 to %scan3A_18 step %scan3A_19  : i32 {
      %mul3A_25 = arith.constant 16 : i32
      %mul3A_26 = arith.muli %arg0, %mul3A_25 : i32
      %add3A_27 = arith.addi %mul3A_26, %arg1 : i32
      %mul3A_28 = arith.constant 50000 : i32
      %mul3A_29 = arith.muli %add3A_27, %mul3A_28 : i32
      %add3A_30 = arith.constant 1600000 : i32
      %add3A_31 = arith.addi %add3A_30, %mul3A_29 : i32
      %mul3A_32 = arith.constant 5000 : i32
      %mul3A_33 = arith.muli %scan3A_24, %mul3A_32 : i32
      %add3A_34 = arith.addi %add3A_31, %mul3A_33 : i32
      "tpu.region"() ({
        %run_scoped3A = tpu.sem_alloc : memref<!tpu.dma_semaphore, #tpu.memory_space<semaphore_mem>>
        %dma_start3A = tpu.memref_slice %arg2[%add3A_34] : memref<3200000xi32, #tpu.memory_space<hbm>> -> memref<5000xi32, #tpu.memory_space<hbm>>
        %dma_start3A_35 = tpu.memref_slice %arg2[%add3A_34] : memref<3200000xi32, #tpu.memory_space<hbm>> -> memref<5000xi32, #tpu.memory_space<hbm>>
        tpu.enqueue_dma source(%dma_start3A_35 : memref<5000xi32, #tpu.memory_space<hbm>>) target(%arg4 : memref<5000xi32, #tpu.memory_space<vmem>>) target_semaphore(%run_scoped3A : memref<!tpu.dma_semaphore, #tpu.memory_space<semaphore_mem>>)
        %dma_wait3A = tpu.memref_slice %arg2[%add3A_34] : memref<3200000xi32, #tpu.memory_space<hbm>> -> memref<5000xi32, #tpu.memory_space<hbm>>
        %dma_wait3A_36 = tpu.memref_slice %arg2[%add3A_34] : memref<3200000xi32, #tpu.memory_space<hbm>> -> memref<5000xi32, #tpu.memory_space<hbm>>
        tpu.wait_dma2 semaphore(%run_scoped3A : memref<!tpu.dma_semaphore, #tpu.memory_space<semaphore_mem>>) src(%dma_wait3A_36 : memref<5000xi32, #tpu.memory_space<hbm>>) dst(%arg4 : memref<5000xi32, #tpu.memory_space<vmem>>)
        tpu.yield
      }) : () -> ()
      "tpu.region"() ({
        %run_scoped3A = tpu.sem_alloc : memref<!tpu.dma_semaphore, #tpu.memory_space<semaphore_mem>>
        %dma_start3A = arith.constant 0 : i32
        %dma_start3A_35 = tpu.memref_slice %arg5[%dma_start3A] : memref<6256xf32, #tpu.memory_space<vmem>> -> memref<5000xf32, #tpu.memory_space<vmem>>
        %dma_start3A_36 = arith.constant 0 : i32
        %dma_start3A_37 = tpu.memref_slice %arg6[%dma_start3A_36] : memref<100096xf32, #tpu.memory_space<vmem_shared>> -> memref<100096xf32, #tpu.memory_space<vmem_shared>>
        tpu.enqueue_indirect_dma source(%dma_start3A_35 : memref<5000xf32, #tpu.memory_space<vmem>>) target(%dma_start3A_37 : memref<100096xf32, #tpu.memory_space<vmem_shared>>) offsets(%arg4 : memref<5000xi32, #tpu.memory_space<vmem>>) semaphore(%run_scoped3A : memref<!tpu.dma_semaphore, #tpu.memory_space<semaphore_mem>>) {add = true}
        %dma_wait3A = arith.constant 0 : i32
        %dma_wait3A_38 = tpu.memref_slice %arg5[%dma_wait3A] : memref<6256xf32, #tpu.memory_space<vmem>> -> memref<5000xf32, #tpu.memory_space<vmem>>
        %dma_wait3A_39 = arith.constant 0 : i32
        %dma_wait3A_40 = tpu.memref_slice %arg6[%dma_wait3A_39] : memref<100096xf32, #tpu.memory_space<vmem_shared>> -> memref<100096xf32, #tpu.memory_space<vmem_shared>>
        tpu.wait_indirect_dma semaphore(%run_scoped3A : memref<!tpu.dma_semaphore, #tpu.memory_space<semaphore_mem>>) src(%dma_wait3A_38 : memref<5000xf32, #tpu.memory_space<vmem>>) dst(%dma_wait3A_40 : memref<100096xf32, #tpu.memory_space<vmem_shared>>)
        tpu.yield
      }) : () -> ()
    }
    %scan3A_20 = arith.constant 10 : i32
    %barrier3A_21 = arith.constant 0 : index
    tpu.barrier barrier_id(%barrier3A_21)
    "tpu.region"() ({
      %run_scoped3A = tpu.sem_alloc : memref<!tpu.dma_semaphore, #tpu.memory_space<semaphore_mem>>
      %dma_start3A = tpu.memref_slice %arg6[%mul3A_0] : memref<100096xf32, #tpu.memory_space<vmem_shared>> -> memref<6256xf32, #tpu.memory_space<vmem_shared>>
      %dma_start3A_24 = tpu.memref_slice %arg6[%mul3A_0] : memref<100096xf32, #tpu.memory_space<vmem_shared>> -> memref<6256xf32, #tpu.memory_space<vmem_shared>>
      tpu.enqueue_dma source(%dma_start3A_24 : memref<6256xf32, #tpu.memory_space<vmem_shared>>) target(%arg5 : memref<6256xf32, #tpu.memory_space<vmem>>) target_semaphore(%run_scoped3A : memref<!tpu.dma_semaphore, #tpu.memory_space<semaphore_mem>>)
      %dma_wait3A = tpu.memref_slice %arg6[%mul3A_0] : memref<100096xf32, #tpu.memory_space<vmem_shared>> -> memref<6256xf32, #tpu.memory_space<vmem_shared>>
      %dma_wait3A_25 = tpu.memref_slice %arg6[%mul3A_0] : memref<100096xf32, #tpu.memory_space<vmem_shared>> -> memref<6256xf32, #tpu.memory_space<vmem_shared>>
      tpu.wait_dma2 semaphore(%run_scoped3A : memref<!tpu.dma_semaphore, #tpu.memory_space<semaphore_mem>>) src(%dma_wait3A_25 : memref<6256xf32, #tpu.memory_space<vmem_shared>>) dst(%arg5 : memref<6256xf32, #tpu.memory_space<vmem>>)
      tpu.yield
    }) : () -> ()
    %mul3A_22 = arith.constant 100096 : i32
    %mul3A_23 = arith.muli %arg0, %mul3A_22 : i32
    %add3A = arith.addi %mul3A_23, %mul3A_0 : i32
    "tpu.region"() ({
      %run_scoped3A = tpu.sem_alloc : memref<!tpu.dma_semaphore, #tpu.memory_space<semaphore_mem>>
      %dma_start3A = tpu.memref_slice %arg3[%add3A] : memref<200192xf32, #tpu.memory_space<hbm>> -> memref<6256xf32, #tpu.memory_space<hbm>>
      %dma_start3A_24 = tpu.memref_slice %arg3[%add3A] : memref<200192xf32, #tpu.memory_space<hbm>> -> memref<6256xf32, #tpu.memory_space<hbm>>
      tpu.enqueue_dma source(%arg5 : memref<6256xf32, #tpu.memory_space<vmem>>) target(%dma_start3A_24 : memref<6256xf32, #tpu.memory_space<hbm>>) target_semaphore(%run_scoped3A : memref<!tpu.dma_semaphore, #tpu.memory_space<semaphore_mem>>)
      %dma_wait3A = tpu.memref_slice %arg3[%add3A] : memref<200192xf32, #tpu.memory_space<hbm>> -> memref<6256xf32, #tpu.memory_space<hbm>>
      %dma_wait3A_25 = tpu.memref_slice %arg3[%add3A] : memref<200192xf32, #tpu.memory_space<hbm>> -> memref<6256xf32, #tpu.memory_space<hbm>>
      tpu.wait_dma2 semaphore(%run_scoped3A : memref<!tpu.dma_semaphore, #tpu.memory_space<semaphore_mem>>) src(%arg5 : memref<6256xf32, #tpu.memory_space<vmem>>) dst(%dma_wait3A_25 : memref<6256xf32, #tpu.memory_space<hbm>>)
      tpu.yield
    }) : () -> ()
    return
  }
}

#map = affine_map<(d0, d1) -> (0, 0)>
#map1 = affine_map<(d0, d1) -> (0)>
module attributes {stable_mosaic.version = 14 : i64} {
  func.func @_agg_kernel(%arg0: i32, %arg1: i32, %arg2: memref<100096x16xf32, #tpu.memory_space<hbm>>, %arg3: memref<100096x16xf32, #tpu.memory_space<hbm>>, %arg4: memref<3200000xi32, #tpu.memory_space<hbm>>, %arg5: memref<3200000xi32, #tpu.memory_space<hbm>>, %arg6: memref<100096x16xf32, #tpu.memory_space<hbm>>, %arg7: memref<100096x16xf32, #tpu.memory_space<hbm>>, %arg8: memref<800xi32, #tpu.memory_space<vmem>>, %arg9: memref<800xi32, #tpu.memory_space<vmem>>, %arg10: memref<800xi32, #tpu.memory_space<vmem>>, %arg11: memref<800xi32, #tpu.memory_space<vmem>>, %arg12: memref<800x16xf32, #tpu.memory_space<vmem>>, %arg13: memref<800x16xf32, #tpu.memory_space<vmem>>, %arg14: memref<100096x16xf32, #tpu.memory_space<vmem_shared>>, %arg15: memref<!tpu.dma_semaphore, #tpu.memory_space<semaphore_mem>>, %arg16: memref<!tpu.dma_semaphore, #tpu.memory_space<semaphore_mem>>, %arg17: memref<!tpu.dma_semaphore, #tpu.memory_space<semaphore_mem>>, %arg18: memref<!tpu.dma_semaphore, #tpu.memory_space<semaphore_mem>>, %arg19: memref<!tpu.dma_semaphore, #tpu.memory_space<semaphore_mem>>, %arg20: memref<!tpu.dma_semaphore, #tpu.memory_space<semaphore_mem>>) attributes {dimension_semantics = [#tpu.dimension_semantics<core_parallel>, #tpu.dimension_semantics<subcore_parallel>], iteration_bounds = array<i64: 2, 16>, scalar_prefetch = 0 : i64, scratch_operands = 13 : i64, tpu.core_type = #tpu.core_type<sc_vector_subcore>, window_params = [{transform_indices = #map}, {transform_indices = #map}, {transform_indices = #map1}, {transform_indices = #map1}, {transform_indices = #map}, {transform_indices = #map}]} {
    %mul3A = arith.constant 6256 : i32
    %mul3A_0 = arith.muli %arg1, %mul3A : i32
    %broadcast_in_dim3A = arith.constant 0.000000e+00 : f32
    %broadcast_in_dim3A_1 = vector.broadcast %broadcast_in_dim3A : f32 to vector<16xf32>
    %scan3A = arith.constant 0 : i32
    %scan3A_2 = arith.constant 0 : i32
    %scan3A_3 = arith.constant 800 : i32
    %scan3A_4 = arith.addi %scan3A_2, %scan3A_3 : i32
    %scan3A_5 = arith.constant 1 : i32
    scf.for %scan3A_214 = %scan3A_2 to %scan3A_4 step %scan3A_5  : i32 {
      %swap3A = arith.index_cast %scan3A_214 : i32 to index
      %swap3A_215 = arith.constant 0 : index
      %swap3A_216 = tpu.vector_load %arg12[%swap3A, %swap3A_215] {strides = array<i32>} : memref<800x16xf32, #tpu.memory_space<vmem>>, vector<16xf32>,
      tpu.vector_store %arg12[%swap3A, %swap3A_215], %broadcast_in_dim3A_1 {strides = array<i32>} : memref<800x16xf32, #tpu.memory_space<vmem>>, vector<16xf32>,
    }
    %scan3A_6 = arith.constant 800 : i32
    %add3A = arith.constant 0 : i32
    %add3A_7 = arith.addi %mul3A_0, %add3A : i32
    %dma_start3A = arith.constant 0 : i32
    %dma_start3A_8 = arith.constant 0 : i32
    %dma_start3A_9 = tpu.memref_slice %arg12[%dma_start3A, %dma_start3A_8] : memref<800x16xf32, #tpu.memory_space<vmem>> -> memref<800x16xf32, #tpu.memory_space<vmem>>
    %dma_start3A_10 = arith.constant 0 : i32
    %dma_start3A_11 = tpu.memref_slice %arg14[%add3A_7, %dma_start3A_10] : memref<100096x16xf32, #tpu.memory_space<vmem_shared>> -> memref<800x16xf32, #tpu.memory_space<vmem_shared>>
    %dma_start3A_12 = arith.constant 0 : i32
    %dma_start3A_13 = tpu.memref_slice %arg14[%add3A_7, %dma_start3A_12] : memref<100096x16xf32, #tpu.memory_space<vmem_shared>> -> memref<800x16xf32, #tpu.memory_space<vmem_shared>>
    %dma_start3A_14 = arith.constant 0 : i32
    %dma_start3A_15 = arith.constant 0 : i32
    %dma_start3A_16 = tpu.memref_slice %arg12[%dma_start3A_14, %dma_start3A_15] : memref<800x16xf32, #tpu.memory_space<vmem>> -> memref<800x16xf32, #tpu.memory_space<vmem>>
    tpu.enqueue_dma source(%dma_start3A_16 : memref<800x16xf32, #tpu.memory_space<vmem>>) target(%dma_start3A_13 : memref<800x16xf32, #tpu.memory_space<vmem_shared>>) target_semaphore(%arg19 : memref<!tpu.dma_semaphore, #tpu.memory_space<semaphore_mem>>)
    %add3A_17 = arith.constant 800 : i32
    %add3A_18 = arith.addi %mul3A_0, %add3A_17 : i32
    %dma_start3A_19 = arith.constant 0 : i32
    %dma_start3A_20 = arith.constant 0 : i32
    %dma_start3A_21 = tpu.memref_slice %arg12[%dma_start3A_19, %dma_start3A_20] : memref<800x16xf32, #tpu.memory_space<vmem>> -> memref<800x16xf32, #tpu.memory_space<vmem>>
    %dma_start3A_22 = arith.constant 0 : i32
    %dma_start3A_23 = tpu.memref_slice %arg14[%add3A_18, %dma_start3A_22] : memref<100096x16xf32, #tpu.memory_space<vmem_shared>> -> memref<800x16xf32, #tpu.memory_space<vmem_shared>>
    %dma_start3A_24 = arith.constant 0 : i32
    %dma_start3A_25 = tpu.memref_slice %arg14[%add3A_18, %dma_start3A_24] : memref<100096x16xf32, #tpu.memory_space<vmem_shared>> -> memref<800x16xf32, #tpu.memory_space<vmem_shared>>
    %dma_start3A_26 = arith.constant 0 : i32
    %dma_start3A_27 = arith.constant 0 : i32
    %dma_start3A_28 = tpu.memref_slice %arg12[%dma_start3A_26, %dma_start3A_27] : memref<800x16xf32, #tpu.memory_space<vmem>> -> memref<800x16xf32, #tpu.memory_space<vmem>>
    tpu.enqueue_dma source(%dma_start3A_28 : memref<800x16xf32, #tpu.memory_space<vmem>>) target(%dma_start3A_25 : memref<800x16xf32, #tpu.memory_space<vmem_shared>>) target_semaphore(%arg19 : memref<!tpu.dma_semaphore, #tpu.memory_space<semaphore_mem>>)
    %add3A_29 = arith.constant 1600 : i32
    %add3A_30 = arith.addi %mul3A_0, %add3A_29 : i32
    %dma_start3A_31 = arith.constant 0 : i32
    %dma_start3A_32 = arith.constant 0 : i32
    %dma_start3A_33 = tpu.memref_slice %arg12[%dma_start3A_31, %dma_start3A_32] : memref<800x16xf32, #tpu.memory_space<vmem>> -> memref<800x16xf32, #tpu.memory_space<vmem>>
    %dma_start3A_34 = arith.constant 0 : i32
    %dma_start3A_35 = tpu.memref_slice %arg14[%add3A_30, %dma_start3A_34] : memref<100096x16xf32, #tpu.memory_space<vmem_shared>> -> memref<800x16xf32, #tpu.memory_space<vmem_shared>>
    %dma_start3A_36 = arith.constant 0 : i32
    %dma_start3A_37 = tpu.memref_slice %arg14[%add3A_30, %dma_start3A_36] : memref<100096x16xf32, #tpu.memory_space<vmem_shared>> -> memref<800x16xf32, #tpu.memory_space<vmem_shared>>
    %dma_start3A_38 = arith.constant 0 : i32
    %dma_start3A_39 = arith.constant 0 : i32
    %dma_start3A_40 = tpu.memref_slice %arg12[%dma_start3A_38, %dma_start3A_39] : memref<800x16xf32, #tpu.memory_space<vmem>> -> memref<800x16xf32, #tpu.memory_space<vmem>>
    tpu.enqueue_dma source(%dma_start3A_40 : memref<800x16xf32, #tpu.memory_space<vmem>>) target(%dma_start3A_37 : memref<800x16xf32, #tpu.memory_space<vmem_shared>>) target_semaphore(%arg19 : memref<!tpu.dma_semaphore, #tpu.memory_space<semaphore_mem>>)
    %add3A_41 = arith.constant 2400 : i32
    %add3A_42 = arith.addi %mul3A_0, %add3A_41 : i32
    %dma_start3A_43 = arith.constant 0 : i32
    %dma_start3A_44 = arith.constant 0 : i32
    %dma_start3A_45 = tpu.memref_slice %arg12[%dma_start3A_43, %dma_start3A_44] : memref<800x16xf32, #tpu.memory_space<vmem>> -> memref<800x16xf32, #tpu.memory_space<vmem>>
    %dma_start3A_46 = arith.constant 0 : i32
    %dma_start3A_47 = tpu.memref_slice %arg14[%add3A_42, %dma_start3A_46] : memref<100096x16xf32, #tpu.memory_space<vmem_shared>> -> memref<800x16xf32, #tpu.memory_space<vmem_shared>>
    %dma_start3A_48 = arith.constant 0 : i32
    %dma_start3A_49 = tpu.memref_slice %arg14[%add3A_42, %dma_start3A_48] : memref<100096x16xf32, #tpu.memory_space<vmem_shared>> -> memref<800x16xf32, #tpu.memory_space<vmem_shared>>
    %dma_start3A_50 = arith.constant 0 : i32
    %dma_start3A_51 = arith.constant 0 : i32
    %dma_start3A_52 = tpu.memref_slice %arg12[%dma_start3A_50, %dma_start3A_51] : memref<800x16xf32, #tpu.memory_space<vmem>> -> memref<800x16xf32, #tpu.memory_space<vmem>>
    tpu.enqueue_dma source(%dma_start3A_52 : memref<800x16xf32, #tpu.memory_space<vmem>>) target(%dma_start3A_49 : memref<800x16xf32, #tpu.memory_space<vmem_shared>>) target_semaphore(%arg19 : memref<!tpu.dma_semaphore, #tpu.memory_space<semaphore_mem>>)
    %add3A_53 = arith.constant 3200 : i32
    %add3A_54 = arith.addi %mul3A_0, %add3A_53 : i32
    %dma_start3A_55 = arith.constant 0 : i32
    %dma_start3A_56 = arith.constant 0 : i32
    %dma_start3A_57 = tpu.memref_slice %arg12[%dma_start3A_55, %dma_start3A_56] : memref<800x16xf32, #tpu.memory_space<vmem>> -> memref<800x16xf32, #tpu.memory_space<vmem>>
    %dma_start3A_58 = arith.constant 0 : i32
    %dma_start3A_59 = tpu.memref_slice %arg14[%add3A_54, %dma_start3A_58] : memref<100096x16xf32, #tpu.memory_space<vmem_shared>> -> memref<800x16xf32, #tpu.memory_space<vmem_shared>>
    %dma_start3A_60 = arith.constant 0 : i32
    %dma_start3A_61 = tpu.memref_slice %arg14[%add3A_54, %dma_start3A_60] : memref<100096x16xf32, #tpu.memory_space<vmem_shared>> -> memref<800x16xf32, #tpu.memory_space<vmem_shared>>
    %dma_start3A_62 = arith.constant 0 : i32
    %dma_start3A_63 = arith.constant 0 : i32
    %dma_start3A_64 = tpu.memref_slice %arg12[%dma_start3A_62, %dma_start3A_63] : memref<800x16xf32, #tpu.memory_space<vmem>> -> memref<800x16xf32, #tpu.memory_space<vmem>>
    tpu.enqueue_dma source(%dma_start3A_64 : memref<800x16xf32, #tpu.memory_space<vmem>>) target(%dma_start3A_61 : memref<800x16xf32, #tpu.memory_space<vmem_shared>>) target_semaphore(%arg19 : memref<!tpu.dma_semaphore, #tpu.memory_space<semaphore_mem>>)
    %add3A_65 = arith.constant 4000 : i32
    %add3A_66 = arith.addi %mul3A_0, %add3A_65 : i32
    %dma_start3A_67 = arith.constant 0 : i32
    %dma_start3A_68 = arith.constant 0 : i32
    %dma_start3A_69 = tpu.memref_slice %arg12[%dma_start3A_67, %dma_start3A_68] : memref<800x16xf32, #tpu.memory_space<vmem>> -> memref<800x16xf32, #tpu.memory_space<vmem>>
    %dma_start3A_70 = arith.constant 0 : i32
    %dma_start3A_71 = tpu.memref_slice %arg14[%add3A_66, %dma_start3A_70] : memref<100096x16xf32, #tpu.memory_space<vmem_shared>> -> memref<800x16xf32, #tpu.memory_space<vmem_shared>>
    %dma_start3A_72 = arith.constant 0 : i32
    %dma_start3A_73 = tpu.memref_slice %arg14[%add3A_66, %dma_start3A_72] : memref<100096x16xf32, #tpu.memory_space<vmem_shared>> -> memref<800x16xf32, #tpu.memory_space<vmem_shared>>
    %dma_start3A_74 = arith.constant 0 : i32
    %dma_start3A_75 = arith.constant 0 : i32
    %dma_start3A_76 = tpu.memref_slice %arg12[%dma_start3A_74, %dma_start3A_75] : memref<800x16xf32, #tpu.memory_space<vmem>> -> memref<800x16xf32, #tpu.memory_space<vmem>>
    tpu.enqueue_dma source(%dma_start3A_76 : memref<800x16xf32, #tpu.memory_space<vmem>>) target(%dma_start3A_73 : memref<800x16xf32, #tpu.memory_space<vmem_shared>>) target_semaphore(%arg19 : memref<!tpu.dma_semaphore, #tpu.memory_space<semaphore_mem>>)
    %add3A_77 = arith.constant 4800 : i32
    %add3A_78 = arith.addi %mul3A_0, %add3A_77 : i32
    %dma_start3A_79 = arith.constant 0 : i32
    %dma_start3A_80 = arith.constant 0 : i32
    %dma_start3A_81 = tpu.memref_slice %arg12[%dma_start3A_79, %dma_start3A_80] : memref<800x16xf32, #tpu.memory_space<vmem>> -> memref<800x16xf32, #tpu.memory_space<vmem>>
    %dma_start3A_82 = arith.constant 0 : i32
    %dma_start3A_83 = tpu.memref_slice %arg14[%add3A_78, %dma_start3A_82] : memref<100096x16xf32, #tpu.memory_space<vmem_shared>> -> memref<800x16xf32, #tpu.memory_space<vmem_shared>>
    %dma_start3A_84 = arith.constant 0 : i32
    %dma_start3A_85 = tpu.memref_slice %arg14[%add3A_78, %dma_start3A_84] : memref<100096x16xf32, #tpu.memory_space<vmem_shared>> -> memref<800x16xf32, #tpu.memory_space<vmem_shared>>
    %dma_start3A_86 = arith.constant 0 : i32
    %dma_start3A_87 = arith.constant 0 : i32
    %dma_start3A_88 = tpu.memref_slice %arg12[%dma_start3A_86, %dma_start3A_87] : memref<800x16xf32, #tpu.memory_space<vmem>> -> memref<800x16xf32, #tpu.memory_space<vmem>>
    tpu.enqueue_dma source(%dma_start3A_88 : memref<800x16xf32, #tpu.memory_space<vmem>>) target(%dma_start3A_85 : memref<800x16xf32, #tpu.memory_space<vmem_shared>>) target_semaphore(%arg19 : memref<!tpu.dma_semaphore, #tpu.memory_space<semaphore_mem>>)
    %add3A_89 = arith.constant 5600 : i32
    %add3A_90 = arith.addi %mul3A_0, %add3A_89 : i32
    %dma_start3A_91 = arith.constant 0 : i32
    %dma_start3A_92 = arith.constant 0 : i32
    %dma_start3A_93 = tpu.memref_slice %arg12[%dma_start3A_91, %dma_start3A_92] : memref<800x16xf32, #tpu.memory_space<vmem>> -> memref<656x16xf32, #tpu.memory_space<vmem>>
    %dma_start3A_94 = arith.constant 0 : i32
    %dma_start3A_95 = tpu.memref_slice %arg14[%add3A_90, %dma_start3A_94] : memref<100096x16xf32, #tpu.memory_space<vmem_shared>> -> memref<656x16xf32, #tpu.memory_space<vmem_shared>>
    %dma_start3A_96 = arith.constant 0 : i32
    %dma_start3A_97 = tpu.memref_slice %arg14[%add3A_90, %dma_start3A_96] : memref<100096x16xf32, #tpu.memory_space<vmem_shared>> -> memref<656x16xf32, #tpu.memory_space<vmem_shared>>
    %dma_start3A_98 = arith.constant 0 : i32
    %dma_start3A_99 = arith.constant 0 : i32
    %dma_start3A_100 = tpu.memref_slice %arg12[%dma_start3A_98, %dma_start3A_99] : memref<800x16xf32, #tpu.memory_space<vmem>> -> memref<656x16xf32, #tpu.memory_space<vmem>>
    tpu.enqueue_dma source(%dma_start3A_100 : memref<656x16xf32, #tpu.memory_space<vmem>>) target(%dma_start3A_97 : memref<656x16xf32, #tpu.memory_space<vmem_shared>>) target_semaphore(%arg19 : memref<!tpu.dma_semaphore, #tpu.memory_space<semaphore_mem>>)
    %add3A_101 = arith.constant 0 : i32
    %add3A_102 = arith.addi %mul3A_0, %add3A_101 : i32
    %dma_wait3A = arith.constant 0 : i32
    %dma_wait3A_103 = arith.constant 0 : i32
    %dma_wait3A_104 = tpu.memref_slice %arg12[%dma_wait3A, %dma_wait3A_103] : memref<800x16xf32, #tpu.memory_space<vmem>> -> memref<800x16xf32, #tpu.memory_space<vmem>>
    %dma_wait3A_105 = arith.constant 0 : i32
    %dma_wait3A_106 = tpu.memref_slice %arg14[%add3A_102, %dma_wait3A_105] : memref<100096x16xf32, #tpu.memory_space<vmem_shared>> -> memref<800x16xf32, #tpu.memory_space<vmem_shared>>
    %dma_wait3A_107 = arith.constant 0 : i32
    %dma_wait3A_108 = tpu.memref_slice %arg14[%add3A_102, %dma_wait3A_107] : memref<100096x16xf32, #tpu.memory_space<vmem_shared>> -> memref<800x16xf32, #tpu.memory_space<vmem_shared>>
    %dma_wait3A_109 = arith.constant 0 : i32
    %dma_wait3A_110 = arith.constant 0 : i32
    %dma_wait3A_111 = tpu.memref_slice %arg12[%dma_wait3A_109, %dma_wait3A_110] : memref<800x16xf32, #tpu.memory_space<vmem>> -> memref<800x16xf32, #tpu.memory_space<vmem>>
    tpu.wait_dma2 semaphore(%arg19 : memref<!tpu.dma_semaphore, #tpu.memory_space<semaphore_mem>>) src(%dma_wait3A_111 : memref<800x16xf32, #tpu.memory_space<vmem>>) dst(%dma_wait3A_108 : memref<800x16xf32, #tpu.memory_space<vmem_shared>>)
    %add3A_112 = arith.constant 800 : i32
    %add3A_113 = arith.addi %mul3A_0, %add3A_112 : i32
    %dma_wait3A_114 = arith.constant 0 : i32
    %dma_wait3A_115 = arith.constant 0 : i32
    %dma_wait3A_116 = tpu.memref_slice %arg12[%dma_wait3A_114, %dma_wait3A_115] : memref<800x16xf32, #tpu.memory_space<vmem>> -> memref<800x16xf32, #tpu.memory_space<vmem>>
    %dma_wait3A_117 = arith.constant 0 : i32
    %dma_wait3A_118 = tpu.memref_slice %arg14[%add3A_113, %dma_wait3A_117] : memref<100096x16xf32, #tpu.memory_space<vmem_shared>> -> memref<800x16xf32, #tpu.memory_space<vmem_shared>>
    %dma_wait3A_119 = arith.constant 0 : i32
    %dma_wait3A_120 = tpu.memref_slice %arg14[%add3A_113, %dma_wait3A_119] : memref<100096x16xf32, #tpu.memory_space<vmem_shared>> -> memref<800x16xf32, #tpu.memory_space<vmem_shared>>
    %dma_wait3A_121 = arith.constant 0 : i32
    %dma_wait3A_122 = arith.constant 0 : i32
    %dma_wait3A_123 = tpu.memref_slice %arg12[%dma_wait3A_121, %dma_wait3A_122] : memref<800x16xf32, #tpu.memory_space<vmem>> -> memref<800x16xf32, #tpu.memory_space<vmem>>
    tpu.wait_dma2 semaphore(%arg19 : memref<!tpu.dma_semaphore, #tpu.memory_space<semaphore_mem>>) src(%dma_wait3A_123 : memref<800x16xf32, #tpu.memory_space<vmem>>) dst(%dma_wait3A_120 : memref<800x16xf32, #tpu.memory_space<vmem_shared>>)
    %add3A_124 = arith.constant 1600 : i32
    %add3A_125 = arith.addi %mul3A_0, %add3A_124 : i32
    %dma_wait3A_126 = arith.constant 0 : i32
    %dma_wait3A_127 = arith.constant 0 : i32
    %dma_wait3A_128 = tpu.memref_slice %arg12[%dma_wait3A_126, %dma_wait3A_127] : memref<800x16xf32, #tpu.memory_space<vmem>> -> memref<800x16xf32, #tpu.memory_space<vmem>>
    %dma_wait3A_129 = arith.constant 0 : i32
    %dma_wait3A_130 = tpu.memref_slice %arg14[%add3A_125, %dma_wait3A_129] : memref<100096x16xf32, #tpu.memory_space<vmem_shared>> -> memref<800x16xf32, #tpu.memory_space<vmem_shared>>
    %dma_wait3A_131 = arith.constant 0 : i32
    %dma_wait3A_132 = tpu.memref_slice %arg14[%add3A_125, %dma_wait3A_131] : memref<100096x16xf32, #tpu.memory_space<vmem_shared>> -> memref<800x16xf32, #tpu.memory_space<vmem_shared>>
    %dma_wait3A_133 = arith.constant 0 : i32
    %dma_wait3A_134 = arith.constant 0 : i32
    %dma_wait3A_135 = tpu.memref_slice %arg12[%dma_wait3A_133, %dma_wait3A_134] : memref<800x16xf32, #tpu.memory_space<vmem>> -> memref<800x16xf32, #tpu.memory_space<vmem>>
    tpu.wait_dma2 semaphore(%arg19 : memref<!tpu.dma_semaphore, #tpu.memory_space<semaphore_mem>>) src(%dma_wait3A_135 : memref<800x16xf32, #tpu.memory_space<vmem>>) dst(%dma_wait3A_132 : memref<800x16xf32, #tpu.memory_space<vmem_shared>>)
    %add3A_136 = arith.constant 2400 : i32
    %add3A_137 = arith.addi %mul3A_0, %add3A_136 : i32
    %dma_wait3A_138 = arith.constant 0 : i32
    %dma_wait3A_139 = arith.constant 0 : i32
    %dma_wait3A_140 = tpu.memref_slice %arg12[%dma_wait3A_138, %dma_wait3A_139] : memref<800x16xf32, #tpu.memory_space<vmem>> -> memref<800x16xf32, #tpu.memory_space<vmem>>
    %dma_wait3A_141 = arith.constant 0 : i32
    %dma_wait3A_142 = tpu.memref_slice %arg14[%add3A_137, %dma_wait3A_141] : memref<100096x16xf32, #tpu.memory_space<vmem_shared>> -> memref<800x16xf32, #tpu.memory_space<vmem_shared>>
    %dma_wait3A_143 = arith.constant 0 : i32
    %dma_wait3A_144 = tpu.memref_slice %arg14[%add3A_137, %dma_wait3A_143] : memref<100096x16xf32, #tpu.memory_space<vmem_shared>> -> memref<800x16xf32, #tpu.memory_space<vmem_shared>>
    %dma_wait3A_145 = arith.constant 0 : i32
    %dma_wait3A_146 = arith.constant 0 : i32
    %dma_wait3A_147 = tpu.memref_slice %arg12[%dma_wait3A_145, %dma_wait3A_146] : memref<800x16xf32, #tpu.memory_space<vmem>> -> memref<800x16xf32, #tpu.memory_space<vmem>>
    tpu.wait_dma2 semaphore(%arg19 : memref<!tpu.dma_semaphore, #tpu.memory_space<semaphore_mem>>) src(%dma_wait3A_147 : memref<800x16xf32, #tpu.memory_space<vmem>>) dst(%dma_wait3A_144 : memref<800x16xf32, #tpu.memory_space<vmem_shared>>)
    %add3A_148 = arith.constant 3200 : i32
    %add3A_149 = arith.addi %mul3A_0, %add3A_148 : i32
    %dma_wait3A_150 = arith.constant 0 : i32
    %dma_wait3A_151 = arith.constant 0 : i32
    %dma_wait3A_152 = tpu.memref_slice %arg12[%dma_wait3A_150, %dma_wait3A_151] : memref<800x16xf32, #tpu.memory_space<vmem>> -> memref<800x16xf32, #tpu.memory_space<vmem>>
    %dma_wait3A_153 = arith.constant 0 : i32
    %dma_wait3A_154 = tpu.memref_slice %arg14[%add3A_149, %dma_wait3A_153] : memref<100096x16xf32, #tpu.memory_space<vmem_shared>> -> memref<800x16xf32, #tpu.memory_space<vmem_shared>>
    %dma_wait3A_155 = arith.constant 0 : i32
    %dma_wait3A_156 = tpu.memref_slice %arg14[%add3A_149, %dma_wait3A_155] : memref<100096x16xf32, #tpu.memory_space<vmem_shared>> -> memref<800x16xf32, #tpu.memory_space<vmem_shared>>
    %dma_wait3A_157 = arith.constant 0 : i32
    %dma_wait3A_158 = arith.constant 0 : i32
    %dma_wait3A_159 = tpu.memref_slice %arg12[%dma_wait3A_157, %dma_wait3A_158] : memref<800x16xf32, #tpu.memory_space<vmem>> -> memref<800x16xf32, #tpu.memory_space<vmem>>
    tpu.wait_dma2 semaphore(%arg19 : memref<!tpu.dma_semaphore, #tpu.memory_space<semaphore_mem>>) src(%dma_wait3A_159 : memref<800x16xf32, #tpu.memory_space<vmem>>) dst(%dma_wait3A_156 : memref<800x16xf32, #tpu.memory_space<vmem_shared>>)
    %add3A_160 = arith.constant 4000 : i32
    %add3A_161 = arith.addi %mul3A_0, %add3A_160 : i32
    %dma_wait3A_162 = arith.constant 0 : i32
    %dma_wait3A_163 = arith.constant 0 : i32
    %dma_wait3A_164 = tpu.memref_slice %arg12[%dma_wait3A_162, %dma_wait3A_163] : memref<800x16xf32, #tpu.memory_space<vmem>> -> memref<800x16xf32, #tpu.memory_space<vmem>>
    %dma_wait3A_165 = arith.constant 0 : i32
    %dma_wait3A_166 = tpu.memref_slice %arg14[%add3A_161, %dma_wait3A_165] : memref<100096x16xf32, #tpu.memory_space<vmem_shared>> -> memref<800x16xf32, #tpu.memory_space<vmem_shared>>
    %dma_wait3A_167 = arith.constant 0 : i32
    %dma_wait3A_168 = tpu.memref_slice %arg14[%add3A_161, %dma_wait3A_167] : memref<100096x16xf32, #tpu.memory_space<vmem_shared>> -> memref<800x16xf32, #tpu.memory_space<vmem_shared>>
    %dma_wait3A_169 = arith.constant 0 : i32
    %dma_wait3A_170 = arith.constant 0 : i32
    %dma_wait3A_171 = tpu.memref_slice %arg12[%dma_wait3A_169, %dma_wait3A_170] : memref<800x16xf32, #tpu.memory_space<vmem>> -> memref<800x16xf32, #tpu.memory_space<vmem>>
    tpu.wait_dma2 semaphore(%arg19 : memref<!tpu.dma_semaphore, #tpu.memory_space<semaphore_mem>>) src(%dma_wait3A_171 : memref<800x16xf32, #tpu.memory_space<vmem>>) dst(%dma_wait3A_168 : memref<800x16xf32, #tpu.memory_space<vmem_shared>>)
    %add3A_172 = arith.constant 4800 : i32
    %add3A_173 = arith.addi %mul3A_0, %add3A_172 : i32
    %dma_wait3A_174 = arith.constant 0 : i32
    %dma_wait3A_175 = arith.constant 0 : i32
    %dma_wait3A_176 = tpu.memref_slice %arg12[%dma_wait3A_174, %dma_wait3A_175] : memref<800x16xf32, #tpu.memory_space<vmem>> -> memref<800x16xf32, #tpu.memory_space<vmem>>
    %dma_wait3A_177 = arith.constant 0 : i32
    %dma_wait3A_178 = tpu.memref_slice %arg14[%add3A_173, %dma_wait3A_177] : memref<100096x16xf32, #tpu.memory_space<vmem_shared>> -> memref<800x16xf32, #tpu.memory_space<vmem_shared>>
    %dma_wait3A_179 = arith.constant 0 : i32
    %dma_wait3A_180 = tpu.memref_slice %arg14[%add3A_173, %dma_wait3A_179] : memref<100096x16xf32, #tpu.memory_space<vmem_shared>> -> memref<800x16xf32, #tpu.memory_space<vmem_shared>>
    %dma_wait3A_181 = arith.constant 0 : i32
    %dma_wait3A_182 = arith.constant 0 : i32
    %dma_wait3A_183 = tpu.memref_slice %arg12[%dma_wait3A_181, %dma_wait3A_182] : memref<800x16xf32, #tpu.memory_space<vmem>> -> memref<800x16xf32, #tpu.memory_space<vmem>>
    tpu.wait_dma2 semaphore(%arg19 : memref<!tpu.dma_semaphore, #tpu.memory_space<semaphore_mem>>) src(%dma_wait3A_183 : memref<800x16xf32, #tpu.memory_space<vmem>>) dst(%dma_wait3A_180 : memref<800x16xf32, #tpu.memory_space<vmem_shared>>)
    %add3A_184 = arith.constant 5600 : i32
    %add3A_185 = arith.addi %mul3A_0, %add3A_184 : i32
    %dma_wait3A_186 = arith.constant 0 : i32
    %dma_wait3A_187 = arith.constant 0 : i32
    %dma_wait3A_188 = tpu.memref_slice %arg12[%dma_wait3A_186, %dma_wait3A_187] : memref<800x16xf32, #tpu.memory_space<vmem>> -> memref<656x16xf32, #tpu.memory_space<vmem>>
    %dma_wait3A_189 = arith.constant 0 : i32
    %dma_wait3A_190 = tpu.memref_slice %arg14[%add3A_185, %dma_wait3A_189] : memref<100096x16xf32, #tpu.memory_space<vmem_shared>> -> memref<656x16xf32, #tpu.memory_space<vmem_shared>>
    %dma_wait3A_191 = arith.constant 0 : i32
    %dma_wait3A_192 = tpu.memref_slice %arg14[%add3A_185, %dma_wait3A_191] : memref<100096x16xf32, #tpu.memory_space<vmem_shared>> -> memref<656x16xf32, #tpu.memory_space<vmem_shared>>
    %dma_wait3A_193 = arith.constant 0 : i32
    %dma_wait3A_194 = arith.constant 0 : i32
    %dma_wait3A_195 = tpu.memref_slice %arg12[%dma_wait3A_193, %dma_wait3A_194] : memref<800x16xf32, #tpu.memory_space<vmem>> -> memref<656x16xf32, #tpu.memory_space<vmem>>
    tpu.wait_dma2 semaphore(%arg19 : memref<!tpu.dma_semaphore, #tpu.memory_space<semaphore_mem>>) src(%dma_wait3A_195 : memref<656x16xf32, #tpu.memory_space<vmem>>) dst(%dma_wait3A_192 : memref<656x16xf32, #tpu.memory_space<vmem_shared>>)
    %barrier3A = arith.constant 0 : index
    tpu.barrier barrier_id(%barrier3A)
    %eq3A = arith.constant 0 : i32
    %eq3A_196 = arith.cmpi eq, %arg0, %eq3A : i32
    %convert_element_type3A = arith.extui %eq3A_196 : i1 to i32
    %cond3A = arith.constant 0 : i32
    %cond3A_197 = arith.cmpi ne, %convert_element_type3A, %cond3A : i32
    scf.if %cond3A_197 {
      %mul3A_214 = arith.constant 100000 : i32
      %mul3A_215 = arith.muli %arg1, %mul3A_214 : i32
      %add3A_216 = arith.constant 0 : i32
      %add3A_217 = arith.addi %mul3A_215, %add3A_216 : i32
      %dma_start3A_218 = tpu.memref_slice %arg4[%add3A_217] : memref<3200000xi32, #tpu.memory_space<hbm>> -> memref<800xi32, #tpu.memory_space<hbm>>
      %dma_start3A_219 = tpu.memref_slice %arg4[%add3A_217] : memref<3200000xi32, #tpu.memory_space<hbm>> -> memref<800xi32, #tpu.memory_space<hbm>>
      tpu.enqueue_dma source(%dma_start3A_219 : memref<800xi32, #tpu.memory_space<hbm>>) target(%arg8 : memref<800xi32, #tpu.memory_space<vmem>>) target_semaphore(%arg15 : memref<!tpu.dma_semaphore, #tpu.memory_space<semaphore_mem>>)
      %add3A_220 = arith.constant 1600000 : i32
      %add3A_221 = arith.addi %add3A_220, %add3A_217 : i32
      %dma_start3A_222 = tpu.memref_slice %arg5[%add3A_221] : memref<3200000xi32, #tpu.memory_space<hbm>> -> memref<800xi32, #tpu.memory_space<hbm>>
      %dma_start3A_223 = tpu.memref_slice %arg5[%add3A_221] : memref<3200000xi32, #tpu.memory_space<hbm>> -> memref<800xi32, #tpu.memory_space<hbm>>
      tpu.enqueue_dma source(%dma_start3A_223 : memref<800xi32, #tpu.memory_space<hbm>>) target(%arg10 : memref<800xi32, #tpu.memory_space<vmem>>) target_semaphore(%arg15 : memref<!tpu.dma_semaphore, #tpu.memory_space<semaphore_mem>>)
      %dma_wait3A_224 = arith.constant 0 : i32
      %dma_wait3A_225 = tpu.memref_slice %arg4[%dma_wait3A_224] : memref<3200000xi32, #tpu.memory_space<hbm>> -> memref<800xi32, #tpu.memory_space<hbm>>
      %dma_wait3A_226 = arith.constant 0 : i32
      %dma_wait3A_227 = tpu.memref_slice %arg4[%dma_wait3A_226] : memref<3200000xi32, #tpu.memory_space<hbm>> -> memref<800xi32, #tpu.memory_space<hbm>>
      tpu.wait_dma2 semaphore(%arg15 : memref<!tpu.dma_semaphore, #tpu.memory_space<semaphore_mem>>) src(%dma_wait3A_227 : memref<800xi32, #tpu.memory_space<hbm>>) dst(%arg8 : memref<800xi32, #tpu.memory_space<vmem>>)
      %dma_wait3A_228 = arith.constant 0 : i32
      %dma_wait3A_229 = tpu.memref_slice %arg5[%dma_wait3A_228] : memref<3200000xi32, #tpu.memory_space<hbm>> -> memref<800xi32, #tpu.memory_space<hbm>>
      %dma_wait3A_230 = arith.constant 0 : i32
      %dma_wait3A_231 = tpu.memref_slice %arg5[%dma_wait3A_230] : memref<3200000xi32, #tpu.memory_space<hbm>> -> memref<800xi32, #tpu.memory_space<hbm>>
      tpu.wait_dma2 semaphore(%arg15 : memref<!tpu.dma_semaphore, #tpu.memory_space<semaphore_mem>>) src(%dma_wait3A_231 : memref<800xi32, #tpu.memory_space<hbm>>) dst(%arg10 : memref<800xi32, #tpu.memory_space<vmem>>)
      %dma_start3A_232 = arith.constant 0 : i32
      %dma_start3A_233 = arith.constant 0 : i32
      %dma_start3A_234 = tpu.memref_slice %arg2[%dma_start3A_232, %dma_start3A_233] : memref<100096x16xf32, #tpu.memory_space<hbm>> -> memref<100096x16xf32, #tpu.memory_space<hbm>>
      tpu.enqueue_indirect_dma source(%dma_start3A_234 : memref<100096x16xf32, #tpu.memory_space<hbm>>) target(%arg12 : memref<800x16xf32, #tpu.memory_space<vmem>>) offsets(%arg8 : memref<800xi32, #tpu.memory_space<vmem>>) semaphore(%arg17 : memref<!tpu.dma_semaphore, #tpu.memory_space<semaphore_mem>>)
      %dma_wait3A_235 = arith.constant 0 : i32
      %dma_wait3A_236 = arith.constant 0 : i32
      %dma_wait3A_237 = tpu.memref_slice %arg2[%dma_wait3A_235, %dma_wait3A_236] : memref<100096x16xf32, #tpu.memory_space<hbm>> -> memref<100096x16xf32, #tpu.memory_space<hbm>>
      tpu.wait_indirect_dma semaphore(%arg17 : memref<!tpu.dma_semaphore, #tpu.memory_space<semaphore_mem>>) src(%dma_wait3A_237 : memref<100096x16xf32, #tpu.memory_space<hbm>>) dst(%arg12 : memref<800x16xf32, #tpu.memory_space<vmem>>)
      %dma_start3A_238 = arith.constant 0 : i32
      %dma_start3A_239 = arith.constant 0 : i32
      %dma_start3A_240 = tpu.memref_slice %arg14[%dma_start3A_238, %dma_start3A_239] : memref<100096x16xf32, #tpu.memory_space<vmem_shared>> -> memref<100096x16xf32, #tpu.memory_space<vmem_shared>>
      tpu.enqueue_indirect_dma source(%arg12 : memref<800x16xf32, #tpu.memory_space<vmem>>) target(%dma_start3A_240 : memref<100096x16xf32, #tpu.memory_space<vmem_shared>>) offsets(%arg10 : memref<800xi32, #tpu.memory_space<vmem>>) semaphore(%arg19 : memref<!tpu.dma_semaphore, #tpu.memory_space<semaphore_mem>>) {add = true}
      %mul3A_241 = arith.constant 100000 : i32
      %mul3A_242 = arith.muli %arg1, %mul3A_241 : i32
      %add3A_243 = arith.constant 800 : i32
      %add3A_244 = arith.addi %mul3A_242, %add3A_243 : i32
      %dma_start3A_245 = tpu.memref_slice %arg4[%add3A_244] : memref<3200000xi32, #tpu.memory_space<hbm>> -> memref<800xi32, #tpu.memory_space<hbm>>
      %dma_start3A_246 = tpu.memref_slice %arg4[%add3A_244] : memref<3200000xi32, #tpu.memory_space<hbm>> -> memref<800xi32, #tpu.memory_space<hbm>>
      tpu.enqueue_dma source(%dma_start3A_246 : memref<800xi32, #tpu.memory_space<hbm>>) target(%arg9 : memref<800xi32, #tpu.memory_space<vmem>>) target_semaphore(%arg16 : memref<!tpu.dma_semaphore, #tpu.memory_space<semaphore_mem>>)
      %add3A_247 = arith.constant 1600000 : i32
      %add3A_248 = arith.addi %add3A_247, %add3A_244 : i32
      %dma_start3A_249 = tpu.memref_slice %arg5[%add3A_248] : memref<3200000xi32, #tpu.memory_space<hbm>> -> memref<800xi32, #tpu.memory_space<hbm>>
      %dma_start3A_250 = tpu.memref_slice %arg5[%add3A_248] : memref<3200000xi32, #tpu.memory_space<hbm>> -> memref<800xi32, #tpu.memory_space<hbm>>
      tpu.enqueue_dma source(%dma_start3A_250 : memref<800xi32, #tpu.memory_space<hbm>>) target(%arg11 : memref<800xi32, #tpu.memory_space<vmem>>) target_semaphore(%arg16 : memref<!tpu.dma_semaphore, #tpu.memory_space<semaphore_mem>>)
      %dma_wait3A_251 = arith.constant 0 : i32
      %dma_wait3A_252 = tpu.memref_slice %arg4[%dma_wait3A_251] : memref<3200000xi32, #tpu.memory_space<hbm>> -> memref<800xi32, #tpu.memory_space<hbm>>
      %dma_wait3A_253 = arith.constant 0 : i32
      %dma_wait3A_254 = tpu.memref_slice %arg4[%dma_wait3A_253] : memref<3200000xi32, #tpu.memory_space<hbm>> -> memref<800xi32, #tpu.memory_space<hbm>>
      tpu.wait_dma2 semaphore(%arg16 : memref<!tpu.dma_semaphore, #tpu.memory_space<semaphore_mem>>) src(%dma_wait3A_254 : memref<800xi32, #tpu.memory_space<hbm>>) dst(%arg9 : memref<800xi32, #tpu.memory_space<vmem>>)
      %dma_wait3A_255 = arith.constant 0 : i32
      %dma_wait3A_256 = tpu.memref_slice %arg5[%dma_wait3A_255] : memref<3200000xi32, #tpu.memory_space<hbm>> -> memref<800xi32, #tpu.memory_space<hbm>>
      %dma_wait3A_257 = arith.constant 0 : i32
      %dma_wait3A_258 = tpu.memref_slice %arg5[%dma_wait3A_257] : memref<3200000xi32, #tpu.memory_space<hbm>> -> memref<800xi32, #tpu.memory_space<hbm>>
      tpu.wait_dma2 semaphore(%arg16 : memref<!tpu.dma_semaphore, #tpu.memory_space<semaphore_mem>>) src(%dma_wait3A_258 : memref<800xi32, #tpu.memory_space<hbm>>) dst(%arg11 : memref<800xi32, #tpu.memory_space<vmem>>)
      %dma_start3A_259 = arith.constant 0 : i32
      %dma_start3A_260 = arith.constant 0 : i32
      %dma_start3A_261 = tpu.memref_slice %arg2[%dma_start3A_259, %dma_start3A_260] : memref<100096x16xf32, #tpu.memory_space<hbm>> -> memref<100096x16xf32, #tpu.memory_space<hbm>>
      tpu.enqueue_indirect_dma source(%dma_start3A_261 : memref<100096x16xf32, #tpu.memory_space<hbm>>) target(%arg13 : memref<800x16xf32, #tpu.memory_space<vmem>>) offsets(%arg9 : memref<800xi32, #tpu.memory_space<vmem>>) semaphore(%arg18 : memref<!tpu.dma_semaphore, #tpu.memory_space<semaphore_mem>>)
      %dma_wait3A_262 = arith.constant 0 : i32
      %dma_wait3A_263 = arith.constant 0 : i32
      %dma_wait3A_264 = tpu.memref_slice %arg2[%dma_wait3A_262, %dma_wait3A_263] : memref<100096x16xf32, #tpu.memory_space<hbm>> -> memref<100096x16xf32, #tpu.memory_space<hbm>>
      tpu.wait_indirect_dma semaphore(%arg18 : memref<!tpu.dma_semaphore, #tpu.memory_space<semaphore_mem>>) src(%dma_wait3A_264 : memref<100096x16xf32, #tpu.memory_space<hbm>>) dst(%arg13 : memref<800x16xf32, #tpu.memory_space<vmem>>)
      %dma_start3A_265 = arith.constant 0 : i32
      %dma_start3A_266 = arith.constant 0 : i32
      %dma_start3A_267 = tpu.memref_slice %arg14[%dma_start3A_265, %dma_start3A_266] : memref<100096x16xf32, #tpu.memory_space<vmem_shared>> -> memref<100096x16xf32, #tpu.memory_space<vmem_shared>>
      tpu.enqueue_indirect_dma source(%arg13 : memref<800x16xf32, #tpu.memory_space<vmem>>) target(%dma_start3A_267 : memref<100096x16xf32, #tpu.memory_space<vmem_shared>>) offsets(%arg11 : memref<800xi32, #tpu.memory_space<vmem>>) semaphore(%arg20 : memref<!tpu.dma_semaphore, #tpu.memory_space<semaphore_mem>>) {add = true}
      %scan3A_268 = arith.constant 0 : i32
      %scan3A_269 = arith.constant 1 : i32
      %scan3A_270 = arith.constant 61 : i32
      %scan3A_271 = arith.addi %scan3A_269, %scan3A_270 : i32
      %scan3A_272 = arith.constant 1 : i32
      scf.for %scan3A_310 = %scan3A_269 to %scan3A_271 step %scan3A_272  : i32 {
        %mul3A_311 = arith.constant 2 : i32
        %mul3A_312 = arith.muli %mul3A_311, %scan3A_310 : i32
        %mul3A_313 = arith.constant 100000 : i32
        %mul3A_314 = arith.muli %arg1, %mul3A_313 : i32
        %mul3A_315 = arith.constant 800 : i32
        %mul3A_316 = arith.muli %mul3A_312, %mul3A_315 : i32
        %add3A_317 = arith.addi %mul3A_314, %mul3A_316 : i32
        %dma_wait3A_318 = arith.constant 0 : i32
        %dma_wait3A_319 = arith.constant 0 : i32
        %dma_wait3A_320 = tpu.memref_slice %arg14[%dma_wait3A_318, %dma_wait3A_319] : memref<100096x16xf32, #tpu.memory_space<vmem_shared>> -> memref<100096x16xf32, #tpu.memory_space<vmem_shared>>
        tpu.wait_indirect_dma semaphore(%arg19 : memref<!tpu.dma_semaphore, #tpu.memory_space<semaphore_mem>>) src(%arg12 : memref<800x16xf32, #tpu.memory_space<vmem>>) dst(%dma_wait3A_320 : memref<100096x16xf32, #tpu.memory_space<vmem_shared>>)
        %dma_start3A_321 = tpu.memref_slice %arg4[%add3A_317] : memref<3200000xi32, #tpu.memory_space<hbm>> -> memref<800xi32, #tpu.memory_space<hbm>>
        %dma_start3A_322 = tpu.memref_slice %arg4[%add3A_317] : memref<3200000xi32, #tpu.memory_space<hbm>> -> memref<800xi32, #tpu.memory_space<hbm>>
        tpu.enqueue_dma source(%dma_start3A_322 : memref<800xi32, #tpu.memory_space<hbm>>) target(%arg8 : memref<800xi32, #tpu.memory_space<vmem>>) target_semaphore(%arg15 : memref<!tpu.dma_semaphore, #tpu.memory_space<semaphore_mem>>)
        %add3A_323 = arith.constant 1600000 : i32
        %add3A_324 = arith.addi %add3A_323, %add3A_317 : i32
        %dma_start3A_325 = tpu.memref_slice %arg5[%add3A_324] : memref<3200000xi32, #tpu.memory_space<hbm>> -> memref<800xi32, #tpu.memory_space<hbm>>
        %dma_start3A_326 = tpu.memref_slice %arg5[%add3A_324] : memref<3200000xi32, #tpu.memory_space<hbm>> -> memref<800xi32, #tpu.memory_space<hbm>>
        tpu.enqueue_dma source(%dma_start3A_326 : memref<800xi32, #tpu.memory_space<hbm>>) target(%arg10 : memref<800xi32, #tpu.memory_space<vmem>>) target_semaphore(%arg15 : memref<!tpu.dma_semaphore, #tpu.memory_space<semaphore_mem>>)
        %dma_wait3A_327 = arith.constant 0 : i32
        %dma_wait3A_328 = tpu.memref_slice %arg4[%dma_wait3A_327] : memref<3200000xi32, #tpu.memory_space<hbm>> -> memref<800xi32, #tpu.memory_space<hbm>>
        %dma_wait3A_329 = arith.constant 0 : i32
        %dma_wait3A_330 = tpu.memref_slice %arg4[%dma_wait3A_329] : memref<3200000xi32, #tpu.memory_space<hbm>> -> memref<800xi32, #tpu.memory_space<hbm>>
        tpu.wait_dma2 semaphore(%arg15 : memref<!tpu.dma_semaphore, #tpu.memory_space<semaphore_mem>>) src(%dma_wait3A_330 : memref<800xi32, #tpu.memory_space<hbm>>) dst(%arg8 : memref<800xi32, #tpu.memory_space<vmem>>)
        %dma_wait3A_331 = arith.constant 0 : i32
        %dma_wait3A_332 = tpu.memref_slice %arg5[%dma_wait3A_331] : memref<3200000xi32, #tpu.memory_space<hbm>> -> memref<800xi32, #tpu.memory_space<hbm>>
        %dma_wait3A_333 = arith.constant 0 : i32
        %dma_wait3A_334 = tpu.memref_slice %arg5[%dma_wait3A_333] : memref<3200000xi32, #tpu.memory_space<hbm>> -> memref<800xi32, #tpu.memory_space<hbm>>
        tpu.wait_dma2 semaphore(%arg15 : memref<!tpu.dma_semaphore, #tpu.memory_space<semaphore_mem>>) src(%dma_wait3A_334 : memref<800xi32, #tpu.memory_space<hbm>>) dst(%arg10 : memref<800xi32, #tpu.memory_space<vmem>>)
        %dma_start3A_335 = arith.constant 0 : i32
        %dma_start3A_336 = arith.constant 0 : i32
        %dma_start3A_337 = tpu.memref_slice %arg2[%dma_start3A_335, %dma_start3A_336] : memref<100096x16xf32, #tpu.memory_space<hbm>> -> memref<100096x16xf32, #tpu.memory_space<hbm>>
        tpu.enqueue_indirect_dma source(%dma_start3A_337 : memref<100096x16xf32, #tpu.memory_space<hbm>>) target(%arg12 : memref<800x16xf32, #tpu.memory_space<vmem>>) offsets(%arg8 : memref<800xi32, #tpu.memory_space<vmem>>) semaphore(%arg17 : memref<!tpu.dma_semaphore, #tpu.memory_space<semaphore_mem>>)
        %dma_wait3A_338 = arith.constant 0 : i32
        %dma_wait3A_339 = arith.constant 0 : i32
        %dma_wait3A_340 = tpu.memref_slice %arg2[%dma_wait3A_338, %dma_wait3A_339] : memref<100096x16xf32, #tpu.memory_space<hbm>> -> memref<100096x16xf32, #tpu.memory_space<hbm>>
        tpu.wait_indirect_dma semaphore(%arg17 : memref<!tpu.dma_semaphore, #tpu.memory_space<semaphore_mem>>) src(%dma_wait3A_340 : memref<100096x16xf32, #tpu.memory_space<hbm>>) dst(%arg12 : memref<800x16xf32, #tpu.memory_space<vmem>>)
        %dma_start3A_341 = arith.constant 0 : i32
        %dma_start3A_342 = arith.constant 0 : i32
        %dma_start3A_343 = tpu.memref_slice %arg14[%dma_start3A_341, %dma_start3A_342] : memref<100096x16xf32, #tpu.memory_space<vmem_shared>> -> memref<100096x16xf32, #tpu.memory_space<vmem_shared>>
        tpu.enqueue_indirect_dma source(%arg12 : memref<800x16xf32, #tpu.memory_space<vmem>>) target(%dma_start3A_343 : memref<100096x16xf32, #tpu.memory_space<vmem_shared>>) offsets(%arg10 : memref<800xi32, #tpu.memory_space<vmem>>) semaphore(%arg19 : memref<!tpu.dma_semaphore, #tpu.memory_space<semaphore_mem>>) {add = true}
        %mul3A_344 = arith.constant 2 : i32
        %mul3A_345 = arith.muli %mul3A_344, %scan3A_310 : i32
        %add3A_346 = arith.constant 1 : i32
        %add3A_347 = arith.addi %mul3A_345, %add3A_346 : i32
        %mul3A_348 = arith.constant 100000 : i32
        %mul3A_349 = arith.muli %arg1, %mul3A_348 : i32
        %mul3A_350 = arith.constant 800 : i32
        %mul3A_351 = arith.muli %add3A_347, %mul3A_350 : i32
        %add3A_352 = arith.addi %mul3A_349, %mul3A_351 : i32
        %dma_wait3A_353 = arith.constant 0 : i32
        %dma_wait3A_354 = arith.constant 0 : i32
        %dma_wait3A_355 = tpu.memref_slice %arg14[%dma_wait3A_353, %dma_wait3A_354] : memref<100096x16xf32, #tpu.memory_space<vmem_shared>> -> memref<100096x16xf32, #tpu.memory_space<vmem_shared>>
        tpu.wait_indirect_dma semaphore(%arg20 : memref<!tpu.dma_semaphore, #tpu.memory_space<semaphore_mem>>) src(%arg13 : memref<800x16xf32, #tpu.memory_space<vmem>>) dst(%dma_wait3A_355 : memref<100096x16xf32, #tpu.memory_space<vmem_shared>>)
        %dma_start3A_356 = tpu.memref_slice %arg4[%add3A_352] : memref<3200000xi32, #tpu.memory_space<hbm>> -> memref<800xi32, #tpu.memory_space<hbm>>
        %dma_start3A_357 = tpu.memref_slice %arg4[%add3A_352] : memref<3200000xi32, #tpu.memory_space<hbm>> -> memref<800xi32, #tpu.memory_space<hbm>>
        tpu.enqueue_dma source(%dma_start3A_357 : memref<800xi32, #tpu.memory_space<hbm>>) target(%arg9 : memref<800xi32, #tpu.memory_space<vmem>>) target_semaphore(%arg16 : memref<!tpu.dma_semaphore, #tpu.memory_space<semaphore_mem>>)
        %add3A_358 = arith.constant 1600000 : i32
        %add3A_359 = arith.addi %add3A_358, %add3A_352 : i32
        %dma_start3A_360 = tpu.memref_slice %arg5[%add3A_359] : memref<3200000xi32, #tpu.memory_space<hbm>> -> memref<800xi32, #tpu.memory_space<hbm>>
        %dma_start3A_361 = tpu.memref_slice %arg5[%add3A_359] : memref<3200000xi32, #tpu.memory_space<hbm>> -> memref<800xi32, #tpu.memory_space<hbm>>
        tpu.enqueue_dma source(%dma_start3A_361 : memref<800xi32, #tpu.memory_space<hbm>>) target(%arg11 : memref<800xi32, #tpu.memory_space<vmem>>) target_semaphore(%arg16 : memref<!tpu.dma_semaphore, #tpu.memory_space<semaphore_mem>>)
        %dma_wait3A_362 = arith.constant 0 : i32
        %dma_wait3A_363 = tpu.memref_slice %arg4[%dma_wait3A_362] : memref<3200000xi32, #tpu.memory_space<hbm>> -> memref<800xi32, #tpu.memory_space<hbm>>
        %dma_wait3A_364 = arith.constant 0 : i32
        %dma_wait3A_365 = tpu.memref_slice %arg4[%dma_wait3A_364] : memref<3200000xi32, #tpu.memory_space<hbm>> -> memref<800xi32, #tpu.memory_space<hbm>>
        tpu.wait_dma2 semaphore(%arg16 : memref<!tpu.dma_semaphore, #tpu.memory_space<semaphore_mem>>) src(%dma_wait3A_365 : memref<800xi32, #tpu.memory_space<hbm>>) dst(%arg9 : memref<800xi32, #tpu.memory_space<vmem>>)
        %dma_wait3A_366 = arith.constant 0 : i32
        %dma_wait3A_367 = tpu.memref_slice %arg5[%dma_wait3A_366] : memref<3200000xi32, #tpu.memory_space<hbm>> -> memref<800xi32, #tpu.memory_space<hbm>>
        %dma_wait3A_368 = arith.constant 0 : i32
        %dma_wait3A_369 = tpu.memref_slice %arg5[%dma_wait3A_368] : memref<3200000xi32, #tpu.memory_space<hbm>> -> memref<800xi32, #tpu.memory_space<hbm>>
        tpu.wait_dma2 semaphore(%arg16 : memref<!tpu.dma_semaphore, #tpu.memory_space<semaphore_mem>>) src(%dma_wait3A_369 : memref<800xi32, #tpu.memory_space<hbm>>) dst(%arg11 : memref<800xi32, #tpu.memory_space<vmem>>)
        %dma_start3A_370 = arith.constant 0 : i32
        %dma_start3A_371 = arith.constant 0 : i32
        %dma_start3A_372 = tpu.memref_slice %arg2[%dma_start3A_370, %dma_start3A_371] : memref<100096x16xf32, #tpu.memory_space<hbm>> -> memref<100096x16xf32, #tpu.memory_space<hbm>>
        tpu.enqueue_indirect_dma source(%dma_start3A_372 : memref<100096x16xf32, #tpu.memory_space<hbm>>) target(%arg13 : memref<800x16xf32, #tpu.memory_space<vmem>>) offsets(%arg9 : memref<800xi32, #tpu.memory_space<vmem>>) semaphore(%arg18 : memref<!tpu.dma_semaphore, #tpu.memory_space<semaphore_mem>>)
        %dma_wait3A_373 = arith.constant 0 : i32
        %dma_wait3A_374 = arith.constant 0 : i32
        %dma_wait3A_375 = tpu.memref_slice %arg2[%dma_wait3A_373, %dma_wait3A_374] : memref<100096x16xf32, #tpu.memory_space<hbm>> -> memref<100096x16xf32, #tpu.memory_space<hbm>>
        tpu.wait_indirect_dma semaphore(%arg18 : memref<!tpu.dma_semaphore, #tpu.memory_space<semaphore_mem>>) src(%dma_wait3A_375 : memref<100096x16xf32, #tpu.memory_space<hbm>>) dst(%arg13 : memref<800x16xf32, #tpu.memory_space<vmem>>)
        %dma_start3A_376 = arith.constant 0 : i32
        %dma_start3A_377 = arith.constant 0 : i32
        %dma_start3A_378 = tpu.memref_slice %arg14[%dma_start3A_376, %dma_start3A_377] : memref<100096x16xf32, #tpu.memory_space<vmem_shared>> -> memref<100096x16xf32, #tpu.memory_space<vmem_shared>>
        tpu.enqueue_indirect_dma source(%arg13 : memref<800x16xf32, #tpu.memory_space<vmem>>) target(%dma_start3A_378 : memref<100096x16xf32, #tpu.memory_space<vmem_shared>>) offsets(%arg11 : memref<800xi32, #tpu.memory_space<vmem>>) semaphore(%arg20 : memref<!tpu.dma_semaphore, #tpu.memory_space<semaphore_mem>>) {add = true}
      }
      %scan3A_273 = arith.constant 61 : i32
      %mul3A_274 = arith.constant 100000 : i32
      %mul3A_275 = arith.muli %arg1, %mul3A_274 : i32
      %add3A_276 = arith.constant 99200 : i32
      %add3A_277 = arith.addi %mul3A_275, %add3A_276 : i32
      %dma_wait3A_278 = arith.constant 0 : i32
      %dma_wait3A_279 = arith.constant 0 : i32
      %dma_wait3A_280 = tpu.memref_slice %arg14[%dma_wait3A_278, %dma_wait3A_279] : memref<100096x16xf32, #tpu.memory_space<vmem_shared>> -> memref<100096x16xf32, #tpu.memory_space<vmem_shared>>
      tpu.wait_indirect_dma semaphore(%arg19 : memref<!tpu.dma_semaphore, #tpu.memory_space<semaphore_mem>>) src(%arg12 : memref<800x16xf32, #tpu.memory_space<vmem>>) dst(%dma_wait3A_280 : memref<100096x16xf32, #tpu.memory_space<vmem_shared>>)
      %dma_start3A_281 = tpu.memref_slice %arg4[%add3A_277] : memref<3200000xi32, #tpu.memory_space<hbm>> -> memref<800xi32, #tpu.memory_space<hbm>>
      %dma_start3A_282 = tpu.memref_slice %arg4[%add3A_277] : memref<3200000xi32, #tpu.memory_space<hbm>> -> memref<800xi32, #tpu.memory_space<hbm>>
      tpu.enqueue_dma source(%dma_start3A_282 : memref<800xi32, #tpu.memory_space<hbm>>) target(%arg8 : memref<800xi32, #tpu.memory_space<vmem>>) target_semaphore(%arg15 : memref<!tpu.dma_semaphore, #tpu.memory_space<semaphore_mem>>)
      %add3A_283 = arith.constant 1600000 : i32
      %add3A_284 = arith.addi %add3A_283, %add3A_277 : i32
      %dma_start3A_285 = tpu.memref_slice %arg5[%add3A_284] : memref<3200000xi32, #tpu.memory_space<hbm>> -> memref<800xi32, #tpu.memory_space<hbm>>
      %dma_start3A_286 = tpu.memref_slice %arg5[%add3A_284] : memref<3200000xi32, #tpu.memory_space<hbm>> -> memref<800xi32, #tpu.memory_space<hbm>>
      tpu.enqueue_dma source(%dma_start3A_286 : memref<800xi32, #tpu.memory_space<hbm>>) target(%arg10 : memref<800xi32, #tpu.memory_space<vmem>>) target_semaphore(%arg15 : memref<!tpu.dma_semaphore, #tpu.memory_space<semaphore_mem>>)
      %dma_wait3A_287 = arith.constant 0 : i32
      %dma_wait3A_288 = tpu.memref_slice %arg4[%dma_wait3A_287] : memref<3200000xi32, #tpu.memory_space<hbm>> -> memref<800xi32, #tpu.memory_space<hbm>>
      %dma_wait3A_289 = arith.constant 0 : i32
      %dma_wait3A_290 = tpu.memref_slice %arg4[%dma_wait3A_289] : memref<3200000xi32, #tpu.memory_space<hbm>> -> memref<800xi32, #tpu.memory_space<hbm>>
      tpu.wait_dma2 semaphore(%arg15 : memref<!tpu.dma_semaphore, #tpu.memory_space<semaphore_mem>>) src(%dma_wait3A_290 : memref<800xi32, #tpu.memory_space<hbm>>) dst(%arg8 : memref<800xi32, #tpu.memory_space<vmem>>)
      %dma_wait3A_291 = arith.constant 0 : i32
      %dma_wait3A_292 = tpu.memref_slice %arg5[%dma_wait3A_291] : memref<3200000xi32, #tpu.memory_space<hbm>> -> memref<800xi32, #tpu.memory_space<hbm>>
      %dma_wait3A_293 = arith.constant 0 : i32
      %dma_wait3A_294 = tpu.memref_slice %arg5[%dma_wait3A_293] : memref<3200000xi32, #tpu.memory_space<hbm>> -> memref<800xi32, #tpu.memory_space<hbm>>
      tpu.wait_dma2 semaphore(%arg15 : memref<!tpu.dma_semaphore, #tpu.memory_space<semaphore_mem>>) src(%dma_wait3A_294 : memref<800xi32, #tpu.memory_space<hbm>>) dst(%arg10 : memref<800xi32, #tpu.memory_space<vmem>>)
      %dma_start3A_295 = arith.constant 0 : i32
      %dma_start3A_296 = arith.constant 0 : i32
      %dma_start3A_297 = tpu.memref_slice %arg2[%dma_start3A_295, %dma_start3A_296] : memref<100096x16xf32, #tpu.memory_space<hbm>> -> memref<100096x16xf32, #tpu.memory_space<hbm>>
      tpu.enqueue_indirect_dma source(%dma_start3A_297 : memref<100096x16xf32, #tpu.memory_space<hbm>>) target(%arg12 : memref<800x16xf32, #tpu.memory_space<vmem>>) offsets(%arg8 : memref<800xi32, #tpu.memory_space<vmem>>) semaphore(%arg17 : memref<!tpu.dma_semaphore, #tpu.memory_space<semaphore_mem>>)
      %dma_wait3A_298 = arith.constant 0 : i32
      %dma_wait3A_299 = arith.constant 0 : i32
      %dma_wait3A_300 = tpu.memref_slice %arg2[%dma_wait3A_298, %dma_wait3A_299] : memref<100096x16xf32, #tpu.memory_space<hbm>> -> memref<100096x16xf32, #tpu.memory_space<hbm>>
      tpu.wait_indirect_dma semaphore(%arg17 : memref<!tpu.dma_semaphore, #tpu.memory_space<semaphore_mem>>) src(%dma_wait3A_300 : memref<100096x16xf32, #tpu.memory_space<hbm>>) dst(%arg12 : memref<800x16xf32, #tpu.memory_space<vmem>>)
      %dma_start3A_301 = arith.constant 0 : i32
      %dma_start3A_302 = arith.constant 0 : i32
      %dma_start3A_303 = tpu.memref_slice %arg14[%dma_start3A_301, %dma_start3A_302] : memref<100096x16xf32, #tpu.memory_space<vmem_shared>> -> memref<100096x16xf32, #tpu.memory_space<vmem_shared>>
      tpu.enqueue_indirect_dma source(%arg12 : memref<800x16xf32, #tpu.memory_space<vmem>>) target(%dma_start3A_303 : memref<100096x16xf32, #tpu.memory_space<vmem_shared>>) offsets(%arg10 : memref<800xi32, #tpu.memory_space<vmem>>) semaphore(%arg19 : memref<!tpu.dma_semaphore, #tpu.memory_space<semaphore_mem>>) {add = true}
      %dma_wait3A_304 = arith.constant 0 : i32
      %dma_wait3A_305 = arith.constant 0 : i32
      %dma_wait3A_306 = tpu.memref_slice %arg14[%dma_wait3A_304, %dma_wait3A_305] : memref<100096x16xf32, #tpu.memory_space<vmem_shared>> -> memref<100096x16xf32, #tpu.memory_space<vmem_shared>>
      tpu.wait_indirect_dma semaphore(%arg20 : memref<!tpu.dma_semaphore, #tpu.memory_space<semaphore_mem>>) src(%arg13 : memref<800x16xf32, #tpu.memory_space<vmem>>) dst(%dma_wait3A_306 : memref<100096x16xf32, #tpu.memory_space<vmem_shared>>)
      %dma_wait3A_307 = arith.constant 0 : i32
      %dma_wait3A_308 = arith.constant 0 : i32
      %dma_wait3A_309 = tpu.memref_slice %arg14[%dma_wait3A_307, %dma_wait3A_308] : memref<100096x16xf32, #tpu.memory_space<vmem_shared>> -> memref<100096x16xf32, #tpu.memory_space<vmem_shared>>
      tpu.wait_indirect_dma semaphore(%arg19 : memref<!tpu.dma_semaphore, #tpu.memory_space<semaphore_mem>>) src(%arg12 : memref<800x16xf32, #tpu.memory_space<vmem>>) dst(%dma_wait3A_309 : memref<100096x16xf32, #tpu.memory_space<vmem_shared>>)
    } else {
    }
    %eq3A_198 = arith.constant 1 : i32
    %eq3A_199 = arith.cmpi eq, %arg0, %eq3A_198 : i32
    %convert_element_type3A_200 = arith.extui %eq3A_199 : i1 to i32
    %cond3A_201 = arith.constant 0 : i32
    %cond3A_202 = arith.cmpi ne, %convert_element_type3A_200, %cond3A_201 : i32
    scf.if %cond3A_202 {
      %mul3A_214 = arith.constant 100000 : i32
      %mul3A_215 = arith.muli %arg1, %mul3A_214 : i32
      %add3A_216 = arith.constant 0 : i32
      %add3A_217 = arith.addi %mul3A_215, %add3A_216 : i32
      %dma_start3A_218 = tpu.memref_slice %arg4[%add3A_217] : memref<3200000xi32, #tpu.memory_space<hbm>> -> memref<800xi32, #tpu.memory_space<hbm>>
      %dma_start3A_219 = tpu.memref_slice %arg4[%add3A_217] : memref<3200000xi32, #tpu.memory_space<hbm>> -> memref<800xi32, #tpu.memory_space<hbm>>
      tpu.enqueue_dma source(%dma_start3A_219 : memref<800xi32, #tpu.memory_space<hbm>>) target(%arg8 : memref<800xi32, #tpu.memory_space<vmem>>) target_semaphore(%arg15 : memref<!tpu.dma_semaphore, #tpu.memory_space<semaphore_mem>>)
      %add3A_220 = arith.constant 1600000 : i32
      %add3A_221 = arith.addi %add3A_220, %add3A_217 : i32
      %dma_start3A_222 = tpu.memref_slice %arg5[%add3A_221] : memref<3200000xi32, #tpu.memory_space<hbm>> -> memref<800xi32, #tpu.memory_space<hbm>>
      %dma_start3A_223 = tpu.memref_slice %arg5[%add3A_221] : memref<3200000xi32, #tpu.memory_space<hbm>> -> memref<800xi32, #tpu.memory_space<hbm>>
      tpu.enqueue_dma source(%dma_start3A_223 : memref<800xi32, #tpu.memory_space<hbm>>) target(%arg10 : memref<800xi32, #tpu.memory_space<vmem>>) target_semaphore(%arg15 : memref<!tpu.dma_semaphore, #tpu.memory_space<semaphore_mem>>)
      %dma_wait3A_224 = arith.constant 0 : i32
      %dma_wait3A_225 = tpu.memref_slice %arg4[%dma_wait3A_224] : memref<3200000xi32, #tpu.memory_space<hbm>> -> memref<800xi32, #tpu.memory_space<hbm>>
      %dma_wait3A_226 = arith.constant 0 : i32
      %dma_wait3A_227 = tpu.memref_slice %arg4[%dma_wait3A_226] : memref<3200000xi32, #tpu.memory_space<hbm>> -> memref<800xi32, #tpu.memory_space<hbm>>
      tpu.wait_dma2 semaphore(%arg15 : memref<!tpu.dma_semaphore, #tpu.memory_space<semaphore_mem>>) src(%dma_wait3A_227 : memref<800xi32, #tpu.memory_space<hbm>>) dst(%arg8 : memref<800xi32, #tpu.memory_space<vmem>>)
      %dma_wait3A_228 = arith.constant 0 : i32
      %dma_wait3A_229 = tpu.memref_slice %arg5[%dma_wait3A_228] : memref<3200000xi32, #tpu.memory_space<hbm>> -> memref<800xi32, #tpu.memory_space<hbm>>
      %dma_wait3A_230 = arith.constant 0 : i32
      %dma_wait3A_231 = tpu.memref_slice %arg5[%dma_wait3A_230] : memref<3200000xi32, #tpu.memory_space<hbm>> -> memref<800xi32, #tpu.memory_space<hbm>>
      tpu.wait_dma2 semaphore(%arg15 : memref<!tpu.dma_semaphore, #tpu.memory_space<semaphore_mem>>) src(%dma_wait3A_231 : memref<800xi32, #tpu.memory_space<hbm>>) dst(%arg10 : memref<800xi32, #tpu.memory_space<vmem>>)
      %dma_start3A_232 = arith.constant 0 : i32
      %dma_start3A_233 = arith.constant 0 : i32
      %dma_start3A_234 = tpu.memref_slice %arg3[%dma_start3A_232, %dma_start3A_233] : memref<100096x16xf32, #tpu.memory_space<hbm>> -> memref<100096x16xf32, #tpu.memory_space<hbm>>
      tpu.enqueue_indirect_dma source(%dma_start3A_234 : memref<100096x16xf32, #tpu.memory_space<hbm>>) target(%arg12 : memref<800x16xf32, #tpu.memory_space<vmem>>) offsets(%arg8 : memref<800xi32, #tpu.memory_space<vmem>>) semaphore(%arg17 : memref<!tpu.dma_semaphore, #tpu.memory_space<semaphore_mem>>)
      %dma_wait3A_235 = arith.constant 0 : i32
      %dma_wait3A_236 = arith.constant 0 : i32
      %dma_wait3A_237 = tpu.memref_slice %arg3[%dma_wait3A_235, %dma_wait3A_236] : memref<100096x16xf32, #tpu.memory_space<hbm>> -> memref<100096x16xf32, #tpu.memory_space<hbm>>
      tpu.wait_indirect_dma semaphore(%arg17 : memref<!tpu.dma_semaphore, #tpu.memory_space<semaphore_mem>>) src(%dma_wait3A_237 : memref<100096x16xf32, #tpu.memory_space<hbm>>) dst(%arg12 : memref<800x16xf32, #tpu.memory_space<vmem>>)
      %dma_start3A_238 = arith.constant 0 : i32
      %dma_start3A_239 = arith.constant 0 : i32
      %dma_start3A_240 = tpu.memref_slice %arg14[%dma_start3A_238, %dma_start3A_239] : memref<100096x16xf32, #tpu.memory_space<vmem_shared>> -> memref<100096x16xf32, #tpu.memory_space<vmem_shared>>
      tpu.enqueue_indirect_dma source(%arg12 : memref<800x16xf32, #tpu.memory_space<vmem>>) target(%dma_start3A_240 : memref<100096x16xf32, #tpu.memory_space<vmem_shared>>) offsets(%arg10 : memref<800xi32, #tpu.memory_space<vmem>>) semaphore(%arg19 : memref<!tpu.dma_semaphore, #tpu.memory_space<semaphore_mem>>) {add = true}
      %mul3A_241 = arith.constant 100000 : i32
      %mul3A_242 = arith.muli %arg1, %mul3A_241 : i32
      %add3A_243 = arith.constant 800 : i32
      %add3A_244 = arith.addi %mul3A_242, %add3A_243 : i32
      %dma_start3A_245 = tpu.memref_slice %arg4[%add3A_244] : memref<3200000xi32, #tpu.memory_space<hbm>> -> memref<800xi32, #tpu.memory_space<hbm>>
      %dma_start3A_246 = tpu.memref_slice %arg4[%add3A_244] : memref<3200000xi32, #tpu.memory_space<hbm>> -> memref<800xi32, #tpu.memory_space<hbm>>
      tpu.enqueue_dma source(%dma_start3A_246 : memref<800xi32, #tpu.memory_space<hbm>>) target(%arg9 : memref<800xi32, #tpu.memory_space<vmem>>) target_semaphore(%arg16 : memref<!tpu.dma_semaphore, #tpu.memory_space<semaphore_mem>>)
      %add3A_247 = arith.constant 1600000 : i32
      %add3A_248 = arith.addi %add3A_247, %add3A_244 : i32
      %dma_start3A_249 = tpu.memref_slice %arg5[%add3A_248] : memref<3200000xi32, #tpu.memory_space<hbm>> -> memref<800xi32, #tpu.memory_space<hbm>>
      %dma_start3A_250 = tpu.memref_slice %arg5[%add3A_248] : memref<3200000xi32, #tpu.memory_space<hbm>> -> memref<800xi32, #tpu.memory_space<hbm>>
      tpu.enqueue_dma source(%dma_start3A_250 : memref<800xi32, #tpu.memory_space<hbm>>) target(%arg11 : memref<800xi32, #tpu.memory_space<vmem>>) target_semaphore(%arg16 : memref<!tpu.dma_semaphore, #tpu.memory_space<semaphore_mem>>)
      %dma_wait3A_251 = arith.constant 0 : i32
      %dma_wait3A_252 = tpu.memref_slice %arg4[%dma_wait3A_251] : memref<3200000xi32, #tpu.memory_space<hbm>> -> memref<800xi32, #tpu.memory_space<hbm>>
      %dma_wait3A_253 = arith.constant 0 : i32
      %dma_wait3A_254 = tpu.memref_slice %arg4[%dma_wait3A_253] : memref<3200000xi32, #tpu.memory_space<hbm>> -> memref<800xi32, #tpu.memory_space<hbm>>
      tpu.wait_dma2 semaphore(%arg16 : memref<!tpu.dma_semaphore, #tpu.memory_space<semaphore_mem>>) src(%dma_wait3A_254 : memref<800xi32, #tpu.memory_space<hbm>>) dst(%arg9 : memref<800xi32, #tpu.memory_space<vmem>>)
      %dma_wait3A_255 = arith.constant 0 : i32
      %dma_wait3A_256 = tpu.memref_slice %arg5[%dma_wait3A_255] : memref<3200000xi32, #tpu.memory_space<hbm>> -> memref<800xi32, #tpu.memory_space<hbm>>
      %dma_wait3A_257 = arith.constant 0 : i32
      %dma_wait3A_258 = tpu.memref_slice %arg5[%dma_wait3A_257] : memref<3200000xi32, #tpu.memory_space<hbm>> -> memref<800xi32, #tpu.memory_space<hbm>>
      tpu.wait_dma2 semaphore(%arg16 : memref<!tpu.dma_semaphore, #tpu.memory_space<semaphore_mem>>) src(%dma_wait3A_258 : memref<800xi32, #tpu.memory_space<hbm>>) dst(%arg11 : memref<800xi32, #tpu.memory_space<vmem>>)
      %dma_start3A_259 = arith.constant 0 : i32
      %dma_start3A_260 = arith.constant 0 : i32
      %dma_start3A_261 = tpu.memref_slice %arg3[%dma_start3A_259, %dma_start3A_260] : memref<100096x16xf32, #tpu.memory_space<hbm>> -> memref<100096x16xf32, #tpu.memory_space<hbm>>
      tpu.enqueue_indirect_dma source(%dma_start3A_261 : memref<100096x16xf32, #tpu.memory_space<hbm>>) target(%arg13 : memref<800x16xf32, #tpu.memory_space<vmem>>) offsets(%arg9 : memref<800xi32, #tpu.memory_space<vmem>>) semaphore(%arg18 : memref<!tpu.dma_semaphore, #tpu.memory_space<semaphore_mem>>)
      %dma_wait3A_262 = arith.constant 0 : i32
      %dma_wait3A_263 = arith.constant 0 : i32
      %dma_wait3A_264 = tpu.memref_slice %arg3[%dma_wait3A_262, %dma_wait3A_263] : memref<100096x16xf32, #tpu.memory_space<hbm>> -> memref<100096x16xf32, #tpu.memory_space<hbm>>
      tpu.wait_indirect_dma semaphore(%arg18 : memref<!tpu.dma_semaphore, #tpu.memory_space<semaphore_mem>>) src(%dma_wait3A_264 : memref<100096x16xf32, #tpu.memory_space<hbm>>) dst(%arg13 : memref<800x16xf32, #tpu.memory_space<vmem>>)
      %dma_start3A_265 = arith.constant 0 : i32
      %dma_start3A_266 = arith.constant 0 : i32
      %dma_start3A_267 = tpu.memref_slice %arg14[%dma_start3A_265, %dma_start3A_266] : memref<100096x16xf32, #tpu.memory_space<vmem_shared>> -> memref<100096x16xf32, #tpu.memory_space<vmem_shared>>
      tpu.enqueue_indirect_dma source(%arg13 : memref<800x16xf32, #tpu.memory_space<vmem>>) target(%dma_start3A_267 : memref<100096x16xf32, #tpu.memory_space<vmem_shared>>) offsets(%arg11 : memref<800xi32, #tpu.memory_space<vmem>>) semaphore(%arg20 : memref<!tpu.dma_semaphore, #tpu.memory_space<semaphore_mem>>) {add = true}
      %scan3A_268 = arith.constant 0 : i32
      %scan3A_269 = arith.constant 1 : i32
      %scan3A_270 = arith.constant 61 : i32
      %scan3A_271 = arith.addi %scan3A_269, %scan3A_270 : i32
      %scan3A_272 = arith.constant 1 : i32
      scf.for %scan3A_310 = %scan3A_269 to %scan3A_271 step %scan3A_272  : i32 {
        %mul3A_311 = arith.constant 2 : i32
        %mul3A_312 = arith.muli %mul3A_311, %scan3A_310 : i32
        %mul3A_313 = arith.constant 100000 : i32
        %mul3A_314 = arith.muli %arg1, %mul3A_313 : i32
        %mul3A_315 = arith.constant 800 : i32
        %mul3A_316 = arith.muli %mul3A_312, %mul3A_315 : i32
        %add3A_317 = arith.addi %mul3A_314, %mul3A_316 : i32
        %dma_wait3A_318 = arith.constant 0 : i32
        %dma_wait3A_319 = arith.constant 0 : i32
        %dma_wait3A_320 = tpu.memref_slice %arg14[%dma_wait3A_318, %dma_wait3A_319] : memref<100096x16xf32, #tpu.memory_space<vmem_shared>> -> memref<100096x16xf32, #tpu.memory_space<vmem_shared>>
        tpu.wait_indirect_dma semaphore(%arg19 : memref<!tpu.dma_semaphore, #tpu.memory_space<semaphore_mem>>) src(%arg12 : memref<800x16xf32, #tpu.memory_space<vmem>>) dst(%dma_wait3A_320 : memref<100096x16xf32, #tpu.memory_space<vmem_shared>>)
        %dma_start3A_321 = tpu.memref_slice %arg4[%add3A_317] : memref<3200000xi32, #tpu.memory_space<hbm>> -> memref<800xi32, #tpu.memory_space<hbm>>
        %dma_start3A_322 = tpu.memref_slice %arg4[%add3A_317] : memref<3200000xi32, #tpu.memory_space<hbm>> -> memref<800xi32, #tpu.memory_space<hbm>>
        tpu.enqueue_dma source(%dma_start3A_322 : memref<800xi32, #tpu.memory_space<hbm>>) target(%arg8 : memref<800xi32, #tpu.memory_space<vmem>>) target_semaphore(%arg15 : memref<!tpu.dma_semaphore, #tpu.memory_space<semaphore_mem>>)
        %add3A_323 = arith.constant 1600000 : i32
        %add3A_324 = arith.addi %add3A_323, %add3A_317 : i32
        %dma_start3A_325 = tpu.memref_slice %arg5[%add3A_324] : memref<3200000xi32, #tpu.memory_space<hbm>> -> memref<800xi32, #tpu.memory_space<hbm>>
        %dma_start3A_326 = tpu.memref_slice %arg5[%add3A_324] : memref<3200000xi32, #tpu.memory_space<hbm>> -> memref<800xi32, #tpu.memory_space<hbm>>
        tpu.enqueue_dma source(%dma_start3A_326 : memref<800xi32, #tpu.memory_space<hbm>>) target(%arg10 : memref<800xi32, #tpu.memory_space<vmem>>) target_semaphore(%arg15 : memref<!tpu.dma_semaphore, #tpu.memory_space<semaphore_mem>>)
        %dma_wait3A_327 = arith.constant 0 : i32
        %dma_wait3A_328 = tpu.memref_slice %arg4[%dma_wait3A_327] : memref<3200000xi32, #tpu.memory_space<hbm>> -> memref<800xi32, #tpu.memory_space<hbm>>
        %dma_wait3A_329 = arith.constant 0 : i32
        %dma_wait3A_330 = tpu.memref_slice %arg4[%dma_wait3A_329] : memref<3200000xi32, #tpu.memory_space<hbm>> -> memref<800xi32, #tpu.memory_space<hbm>>
        tpu.wait_dma2 semaphore(%arg15 : memref<!tpu.dma_semaphore, #tpu.memory_space<semaphore_mem>>) src(%dma_wait3A_330 : memref<800xi32, #tpu.memory_space<hbm>>) dst(%arg8 : memref<800xi32, #tpu.memory_space<vmem>>)
        %dma_wait3A_331 = arith.constant 0 : i32
        %dma_wait3A_332 = tpu.memref_slice %arg5[%dma_wait3A_331] : memref<3200000xi32, #tpu.memory_space<hbm>> -> memref<800xi32, #tpu.memory_space<hbm>>
        %dma_wait3A_333 = arith.constant 0 : i32
        %dma_wait3A_334 = tpu.memref_slice %arg5[%dma_wait3A_333] : memref<3200000xi32, #tpu.memory_space<hbm>> -> memref<800xi32, #tpu.memory_space<hbm>>
        tpu.wait_dma2 semaphore(%arg15 : memref<!tpu.dma_semaphore, #tpu.memory_space<semaphore_mem>>) src(%dma_wait3A_334 : memref<800xi32, #tpu.memory_space<hbm>>) dst(%arg10 : memref<800xi32, #tpu.memory_space<vmem>>)
        %dma_start3A_335 = arith.constant 0 : i32
        %dma_start3A_336 = arith.constant 0 : i32
        %dma_start3A_337 = tpu.memref_slice %arg3[%dma_start3A_335, %dma_start3A_336] : memref<100096x16xf32, #tpu.memory_space<hbm>> -> memref<100096x16xf32, #tpu.memory_space<hbm>>
        tpu.enqueue_indirect_dma source(%dma_start3A_337 : memref<100096x16xf32, #tpu.memory_space<hbm>>) target(%arg12 : memref<800x16xf32, #tpu.memory_space<vmem>>) offsets(%arg8 : memref<800xi32, #tpu.memory_space<vmem>>) semaphore(%arg17 : memref<!tpu.dma_semaphore, #tpu.memory_space<semaphore_mem>>)
        %dma_wait3A_338 = arith.constant 0 : i32
        %dma_wait3A_339 = arith.constant 0 : i32
        %dma_wait3A_340 = tpu.memref_slice %arg3[%dma_wait3A_338, %dma_wait3A_339] : memref<100096x16xf32, #tpu.memory_space<hbm>> -> memref<100096x16xf32, #tpu.memory_space<hbm>>
        tpu.wait_indirect_dma semaphore(%arg17 : memref<!tpu.dma_semaphore, #tpu.memory_space<semaphore_mem>>) src(%dma_wait3A_340 : memref<100096x16xf32, #tpu.memory_space<hbm>>) dst(%arg12 : memref<800x16xf32, #tpu.memory_space<vmem>>)
        %dma_start3A_341 = arith.constant 0 : i32
        %dma_start3A_342 = arith.constant 0 : i32
        %dma_start3A_343 = tpu.memref_slice %arg14[%dma_start3A_341, %dma_start3A_342] : memref<100096x16xf32, #tpu.memory_space<vmem_shared>> -> memref<100096x16xf32, #tpu.memory_space<vmem_shared>>
        tpu.enqueue_indirect_dma source(%arg12 : memref<800x16xf32, #tpu.memory_space<vmem>>) target(%dma_start3A_343 : memref<100096x16xf32, #tpu.memory_space<vmem_shared>>) offsets(%arg10 : memref<800xi32, #tpu.memory_space<vmem>>) semaphore(%arg19 : memref<!tpu.dma_semaphore, #tpu.memory_space<semaphore_mem>>) {add = true}
        %mul3A_344 = arith.constant 2 : i32
        %mul3A_345 = arith.muli %mul3A_344, %scan3A_310 : i32
        %add3A_346 = arith.constant 1 : i32
        %add3A_347 = arith.addi %mul3A_345, %add3A_346 : i32
        %mul3A_348 = arith.constant 100000 : i32
        %mul3A_349 = arith.muli %arg1, %mul3A_348 : i32
        %mul3A_350 = arith.constant 800 : i32
        %mul3A_351 = arith.muli %add3A_347, %mul3A_350 : i32
        %add3A_352 = arith.addi %mul3A_349, %mul3A_351 : i32
        %dma_wait3A_353 = arith.constant 0 : i32
        %dma_wait3A_354 = arith.constant 0 : i32
        %dma_wait3A_355 = tpu.memref_slice %arg14[%dma_wait3A_353, %dma_wait3A_354] : memref<100096x16xf32, #tpu.memory_space<vmem_shared>> -> memref<100096x16xf32, #tpu.memory_space<vmem_shared>>
        tpu.wait_indirect_dma semaphore(%arg20 : memref<!tpu.dma_semaphore, #tpu.memory_space<semaphore_mem>>) src(%arg13 : memref<800x16xf32, #tpu.memory_space<vmem>>) dst(%dma_wait3A_355 : memref<100096x16xf32, #tpu.memory_space<vmem_shared>>)
        %dma_start3A_356 = tpu.memref_slice %arg4[%add3A_352] : memref<3200000xi32, #tpu.memory_space<hbm>> -> memref<800xi32, #tpu.memory_space<hbm>>
        %dma_start3A_357 = tpu.memref_slice %arg4[%add3A_352] : memref<3200000xi32, #tpu.memory_space<hbm>> -> memref<800xi32, #tpu.memory_space<hbm>>
        tpu.enqueue_dma source(%dma_start3A_357 : memref<800xi32, #tpu.memory_space<hbm>>) target(%arg9 : memref<800xi32, #tpu.memory_space<vmem>>) target_semaphore(%arg16 : memref<!tpu.dma_semaphore, #tpu.memory_space<semaphore_mem>>)
        %add3A_358 = arith.constant 1600000 : i32
        %add3A_359 = arith.addi %add3A_358, %add3A_352 : i32
        %dma_start3A_360 = tpu.memref_slice %arg5[%add3A_359] : memref<3200000xi32, #tpu.memory_space<hbm>> -> memref<800xi32, #tpu.memory_space<hbm>>
        %dma_start3A_361 = tpu.memref_slice %arg5[%add3A_359] : memref<3200000xi32, #tpu.memory_space<hbm>> -> memref<800xi32, #tpu.memory_space<hbm>>
        tpu.enqueue_dma source(%dma_start3A_361 : memref<800xi32, #tpu.memory_space<hbm>>) target(%arg11 : memref<800xi32, #tpu.memory_space<vmem>>) target_semaphore(%arg16 : memref<!tpu.dma_semaphore, #tpu.memory_space<semaphore_mem>>)
        %dma_wait3A_362 = arith.constant 0 : i32
        %dma_wait3A_363 = tpu.memref_slice %arg4[%dma_wait3A_362] : memref<3200000xi32, #tpu.memory_space<hbm>> -> memref<800xi32, #tpu.memory_space<hbm>>
        %dma_wait3A_364 = arith.constant 0 : i32
        %dma_wait3A_365 = tpu.memref_slice %arg4[%dma_wait3A_364] : memref<3200000xi32, #tpu.memory_space<hbm>> -> memref<800xi32, #tpu.memory_space<hbm>>
        tpu.wait_dma2 semaphore(%arg16 : memref<!tpu.dma_semaphore, #tpu.memory_space<semaphore_mem>>) src(%dma_wait3A_365 : memref<800xi32, #tpu.memory_space<hbm>>) dst(%arg9 : memref<800xi32, #tpu.memory_space<vmem>>)
        %dma_wait3A_366 = arith.constant 0 : i32
        %dma_wait3A_367 = tpu.memref_slice %arg5[%dma_wait3A_366] : memref<3200000xi32, #tpu.memory_space<hbm>> -> memref<800xi32, #tpu.memory_space<hbm>>
        %dma_wait3A_368 = arith.constant 0 : i32
        %dma_wait3A_369 = tpu.memref_slice %arg5[%dma_wait3A_368] : memref<3200000xi32, #tpu.memory_space<hbm>> -> memref<800xi32, #tpu.memory_space<hbm>>
        tpu.wait_dma2 semaphore(%arg16 : memref<!tpu.dma_semaphore, #tpu.memory_space<semaphore_mem>>) src(%dma_wait3A_369 : memref<800xi32, #tpu.memory_space<hbm>>) dst(%arg11 : memref<800xi32, #tpu.memory_space<vmem>>)
        %dma_start3A_370 = arith.constant 0 : i32
        %dma_start3A_371 = arith.constant 0 : i32
        %dma_start3A_372 = tpu.memref_slice %arg3[%dma_start3A_370, %dma_start3A_371] : memref<100096x16xf32, #tpu.memory_space<hbm>> -> memref<100096x16xf32, #tpu.memory_space<hbm>>
        tpu.enqueue_indirect_dma source(%dma_start3A_372 : memref<100096x16xf32, #tpu.memory_space<hbm>>) target(%arg13 : memref<800x16xf32, #tpu.memory_space<vmem>>) offsets(%arg9 : memref<800xi32, #tpu.memory_space<vmem>>) semaphore(%arg18 : memref<!tpu.dma_semaphore, #tpu.memory_space<semaphore_mem>>)
        %dma_wait3A_373 = arith.constant 0 : i32
        %dma_wait3A_374 = arith.constant 0 : i32
        %dma_wait3A_375 = tpu.memref_slice %arg3[%dma_wait3A_373, %dma_wait3A_374] : memref<100096x16xf32, #tpu.memory_space<hbm>> -> memref<100096x16xf32, #tpu.memory_space<hbm>>
        tpu.wait_indirect_dma semaphore(%arg18 : memref<!tpu.dma_semaphore, #tpu.memory_space<semaphore_mem>>) src(%dma_wait3A_375 : memref<100096x16xf32, #tpu.memory_space<hbm>>) dst(%arg13 : memref<800x16xf32, #tpu.memory_space<vmem>>)
        %dma_start3A_376 = arith.constant 0 : i32
        %dma_start3A_377 = arith.constant 0 : i32
        %dma_start3A_378 = tpu.memref_slice %arg14[%dma_start3A_376, %dma_start3A_377] : memref<100096x16xf32, #tpu.memory_space<vmem_shared>> -> memref<100096x16xf32, #tpu.memory_space<vmem_shared>>
        tpu.enqueue_indirect_dma source(%arg13 : memref<800x16xf32, #tpu.memory_space<vmem>>) target(%dma_start3A_378 : memref<100096x16xf32, #tpu.memory_space<vmem_shared>>) offsets(%arg11 : memref<800xi32, #tpu.memory_space<vmem>>) semaphore(%arg20 : memref<!tpu.dma_semaphore, #tpu.memory_space<semaphore_mem>>) {add = true}
      }
      %scan3A_273 = arith.constant 61 : i32
      %mul3A_274 = arith.constant 100000 : i32
      %mul3A_275 = arith.muli %arg1, %mul3A_274 : i32
      %add3A_276 = arith.constant 99200 : i32
      %add3A_277 = arith.addi %mul3A_275, %add3A_276 : i32
      %dma_wait3A_278 = arith.constant 0 : i32
      %dma_wait3A_279 = arith.constant 0 : i32
      %dma_wait3A_280 = tpu.memref_slice %arg14[%dma_wait3A_278, %dma_wait3A_279] : memref<100096x16xf32, #tpu.memory_space<vmem_shared>> -> memref<100096x16xf32, #tpu.memory_space<vmem_shared>>
      tpu.wait_indirect_dma semaphore(%arg19 : memref<!tpu.dma_semaphore, #tpu.memory_space<semaphore_mem>>) src(%arg12 : memref<800x16xf32, #tpu.memory_space<vmem>>) dst(%dma_wait3A_280 : memref<100096x16xf32, #tpu.memory_space<vmem_shared>>)
      %dma_start3A_281 = tpu.memref_slice %arg4[%add3A_277] : memref<3200000xi32, #tpu.memory_space<hbm>> -> memref<800xi32, #tpu.memory_space<hbm>>
      %dma_start3A_282 = tpu.memref_slice %arg4[%add3A_277] : memref<3200000xi32, #tpu.memory_space<hbm>> -> memref<800xi32, #tpu.memory_space<hbm>>
      tpu.enqueue_dma source(%dma_start3A_282 : memref<800xi32, #tpu.memory_space<hbm>>) target(%arg8 : memref<800xi32, #tpu.memory_space<vmem>>) target_semaphore(%arg15 : memref<!tpu.dma_semaphore, #tpu.memory_space<semaphore_mem>>)
      %add3A_283 = arith.constant 1600000 : i32
      %add3A_284 = arith.addi %add3A_283, %add3A_277 : i32
      %dma_start3A_285 = tpu.memref_slice %arg5[%add3A_284] : memref<3200000xi32, #tpu.memory_space<hbm>> -> memref<800xi32, #tpu.memory_space<hbm>>
      %dma_start3A_286 = tpu.memref_slice %arg5[%add3A_284] : memref<3200000xi32, #tpu.memory_space<hbm>> -> memref<800xi32, #tpu.memory_space<hbm>>
      tpu.enqueue_dma source(%dma_start3A_286 : memref<800xi32, #tpu.memory_space<hbm>>) target(%arg10 : memref<800xi32, #tpu.memory_space<vmem>>) target_semaphore(%arg15 : memref<!tpu.dma_semaphore, #tpu.memory_space<semaphore_mem>>)
      %dma_wait3A_287 = arith.constant 0 : i32
      %dma_wait3A_288 = tpu.memref_slice %arg4[%dma_wait3A_287] : memref<3200000xi32, #tpu.memory_space<hbm>> -> memref<800xi32, #tpu.memory_space<hbm>>
      %dma_wait3A_289 = arith.constant 0 : i32
      %dma_wait3A_290 = tpu.memref_slice %arg4[%dma_wait3A_289] : memref<3200000xi32, #tpu.memory_space<hbm>> -> memref<800xi32, #tpu.memory_space<hbm>>
      tpu.wait_dma2 semaphore(%arg15 : memref<!tpu.dma_semaphore, #tpu.memory_space<semaphore_mem>>) src(%dma_wait3A_290 : memref<800xi32, #tpu.memory_space<hbm>>) dst(%arg8 : memref<800xi32, #tpu.memory_space<vmem>>)
      %dma_wait3A_291 = arith.constant 0 : i32
      %dma_wait3A_292 = tpu.memref_slice %arg5[%dma_wait3A_291] : memref<3200000xi32, #tpu.memory_space<hbm>> -> memref<800xi32, #tpu.memory_space<hbm>>
      %dma_wait3A_293 = arith.constant 0 : i32
      %dma_wait3A_294 = tpu.memref_slice %arg5[%dma_wait3A_293] : memref<3200000xi32, #tpu.memory_space<hbm>> -> memref<800xi32, #tpu.memory_space<hbm>>
      tpu.wait_dma2 semaphore(%arg15 : memref<!tpu.dma_semaphore, #tpu.memory_space<semaphore_mem>>) src(%dma_wait3A_294 : memref<800xi32, #tpu.memory_space<hbm>>) dst(%arg10 : memref<800xi32, #tpu.memory_space<vmem>>)
      %dma_start3A_295 = arith.constant 0 : i32
      %dma_start3A_296 = arith.constant 0 : i32
      %dma_start3A_297 = tpu.memref_slice %arg3[%dma_start3A_295, %dma_start3A_296] : memref<100096x16xf32, #tpu.memory_space<hbm>> -> memref<100096x16xf32, #tpu.memory_space<hbm>>
      tpu.enqueue_indirect_dma source(%dma_start3A_297 : memref<100096x16xf32, #tpu.memory_space<hbm>>) target(%arg12 : memref<800x16xf32, #tpu.memory_space<vmem>>) offsets(%arg8 : memref<800xi32, #tpu.memory_space<vmem>>) semaphore(%arg17 : memref<!tpu.dma_semaphore, #tpu.memory_space<semaphore_mem>>)
      %dma_wait3A_298 = arith.constant 0 : i32
      %dma_wait3A_299 = arith.constant 0 : i32
      %dma_wait3A_300 = tpu.memref_slice %arg3[%dma_wait3A_298, %dma_wait3A_299] : memref<100096x16xf32, #tpu.memory_space<hbm>> -> memref<100096x16xf32, #tpu.memory_space<hbm>>
      tpu.wait_indirect_dma semaphore(%arg17 : memref<!tpu.dma_semaphore, #tpu.memory_space<semaphore_mem>>) src(%dma_wait3A_300 : memref<100096x16xf32, #tpu.memory_space<hbm>>) dst(%arg12 : memref<800x16xf32, #tpu.memory_space<vmem>>)
      %dma_start3A_301 = arith.constant 0 : i32
      %dma_start3A_302 = arith.constant 0 : i32
      %dma_start3A_303 = tpu.memref_slice %arg14[%dma_start3A_301, %dma_start3A_302] : memref<100096x16xf32, #tpu.memory_space<vmem_shared>> -> memref<100096x16xf32, #tpu.memory_space<vmem_shared>>
      tpu.enqueue_indirect_dma source(%arg12 : memref<800x16xf32, #tpu.memory_space<vmem>>) target(%dma_start3A_303 : memref<100096x16xf32, #tpu.memory_space<vmem_shared>>) offsets(%arg10 : memref<800xi32, #tpu.memory_space<vmem>>) semaphore(%arg19 : memref<!tpu.dma_semaphore, #tpu.memory_space<semaphore_mem>>) {add = true}
      %dma_wait3A_304 = arith.constant 0 : i32
      %dma_wait3A_305 = arith.constant 0 : i32
      %dma_wait3A_306 = tpu.memref_slice %arg14[%dma_wait3A_304, %dma_wait3A_305] : memref<100096x16xf32, #tpu.memory_space<vmem_shared>> -> memref<100096x16xf32, #tpu.memory_space<vmem_shared>>
      tpu.wait_indirect_dma semaphore(%arg20 : memref<!tpu.dma_semaphore, #tpu.memory_space<semaphore_mem>>) src(%arg13 : memref<800x16xf32, #tpu.memory_space<vmem>>) dst(%dma_wait3A_306 : memref<100096x16xf32, #tpu.memory_space<vmem_shared>>)
      %dma_wait3A_307 = arith.constant 0 : i32
      %dma_wait3A_308 = arith.constant 0 : i32
      %dma_wait3A_309 = tpu.memref_slice %arg14[%dma_wait3A_307, %dma_wait3A_308] : memref<100096x16xf32, #tpu.memory_space<vmem_shared>> -> memref<100096x16xf32, #tpu.memory_space<vmem_shared>>
      tpu.wait_indirect_dma semaphore(%arg19 : memref<!tpu.dma_semaphore, #tpu.memory_space<semaphore_mem>>) src(%arg12 : memref<800x16xf32, #tpu.memory_space<vmem>>) dst(%dma_wait3A_309 : memref<100096x16xf32, #tpu.memory_space<vmem_shared>>)
    } else {
    }
    %barrier3A_203 = arith.constant 0 : index
    tpu.barrier barrier_id(%barrier3A_203)
    %eq3A_204 = arith.constant 0 : i32
    %eq3A_205 = arith.cmpi eq, %arg0, %eq3A_204 : i32
    %convert_element_type3A_206 = arith.extui %eq3A_205 : i1 to i32
    %cond3A_207 = arith.constant 0 : i32
    %cond3A_208 = arith.cmpi ne, %convert_element_type3A_206, %cond3A_207 : i32
    scf.if %cond3A_208 {
      %add3A_214 = arith.constant 0 : i32
      %add3A_215 = arith.addi %mul3A_0, %add3A_214 : i32
      "tpu.region"() ({
        %run_scoped3A = tpu.sem_alloc : memref<!tpu.dma_semaphore, #tpu.memory_space<semaphore_mem>>
        %dma_start3A_422 = arith.constant 0 : i32
        %dma_start3A_423 = arith.constant 0 : i32
        %dma_start3A_424 = tpu.memref_slice %arg12[%dma_start3A_422, %dma_start3A_423] : memref<800x16xf32, #tpu.memory_space<vmem>> -> memref<800x16xf32, #tpu.memory_space<vmem>>
        %dma_start3A_425 = arith.constant 0 : i32
        %dma_start3A_426 = tpu.memref_slice %arg14[%add3A_215, %dma_start3A_425] : memref<100096x16xf32, #tpu.memory_space<vmem_shared>> -> memref<800x16xf32, #tpu.memory_space<vmem_shared>>
        %dma_start3A_427 = arith.constant 0 : i32
        %dma_start3A_428 = arith.constant 0 : i32
        %dma_start3A_429 = tpu.memref_slice %arg12[%dma_start3A_427, %dma_start3A_428] : memref<800x16xf32, #tpu.memory_space<vmem>> -> memref<800x16xf32, #tpu.memory_space<vmem>>
        %dma_start3A_430 = arith.constant 0 : i32
        %dma_start3A_431 = tpu.memref_slice %arg14[%add3A_215, %dma_start3A_430] : memref<100096x16xf32, #tpu.memory_space<vmem_shared>> -> memref<800x16xf32, #tpu.memory_space<vmem_shared>>
        tpu.enqueue_dma source(%dma_start3A_431 : memref<800x16xf32, #tpu.memory_space<vmem_shared>>) target(%dma_start3A_429 : memref<800x16xf32, #tpu.memory_space<vmem>>) target_semaphore(%run_scoped3A : memref<!tpu.dma_semaphore, #tpu.memory_space<semaphore_mem>>)
        %dma_wait3A_432 = arith.constant 0 : i32
        %dma_wait3A_433 = arith.constant 0 : i32
        %dma_wait3A_434 = tpu.memref_slice %arg12[%dma_wait3A_432, %dma_wait3A_433] : memref<800x16xf32, #tpu.memory_space<vmem>> -> memref<800x16xf32, #tpu.memory_space<vmem>>
        %dma_wait3A_435 = arith.constant 0 : i32
        %dma_wait3A_436 = tpu.memref_slice %arg14[%add3A_215, %dma_wait3A_435] : memref<100096x16xf32, #tpu.memory_space<vmem_shared>> -> memref<800x16xf32, #tpu.memory_space<vmem_shared>>
        %dma_wait3A_437 = arith.constant 0 : i32
        %dma_wait3A_438 = arith.constant 0 : i32
        %dma_wait3A_439 = tpu.memref_slice %arg12[%dma_wait3A_437, %dma_wait3A_438] : memref<800x16xf32, #tpu.memory_space<vmem>> -> memref<800x16xf32, #tpu.memory_space<vmem>>
        %dma_wait3A_440 = arith.constant 0 : i32
        %dma_wait3A_441 = tpu.memref_slice %arg14[%add3A_215, %dma_wait3A_440] : memref<100096x16xf32, #tpu.memory_space<vmem_shared>> -> memref<800x16xf32, #tpu.memory_space<vmem_shared>>
        tpu.wait_dma2 semaphore(%run_scoped3A : memref<!tpu.dma_semaphore, #tpu.memory_space<semaphore_mem>>) src(%dma_wait3A_441 : memref<800x16xf32, #tpu.memory_space<vmem_shared>>) dst(%dma_wait3A_439 : memref<800x16xf32, #tpu.memory_space<vmem>>)
        tpu.yield
      }) : () -> ()
      %add3A_216 = arith.constant 0 : i32
      %add3A_217 = arith.addi %mul3A_0, %add3A_216 : i32
      %dma_start3A_218 = arith.constant 0 : i32
      %dma_start3A_219 = arith.constant 0 : i32
      %dma_start3A_220 = tpu.memref_slice %arg12[%dma_start3A_218, %dma_start3A_219] : memref<800x16xf32, #tpu.memory_space<vmem>> -> memref<800x16xf32, #tpu.memory_space<vmem>>
      %dma_start3A_221 = arith.constant 0 : i32
      %dma_start3A_222 = tpu.memref_slice %arg6[%add3A_217, %dma_start3A_221] : memref<100096x16xf32, #tpu.memory_space<hbm>> -> memref<800x16xf32, #tpu.memory_space<hbm>>
      %dma_start3A_223 = arith.constant 0 : i32
      %dma_start3A_224 = tpu.memref_slice %arg6[%add3A_217, %dma_start3A_223] : memref<100096x16xf32, #tpu.memory_space<hbm>> -> memref<800x16xf32, #tpu.memory_space<hbm>>
      %dma_start3A_225 = arith.constant 0 : i32
      %dma_start3A_226 = arith.constant 0 : i32
      %dma_start3A_227 = tpu.memref_slice %arg12[%dma_start3A_225, %dma_start3A_226] : memref<800x16xf32, #tpu.memory_space<vmem>> -> memref<800x16xf32, #tpu.memory_space<vmem>>
      tpu.enqueue_dma source(%dma_start3A_227 : memref<800x16xf32, #tpu.memory_space<vmem>>) target(%dma_start3A_224 : memref<800x16xf32, #tpu.memory_space<hbm>>) target_semaphore(%arg19 : memref<!tpu.dma_semaphore, #tpu.memory_space<semaphore_mem>>)
      %add3A_228 = arith.constant 800 : i32
      %add3A_229 = arith.addi %mul3A_0, %add3A_228 : i32
      "tpu.region"() ({
        %run_scoped3A = tpu.sem_alloc : memref<!tpu.dma_semaphore, #tpu.memory_space<semaphore_mem>>
        %dma_start3A_422 = arith.constant 0 : i32
        %dma_start3A_423 = arith.constant 0 : i32
        %dma_start3A_424 = tpu.memref_slice %arg13[%dma_start3A_422, %dma_start3A_423] : memref<800x16xf32, #tpu.memory_space<vmem>> -> memref<800x16xf32, #tpu.memory_space<vmem>>
        %dma_start3A_425 = arith.constant 0 : i32
        %dma_start3A_426 = tpu.memref_slice %arg14[%add3A_229, %dma_start3A_425] : memref<100096x16xf32, #tpu.memory_space<vmem_shared>> -> memref<800x16xf32, #tpu.memory_space<vmem_shared>>
        %dma_start3A_427 = arith.constant 0 : i32
        %dma_start3A_428 = arith.constant 0 : i32
        %dma_start3A_429 = tpu.memref_slice %arg13[%dma_start3A_427, %dma_start3A_428] : memref<800x16xf32, #tpu.memory_space<vmem>> -> memref<800x16xf32, #tpu.memory_space<vmem>>
        %dma_start3A_430 = arith.constant 0 : i32
        %dma_start3A_431 = tpu.memref_slice %arg14[%add3A_229, %dma_start3A_430] : memref<100096x16xf32, #tpu.memory_space<vmem_shared>> -> memref<800x16xf32, #tpu.memory_space<vmem_shared>>
        tpu.enqueue_dma source(%dma_start3A_431 : memref<800x16xf32, #tpu.memory_space<vmem_shared>>) target(%dma_start3A_429 : memref<800x16xf32, #tpu.memory_space<vmem>>) target_semaphore(%run_scoped3A : memref<!tpu.dma_semaphore, #tpu.memory_space<semaphore_mem>>)
        %dma_wait3A_432 = arith.constant 0 : i32
        %dma_wait3A_433 = arith.constant 0 : i32
        %dma_wait3A_434 = tpu.memref_slice %arg13[%dma_wait3A_432, %dma_wait3A_433] : memref<800x16xf32, #tpu.memory_space<vmem>> -> memref<800x16xf32, #tpu.memory_space<vmem>>
        %dma_wait3A_435 = arith.constant 0 : i32
        %dma_wait3A_436 = tpu.memref_slice %arg14[%add3A_229, %dma_wait3A_435] : memref<100096x16xf32, #tpu.memory_space<vmem_shared>> -> memref<800x16xf32, #tpu.memory_space<vmem_shared>>
        %dma_wait3A_437 = arith.constant 0 : i32
        %dma_wait3A_438 = arith.constant 0 : i32
        %dma_wait3A_439 = tpu.memref_slice %arg13[%dma_wait3A_437, %dma_wait3A_438] : memref<800x16xf32, #tpu.memory_space<vmem>> -> memref<800x16xf32, #tpu.memory_space<vmem>>
        %dma_wait3A_440 = arith.constant 0 : i32
        %dma_wait3A_441 = tpu.memref_slice %arg14[%add3A_229, %dma_wait3A_440] : memref<100096x16xf32, #tpu.memory_space<vmem_shared>> -> memref<800x16xf32, #tpu.memory_space<vmem_shared>>
        tpu.wait_dma2 semaphore(%run_scoped3A : memref<!tpu.dma_semaphore, #tpu.memory_space<semaphore_mem>>) src(%dma_wait3A_441 : memref<800x16xf32, #tpu.memory_space<vmem_shared>>) dst(%dma_wait3A_439 : memref<800x16xf32, #tpu.memory_space<vmem>>)
        tpu.yield
      }) : () -> ()
      %add3A_230 = arith.constant 800 : i32
      %add3A_231 = arith.addi %mul3A_0, %add3A_230 : i32
      %dma_start3A_232 = arith.constant 0 : i32
      %dma_start3A_233 = arith.constant 0 : i32
      %dma_start3A_234 = tpu.memref_slice %arg13[%dma_start3A_232, %dma_start3A_233] : memref<800x16xf32, #tpu.memory_space<vmem>> -> memref<800x16xf32, #tpu.memory_space<vmem>>
      %dma_start3A_235 = arith.constant 0 : i32
      %dma_start3A_236 = tpu.memref_slice %arg6[%add3A_231, %dma_start3A_235] : memref<100096x16xf32, #tpu.memory_space<hbm>> -> memref<800x16xf32, #tpu.memory_space<hbm>>
      %dma_start3A_237 = arith.constant 0 : i32
      %dma_start3A_238 = tpu.memref_slice %arg6[%add3A_231, %dma_start3A_237] : memref<100096x16xf32, #tpu.memory_space<hbm>> -> memref<800x16xf32, #tpu.memory_space<hbm>>
      %dma_start3A_239 = arith.constant 0 : i32
      %dma_start3A_240 = arith.constant 0 : i32
      %dma_start3A_241 = tpu.memref_slice %arg13[%dma_start3A_239, %dma_start3A_240] : memref<800x16xf32, #tpu.memory_space<vmem>> -> memref<800x16xf32, #tpu.memory_space<vmem>>
      tpu.enqueue_dma source(%dma_start3A_241 : memref<800x16xf32, #tpu.memory_space<vmem>>) target(%dma_start3A_238 : memref<800x16xf32, #tpu.memory_space<hbm>>) target_semaphore(%arg20 : memref<!tpu.dma_semaphore, #tpu.memory_space<semaphore_mem>>)
      %dma_wait3A_242 = arith.constant 0 : i32
      %dma_wait3A_243 = arith.constant 0 : i32
      %dma_wait3A_244 = tpu.memref_slice %arg12[%dma_wait3A_242, %dma_wait3A_243] : memref<800x16xf32, #tpu.memory_space<vmem>> -> memref<800x16xf32, #tpu.memory_space<vmem>>
      %dma_wait3A_245 = arith.constant 0 : i32
      %dma_wait3A_246 = arith.constant 0 : i32
      %dma_wait3A_247 = tpu.memref_slice %arg6[%dma_wait3A_245, %dma_wait3A_246] : memref<100096x16xf32, #tpu.memory_space<hbm>> -> memref<800x16xf32, #tpu.memory_space<hbm>>
      %dma_wait3A_248 = arith.constant 0 : i32
      %dma_wait3A_249 = arith.constant 0 : i32
      %dma_wait3A_250 = tpu.memref_slice %arg6[%dma_wait3A_248, %dma_wait3A_249] : memref<100096x16xf32, #tpu.memory_space<hbm>> -> memref<800x16xf32, #tpu.memory_space<hbm>>
      %dma_wait3A_251 = arith.constant 0 : i32
      %dma_wait3A_252 = arith.constant 0 : i32
      %dma_wait3A_253 = tpu.memref_slice %arg12[%dma_wait3A_251, %dma_wait3A_252] : memref<800x16xf32, #tpu.memory_space<vmem>> -> memref<800x16xf32, #tpu.memory_space<vmem>>
      tpu.wait_dma2 semaphore(%arg19 : memref<!tpu.dma_semaphore, #tpu.memory_space<semaphore_mem>>) src(%dma_wait3A_253 : memref<800x16xf32, #tpu.memory_space<vmem>>) dst(%dma_wait3A_250 : memref<800x16xf32, #tpu.memory_space<hbm>>)
      %add3A_254 = arith.constant 1600 : i32
      %add3A_255 = arith.addi %mul3A_0, %add3A_254 : i32
      "tpu.region"() ({
        %run_scoped3A = tpu.sem_alloc : memref<!tpu.dma_semaphore, #tpu.memory_space<semaphore_mem>>
        %dma_start3A_422 = arith.constant 0 : i32
        %dma_start3A_423 = arith.constant 0 : i32
        %dma_start3A_424 = tpu.memref_slice %arg12[%dma_start3A_422, %dma_start3A_423] : memref<800x16xf32, #tpu.memory_space<vmem>> -> memref<800x16xf32, #tpu.memory_space<vmem>>
        %dma_start3A_425 = arith.constant 0 : i32
        %dma_start3A_426 = tpu.memref_slice %arg14[%add3A_255, %dma_start3A_425] : memref<100096x16xf32, #tpu.memory_space<vmem_shared>> -> memref<800x16xf32, #tpu.memory_space<vmem_shared>>
        %dma_start3A_427 = arith.constant 0 : i32
        %dma_start3A_428 = arith.constant 0 : i32
        %dma_start3A_429 = tpu.memref_slice %arg12[%dma_start3A_427, %dma_start3A_428] : memref<800x16xf32, #tpu.memory_space<vmem>> -> memref<800x16xf32, #tpu.memory_space<vmem>>
        %dma_start3A_430 = arith.constant 0 : i32
        %dma_start3A_431 = tpu.memref_slice %arg14[%add3A_255, %dma_start3A_430] : memref<100096x16xf32, #tpu.memory_space<vmem_shared>> -> memref<800x16xf32, #tpu.memory_space<vmem_shared>>
        tpu.enqueue_dma source(%dma_start3A_431 : memref<800x16xf32, #tpu.memory_space<vmem_shared>>) target(%dma_start3A_429 : memref<800x16xf32, #tpu.memory_space<vmem>>) target_semaphore(%run_scoped3A : memref<!tpu.dma_semaphore, #tpu.memory_space<semaphore_mem>>)
        %dma_wait3A_432 = arith.constant 0 : i32
        %dma_wait3A_433 = arith.constant 0 : i32
        %dma_wait3A_434 = tpu.memref_slice %arg12[%dma_wait3A_432, %dma_wait3A_433] : memref<800x16xf32, #tpu.memory_space<vmem>> -> memref<800x16xf32, #tpu.memory_space<vmem>>
        %dma_wait3A_435 = arith.constant 0 : i32
        %dma_wait3A_436 = tpu.memref_slice %arg14[%add3A_255, %dma_wait3A_435] : memref<100096x16xf32, #tpu.memory_space<vmem_shared>> -> memref<800x16xf32, #tpu.memory_space<vmem_shared>>
        %dma_wait3A_437 = arith.constant 0 : i32
        %dma_wait3A_438 = arith.constant 0 : i32
        %dma_wait3A_439 = tpu.memref_slice %arg12[%dma_wait3A_437, %dma_wait3A_438] : memref<800x16xf32, #tpu.memory_space<vmem>> -> memref<800x16xf32, #tpu.memory_space<vmem>>
        %dma_wait3A_440 = arith.constant 0 : i32
        %dma_wait3A_441 = tpu.memref_slice %arg14[%add3A_255, %dma_wait3A_440] : memref<100096x16xf32, #tpu.memory_space<vmem_shared>> -> memref<800x16xf32, #tpu.memory_space<vmem_shared>>
        tpu.wait_dma2 semaphore(%run_scoped3A : memref<!tpu.dma_semaphore, #tpu.memory_space<semaphore_mem>>) src(%dma_wait3A_441 : memref<800x16xf32, #tpu.memory_space<vmem_shared>>) dst(%dma_wait3A_439 : memref<800x16xf32, #tpu.memory_space<vmem>>)
        tpu.yield
      }) : () -> ()
      %add3A_256 = arith.constant 1600 : i32
      %add3A_257 = arith.addi %mul3A_0, %add3A_256 : i32
      %dma_start3A_258 = arith.constant 0 : i32
      %dma_start3A_259 = arith.constant 0 : i32
      %dma_start3A_260 = tpu.memref_slice %arg12[%dma_start3A_258, %dma_start3A_259] : memref<800x16xf32, #tpu.memory_space<vmem>> -> memref<800x16xf32, #tpu.memory_space<vmem>>
      %dma_start3A_261 = arith.constant 0 : i32
      %dma_start3A_262 = tpu.memref_slice %arg6[%add3A_257, %dma_start3A_261] : memref<100096x16xf32, #tpu.memory_space<hbm>> -> memref<800x16xf32, #tpu.memory_space<hbm>>
      %dma_start3A_263 = arith.constant 0 : i32
      %dma_start3A_264 = tpu.memref_slice %arg6[%add3A_257, %dma_start3A_263] : memref<100096x16xf32, #tpu.memory_space<hbm>> -> memref<800x16xf32, #tpu.memory_space<hbm>>
      %dma_start3A_265 = arith.constant 0 : i32
      %dma_start3A_266 = arith.constant 0 : i32
      %dma_start3A_267 = tpu.memref_slice %arg12[%dma_start3A_265, %dma_start3A_266] : memref<800x16xf32, #tpu.memory_space<vmem>> -> memref<800x16xf32, #tpu.memory_space<vmem>>
      tpu.enqueue_dma source(%dma_start3A_267 : memref<800x16xf32, #tpu.memory_space<vmem>>) target(%dma_start3A_264 : memref<800x16xf32, #tpu.memory_space<hbm>>) target_semaphore(%arg19 : memref<!tpu.dma_semaphore, #tpu.memory_space<semaphore_mem>>)
      %dma_wait3A_268 = arith.constant 0 : i32
      %dma_wait3A_269 = arith.constant 0 : i32
      %dma_wait3A_270 = tpu.memref_slice %arg13[%dma_wait3A_268, %dma_wait3A_269] : memref<800x16xf32, #tpu.memory_space<vmem>> -> memref<800x16xf32, #tpu.memory_space<vmem>>
      %dma_wait3A_271 = arith.constant 0 : i32
      %dma_wait3A_272 = arith.constant 0 : i32
      %dma_wait3A_273 = tpu.memref_slice %arg6[%dma_wait3A_271, %dma_wait3A_272] : memref<100096x16xf32, #tpu.memory_space<hbm>> -> memref<800x16xf32, #tpu.memory_space<hbm>>
      %dma_wait3A_274 = arith.constant 0 : i32
      %dma_wait3A_275 = arith.constant 0 : i32
      %dma_wait3A_276 = tpu.memref_slice %arg6[%dma_wait3A_274, %dma_wait3A_275] : memref<100096x16xf32, #tpu.memory_space<hbm>> -> memref<800x16xf32, #tpu.memory_space<hbm>>
      %dma_wait3A_277 = arith.constant 0 : i32
      %dma_wait3A_278 = arith.constant 0 : i32
      %dma_wait3A_279 = tpu.memref_slice %arg13[%dma_wait3A_277, %dma_wait3A_278] : memref<800x16xf32, #tpu.memory_space<vmem>> -> memref<800x16xf32, #tpu.memory_space<vmem>>
      tpu.wait_dma2 semaphore(%arg20 : memref<!tpu.dma_semaphore, #tpu.memory_space<semaphore_mem>>) src(%dma_wait3A_279 : memref<800x16xf32, #tpu.memory_space<vmem>>) dst(%dma_wait3A_276 : memref<800x16xf32, #tpu.memory_space<hbm>>)
      %add3A_280 = arith.constant 2400 : i32
      %add3A_281 = arith.addi %mul3A_0, %add3A_280 : i32
      "tpu.region"() ({
        %run_scoped3A = tpu.sem_alloc : memref<!tpu.dma_semaphore, #tpu.memory_space<semaphore_mem>>
        %dma_start3A_422 = arith.constant 0 : i32
        %dma_start3A_423 = arith.constant 0 : i32
        %dma_start3A_424 = tpu.memref_slice %arg13[%dma_start3A_422, %dma_start3A_423] : memref<800x16xf32, #tpu.memory_space<vmem>> -> memref<800x16xf32, #tpu.memory_space<vmem>>
        %dma_start3A_425 = arith.constant 0 : i32
        %dma_start3A_426 = tpu.memref_slice %arg14[%add3A_281, %dma_start3A_425] : memref<100096x16xf32, #tpu.memory_space<vmem_shared>> -> memref<800x16xf32, #tpu.memory_space<vmem_shared>>
        %dma_start3A_427 = arith.constant 0 : i32
        %dma_start3A_428 = arith.constant 0 : i32
        %dma_start3A_429 = tpu.memref_slice %arg13[%dma_start3A_427, %dma_start3A_428] : memref<800x16xf32, #tpu.memory_space<vmem>> -> memref<800x16xf32, #tpu.memory_space<vmem>>
        %dma_start3A_430 = arith.constant 0 : i32
        %dma_start3A_431 = tpu.memref_slice %arg14[%add3A_281, %dma_start3A_430] : memref<100096x16xf32, #tpu.memory_space<vmem_shared>> -> memref<800x16xf32, #tpu.memory_space<vmem_shared>>
        tpu.enqueue_dma source(%dma_start3A_431 : memref<800x16xf32, #tpu.memory_space<vmem_shared>>) target(%dma_start3A_429 : memref<800x16xf32, #tpu.memory_space<vmem>>) target_semaphore(%run_scoped3A : memref<!tpu.dma_semaphore, #tpu.memory_space<semaphore_mem>>)
        %dma_wait3A_432 = arith.constant 0 : i32
        %dma_wait3A_433 = arith.constant 0 : i32
        %dma_wait3A_434 = tpu.memref_slice %arg13[%dma_wait3A_432, %dma_wait3A_433] : memref<800x16xf32, #tpu.memory_space<vmem>> -> memref<800x16xf32, #tpu.memory_space<vmem>>
        %dma_wait3A_435 = arith.constant 0 : i32
        %dma_wait3A_436 = tpu.memref_slice %arg14[%add3A_281, %dma_wait3A_435] : memref<100096x16xf32, #tpu.memory_space<vmem_shared>> -> memref<800x16xf32, #tpu.memory_space<vmem_shared>>
        %dma_wait3A_437 = arith.constant 0 : i32
        %dma_wait3A_438 = arith.constant 0 : i32
        %dma_wait3A_439 = tpu.memref_slice %arg13[%dma_wait3A_437, %dma_wait3A_438] : memref<800x16xf32, #tpu.memory_space<vmem>> -> memref<800x16xf32, #tpu.memory_space<vmem>>
        %dma_wait3A_440 = arith.constant 0 : i32
        %dma_wait3A_441 = tpu.memref_slice %arg14[%add3A_281, %dma_wait3A_440] : memref<100096x16xf32, #tpu.memory_space<vmem_shared>> -> memref<800x16xf32, #tpu.memory_space<vmem_shared>>
        tpu.wait_dma2 semaphore(%run_scoped3A : memref<!tpu.dma_semaphore, #tpu.memory_space<semaphore_mem>>) src(%dma_wait3A_441 : memref<800x16xf32, #tpu.memory_space<vmem_shared>>) dst(%dma_wait3A_439 : memref<800x16xf32, #tpu.memory_space<vmem>>)
        tpu.yield
      }) : () -> ()
      %add3A_282 = arith.constant 2400 : i32
      %add3A_283 = arith.addi %mul3A_0, %add3A_282 : i32
      %dma_start3A_284 = arith.constant 0 : i32
      %dma_start3A_285 = arith.constant 0 : i32
      %dma_start3A_286 = tpu.memref_slice %arg13[%dma_start3A_284, %dma_start3A_285] : memref<800x16xf32, #tpu.memory_space<vmem>> -> memref<800x16xf32, #tpu.memory_space<vmem>>
      %dma_start3A_287 = arith.constant 0 : i32
      %dma_start3A_288 = tpu.memref_slice %arg6[%add3A_283, %dma_start3A_287] : memref<100096x16xf32, #tpu.memory_space<hbm>> -> memref<800x16xf32, #tpu.memory_space<hbm>>
      %dma_start3A_289 = arith.constant 0 : i32
      %dma_start3A_290 = tpu.memref_slice %arg6[%add3A_283, %dma_start3A_289] : memref<100096x16xf32, #tpu.memory_space<hbm>> -> memref<800x16xf32, #tpu.memory_space<hbm>>
      %dma_start3A_291 = arith.constant 0 : i32
      %dma_start3A_292 = arith.constant 0 : i32
      %dma_start3A_293 = tpu.memref_slice %arg13[%dma_start3A_291, %dma_start3A_292] : memref<800x16xf32, #tpu.memory_space<vmem>> -> memref<800x16xf32, #tpu.memory_space<vmem>>
      tpu.enqueue_dma source(%dma_start3A_293 : memref<800x16xf32, #tpu.memory_space<vmem>>) target(%dma_start3A_290 : memref<800x16xf32, #tpu.memory_space<hbm>>) target_semaphore(%arg20 : memref<!tpu.dma_semaphore, #tpu.memory_space<semaphore_mem>>)
      %dma_wait3A_294 = arith.constant 0 : i32
      %dma_wait3A_295 = arith.constant 0 : i32
      %dma_wait3A_296 = tpu.memref_slice %arg12[%dma_wait3A_294, %dma_wait3A_295] : memref<800x16xf32, #tpu.memory_space<vmem>> -> memref<800x16xf32, #tpu.memory_space<vmem>>
      %dma_wait3A_297 = arith.constant 0 : i32
      %dma_wait3A_298 = arith.constant 0 : i32
      %dma_wait3A_299 = tpu.memref_slice %arg6[%dma_wait3A_297, %dma_wait3A_298] : memref<100096x16xf32, #tpu.memory_space<hbm>> -> memref<800x16xf32, #tpu.memory_space<hbm>>
      %dma_wait3A_300 = arith.constant 0 : i32
      %dma_wait3A_301 = arith.constant 0 : i32
      %dma_wait3A_302 = tpu.memref_slice %arg6[%dma_wait3A_300, %dma_wait3A_301] : memref<100096x16xf32, #tpu.memory_space<hbm>> -> memref<800x16xf32, #tpu.memory_space<hbm>>
      %dma_wait3A_303 = arith.constant 0 : i32
      %dma_wait3A_304 = arith.constant 0 : i32
      %dma_wait3A_305 = tpu.memref_slice %arg12[%dma_wait3A_303, %dma_wait3A_304] : memref<800x16xf32, #tpu.memory_space<vmem>> -> memref<800x16xf32, #tpu.memory_space<vmem>>
      tpu.wait_dma2 semaphore(%arg19 : memref<!tpu.dma_semaphore, #tpu.memory_space<semaphore_mem>>) src(%dma_wait3A_305 : memref<800x16xf32, #tpu.memory_space<vmem>>) dst(%dma_wait3A_302 : memref<800x16xf32, #tpu.memory_space<hbm>>)
      %add3A_306 = arith.constant 3200 : i32
      %add3A_307 = arith.addi %mul3A_0, %add3A_306 : i32
      "tpu.region"() ({
        %run_scoped3A = tpu.sem_alloc : memref<!tpu.dma_semaphore, #tpu.memory_space<semaphore_mem>>
        %dma_start3A_422 = arith.constant 0 : i32
        %dma_start3A_423 = arith.constant 0 : i32
        %dma_start3A_424 = tpu.memref_slice %arg12[%dma_start3A_422, %dma_start3A_423] : memref<800x16xf32, #tpu.memory_space<vmem>> -> memref<800x16xf32, #tpu.memory_space<vmem>>
        %dma_start3A_425 = arith.constant 0 : i32
        %dma_start3A_426 = tpu.memref_slice %arg14[%add3A_307, %dma_start3A_425] : memref<100096x16xf32, #tpu.memory_space<vmem_shared>> -> memref<800x16xf32, #tpu.memory_space<vmem_shared>>
        %dma_start3A_427 = arith.constant 0 : i32
        %dma_start3A_428 = arith.constant 0 : i32
        %dma_start3A_429 = tpu.memref_slice %arg12[%dma_start3A_427, %dma_start3A_428] : memref<800x16xf32, #tpu.memory_space<vmem>> -> memref<800x16xf32, #tpu.memory_space<vmem>>
        %dma_start3A_430 = arith.constant 0 : i32
        %dma_start3A_431 = tpu.memref_slice %arg14[%add3A_307, %dma_start3A_430] : memref<100096x16xf32, #tpu.memory_space<vmem_shared>> -> memref<800x16xf32, #tpu.memory_space<vmem_shared>>
        tpu.enqueue_dma source(%dma_start3A_431 : memref<800x16xf32, #tpu.memory_space<vmem_shared>>) target(%dma_start3A_429 : memref<800x16xf32, #tpu.memory_space<vmem>>) target_semaphore(%run_scoped3A : memref<!tpu.dma_semaphore, #tpu.memory_space<semaphore_mem>>)
        %dma_wait3A_432 = arith.constant 0 : i32
        %dma_wait3A_433 = arith.constant 0 : i32
        %dma_wait3A_434 = tpu.memref_slice %arg12[%dma_wait3A_432, %dma_wait3A_433] : memref<800x16xf32, #tpu.memory_space<vmem>> -> memref<800x16xf32, #tpu.memory_space<vmem>>
        %dma_wait3A_435 = arith.constant 0 : i32
        %dma_wait3A_436 = tpu.memref_slice %arg14[%add3A_307, %dma_wait3A_435] : memref<100096x16xf32, #tpu.memory_space<vmem_shared>> -> memref<800x16xf32, #tpu.memory_space<vmem_shared>>
        %dma_wait3A_437 = arith.constant 0 : i32
        %dma_wait3A_438 = arith.constant 0 : i32
        %dma_wait3A_439 = tpu.memref_slice %arg12[%dma_wait3A_437, %dma_wait3A_438] : memref<800x16xf32, #tpu.memory_space<vmem>> -> memref<800x16xf32, #tpu.memory_space<vmem>>
        %dma_wait3A_440 = arith.constant 0 : i32
        %dma_wait3A_441 = tpu.memref_slice %arg14[%add3A_307, %dma_wait3A_440] : memref<100096x16xf32, #tpu.memory_space<vmem_shared>> -> memref<800x16xf32, #tpu.memory_space<vmem_shared>>
        tpu.wait_dma2 semaphore(%run_scoped3A : memref<!tpu.dma_semaphore, #tpu.memory_space<semaphore_mem>>) src(%dma_wait3A_441 : memref<800x16xf32, #tpu.memory_space<vmem_shared>>) dst(%dma_wait3A_439 : memref<800x16xf32, #tpu.memory_space<vmem>>)
        tpu.yield
      }) : () -> ()
      %add3A_308 = arith.constant 3200 : i32
      %add3A_309 = arith.addi %mul3A_0, %add3A_308 : i32
      %dma_start3A_310 = arith.constant 0 : i32
      %dma_start3A_311 = arith.constant 0 : i32
      %dma_start3A_312 = tpu.memref_slice %arg12[%dma_start3A_310, %dma_start3A_311] : memref<800x16xf32, #tpu.memory_space<vmem>> -> memref<800x16xf32, #tpu.memory_space<vmem>>
      %dma_start3A_313 = arith.constant 0 : i32
      %dma_start3A_314 = tpu.memref_slice %arg6[%add3A_309, %dma_start3A_313] : memref<100096x16xf32, #tpu.memory_space<hbm>> -> memref<800x16xf32, #tpu.memory_space<hbm>>
      %dma_start3A_315 = arith.constant 0 : i32
      %dma_start3A_316 = tpu.memref_slice %arg6[%add3A_309, %dma_start3A_315] : memref<100096x16xf32, #tpu.memory_space<hbm>> -> memref<800x16xf32, #tpu.memory_space<hbm>>
      %dma_start3A_317 = arith.constant 0 : i32
      %dma_start3A_318 = arith.constant 0 : i32
      %dma_start3A_319 = tpu.memref_slice %arg12[%dma_start3A_317, %dma_start3A_318] : memref<800x16xf32, #tpu.memory_space<vmem>> -> memref<800x16xf32, #tpu.memory_space<vmem>>
      tpu.enqueue_dma source(%dma_start3A_319 : memref<800x16xf32, #tpu.memory_space<vmem>>) target(%dma_start3A_316 : memref<800x16xf32, #tpu.memory_space<hbm>>) target_semaphore(%arg19 : memref<!tpu.dma_semaphore, #tpu.memory_space<semaphore_mem>>)
      %dma_wait3A_320 = arith.constant 0 : i32
      %dma_wait3A_321 = arith.constant 0 : i32
      %dma_wait3A_322 = tpu.memref_slice %arg13[%dma_wait3A_320, %dma_wait3A_321] : memref<800x16xf32, #tpu.memory_space<vmem>> -> memref<800x16xf32, #tpu.memory_space<vmem>>
      %dma_wait3A_323 = arith.constant 0 : i32
      %dma_wait3A_324 = arith.constant 0 : i32
      %dma_wait3A_325 = tpu.memref_slice %arg6[%dma_wait3A_323, %dma_wait3A_324] : memref<100096x16xf32, #tpu.memory_space<hbm>> -> memref<800x16xf32, #tpu.memory_space<hbm>>
      %dma_wait3A_326 = arith.constant 0 : i32
      %dma_wait3A_327 = arith.constant 0 : i32
      %dma_wait3A_328 = tpu.memref_slice %arg6[%dma_wait3A_326, %dma_wait3A_327] : memref<100096x16xf32, #tpu.memory_space<hbm>> -> memref<800x16xf32, #tpu.memory_space<hbm>>
      %dma_wait3A_329 = arith.constant 0 : i32
      %dma_wait3A_330 = arith.constant 0 : i32
      %dma_wait3A_331 = tpu.memref_slice %arg13[%dma_wait3A_329, %dma_wait3A_330] : memref<800x16xf32, #tpu.memory_space<vmem>> -> memref<800x16xf32, #tpu.memory_space<vmem>>
      tpu.wait_dma2 semaphore(%arg20 : memref<!tpu.dma_semaphore, #tpu.memory_space<semaphore_mem>>) src(%dma_wait3A_331 : memref<800x16xf32, #tpu.memory_space<vmem>>) dst(%dma_wait3A_328 : memref<800x16xf32, #tpu.memory_space<hbm>>)
      %add3A_332 = arith.constant 4000 : i32
      %add3A_333 = arith.addi %mul3A_0, %add3A_332 : i32
      "tpu.region"() ({
        %run_scoped3A = tpu.sem_alloc : memref<!tpu.dma_semaphore, #tpu.memory_space<semaphore_mem>>
        %dma_start3A_422 = arith.constant 0 : i32
        %dma_start3A_423 = arith.constant 0 : i32
        %dma_start3A_424 = tpu.memref_slice %arg13[%dma_start3A_422, %dma_start3A_423] : memref<800x16xf32, #tpu.memory_space<vmem>> -> memref<800x16xf32, #tpu.memory_space<vmem>>
        %dma_start3A_425 = arith.constant 0 : i32
        %dma_start3A_426 = tpu.memref_slice %arg14[%add3A_333, %dma_start3A_425] : memref<100096x16xf32, #tpu.memory_space<vmem_shared>> -> memref<800x16xf32, #tpu.memory_space<vmem_shared>>
        %dma_start3A_427 = arith.constant 0 : i32
        %dma_start3A_428 = arith.constant 0 : i32
        %dma_start3A_429 = tpu.memref_slice %arg13[%dma_start3A_427, %dma_start3A_428] : memref<800x16xf32, #tpu.memory_space<vmem>> -> memref<800x16xf32, #tpu.memory_space<vmem>>
        %dma_start3A_430 = arith.constant 0 : i32
        %dma_start3A_431 = tpu.memref_slice %arg14[%add3A_333, %dma_start3A_430] : memref<100096x16xf32, #tpu.memory_space<vmem_shared>> -> memref<800x16xf32, #tpu.memory_space<vmem_shared>>
        tpu.enqueue_dma source(%dma_start3A_431 : memref<800x16xf32, #tpu.memory_space<vmem_shared>>) target(%dma_start3A_429 : memref<800x16xf32, #tpu.memory_space<vmem>>) target_semaphore(%run_scoped3A : memref<!tpu.dma_semaphore, #tpu.memory_space<semaphore_mem>>)
        %dma_wait3A_432 = arith.constant 0 : i32
        %dma_wait3A_433 = arith.constant 0 : i32
        %dma_wait3A_434 = tpu.memref_slice %arg13[%dma_wait3A_432, %dma_wait3A_433] : memref<800x16xf32, #tpu.memory_space<vmem>> -> memref<800x16xf32, #tpu.memory_space<vmem>>
        %dma_wait3A_435 = arith.constant 0 : i32
        %dma_wait3A_436 = tpu.memref_slice %arg14[%add3A_333, %dma_wait3A_435] : memref<100096x16xf32, #tpu.memory_space<vmem_shared>> -> memref<800x16xf32, #tpu.memory_space<vmem_shared>>
        %dma_wait3A_437 = arith.constant 0 : i32
        %dma_wait3A_438 = arith.constant 0 : i32
        %dma_wait3A_439 = tpu.memref_slice %arg13[%dma_wait3A_437, %dma_wait3A_438] : memref<800x16xf32, #tpu.memory_space<vmem>> -> memref<800x16xf32, #tpu.memory_space<vmem>>
        %dma_wait3A_440 = arith.constant 0 : i32
        %dma_wait3A_441 = tpu.memref_slice %arg14[%add3A_333, %dma_wait3A_440] : memref<100096x16xf32, #tpu.memory_space<vmem_shared>> -> memref<800x16xf32, #tpu.memory_space<vmem_shared>>
        tpu.wait_dma2 semaphore(%run_scoped3A : memref<!tpu.dma_semaphore, #tpu.memory_space<semaphore_mem>>) src(%dma_wait3A_441 : memref<800x16xf32, #tpu.memory_space<vmem_shared>>) dst(%dma_wait3A_439 : memref<800x16xf32, #tpu.memory_space<vmem>>)
        tpu.yield
      }) : () -> ()
      %add3A_334 = arith.constant 4000 : i32
      %add3A_335 = arith.addi %mul3A_0, %add3A_334 : i32
      %dma_start3A_336 = arith.constant 0 : i32
      %dma_start3A_337 = arith.constant 0 : i32
      %dma_start3A_338 = tpu.memref_slice %arg13[%dma_start3A_336, %dma_start3A_337] : memref<800x16xf32, #tpu.memory_space<vmem>> -> memref<800x16xf32, #tpu.memory_space<vmem>>
      %dma_start3A_339 = arith.constant 0 : i32
      %dma_start3A_340 = tpu.memref_slice %arg6[%add3A_335, %dma_start3A_339] : memref<100096x16xf32, #tpu.memory_space<hbm>> -> memref<800x16xf32, #tpu.memory_space<hbm>>
      %dma_start3A_341 = arith.constant 0 : i32
      %dma_start3A_342 = tpu.memref_slice %arg6[%add3A_335, %dma_start3A_341] : memref<100096x16xf32, #tpu.memory_space<hbm>> -> memref<800x16xf32, #tpu.memory_space<hbm>>
      %dma_start3A_343 = arith.constant 0 : i32
      %dma_start3A_344 = arith.constant 0 : i32
      %dma_start3A_345 = tpu.memref_slice %arg13[%dma_start3A_343, %dma_start3A_344] : memref<800x16xf32, #tpu.memory_space<vmem>> -> memref<800x16xf32, #tpu.memory_space<vmem>>
      tpu.enqueue_dma source(%dma_start3A_345 : memref<800x16xf32, #tpu.memory_space<vmem>>) target(%dma_start3A_342 : memref<800x16xf32, #tpu.memory_space<hbm>>) target_semaphore(%arg20 : memref<!tpu.dma_semaphore, #tpu.memory_space<semaphore_mem>>)
      %dma_wait3A_346 = arith.constant 0 : i32
      %dma_wait3A_347 = arith.constant 0 : i32
      %dma_wait3A_348 = tpu.memref_slice %arg12[%dma_wait3A_346, %dma_wait3A_347] : memref<800x16xf32, #tpu.memory_space<vmem>> -> memref<800x16xf32, #tpu.memory_space<vmem>>
      %dma_wait3A_349 = arith.constant 0 : i32
      %dma_wait3A_350 = arith.constant 0 : i32
      %dma_wait3A_351 = tpu.memref_slice %arg6[%dma_wait3A_349, %dma_wait3A_350] : memref<100096x16xf32, #tpu.memory_space<hbm>> -> memref<800x16xf32, #tpu.memory_space<hbm>>
      %dma_wait3A_352 = arith.constant 0 : i32
      %dma_wait3A_353 = arith.constant 0 : i32
      %dma_wait3A_354 = tpu.memref_slice %arg6[%dma_wait3A_352, %dma_wait3A_353] : memref<100096x16xf32, #tpu.memory_space<hbm>> -> memref<800x16xf32, #tpu.memory_space<hbm>>
      %dma_wait3A_355 = arith.constant 0 : i32
      %dma_wait3A_356 = arith.constant 0 : i32
      %dma_wait3A_357 = tpu.memref_slice %arg12[%dma_wait3A_355, %dma_wait3A_356] : memref<800x16xf32, #tpu.memory_space<vmem>> -> memref<800x16xf32, #tpu.memory_space<vmem>>
      tpu.wait_dma2 semaphore(%arg19 : memref<!tpu.dma_semaphore, #tpu.memory_space<semaphore_mem>>) src(%dma_wait3A_357 : memref<800x16xf32, #tpu.memory_space<vmem>>) dst(%dma_wait3A_354 : memref<800x16xf32, #tpu.memory_space<hbm>>)
      %add3A_358 = arith.constant 4800 : i32
      %add3A_359 = arith.addi %mul3A_0, %add3A_358 : i32
      "tpu.region"() ({
        %run_scoped3A = tpu.sem_alloc : memref<!tpu.dma_semaphore, #tpu.memory_space<semaphore_mem>>
        %dma_start3A_422 = arith.constant 0 : i32
        %dma_start3A_423 = arith.constant 0 : i32
        %dma_start3A_424 = tpu.memref_slice %arg12[%dma_start3A_422, %dma_start3A_423] : memref<800x16xf32, #tpu.memory_space<vmem>> -> memref<800x16xf32, #tpu.memory_space<vmem>>
        %dma_start3A_425 = arith.constant 0 : i32
        %dma_start3A_426 = tpu.memref_slice %arg14[%add3A_359, %dma_start3A_425] : memref<100096x16xf32, #tpu.memory_space<vmem_shared>> -> memref<800x16xf32, #tpu.memory_space<vmem_shared>>
        %dma_start3A_427 = arith.constant 0 : i32
        %dma_start3A_428 = arith.constant 0 : i32
        %dma_start3A_429 = tpu.memref_slice %arg12[%dma_start3A_427, %dma_start3A_428] : memref<800x16xf32, #tpu.memory_space<vmem>> -> memref<800x16xf32, #tpu.memory_space<vmem>>
        %dma_start3A_430 = arith.constant 0 : i32
        %dma_start3A_431 = tpu.memref_slice %arg14[%add3A_359, %dma_start3A_430] : memref<100096x16xf32, #tpu.memory_space<vmem_shared>> -> memref<800x16xf32, #tpu.memory_space<vmem_shared>>
        tpu.enqueue_dma source(%dma_start3A_431 : memref<800x16xf32, #tpu.memory_space<vmem_shared>>) target(%dma_start3A_429 : memref<800x16xf32, #tpu.memory_space<vmem>>) target_semaphore(%run_scoped3A : memref<!tpu.dma_semaphore, #tpu.memory_space<semaphore_mem>>)
        %dma_wait3A_432 = arith.constant 0 : i32
        %dma_wait3A_433 = arith.constant 0 : i32
        %dma_wait3A_434 = tpu.memref_slice %arg12[%dma_wait3A_432, %dma_wait3A_433] : memref<800x16xf32, #tpu.memory_space<vmem>> -> memref<800x16xf32, #tpu.memory_space<vmem>>
        %dma_wait3A_435 = arith.constant 0 : i32
        %dma_wait3A_436 = tpu.memref_slice %arg14[%add3A_359, %dma_wait3A_435] : memref<100096x16xf32, #tpu.memory_space<vmem_shared>> -> memref<800x16xf32, #tpu.memory_space<vmem_shared>>
        %dma_wait3A_437 = arith.constant 0 : i32
        %dma_wait3A_438 = arith.constant 0 : i32
        %dma_wait3A_439 = tpu.memref_slice %arg12[%dma_wait3A_437, %dma_wait3A_438] : memref<800x16xf32, #tpu.memory_space<vmem>> -> memref<800x16xf32, #tpu.memory_space<vmem>>
        %dma_wait3A_440 = arith.constant 0 : i32
        %dma_wait3A_441 = tpu.memref_slice %arg14[%add3A_359, %dma_wait3A_440] : memref<100096x16xf32, #tpu.memory_space<vmem_shared>> -> memref<800x16xf32, #tpu.memory_space<vmem_shared>>
        tpu.wait_dma2 semaphore(%run_scoped3A : memref<!tpu.dma_semaphore, #tpu.memory_space<semaphore_mem>>) src(%dma_wait3A_441 : memref<800x16xf32, #tpu.memory_space<vmem_shared>>) dst(%dma_wait3A_439 : memref<800x16xf32, #tpu.memory_space<vmem>>)
        tpu.yield
      }) : () -> ()
      %add3A_360 = arith.constant 4800 : i32
      %add3A_361 = arith.addi %mul3A_0, %add3A_360 : i32
      %dma_start3A_362 = arith.constant 0 : i32
      %dma_start3A_363 = arith.constant 0 : i32
      %dma_start3A_364 = tpu.memref_slice %arg12[%dma_start3A_362, %dma_start3A_363] : memref<800x16xf32, #tpu.memory_space<vmem>> -> memref<800x16xf32, #tpu.memory_space<vmem>>
      %dma_start3A_365 = arith.constant 0 : i32
      %dma_start3A_366 = tpu.memref_slice %arg6[%add3A_361, %dma_start3A_365] : memref<100096x16xf32, #tpu.memory_space<hbm>> -> memref<800x16xf32, #tpu.memory_space<hbm>>
      %dma_start3A_367 = arith.constant 0 : i32
      %dma_start3A_368 = tpu.memref_slice %arg6[%add3A_361, %dma_start3A_367] : memref<100096x16xf32, #tpu.memory_space<hbm>> -> memref<800x16xf32, #tpu.memory_space<hbm>>
      %dma_start3A_369 = arith.constant 0 : i32
      %dma_start3A_370 = arith.constant 0 : i32
      %dma_start3A_371 = tpu.memref_slice %arg12[%dma_start3A_369, %dma_start3A_370] : memref<800x16xf32, #tpu.memory_space<vmem>> -> memref<800x16xf32, #tpu.memory_space<vmem>>
      tpu.enqueue_dma source(%dma_start3A_371 : memref<800x16xf32, #tpu.memory_space<vmem>>) target(%dma_start3A_368 : memref<800x16xf32, #tpu.memory_space<hbm>>) target_semaphore(%arg19 : memref<!tpu.dma_semaphore, #tpu.memory_space<semaphore_mem>>)
      %dma_wait3A_372 = arith.constant 0 : i32
      %dma_wait3A_373 = arith.constant 0 : i32
      %dma_wait3A_374 = tpu.memref_slice %arg13[%dma_wait3A_372, %dma_wait3A_373] : memref<800x16xf32, #tpu.memory_space<vmem>> -> memref<800x16xf32, #tpu.memory_space<vmem>>
      %dma_wait3A_375 = arith.constant 0 : i32
      %dma_wait3A_376 = arith.constant 0 : i32
      %dma_wait3A_377 = tpu.memref_slice %arg6[%dma_wait3A_375, %dma_wait3A_376] : memref<100096x16xf32, #tpu.memory_space<hbm>> -> memref<800x16xf32, #tpu.memory_space<hbm>>
      %dma_wait3A_378 = arith.constant 0 : i32
      %dma_wait3A_379 = arith.constant 0 : i32
      %dma_wait3A_380 = tpu.memref_slice %arg6[%dma_wait3A_378, %dma_wait3A_379] : memref<100096x16xf32, #tpu.memory_space<hbm>> -> memref<800x16xf32, #tpu.memory_space<hbm>>
      %dma_wait3A_381 = arith.constant 0 : i32
      %dma_wait3A_382 = arith.constant 0 : i32
      %dma_wait3A_383 = tpu.memref_slice %arg13[%dma_wait3A_381, %dma_wait3A_382] : memref<800x16xf32, #tpu.memory_space<vmem>> -> memref<800x16xf32, #tpu.memory_space<vmem>>
      tpu.wait_dma2 semaphore(%arg20 : memref<!tpu.dma_semaphore, #tpu.memory_space<semaphore_mem>>) src(%dma_wait3A_383 : memref<800x16xf32, #tpu.memory_space<vmem>>) dst(%dma_wait3A_380 : memref<800x16xf32, #tpu.memory_space<hbm>>)
      %add3A_384 = arith.constant 5600 : i32
      %add3A_385 = arith.addi %mul3A_0, %add3A_384 : i32
      "tpu.region"() ({
        %run_scoped3A = tpu.sem_alloc : memref<!tpu.dma_semaphore, #tpu.memory_space<semaphore_mem>>
        %dma_start3A_422 = arith.constant 0 : i32
        %dma_start3A_423 = arith.constant 0 : i32
        %dma_start3A_424 = tpu.memref_slice %arg13[%dma_start3A_422, %dma_start3A_423] : memref<800x16xf32, #tpu.memory_space<vmem>> -> memref<656x16xf32, #tpu.memory_space<vmem>>
        %dma_start3A_425 = arith.constant 0 : i32
        %dma_start3A_426 = tpu.memref_slice %arg14[%add3A_385, %dma_start3A_425] : memref<100096x16xf32, #tpu.memory_space<vmem_shared>> -> memref<656x16xf32, #tpu.memory_space<vmem_shared>>
        %dma_start3A_427 = arith.constant 0 : i32
        %dma_start3A_428 = arith.constant 0 : i32
        %dma_start3A_429 = tpu.memref_slice %arg13[%dma_start3A_427, %dma_start3A_428] : memref<800x16xf32, #tpu.memory_space<vmem>> -> memref<656x16xf32, #tpu.memory_space<vmem>>
        %dma_start3A_430 = arith.constant 0 : i32
        %dma_start3A_431 = tpu.memref_slice %arg14[%add3A_385, %dma_start3A_430] : memref<100096x16xf32, #tpu.memory_space<vmem_shared>> -> memref<656x16xf32, #tpu.memory_space<vmem_shared>>
        tpu.enqueue_dma source(%dma_start3A_431 : memref<656x16xf32, #tpu.memory_space<vmem_shared>>) target(%dma_start3A_429 : memref<656x16xf32, #tpu.memory_space<vmem>>) target_semaphore(%run_scoped3A : memref<!tpu.dma_semaphore, #tpu.memory_space<semaphore_mem>>)
        %dma_wait3A_432 = arith.constant 0 : i32
        %dma_wait3A_433 = arith.constant 0 : i32
        %dma_wait3A_434 = tpu.memref_slice %arg13[%dma_wait3A_432, %dma_wait3A_433] : memref<800x16xf32, #tpu.memory_space<vmem>> -> memref<656x16xf32, #tpu.memory_space<vmem>>
        %dma_wait3A_435 = arith.constant 0 : i32
        %dma_wait3A_436 = tpu.memref_slice %arg14[%add3A_385, %dma_wait3A_435] : memref<100096x16xf32, #tpu.memory_space<vmem_shared>> -> memref<656x16xf32, #tpu.memory_space<vmem_shared>>
        %dma_wait3A_437 = arith.constant 0 : i32
        %dma_wait3A_438 = arith.constant 0 : i32
        %dma_wait3A_439 = tpu.memref_slice %arg13[%dma_wait3A_437, %dma_wait3A_438] : memref<800x16xf32, #tpu.memory_space<vmem>> -> memref<656x16xf32, #tpu.memory_space<vmem>>
        %dma_wait3A_440 = arith.constant 0 : i32
        %dma_wait3A_441 = tpu.memref_slice %arg14[%add3A_385, %dma_wait3A_440] : memref<100096x16xf32, #tpu.memory_space<vmem_shared>> -> memref<656x16xf32, #tpu.memory_space<vmem_shared>>
        tpu.wait_dma2 semaphore(%run_scoped3A : memref<!tpu.dma_semaphore, #tpu.memory_space<semaphore_mem>>) src(%dma_wait3A_441 : memref<656x16xf32, #tpu.memory_space<vmem_shared>>) dst(%dma_wait3A_439 : memref<656x16xf32, #tpu.memory_space<vmem>>)
        tpu.yield
      }) : () -> ()
      %add3A_386 = arith.constant 5600 : i32
      %add3A_387 = arith.addi %mul3A_0, %add3A_386 : i32
      %dma_start3A_388 = arith.constant 0 : i32
      %dma_start3A_389 = arith.constant 0 : i32
      %dma_start3A_390 = tpu.memref_slice %arg13[%dma_start3A_388, %dma_start3A_389] : memref<800x16xf32, #tpu.memory_space<vmem>> -> memref<656x16xf32, #tpu.memory_space<vmem>>
      %dma_start3A_391 = arith.constant 0 : i32
      %dma_start3A_392 = tpu.memref_slice %arg6[%add3A_387, %dma_start3A_391] : memref<100096x16xf32, #tpu.memory_space<hbm>> -> memref<656x16xf32, #tpu.memory_space<hbm>>
      %dma_start3A_393 = arith.constant 0 : i32
      %dma_start3A_394 = tpu.memref_slice %arg6[%add3A_387, %dma_start3A_393] : memref<100096x16xf32, #tpu.memory_space<hbm>> -> memref<656x16xf32, #tpu.memory_space<hbm>>
      %dma_start3A_395 = arith.constant 0 : i32
      %dma_start3A_396 = arith.constant 0 : i32
      %dma_start3A_397 = tpu.memref_slice %arg13[%dma_start3A_395, %dma_start3A_396] : memref<800x16xf32, #tpu.memory_space<vmem>> -> memref<656x16xf32, #tpu.memory_space<vmem>>
      tpu.enqueue_dma source(%dma_start3A_397 : memref<656x16xf32, #tpu.memory_space<vmem>>) target(%dma_start3A_394 : memref<656x16xf32, #tpu.memory_space<hbm>>) target_semaphore(%arg20 : memref<!tpu.dma_semaphore, #tpu.memory_space<semaphore_mem>>)
      %dma_wait3A_398 = arith.constant 0 : i32
      %dma_wait3A_399 = arith.constant 0 : i32
      %dma_wait3A_400 = tpu.memref_slice %arg12[%dma_wait3A_398, %dma_wait3A_399] : memref<800x16xf32, #tpu.memory_space<vmem>> -> memref<800x16xf32, #tpu.memory_space<vmem>>
      %dma_wait3A_401 = arith.constant 0 : i32
      %dma_wait3A_402 = arith.constant 0 : i32
      %dma_wait3A_403 = tpu.memref_slice %arg6[%dma_wait3A_401, %dma_wait3A_402] : memref<100096x16xf32, #tpu.memory_space<hbm>> -> memref<800x16xf32, #tpu.memory_space<hbm>>
      %dma_wait3A_404 = arith.constant 0 : i32
      %dma_wait3A_405 = arith.constant 0 : i32
      %dma_wait3A_406 = tpu.memref_slice %arg6[%dma_wait3A_404, %dma_wait3A_405] : memref<100096x16xf32, #tpu.memory_space<hbm>> -> memref<800x16xf32, #tpu.memory_space<hbm>>
      %dma_wait3A_407 = arith.constant 0 : i32
      %dma_wait3A_408 = arith.constant 0 : i32
      %dma_wait3A_409 = tpu.memref_slice %arg12[%dma_wait3A_407, %dma_wait3A_408] : memref<800x16xf32, #tpu.memory_space<vmem>> -> memref<800x16xf32, #tpu.memory_space<vmem>>
      tpu.wait_dma2 semaphore(%arg19 : memref<!tpu.dma_semaphore, #tpu.memory_space<semaphore_mem>>) src(%dma_wait3A_409 : memref<800x16xf32, #tpu.memory_space<vmem>>) dst(%dma_wait3A_406 : memref<800x16xf32, #tpu.memory_space<hbm>>)
      %dma_wait3A_410 = arith.constant 0 : i32
      %dma_wait3A_411 = arith.constant 0 : i32
      %dma_wait3A_412 = tpu.memref_slice %arg13[%dma_wait3A_410, %dma_wait3A_411] : memref<800x16xf32, #tpu.memory_space<vmem>> -> memref<656x16xf32, #tpu.memory_space<vmem>>
      %dma_wait3A_413 = arith.constant 0 : i32
      %dma_wait3A_414 = arith.constant 0 : i32
      %dma_wait3A_415 = tpu.memref_slice %arg6[%dma_wait3A_413, %dma_wait3A_414] : memref<100096x16xf32, #tpu.memory_space<hbm>> -> memref<656x16xf32, #tpu.memory_space<hbm>>
      %dma_wait3A_416 = arith.constant 0 : i32
      %dma_wait3A_417 = arith.constant 0 : i32
      %dma_wait3A_418 = tpu.memref_slice %arg6[%dma_wait3A_416, %dma_wait3A_417] : memref<100096x16xf32, #tpu.memory_space<hbm>> -> memref<656x16xf32, #tpu.memory_space<hbm>>
      %dma_wait3A_419 = arith.constant 0 : i32
      %dma_wait3A_420 = arith.constant 0 : i32
      %dma_wait3A_421 = tpu.memref_slice %arg13[%dma_wait3A_419, %dma_wait3A_420] : memref<800x16xf32, #tpu.memory_space<vmem>> -> memref<656x16xf32, #tpu.memory_space<vmem>>
      tpu.wait_dma2 semaphore(%arg20 : memref<!tpu.dma_semaphore, #tpu.memory_space<semaphore_mem>>) src(%dma_wait3A_421 : memref<656x16xf32, #tpu.memory_space<vmem>>) dst(%dma_wait3A_418 : memref<656x16xf32, #tpu.memory_space<hbm>>)
    } else {
    }
    %eq3A_209 = arith.constant 1 : i32
    %eq3A_210 = arith.cmpi eq, %arg0, %eq3A_209 : i32
    %convert_element_type3A_211 = arith.extui %eq3A_210 : i1 to i32
    %cond3A_212 = arith.constant 0 : i32
    %cond3A_213 = arith.cmpi ne, %convert_element_type3A_211, %cond3A_212 : i32
    scf.if %cond3A_213 {
      %add3A_214 = arith.constant 0 : i32
      %add3A_215 = arith.addi %mul3A_0, %add3A_214 : i32
      "tpu.region"() ({
        %run_scoped3A = tpu.sem_alloc : memref<!tpu.dma_semaphore, #tpu.memory_space<semaphore_mem>>
        %dma_start3A_422 = arith.constant 0 : i32
        %dma_start3A_423 = arith.constant 0 : i32
        %dma_start3A_424 = tpu.memref_slice %arg12[%dma_start3A_422, %dma_start3A_423] : memref<800x16xf32, #tpu.memory_space<vmem>> -> memref<800x16xf32, #tpu.memory_space<vmem>>
        %dma_start3A_425 = arith.constant 0 : i32
        %dma_start3A_426 = tpu.memref_slice %arg14[%add3A_215, %dma_start3A_425] : memref<100096x16xf32, #tpu.memory_space<vmem_shared>> -> memref<800x16xf32, #tpu.memory_space<vmem_shared>>
        %dma_start3A_427 = arith.constant 0 : i32
        %dma_start3A_428 = arith.constant 0 : i32
        %dma_start3A_429 = tpu.memref_slice %arg12[%dma_start3A_427, %dma_start3A_428] : memref<800x16xf32, #tpu.memory_space<vmem>> -> memref<800x16xf32, #tpu.memory_space<vmem>>
        %dma_start3A_430 = arith.constant 0 : i32
        %dma_start3A_431 = tpu.memref_slice %arg14[%add3A_215, %dma_start3A_430] : memref<100096x16xf32, #tpu.memory_space<vmem_shared>> -> memref<800x16xf32, #tpu.memory_space<vmem_shared>>
        tpu.enqueue_dma source(%dma_start3A_431 : memref<800x16xf32, #tpu.memory_space<vmem_shared>>) target(%dma_start3A_429 : memref<800x16xf32, #tpu.memory_space<vmem>>) target_semaphore(%run_scoped3A : memref<!tpu.dma_semaphore, #tpu.memory_space<semaphore_mem>>)
        %dma_wait3A_432 = arith.constant 0 : i32
        %dma_wait3A_433 = arith.constant 0 : i32
        %dma_wait3A_434 = tpu.memref_slice %arg12[%dma_wait3A_432, %dma_wait3A_433] : memref<800x16xf32, #tpu.memory_space<vmem>> -> memref<800x16xf32, #tpu.memory_space<vmem>>
        %dma_wait3A_435 = arith.constant 0 : i32
        %dma_wait3A_436 = tpu.memref_slice %arg14[%add3A_215, %dma_wait3A_435] : memref<100096x16xf32, #tpu.memory_space<vmem_shared>> -> memref<800x16xf32, #tpu.memory_space<vmem_shared>>
        %dma_wait3A_437 = arith.constant 0 : i32
        %dma_wait3A_438 = arith.constant 0 : i32
        %dma_wait3A_439 = tpu.memref_slice %arg12[%dma_wait3A_437, %dma_wait3A_438] : memref<800x16xf32, #tpu.memory_space<vmem>> -> memref<800x16xf32, #tpu.memory_space<vmem>>
        %dma_wait3A_440 = arith.constant 0 : i32
        %dma_wait3A_441 = tpu.memref_slice %arg14[%add3A_215, %dma_wait3A_440] : memref<100096x16xf32, #tpu.memory_space<vmem_shared>> -> memref<800x16xf32, #tpu.memory_space<vmem_shared>>
        tpu.wait_dma2 semaphore(%run_scoped3A : memref<!tpu.dma_semaphore, #tpu.memory_space<semaphore_mem>>) src(%dma_wait3A_441 : memref<800x16xf32, #tpu.memory_space<vmem_shared>>) dst(%dma_wait3A_439 : memref<800x16xf32, #tpu.memory_space<vmem>>)
        tpu.yield
      }) : () -> ()
      %add3A_216 = arith.constant 0 : i32
      %add3A_217 = arith.addi %mul3A_0, %add3A_216 : i32
      %dma_start3A_218 = arith.constant 0 : i32
      %dma_start3A_219 = arith.constant 0 : i32
      %dma_start3A_220 = tpu.memref_slice %arg12[%dma_start3A_218, %dma_start3A_219] : memref<800x16xf32, #tpu.memory_space<vmem>> -> memref<800x16xf32, #tpu.memory_space<vmem>>
      %dma_start3A_221 = arith.constant 0 : i32
      %dma_start3A_222 = tpu.memref_slice %arg7[%add3A_217, %dma_start3A_221] : memref<100096x16xf32, #tpu.memory_space<hbm>> -> memref<800x16xf32, #tpu.memory_space<hbm>>
      %dma_start3A_223 = arith.constant 0 : i32
      %dma_start3A_224 = tpu.memref_slice %arg7[%add3A_217, %dma_start3A_223] : memref<100096x16xf32, #tpu.memory_space<hbm>> -> memref<800x16xf32, #tpu.memory_space<hbm>>
      %dma_start3A_225 = arith.constant 0 : i32
      %dma_start3A_226 = arith.constant 0 : i32
      %dma_start3A_227 = tpu.memref_slice %arg12[%dma_start3A_225, %dma_start3A_226] : memref<800x16xf32, #tpu.memory_space<vmem>> -> memref<800x16xf32, #tpu.memory_space<vmem>>
      tpu.enqueue_dma source(%dma_start3A_227 : memref<800x16xf32, #tpu.memory_space<vmem>>) target(%dma_start3A_224 : memref<800x16xf32, #tpu.memory_space<hbm>>) target_semaphore(%arg19 : memref<!tpu.dma_semaphore, #tpu.memory_space<semaphore_mem>>)
      %add3A_228 = arith.constant 800 : i32
      %add3A_229 = arith.addi %mul3A_0, %add3A_228 : i32
      "tpu.region"() ({
        %run_scoped3A = tpu.sem_alloc : memref<!tpu.dma_semaphore, #tpu.memory_space<semaphore_mem>>
        %dma_start3A_422 = arith.constant 0 : i32
        %dma_start3A_423 = arith.constant 0 : i32
        %dma_start3A_424 = tpu.memref_slice %arg13[%dma_start3A_422, %dma_start3A_423] : memref<800x16xf32, #tpu.memory_space<vmem>> -> memref<800x16xf32, #tpu.memory_space<vmem>>
        %dma_start3A_425 = arith.constant 0 : i32
        %dma_start3A_426 = tpu.memref_slice %arg14[%add3A_229, %dma_start3A_425] : memref<100096x16xf32, #tpu.memory_space<vmem_shared>> -> memref<800x16xf32, #tpu.memory_space<vmem_shared>>
        %dma_start3A_427 = arith.constant 0 : i32
        %dma_start3A_428 = arith.constant 0 : i32
        %dma_start3A_429 = tpu.memref_slice %arg13[%dma_start3A_427, %dma_start3A_428] : memref<800x16xf32, #tpu.memory_space<vmem>> -> memref<800x16xf32, #tpu.memory_space<vmem>>
        %dma_start3A_430 = arith.constant 0 : i32
        %dma_start3A_431 = tpu.memref_slice %arg14[%add3A_229, %dma_start3A_430] : memref<100096x16xf32, #tpu.memory_space<vmem_shared>> -> memref<800x16xf32, #tpu.memory_space<vmem_shared>>
        tpu.enqueue_dma source(%dma_start3A_431 : memref<800x16xf32, #tpu.memory_space<vmem_shared>>) target(%dma_start3A_429 : memref<800x16xf32, #tpu.memory_space<vmem>>) target_semaphore(%run_scoped3A : memref<!tpu.dma_semaphore, #tpu.memory_space<semaphore_mem>>)
        %dma_wait3A_432 = arith.constant 0 : i32
        %dma_wait3A_433 = arith.constant 0 : i32
        %dma_wait3A_434 = tpu.memref_slice %arg13[%dma_wait3A_432, %dma_wait3A_433] : memref<800x16xf32, #tpu.memory_space<vmem>> -> memref<800x16xf32, #tpu.memory_space<vmem>>
        %dma_wait3A_435 = arith.constant 0 : i32
        %dma_wait3A_436 = tpu.memref_slice %arg14[%add3A_229, %dma_wait3A_435] : memref<100096x16xf32, #tpu.memory_space<vmem_shared>> -> memref<800x16xf32, #tpu.memory_space<vmem_shared>>
        %dma_wait3A_437 = arith.constant 0 : i32
        %dma_wait3A_438 = arith.constant 0 : i32
        %dma_wait3A_439 = tpu.memref_slice %arg13[%dma_wait3A_437, %dma_wait3A_438] : memref<800x16xf32, #tpu.memory_space<vmem>> -> memref<800x16xf32, #tpu.memory_space<vmem>>
        %dma_wait3A_440 = arith.constant 0 : i32
        %dma_wait3A_441 = tpu.memref_slice %arg14[%add3A_229, %dma_wait3A_440] : memref<100096x16xf32, #tpu.memory_space<vmem_shared>> -> memref<800x16xf32, #tpu.memory_space<vmem_shared>>
        tpu.wait_dma2 semaphore(%run_scoped3A : memref<!tpu.dma_semaphore, #tpu.memory_space<semaphore_mem>>) src(%dma_wait3A_441 : memref<800x16xf32, #tpu.memory_space<vmem_shared>>) dst(%dma_wait3A_439 : memref<800x16xf32, #tpu.memory_space<vmem>>)
        tpu.yield
      }) : () -> ()
      %add3A_230 = arith.constant 800 : i32
      %add3A_231 = arith.addi %mul3A_0, %add3A_230 : i32
      %dma_start3A_232 = arith.constant 0 : i32
      %dma_start3A_233 = arith.constant 0 : i32
      %dma_start3A_234 = tpu.memref_slice %arg13[%dma_start3A_232, %dma_start3A_233] : memref<800x16xf32, #tpu.memory_space<vmem>> -> memref<800x16xf32, #tpu.memory_space<vmem>>
      %dma_start3A_235 = arith.constant 0 : i32
      %dma_start3A_236 = tpu.memref_slice %arg7[%add3A_231, %dma_start3A_235] : memref<100096x16xf32, #tpu.memory_space<hbm>> -> memref<800x16xf32, #tpu.memory_space<hbm>>
      %dma_start3A_237 = arith.constant 0 : i32
      %dma_start3A_238 = tpu.memref_slice %arg7[%add3A_231, %dma_start3A_237] : memref<100096x16xf32, #tpu.memory_space<hbm>> -> memref<800x16xf32, #tpu.memory_space<hbm>>
      %dma_start3A_239 = arith.constant 0 : i32
      %dma_start3A_240 = arith.constant 0 : i32
      %dma_start3A_241 = tpu.memref_slice %arg13[%dma_start3A_239, %dma_start3A_240] : memref<800x16xf32, #tpu.memory_space<vmem>> -> memref<800x16xf32, #tpu.memory_space<vmem>>
      tpu.enqueue_dma source(%dma_start3A_241 : memref<800x16xf32, #tpu.memory_space<vmem>>) target(%dma_start3A_238 : memref<800x16xf32, #tpu.memory_space<hbm>>) target_semaphore(%arg20 : memref<!tpu.dma_semaphore, #tpu.memory_space<semaphore_mem>>)
      %dma_wait3A_242 = arith.constant 0 : i32
      %dma_wait3A_243 = arith.constant 0 : i32
      %dma_wait3A_244 = tpu.memref_slice %arg12[%dma_wait3A_242, %dma_wait3A_243] : memref<800x16xf32, #tpu.memory_space<vmem>> -> memref<800x16xf32, #tpu.memory_space<vmem>>
      %dma_wait3A_245 = arith.constant 0 : i32
      %dma_wait3A_246 = arith.constant 0 : i32
      %dma_wait3A_247 = tpu.memref_slice %arg7[%dma_wait3A_245, %dma_wait3A_246] : memref<100096x16xf32, #tpu.memory_space<hbm>> -> memref<800x16xf32, #tpu.memory_space<hbm>>
      %dma_wait3A_248 = arith.constant 0 : i32
      %dma_wait3A_249 = arith.constant 0 : i32
      %dma_wait3A_250 = tpu.memref_slice %arg7[%dma_wait3A_248, %dma_wait3A_249] : memref<100096x16xf32, #tpu.memory_space<hbm>> -> memref<800x16xf32, #tpu.memory_space<hbm>>
      %dma_wait3A_251 = arith.constant 0 : i32
      %dma_wait3A_252 = arith.constant 0 : i32
      %dma_wait3A_253 = tpu.memref_slice %arg12[%dma_wait3A_251, %dma_wait3A_252] : memref<800x16xf32, #tpu.memory_space<vmem>> -> memref<800x16xf32, #tpu.memory_space<vmem>>
      tpu.wait_dma2 semaphore(%arg19 : memref<!tpu.dma_semaphore, #tpu.memory_space<semaphore_mem>>) src(%dma_wait3A_253 : memref<800x16xf32, #tpu.memory_space<vmem>>) dst(%dma_wait3A_250 : memref<800x16xf32, #tpu.memory_space<hbm>>)
      %add3A_254 = arith.constant 1600 : i32
      %add3A_255 = arith.addi %mul3A_0, %add3A_254 : i32
      "tpu.region"() ({
        %run_scoped3A = tpu.sem_alloc : memref<!tpu.dma_semaphore, #tpu.memory_space<semaphore_mem>>
        %dma_start3A_422 = arith.constant 0 : i32
        %dma_start3A_423 = arith.constant 0 : i32
        %dma_start3A_424 = tpu.memref_slice %arg12[%dma_start3A_422, %dma_start3A_423] : memref<800x16xf32, #tpu.memory_space<vmem>> -> memref<800x16xf32, #tpu.memory_space<vmem>>
        %dma_start3A_425 = arith.constant 0 : i32
        %dma_start3A_426 = tpu.memref_slice %arg14[%add3A_255, %dma_start3A_425] : memref<100096x16xf32, #tpu.memory_space<vmem_shared>> -> memref<800x16xf32, #tpu.memory_space<vmem_shared>>
        %dma_start3A_427 = arith.constant 0 : i32
        %dma_start3A_428 = arith.constant 0 : i32
        %dma_start3A_429 = tpu.memref_slice %arg12[%dma_start3A_427, %dma_start3A_428] : memref<800x16xf32, #tpu.memory_space<vmem>> -> memref<800x16xf32, #tpu.memory_space<vmem>>
        %dma_start3A_430 = arith.constant 0 : i32
        %dma_start3A_431 = tpu.memref_slice %arg14[%add3A_255, %dma_start3A_430] : memref<100096x16xf32, #tpu.memory_space<vmem_shared>> -> memref<800x16xf32, #tpu.memory_space<vmem_shared>>
        tpu.enqueue_dma source(%dma_start3A_431 : memref<800x16xf32, #tpu.memory_space<vmem_shared>>) target(%dma_start3A_429 : memref<800x16xf32, #tpu.memory_space<vmem>>) target_semaphore(%run_scoped3A : memref<!tpu.dma_semaphore, #tpu.memory_space<semaphore_mem>>)
        %dma_wait3A_432 = arith.constant 0 : i32
        %dma_wait3A_433 = arith.constant 0 : i32
        %dma_wait3A_434 = tpu.memref_slice %arg12[%dma_wait3A_432, %dma_wait3A_433] : memref<800x16xf32, #tpu.memory_space<vmem>> -> memref<800x16xf32, #tpu.memory_space<vmem>>
        %dma_wait3A_435 = arith.constant 0 : i32
        %dma_wait3A_436 = tpu.memref_slice %arg14[%add3A_255, %dma_wait3A_435] : memref<100096x16xf32, #tpu.memory_space<vmem_shared>> -> memref<800x16xf32, #tpu.memory_space<vmem_shared>>
        %dma_wait3A_437 = arith.constant 0 : i32
        %dma_wait3A_438 = arith.constant 0 : i32
        %dma_wait3A_439 = tpu.memref_slice %arg12[%dma_wait3A_437, %dma_wait3A_438] : memref<800x16xf32, #tpu.memory_space<vmem>> -> memref<800x16xf32, #tpu.memory_space<vmem>>
        %dma_wait3A_440 = arith.constant 0 : i32
        %dma_wait3A_441 = tpu.memref_slice %arg14[%add3A_255, %dma_wait3A_440] : memref<100096x16xf32, #tpu.memory_space<vmem_shared>> -> memref<800x16xf32, #tpu.memory_space<vmem_shared>>
        tpu.wait_dma2 semaphore(%run_scoped3A : memref<!tpu.dma_semaphore, #tpu.memory_space<semaphore_mem>>) src(%dma_wait3A_441 : memref<800x16xf32, #tpu.memory_space<vmem_shared>>) dst(%dma_wait3A_439 : memref<800x16xf32, #tpu.memory_space<vmem>>)
        tpu.yield
      }) : () -> ()
      %add3A_256 = arith.constant 1600 : i32
      %add3A_257 = arith.addi %mul3A_0, %add3A_256 : i32
      %dma_start3A_258 = arith.constant 0 : i32
      %dma_start3A_259 = arith.constant 0 : i32
      %dma_start3A_260 = tpu.memref_slice %arg12[%dma_start3A_258, %dma_start3A_259] : memref<800x16xf32, #tpu.memory_space<vmem>> -> memref<800x16xf32, #tpu.memory_space<vmem>>
      %dma_start3A_261 = arith.constant 0 : i32
      %dma_start3A_262 = tpu.memref_slice %arg7[%add3A_257, %dma_start3A_261] : memref<100096x16xf32, #tpu.memory_space<hbm>> -> memref<800x16xf32, #tpu.memory_space<hbm>>
      %dma_start3A_263 = arith.constant 0 : i32
      %dma_start3A_264 = tpu.memref_slice %arg7[%add3A_257, %dma_start3A_263] : memref<100096x16xf32, #tpu.memory_space<hbm>> -> memref<800x16xf32, #tpu.memory_space<hbm>>
      %dma_start3A_265 = arith.constant 0 : i32
      %dma_start3A_266 = arith.constant 0 : i32
      %dma_start3A_267 = tpu.memref_slice %arg12[%dma_start3A_265, %dma_start3A_266] : memref<800x16xf32, #tpu.memory_space<vmem>> -> memref<800x16xf32, #tpu.memory_space<vmem>>
      tpu.enqueue_dma source(%dma_start3A_267 : memref<800x16xf32, #tpu.memory_space<vmem>>) target(%dma_start3A_264 : memref<800x16xf32, #tpu.memory_space<hbm>>) target_semaphore(%arg19 : memref<!tpu.dma_semaphore, #tpu.memory_space<semaphore_mem>>)
      %dma_wait3A_268 = arith.constant 0 : i32
      %dma_wait3A_269 = arith.constant 0 : i32
      %dma_wait3A_270 = tpu.memref_slice %arg13[%dma_wait3A_268, %dma_wait3A_269] : memref<800x16xf32, #tpu.memory_space<vmem>> -> memref<800x16xf32, #tpu.memory_space<vmem>>
      %dma_wait3A_271 = arith.constant 0 : i32
      %dma_wait3A_272 = arith.constant 0 : i32
      %dma_wait3A_273 = tpu.memref_slice %arg7[%dma_wait3A_271, %dma_wait3A_272] : memref<100096x16xf32, #tpu.memory_space<hbm>> -> memref<800x16xf32, #tpu.memory_space<hbm>>
      %dma_wait3A_274 = arith.constant 0 : i32
      %dma_wait3A_275 = arith.constant 0 : i32
      %dma_wait3A_276 = tpu.memref_slice %arg7[%dma_wait3A_274, %dma_wait3A_275] : memref<100096x16xf32, #tpu.memory_space<hbm>> -> memref<800x16xf32, #tpu.memory_space<hbm>>
      %dma_wait3A_277 = arith.constant 0 : i32
      %dma_wait3A_278 = arith.constant 0 : i32
      %dma_wait3A_279 = tpu.memref_slice %arg13[%dma_wait3A_277, %dma_wait3A_278] : memref<800x16xf32, #tpu.memory_space<vmem>> -> memref<800x16xf32, #tpu.memory_space<vmem>>
      tpu.wait_dma2 semaphore(%arg20 : memref<!tpu.dma_semaphore, #tpu.memory_space<semaphore_mem>>) src(%dma_wait3A_279 : memref<800x16xf32, #tpu.memory_space<vmem>>) dst(%dma_wait3A_276 : memref<800x16xf32, #tpu.memory_space<hbm>>)
      %add3A_280 = arith.constant 2400 : i32
      %add3A_281 = arith.addi %mul3A_0, %add3A_280 : i32
      "tpu.region"() ({
        %run_scoped3A = tpu.sem_alloc : memref<!tpu.dma_semaphore, #tpu.memory_space<semaphore_mem>>
        %dma_start3A_422 = arith.constant 0 : i32
        %dma_start3A_423 = arith.constant 0 : i32
        %dma_start3A_424 = tpu.memref_slice %arg13[%dma_start3A_422, %dma_start3A_423] : memref<800x16xf32, #tpu.memory_space<vmem>> -> memref<800x16xf32, #tpu.memory_space<vmem>>
        %dma_start3A_425 = arith.constant 0 : i32
        %dma_start3A_426 = tpu.memref_slice %arg14[%add3A_281, %dma_start3A_425] : memref<100096x16xf32, #tpu.memory_space<vmem_shared>> -> memref<800x16xf32, #tpu.memory_space<vmem_shared>>
        %dma_start3A_427 = arith.constant 0 : i32
        %dma_start3A_428 = arith.constant 0 : i32
        %dma_start3A_429 = tpu.memref_slice %arg13[%dma_start3A_427, %dma_start3A_428] : memref<800x16xf32, #tpu.memory_space<vmem>> -> memref<800x16xf32, #tpu.memory_space<vmem>>
        %dma_start3A_430 = arith.constant 0 : i32
        %dma_start3A_431 = tpu.memref_slice %arg14[%add3A_281, %dma_start3A_430] : memref<100096x16xf32, #tpu.memory_space<vmem_shared>> -> memref<800x16xf32, #tpu.memory_space<vmem_shared>>
        tpu.enqueue_dma source(%dma_start3A_431 : memref<800x16xf32, #tpu.memory_space<vmem_shared>>) target(%dma_start3A_429 : memref<800x16xf32, #tpu.memory_space<vmem>>) target_semaphore(%run_scoped3A : memref<!tpu.dma_semaphore, #tpu.memory_space<semaphore_mem>>)
        %dma_wait3A_432 = arith.constant 0 : i32
        %dma_wait3A_433 = arith.constant 0 : i32
        %dma_wait3A_434 = tpu.memref_slice %arg13[%dma_wait3A_432, %dma_wait3A_433] : memref<800x16xf32, #tpu.memory_space<vmem>> -> memref<800x16xf32, #tpu.memory_space<vmem>>
        %dma_wait3A_435 = arith.constant 0 : i32
        %dma_wait3A_436 = tpu.memref_slice %arg14[%add3A_281, %dma_wait3A_435] : memref<100096x16xf32, #tpu.memory_space<vmem_shared>> -> memref<800x16xf32, #tpu.memory_space<vmem_shared>>
        %dma_wait3A_437 = arith.constant 0 : i32
        %dma_wait3A_438 = arith.constant 0 : i32
        %dma_wait3A_439 = tpu.memref_slice %arg13[%dma_wait3A_437, %dma_wait3A_438] : memref<800x16xf32, #tpu.memory_space<vmem>> -> memref<800x16xf32, #tpu.memory_space<vmem>>
        %dma_wait3A_440 = arith.constant 0 : i32
        %dma_wait3A_441 = tpu.memref_slice %arg14[%add3A_281, %dma_wait3A_440] : memref<100096x16xf32, #tpu.memory_space<vmem_shared>> -> memref<800x16xf32, #tpu.memory_space<vmem_shared>>
        tpu.wait_dma2 semaphore(%run_scoped3A : memref<!tpu.dma_semaphore, #tpu.memory_space<semaphore_mem>>) src(%dma_wait3A_441 : memref<800x16xf32, #tpu.memory_space<vmem_shared>>) dst(%dma_wait3A_439 : memref<800x16xf32, #tpu.memory_space<vmem>>)
        tpu.yield
      }) : () -> ()
      %add3A_282 = arith.constant 2400 : i32
      %add3A_283 = arith.addi %mul3A_0, %add3A_282 : i32
      %dma_start3A_284 = arith.constant 0 : i32
      %dma_start3A_285 = arith.constant 0 : i32
      %dma_start3A_286 = tpu.memref_slice %arg13[%dma_start3A_284, %dma_start3A_285] : memref<800x16xf32, #tpu.memory_space<vmem>> -> memref<800x16xf32, #tpu.memory_space<vmem>>
      %dma_start3A_287 = arith.constant 0 : i32
      %dma_start3A_288 = tpu.memref_slice %arg7[%add3A_283, %dma_start3A_287] : memref<100096x16xf32, #tpu.memory_space<hbm>> -> memref<800x16xf32, #tpu.memory_space<hbm>>
      %dma_start3A_289 = arith.constant 0 : i32
      %dma_start3A_290 = tpu.memref_slice %arg7[%add3A_283, %dma_start3A_289] : memref<100096x16xf32, #tpu.memory_space<hbm>> -> memref<800x16xf32, #tpu.memory_space<hbm>>
      %dma_start3A_291 = arith.constant 0 : i32
      %dma_start3A_292 = arith.constant 0 : i32
      %dma_start3A_293 = tpu.memref_slice %arg13[%dma_start3A_291, %dma_start3A_292] : memref<800x16xf32, #tpu.memory_space<vmem>> -> memref<800x16xf32, #tpu.memory_space<vmem>>
      tpu.enqueue_dma source(%dma_start3A_293 : memref<800x16xf32, #tpu.memory_space<vmem>>) target(%dma_start3A_290 : memref<800x16xf32, #tpu.memory_space<hbm>>) target_semaphore(%arg20 : memref<!tpu.dma_semaphore, #tpu.memory_space<semaphore_mem>>)
      %dma_wait3A_294 = arith.constant 0 : i32
      %dma_wait3A_295 = arith.constant 0 : i32
      %dma_wait3A_296 = tpu.memref_slice %arg12[%dma_wait3A_294, %dma_wait3A_295] : memref<800x16xf32, #tpu.memory_space<vmem>> -> memref<800x16xf32, #tpu.memory_space<vmem>>
      %dma_wait3A_297 = arith.constant 0 : i32
      %dma_wait3A_298 = arith.constant 0 : i32
      %dma_wait3A_299 = tpu.memref_slice %arg7[%dma_wait3A_297, %dma_wait3A_298] : memref<100096x16xf32, #tpu.memory_space<hbm>> -> memref<800x16xf32, #tpu.memory_space<hbm>>
      %dma_wait3A_300 = arith.constant 0 : i32
      %dma_wait3A_301 = arith.constant 0 : i32
      %dma_wait3A_302 = tpu.memref_slice %arg7[%dma_wait3A_300, %dma_wait3A_301] : memref<100096x16xf32, #tpu.memory_space<hbm>> -> memref<800x16xf32, #tpu.memory_space<hbm>>
      %dma_wait3A_303 = arith.constant 0 : i32
      %dma_wait3A_304 = arith.constant 0 : i32
      %dma_wait3A_305 = tpu.memref_slice %arg12[%dma_wait3A_303, %dma_wait3A_304] : memref<800x16xf32, #tpu.memory_space<vmem>> -> memref<800x16xf32, #tpu.memory_space<vmem>>
      tpu.wait_dma2 semaphore(%arg19 : memref<!tpu.dma_semaphore, #tpu.memory_space<semaphore_mem>>) src(%dma_wait3A_305 : memref<800x16xf32, #tpu.memory_space<vmem>>) dst(%dma_wait3A_302 : memref<800x16xf32, #tpu.memory_space<hbm>>)
      %add3A_306 = arith.constant 3200 : i32
      %add3A_307 = arith.addi %mul3A_0, %add3A_306 : i32
      "tpu.region"() ({
        %run_scoped3A = tpu.sem_alloc : memref<!tpu.dma_semaphore, #tpu.memory_space<semaphore_mem>>
        %dma_start3A_422 = arith.constant 0 : i32
        %dma_start3A_423 = arith.constant 0 : i32
        %dma_start3A_424 = tpu.memref_slice %arg12[%dma_start3A_422, %dma_start3A_423] : memref<800x16xf32, #tpu.memory_space<vmem>> -> memref<800x16xf32, #tpu.memory_space<vmem>>
        %dma_start3A_425 = arith.constant 0 : i32
        %dma_start3A_426 = tpu.memref_slice %arg14[%add3A_307, %dma_start3A_425] : memref<100096x16xf32, #tpu.memory_space<vmem_shared>> -> memref<800x16xf32, #tpu.memory_space<vmem_shared>>
        %dma_start3A_427 = arith.constant 0 : i32
        %dma_start3A_428 = arith.constant 0 : i32
        %dma_start3A_429 = tpu.memref_slice %arg12[%dma_start3A_427, %dma_start3A_428] : memref<800x16xf32, #tpu.memory_space<vmem>> -> memref<800x16xf32, #tpu.memory_space<vmem>>
        %dma_start3A_430 = arith.constant 0 : i32
        %dma_start3A_431 = tpu.memref_slice %arg14[%add3A_307, %dma_start3A_430] : memref<100096x16xf32, #tpu.memory_space<vmem_shared>> -> memref<800x16xf32, #tpu.memory_space<vmem_shared>>
        tpu.enqueue_dma source(%dma_start3A_431 : memref<800x16xf32, #tpu.memory_space<vmem_shared>>) target(%dma_start3A_429 : memref<800x16xf32, #tpu.memory_space<vmem>>) target_semaphore(%run_scoped3A : memref<!tpu.dma_semaphore, #tpu.memory_space<semaphore_mem>>)
        %dma_wait3A_432 = arith.constant 0 : i32
        %dma_wait3A_433 = arith.constant 0 : i32
        %dma_wait3A_434 = tpu.memref_slice %arg12[%dma_wait3A_432, %dma_wait3A_433] : memref<800x16xf32, #tpu.memory_space<vmem>> -> memref<800x16xf32, #tpu.memory_space<vmem>>
        %dma_wait3A_435 = arith.constant 0 : i32
        %dma_wait3A_436 = tpu.memref_slice %arg14[%add3A_307, %dma_wait3A_435] : memref<100096x16xf32, #tpu.memory_space<vmem_shared>> -> memref<800x16xf32, #tpu.memory_space<vmem_shared>>
        %dma_wait3A_437 = arith.constant 0 : i32
        %dma_wait3A_438 = arith.constant 0 : i32
        %dma_wait3A_439 = tpu.memref_slice %arg12[%dma_wait3A_437, %dma_wait3A_438] : memref<800x16xf32, #tpu.memory_space<vmem>> -> memref<800x16xf32, #tpu.memory_space<vmem>>
        %dma_wait3A_440 = arith.constant 0 : i32
        %dma_wait3A_441 = tpu.memref_slice %arg14[%add3A_307, %dma_wait3A_440] : memref<100096x16xf32, #tpu.memory_space<vmem_shared>> -> memref<800x16xf32, #tpu.memory_space<vmem_shared>>
        tpu.wait_dma2 semaphore(%run_scoped3A : memref<!tpu.dma_semaphore, #tpu.memory_space<semaphore_mem>>) src(%dma_wait3A_441 : memref<800x16xf32, #tpu.memory_space<vmem_shared>>) dst(%dma_wait3A_439 : memref<800x16xf32, #tpu.memory_space<vmem>>)
        tpu.yield
      }) : () -> ()
      %add3A_308 = arith.constant 3200 : i32
      %add3A_309 = arith.addi %mul3A_0, %add3A_308 : i32
      %dma_start3A_310 = arith.constant 0 : i32
      %dma_start3A_311 = arith.constant 0 : i32
      %dma_start3A_312 = tpu.memref_slice %arg12[%dma_start3A_310, %dma_start3A_311] : memref<800x16xf32, #tpu.memory_space<vmem>> -> memref<800x16xf32, #tpu.memory_space<vmem>>
      %dma_start3A_313 = arith.constant 0 : i32
      %dma_start3A_314 = tpu.memref_slice %arg7[%add3A_309, %dma_start3A_313] : memref<100096x16xf32, #tpu.memory_space<hbm>> -> memref<800x16xf32, #tpu.memory_space<hbm>>
      %dma_start3A_315 = arith.constant 0 : i32
      %dma_start3A_316 = tpu.memref_slice %arg7[%add3A_309, %dma_start3A_315] : memref<100096x16xf32, #tpu.memory_space<hbm>> -> memref<800x16xf32, #tpu.memory_space<hbm>>
      %dma_start3A_317 = arith.constant 0 : i32
      %dma_start3A_318 = arith.constant 0 : i32
      %dma_start3A_319 = tpu.memref_slice %arg12[%dma_start3A_317, %dma_start3A_318] : memref<800x16xf32, #tpu.memory_space<vmem>> -> memref<800x16xf32, #tpu.memory_space<vmem>>
      tpu.enqueue_dma source(%dma_start3A_319 : memref<800x16xf32, #tpu.memory_space<vmem>>) target(%dma_start3A_316 : memref<800x16xf32, #tpu.memory_space<hbm>>) target_semaphore(%arg19 : memref<!tpu.dma_semaphore, #tpu.memory_space<semaphore_mem>>)
      %dma_wait3A_320 = arith.constant 0 : i32
      %dma_wait3A_321 = arith.constant 0 : i32
      %dma_wait3A_322 = tpu.memref_slice %arg13[%dma_wait3A_320, %dma_wait3A_321] : memref<800x16xf32, #tpu.memory_space<vmem>> -> memref<800x16xf32, #tpu.memory_space<vmem>>
      %dma_wait3A_323 = arith.constant 0 : i32
      %dma_wait3A_324 = arith.constant 0 : i32
      %dma_wait3A_325 = tpu.memref_slice %arg7[%dma_wait3A_323, %dma_wait3A_324] : memref<100096x16xf32, #tpu.memory_space<hbm>> -> memref<800x16xf32, #tpu.memory_space<hbm>>
      %dma_wait3A_326 = arith.constant 0 : i32
      %dma_wait3A_327 = arith.constant 0 : i32
      %dma_wait3A_328 = tpu.memref_slice %arg7[%dma_wait3A_326, %dma_wait3A_327] : memref<100096x16xf32, #tpu.memory_space<hbm>> -> memref<800x16xf32, #tpu.memory_space<hbm>>
      %dma_wait3A_329 = arith.constant 0 : i32
      %dma_wait3A_330 = arith.constant 0 : i32
      %dma_wait3A_331 = tpu.memref_slice %arg13[%dma_wait3A_329, %dma_wait3A_330] : memref<800x16xf32, #tpu.memory_space<vmem>> -> memref<800x16xf32, #tpu.memory_space<vmem>>
      tpu.wait_dma2 semaphore(%arg20 : memref<!tpu.dma_semaphore, #tpu.memory_space<semaphore_mem>>) src(%dma_wait3A_331 : memref<800x16xf32, #tpu.memory_space<vmem>>) dst(%dma_wait3A_328 : memref<800x16xf32, #tpu.memory_space<hbm>>)
      %add3A_332 = arith.constant 4000 : i32
      %add3A_333 = arith.addi %mul3A_0, %add3A_332 : i32
      "tpu.region"() ({
        %run_scoped3A = tpu.sem_alloc : memref<!tpu.dma_semaphore, #tpu.memory_space<semaphore_mem>>
        %dma_start3A_422 = arith.constant 0 : i32
        %dma_start3A_423 = arith.constant 0 : i32
        %dma_start3A_424 = tpu.memref_slice %arg13[%dma_start3A_422, %dma_start3A_423] : memref<800x16xf32, #tpu.memory_space<vmem>> -> memref<800x16xf32, #tpu.memory_space<vmem>>
        %dma_start3A_425 = arith.constant 0 : i32
        %dma_start3A_426 = tpu.memref_slice %arg14[%add3A_333, %dma_start3A_425] : memref<100096x16xf32, #tpu.memory_space<vmem_shared>> -> memref<800x16xf32, #tpu.memory_space<vmem_shared>>
        %dma_start3A_427 = arith.constant 0 : i32
        %dma_start3A_428 = arith.constant 0 : i32
        %dma_start3A_429 = tpu.memref_slice %arg13[%dma_start3A_427, %dma_start3A_428] : memref<800x16xf32, #tpu.memory_space<vmem>> -> memref<800x16xf32, #tpu.memory_space<vmem>>
        %dma_start3A_430 = arith.constant 0 : i32
        %dma_start3A_431 = tpu.memref_slice %arg14[%add3A_333, %dma_start3A_430] : memref<100096x16xf32, #tpu.memory_space<vmem_shared>> -> memref<800x16xf32, #tpu.memory_space<vmem_shared>>
        tpu.enqueue_dma source(%dma_start3A_431 : memref<800x16xf32, #tpu.memory_space<vmem_shared>>) target(%dma_start3A_429 : memref<800x16xf32, #tpu.memory_space<vmem>>) target_semaphore(%run_scoped3A : memref<!tpu.dma_semaphore, #tpu.memory_space<semaphore_mem>>)
        %dma_wait3A_432 = arith.constant 0 : i32
        %dma_wait3A_433 = arith.constant 0 : i32
        %dma_wait3A_434 = tpu.memref_slice %arg13[%dma_wait3A_432, %dma_wait3A_433] : memref<800x16xf32, #tpu.memory_space<vmem>> -> memref<800x16xf32, #tpu.memory_space<vmem>>
        %dma_wait3A_435 = arith.constant 0 : i32
        %dma_wait3A_436 = tpu.memref_slice %arg14[%add3A_333, %dma_wait3A_435] : memref<100096x16xf32, #tpu.memory_space<vmem_shared>> -> memref<800x16xf32, #tpu.memory_space<vmem_shared>>
        %dma_wait3A_437 = arith.constant 0 : i32
        %dma_wait3A_438 = arith.constant 0 : i32
        %dma_wait3A_439 = tpu.memref_slice %arg13[%dma_wait3A_437, %dma_wait3A_438] : memref<800x16xf32, #tpu.memory_space<vmem>> -> memref<800x16xf32, #tpu.memory_space<vmem>>
        %dma_wait3A_440 = arith.constant 0 : i32
        %dma_wait3A_441 = tpu.memref_slice %arg14[%add3A_333, %dma_wait3A_440] : memref<100096x16xf32, #tpu.memory_space<vmem_shared>> -> memref<800x16xf32, #tpu.memory_space<vmem_shared>>
        tpu.wait_dma2 semaphore(%run_scoped3A : memref<!tpu.dma_semaphore, #tpu.memory_space<semaphore_mem>>) src(%dma_wait3A_441 : memref<800x16xf32, #tpu.memory_space<vmem_shared>>) dst(%dma_wait3A_439 : memref<800x16xf32, #tpu.memory_space<vmem>>)
        tpu.yield
      }) : () -> ()
      %add3A_334 = arith.constant 4000 : i32
      %add3A_335 = arith.addi %mul3A_0, %add3A_334 : i32
      %dma_start3A_336 = arith.constant 0 : i32
      %dma_start3A_337 = arith.constant 0 : i32
      %dma_start3A_338 = tpu.memref_slice %arg13[%dma_start3A_336, %dma_start3A_337] : memref<800x16xf32, #tpu.memory_space<vmem>> -> memref<800x16xf32, #tpu.memory_space<vmem>>
      %dma_start3A_339 = arith.constant 0 : i32
      %dma_start3A_340 = tpu.memref_slice %arg7[%add3A_335, %dma_start3A_339] : memref<100096x16xf32, #tpu.memory_space<hbm>> -> memref<800x16xf32, #tpu.memory_space<hbm>>
      %dma_start3A_341 = arith.constant 0 : i32
      %dma_start3A_342 = tpu.memref_slice %arg7[%add3A_335, %dma_start3A_341] : memref<100096x16xf32, #tpu.memory_space<hbm>> -> memref<800x16xf32, #tpu.memory_space<hbm>>
      %dma_start3A_343 = arith.constant 0 : i32
      %dma_start3A_344 = arith.constant 0 : i32
      %dma_start3A_345 = tpu.memref_slice %arg13[%dma_start3A_343, %dma_start3A_344] : memref<800x16xf32, #tpu.memory_space<vmem>> -> memref<800x16xf32, #tpu.memory_space<vmem>>
      tpu.enqueue_dma source(%dma_start3A_345 : memref<800x16xf32, #tpu.memory_space<vmem>>) target(%dma_start3A_342 : memref<800x16xf32, #tpu.memory_space<hbm>>) target_semaphore(%arg20 : memref<!tpu.dma_semaphore, #tpu.memory_space<semaphore_mem>>)
      %dma_wait3A_346 = arith.constant 0 : i32
      %dma_wait3A_347 = arith.constant 0 : i32
      %dma_wait3A_348 = tpu.memref_slice %arg12[%dma_wait3A_346, %dma_wait3A_347] : memref<800x16xf32, #tpu.memory_space<vmem>> -> memref<800x16xf32, #tpu.memory_space<vmem>>
      %dma_wait3A_349 = arith.constant 0 : i32
      %dma_wait3A_350 = arith.constant 0 : i32
      %dma_wait3A_351 = tpu.memref_slice %arg7[%dma_wait3A_349, %dma_wait3A_350] : memref<100096x16xf32, #tpu.memory_space<hbm>> -> memref<800x16xf32, #tpu.memory_space<hbm>>
      %dma_wait3A_352 = arith.constant 0 : i32
      %dma_wait3A_353 = arith.constant 0 : i32
      %dma_wait3A_354 = tpu.memref_slice %arg7[%dma_wait3A_352, %dma_wait3A_353] : memref<100096x16xf32, #tpu.memory_space<hbm>> -> memref<800x16xf32, #tpu.memory_space<hbm>>
      %dma_wait3A_355 = arith.constant 0 : i32
      %dma_wait3A_356 = arith.constant 0 : i32
      %dma_wait3A_357 = tpu.memref_slice %arg12[%dma_wait3A_355, %dma_wait3A_356] : memref<800x16xf32, #tpu.memory_space<vmem>> -> memref<800x16xf32, #tpu.memory_space<vmem>>
      tpu.wait_dma2 semaphore(%arg19 : memref<!tpu.dma_semaphore, #tpu.memory_space<semaphore_mem>>) src(%dma_wait3A_357 : memref<800x16xf32, #tpu.memory_space<vmem>>) dst(%dma_wait3A_354 : memref<800x16xf32, #tpu.memory_space<hbm>>)
      %add3A_358 = arith.constant 4800 : i32
      %add3A_359 = arith.addi %mul3A_0, %add3A_358 : i32
      "tpu.region"() ({
        %run_scoped3A = tpu.sem_alloc : memref<!tpu.dma_semaphore, #tpu.memory_space<semaphore_mem>>
        %dma_start3A_422 = arith.constant 0 : i32
        %dma_start3A_423 = arith.constant 0 : i32
        %dma_start3A_424 = tpu.memref_slice %arg12[%dma_start3A_422, %dma_start3A_423] : memref<800x16xf32, #tpu.memory_space<vmem>> -> memref<800x16xf32, #tpu.memory_space<vmem>>
        %dma_start3A_425 = arith.constant 0 : i32
        %dma_start3A_426 = tpu.memref_slice %arg14[%add3A_359, %dma_start3A_425] : memref<100096x16xf32, #tpu.memory_space<vmem_shared>> -> memref<800x16xf32, #tpu.memory_space<vmem_shared>>
        %dma_start3A_427 = arith.constant 0 : i32
        %dma_start3A_428 = arith.constant 0 : i32
        %dma_start3A_429 = tpu.memref_slice %arg12[%dma_start3A_427, %dma_start3A_428] : memref<800x16xf32, #tpu.memory_space<vmem>> -> memref<800x16xf32, #tpu.memory_space<vmem>>
        %dma_start3A_430 = arith.constant 0 : i32
        %dma_start3A_431 = tpu.memref_slice %arg14[%add3A_359, %dma_start3A_430] : memref<100096x16xf32, #tpu.memory_space<vmem_shared>> -> memref<800x16xf32, #tpu.memory_space<vmem_shared>>
        tpu.enqueue_dma source(%dma_start3A_431 : memref<800x16xf32, #tpu.memory_space<vmem_shared>>) target(%dma_start3A_429 : memref<800x16xf32, #tpu.memory_space<vmem>>) target_semaphore(%run_scoped3A : memref<!tpu.dma_semaphore, #tpu.memory_space<semaphore_mem>>)
        %dma_wait3A_432 = arith.constant 0 : i32
        %dma_wait3A_433 = arith.constant 0 : i32
        %dma_wait3A_434 = tpu.memref_slice %arg12[%dma_wait3A_432, %dma_wait3A_433] : memref<800x16xf32, #tpu.memory_space<vmem>> -> memref<800x16xf32, #tpu.memory_space<vmem>>
        %dma_wait3A_435 = arith.constant 0 : i32
        %dma_wait3A_436 = tpu.memref_slice %arg14[%add3A_359, %dma_wait3A_435] : memref<100096x16xf32, #tpu.memory_space<vmem_shared>> -> memref<800x16xf32, #tpu.memory_space<vmem_shared>>
        %dma_wait3A_437 = arith.constant 0 : i32
        %dma_wait3A_438 = arith.constant 0 : i32
        %dma_wait3A_439 = tpu.memref_slice %arg12[%dma_wait3A_437, %dma_wait3A_438] : memref<800x16xf32, #tpu.memory_space<vmem>> -> memref<800x16xf32, #tpu.memory_space<vmem>>
        %dma_wait3A_440 = arith.constant 0 : i32
        %dma_wait3A_441 = tpu.memref_slice %arg14[%add3A_359, %dma_wait3A_440] : memref<100096x16xf32, #tpu.memory_space<vmem_shared>> -> memref<800x16xf32, #tpu.memory_space<vmem_shared>>
        tpu.wait_dma2 semaphore(%run_scoped3A : memref<!tpu.dma_semaphore, #tpu.memory_space<semaphore_mem>>) src(%dma_wait3A_441 : memref<800x16xf32, #tpu.memory_space<vmem_shared>>) dst(%dma_wait3A_439 : memref<800x16xf32, #tpu.memory_space<vmem>>)
        tpu.yield
      }) : () -> ()
      %add3A_360 = arith.constant 4800 : i32
      %add3A_361 = arith.addi %mul3A_0, %add3A_360 : i32
      %dma_start3A_362 = arith.constant 0 : i32
      %dma_start3A_363 = arith.constant 0 : i32
      %dma_start3A_364 = tpu.memref_slice %arg12[%dma_start3A_362, %dma_start3A_363] : memref<800x16xf32, #tpu.memory_space<vmem>> -> memref<800x16xf32, #tpu.memory_space<vmem>>
      %dma_start3A_365 = arith.constant 0 : i32
      %dma_start3A_366 = tpu.memref_slice %arg7[%add3A_361, %dma_start3A_365] : memref<100096x16xf32, #tpu.memory_space<hbm>> -> memref<800x16xf32, #tpu.memory_space<hbm>>
      %dma_start3A_367 = arith.constant 0 : i32
      %dma_start3A_368 = tpu.memref_slice %arg7[%add3A_361, %dma_start3A_367] : memref<100096x16xf32, #tpu.memory_space<hbm>> -> memref<800x16xf32, #tpu.memory_space<hbm>>
      %dma_start3A_369 = arith.constant 0 : i32
      %dma_start3A_370 = arith.constant 0 : i32
      %dma_start3A_371 = tpu.memref_slice %arg12[%dma_start3A_369, %dma_start3A_370] : memref<800x16xf32, #tpu.memory_space<vmem>> -> memref<800x16xf32, #tpu.memory_space<vmem>>
      tpu.enqueue_dma source(%dma_start3A_371 : memref<800x16xf32, #tpu.memory_space<vmem>>) target(%dma_start3A_368 : memref<800x16xf32, #tpu.memory_space<hbm>>) target_semaphore(%arg19 : memref<!tpu.dma_semaphore, #tpu.memory_space<semaphore_mem>>)
      %dma_wait3A_372 = arith.constant 0 : i32
      %dma_wait3A_373 = arith.constant 0 : i32
      %dma_wait3A_374 = tpu.memref_slice %arg13[%dma_wait3A_372, %dma_wait3A_373] : memref<800x16xf32, #tpu.memory_space<vmem>> -> memref<800x16xf32, #tpu.memory_space<vmem>>
      %dma_wait3A_375 = arith.constant 0 : i32
      %dma_wait3A_376 = arith.constant 0 : i32
      %dma_wait3A_377 = tpu.memref_slice %arg7[%dma_wait3A_375, %dma_wait3A_376] : memref<100096x16xf32, #tpu.memory_space<hbm>> -> memref<800x16xf32, #tpu.memory_space<hbm>>
      %dma_wait3A_378 = arith.constant 0 : i32
      %dma_wait3A_379 = arith.constant 0 : i32
      %dma_wait3A_380 = tpu.memref_slice %arg7[%dma_wait3A_378, %dma_wait3A_379] : memref<100096x16xf32, #tpu.memory_space<hbm>> -> memref<800x16xf32, #tpu.memory_space<hbm>>
      %dma_wait3A_381 = arith.constant 0 : i32
      %dma_wait3A_382 = arith.constant 0 : i32
      %dma_wait3A_383 = tpu.memref_slice %arg13[%dma_wait3A_381, %dma_wait3A_382] : memref<800x16xf32, #tpu.memory_space<vmem>> -> memref<800x16xf32, #tpu.memory_space<vmem>>
      tpu.wait_dma2 semaphore(%arg20 : memref<!tpu.dma_semaphore, #tpu.memory_space<semaphore_mem>>) src(%dma_wait3A_383 : memref<800x16xf32, #tpu.memory_space<vmem>>) dst(%dma_wait3A_380 : memref<800x16xf32, #tpu.memory_space<hbm>>)
      %add3A_384 = arith.constant 5600 : i32
      %add3A_385 = arith.addi %mul3A_0, %add3A_384 : i32
      "tpu.region"() ({
        %run_scoped3A = tpu.sem_alloc : memref<!tpu.dma_semaphore, #tpu.memory_space<semaphore_mem>>
        %dma_start3A_422 = arith.constant 0 : i32
        %dma_start3A_423 = arith.constant 0 : i32
        %dma_start3A_424 = tpu.memref_slice %arg13[%dma_start3A_422, %dma_start3A_423] : memref<800x16xf32, #tpu.memory_space<vmem>> -> memref<656x16xf32, #tpu.memory_space<vmem>>
        %dma_start3A_425 = arith.constant 0 : i32
        %dma_start3A_426 = tpu.memref_slice %arg14[%add3A_385, %dma_start3A_425] : memref<100096x16xf32, #tpu.memory_space<vmem_shared>> -> memref<656x16xf32, #tpu.memory_space<vmem_shared>>
        %dma_start3A_427 = arith.constant 0 : i32
        %dma_start3A_428 = arith.constant 0 : i32
        %dma_start3A_429 = tpu.memref_slice %arg13[%dma_start3A_427, %dma_start3A_428] : memref<800x16xf32, #tpu.memory_space<vmem>> -> memref<656x16xf32, #tpu.memory_space<vmem>>
        %dma_start3A_430 = arith.constant 0 : i32
        %dma_start3A_431 = tpu.memref_slice %arg14[%add3A_385, %dma_start3A_430] : memref<100096x16xf32, #tpu.memory_space<vmem_shared>> -> memref<656x16xf32, #tpu.memory_space<vmem_shared>>
        tpu.enqueue_dma source(%dma_start3A_431 : memref<656x16xf32, #tpu.memory_space<vmem_shared>>) target(%dma_start3A_429 : memref<656x16xf32, #tpu.memory_space<vmem>>) target_semaphore(%run_scoped3A : memref<!tpu.dma_semaphore, #tpu.memory_space<semaphore_mem>>)
        %dma_wait3A_432 = arith.constant 0 : i32
        %dma_wait3A_433 = arith.constant 0 : i32
        %dma_wait3A_434 = tpu.memref_slice %arg13[%dma_wait3A_432, %dma_wait3A_433] : memref<800x16xf32, #tpu.memory_space<vmem>> -> memref<656x16xf32, #tpu.memory_space<vmem>>
        %dma_wait3A_435 = arith.constant 0 : i32
        %dma_wait3A_436 = tpu.memref_slice %arg14[%add3A_385, %dma_wait3A_435] : memref<100096x16xf32, #tpu.memory_space<vmem_shared>> -> memref<656x16xf32, #tpu.memory_space<vmem_shared>>
        %dma_wait3A_437 = arith.constant 0 : i32
        %dma_wait3A_438 = arith.constant 0 : i32
        %dma_wait3A_439 = tpu.memref_slice %arg13[%dma_wait3A_437, %dma_wait3A_438] : memref<800x16xf32, #tpu.memory_space<vmem>> -> memref<656x16xf32, #tpu.memory_space<vmem>>
        %dma_wait3A_440 = arith.constant 0 : i32
        %dma_wait3A_441 = tpu.memref_slice %arg14[%add3A_385, %dma_wait3A_440] : memref<100096x16xf32, #tpu.memory_space<vmem_shared>> -> memref<656x16xf32, #tpu.memory_space<vmem_shared>>
        tpu.wait_dma2 semaphore(%run_scoped3A : memref<!tpu.dma_semaphore, #tpu.memory_space<semaphore_mem>>) src(%dma_wait3A_441 : memref<656x16xf32, #tpu.memory_space<vmem_shared>>) dst(%dma_wait3A_439 : memref<656x16xf32, #tpu.memory_space<vmem>>)
        tpu.yield
      }) : () -> ()
      %add3A_386 = arith.constant 5600 : i32
      %add3A_387 = arith.addi %mul3A_0, %add3A_386 : i32
      %dma_start3A_388 = arith.constant 0 : i32
      %dma_start3A_389 = arith.constant 0 : i32
      %dma_start3A_390 = tpu.memref_slice %arg13[%dma_start3A_388, %dma_start3A_389] : memref<800x16xf32, #tpu.memory_space<vmem>> -> memref<656x16xf32, #tpu.memory_space<vmem>>
      %dma_start3A_391 = arith.constant 0 : i32
      %dma_start3A_392 = tpu.memref_slice %arg7[%add3A_387, %dma_start3A_391] : memref<100096x16xf32, #tpu.memory_space<hbm>> -> memref<656x16xf32, #tpu.memory_space<hbm>>
      %dma_start3A_393 = arith.constant 0 : i32
      %dma_start3A_394 = tpu.memref_slice %arg7[%add3A_387, %dma_start3A_393] : memref<100096x16xf32, #tpu.memory_space<hbm>> -> memref<656x16xf32, #tpu.memory_space<hbm>>
      %dma_start3A_395 = arith.constant 0 : i32
      %dma_start3A_396 = arith.constant 0 : i32
      %dma_start3A_397 = tpu.memref_slice %arg13[%dma_start3A_395, %dma_start3A_396] : memref<800x16xf32, #tpu.memory_space<vmem>> -> memref<656x16xf32, #tpu.memory_space<vmem>>
      tpu.enqueue_dma source(%dma_start3A_397 : memref<656x16xf32, #tpu.memory_space<vmem>>) target(%dma_start3A_394 : memref<656x16xf32, #tpu.memory_space<hbm>>) target_semaphore(%arg20 : memref<!tpu.dma_semaphore, #tpu.memory_space<semaphore_mem>>)
      %dma_wait3A_398 = arith.constant 0 : i32
      %dma_wait3A_399 = arith.constant 0 : i32
      %dma_wait3A_400 = tpu.memref_slice %arg12[%dma_wait3A_398, %dma_wait3A_399] : memref<800x16xf32, #tpu.memory_space<vmem>> -> memref<800x16xf32, #tpu.memory_space<vmem>>
      %dma_wait3A_401 = arith.constant 0 : i32
      %dma_wait3A_402 = arith.constant 0 : i32
      %dma_wait3A_403 = tpu.memref_slice %arg7[%dma_wait3A_401, %dma_wait3A_402] : memref<100096x16xf32, #tpu.memory_space<hbm>> -> memref<800x16xf32, #tpu.memory_space<hbm>>
      %dma_wait3A_404 = arith.constant 0 : i32
      %dma_wait3A_405 = arith.constant 0 : i32
      %dma_wait3A_406 = tpu.memref_slice %arg7[%dma_wait3A_404, %dma_wait3A_405] : memref<100096x16xf32, #tpu.memory_space<hbm>> -> memref<800x16xf32, #tpu.memory_space<hbm>>
      %dma_wait3A_407 = arith.constant 0 : i32
      %dma_wait3A_408 = arith.constant 0 : i32
      %dma_wait3A_409 = tpu.memref_slice %arg12[%dma_wait3A_407, %dma_wait3A_408] : memref<800x16xf32, #tpu.memory_space<vmem>> -> memref<800x16xf32, #tpu.memory_space<vmem>>
      tpu.wait_dma2 semaphore(%arg19 : memref<!tpu.dma_semaphore, #tpu.memory_space<semaphore_mem>>) src(%dma_wait3A_409 : memref<800x16xf32, #tpu.memory_space<vmem>>) dst(%dma_wait3A_406 : memref<800x16xf32, #tpu.memory_space<hbm>>)
      %dma_wait3A_410 = arith.constant 0 : i32
      %dma_wait3A_411 = arith.constant 0 : i32
      %dma_wait3A_412 = tpu.memref_slice %arg13[%dma_wait3A_410, %dma_wait3A_411] : memref<800x16xf32, #tpu.memory_space<vmem>> -> memref<656x16xf32, #tpu.memory_space<vmem>>
      %dma_wait3A_413 = arith.constant 0 : i32
      %dma_wait3A_414 = arith.constant 0 : i32
      %dma_wait3A_415 = tpu.memref_slice %arg7[%dma_wait3A_413, %dma_wait3A_414] : memref<100096x16xf32, #tpu.memory_space<hbm>> -> memref<656x16xf32, #tpu.memory_space<hbm>>
      %dma_wait3A_416 = arith.constant 0 : i32
      %dma_wait3A_417 = arith.constant 0 : i32
      %dma_wait3A_418 = tpu.memref_slice %arg7[%dma_wait3A_416, %dma_wait3A_417] : memref<100096x16xf32, #tpu.memory_space<hbm>> -> memref<656x16xf32, #tpu.memory_space<hbm>>
      %dma_wait3A_419 = arith.constant 0 : i32
      %dma_wait3A_420 = arith.constant 0 : i32
      %dma_wait3A_421 = tpu.memref_slice %arg13[%dma_wait3A_419, %dma_wait3A_420] : memref<800x16xf32, #tpu.memory_space<vmem>> -> memref<656x16xf32, #tpu.memory_space<vmem>>
      tpu.wait_dma2 semaphore(%arg20 : memref<!tpu.dma_semaphore, #tpu.memory_space<semaphore_mem>>) src(%dma_wait3A_421 : memref<656x16xf32, #tpu.memory_space<vmem>>) dst(%dma_wait3A_418 : memref<656x16xf32, #tpu.memory_space<hbm>>)
    } else {
    }
    return
  }
}

module attributes {stable_mosaic.version = 14 : i64} {
  func.func @body(%arg0: i32, %arg1: memref<736x128xf32, #tpu.memory_space<vmem>>, %arg2: memref<736x128xf32, #tpu.memory_space<vmem>>, %arg3: memref<128x128xf32, #tpu.memory_space<vmem>>, %arg4: memref<128x128xf32, #tpu.memory_space<vmem>>, %arg5: memref<736x128xf32, #tpu.memory_space<vmem>>, %arg6: memref<736x128xf32, #tpu.memory_space<vmem>>) attributes {dimension_semantics = [#tpu.dimension_semantics<arbitrary>], iteration_bounds = array<i64: 17>, scalar_prefetch = 0 : i64, scratch_operands = 0 : i64, tpu.core_type = #tpu.core_type<tc>, window_params = [{transform_indices = @transform_0, window_bounds = array<i64: 736, 128>}, {transform_indices = @transform_1, window_bounds = array<i64: 736, 128>}, {pipeline_mode = #tpu.pipeline_mode<synchronous>, transform_indices = @transform_2, window_bounds = array<i64: 128, 128>}, {pipeline_mode = #tpu.pipeline_mode<synchronous>, transform_indices = @transform_3, window_bounds = array<i64: 128, 128>}, {transform_indices = @transform_4, window_bounds = array<i64: 736, 128>}, {transform_indices = @transform_5, window_bounds = array<i64: 736, 128>}]} {
    %get3A = arith.constant 0 : index
    %get3A_0 = arith.constant 0 : index
    %get3A_1 = vector.load %arg1[%get3A, %get3A_0] : memref<736x128xf32, #tpu.memory_space<vmem>>, vector<736x128xf32>
    %get3A_2 = arith.constant 0 : index
    %get3A_3 = arith.constant 0 : index
    %get3A_4 = vector.load %arg2[%get3A_2, %get3A_3] : memref<736x128xf32, #tpu.memory_space<vmem>>, vector<736x128xf32>
    %get3A_5 = arith.constant 0 : index
    %get3A_6 = arith.constant 0 : index
    %get3A_7 = vector.load %arg3[%get3A_5, %get3A_6] : memref<128x128xf32, #tpu.memory_space<vmem>>, vector<128x128xf32>
    %dot_general3A = arith.constant dense<0.000000e+00> : vector<736x128xf32>
    %dot_general3A_8 = tpu.matmul %get3A_1, %get3A_7, %dot_general3A {dimension_numbers = #tpu.dot_dimension_numbers<[1], [0], [0], [1], [0, 0, 1, 1], [], []>, transpose_lhs_hint = false} : vector<736x128xf32>, vector<128x128xf32>, vector<736x128xf32> -> vector<736x128xf32>
    %mul3A = arith.mulf %dot_general3A_8, %get3A_4 : vector<736x128xf32>
    %swap3A = arith.constant 0 : index
    %swap3A_9 = arith.constant 0 : index
    %swap3A_10 = vector.load %arg5[%swap3A, %swap3A_9] : memref<736x128xf32, #tpu.memory_space<vmem>>, vector<736x128xf32>
    tpu.vector_store %arg5[%swap3A, %swap3A_9], %mul3A {strides = array<i32>} : memref<736x128xf32, #tpu.memory_space<vmem>>, vector<736x128xf32>,
    %get3A_11 = arith.constant 0 : index
    %get3A_12 = arith.constant 0 : index
    %get3A_13 = vector.load %arg4[%get3A_11, %get3A_12] : memref<128x128xf32, #tpu.memory_space<vmem>>, vector<128x128xf32>
    %dot_general3A_14 = arith.constant dense<0.000000e+00> : vector<736x128xf32>
    %dot_general3A_15 = tpu.matmul %get3A_1, %get3A_13, %dot_general3A_14 {dimension_numbers = #tpu.dot_dimension_numbers<[1], [0], [0], [1], [0, 0, 1, 1], [], []>, transpose_lhs_hint = false} : vector<736x128xf32>, vector<128x128xf32>, vector<736x128xf32> -> vector<736x128xf32>
    %mul3A_16 = arith.mulf %dot_general3A_15, %get3A_4 : vector<736x128xf32>
    %swap3A_17 = arith.constant 0 : index
    %swap3A_18 = arith.constant 0 : index
    %swap3A_19 = vector.load %arg6[%swap3A_17, %swap3A_18] : memref<736x128xf32, #tpu.memory_space<vmem>>, vector<736x128xf32>
    tpu.vector_store %arg6[%swap3A_17, %swap3A_18], %mul3A_16 {strides = array<i32>} : memref<736x128xf32, #tpu.memory_space<vmem>>, vector<736x128xf32>,
    return
  }
  func.func @transform_0(%arg0: i32) -> (i32, i32) {
    %c0_i32 = arith.constant 0 : i32
    %c0_i32_0 = arith.constant 0 : i32
    return %arg0, %c0_i32 : i32, i32
  }
  func.func @transform_1(%arg0: i32) -> (i32, i32) {
    %c0_i32 = arith.constant 0 : i32
    %c0_i32_0 = arith.constant 0 : i32
    return %arg0, %c0_i32 : i32, i32
  }
  func.func @transform_2(%arg0: i32) -> (i32, i32) {
    %c0_i32 = arith.constant 0 : i32
    %c0_i32_0 = arith.constant 0 : i32
    %c0_i32_1 = arith.constant 0 : i32
    return %c0_i32, %c0_i32_0 : i32, i32
  }
  func.func @transform_3(%arg0: i32) -> (i32, i32) {
    %c0_i32 = arith.constant 0 : i32
    %c0_i32_0 = arith.constant 0 : i32
    %c0_i32_1 = arith.constant 0 : i32
    return %c0_i32, %c0_i32_0 : i32, i32
  }
  func.func @transform_4(%arg0: i32) -> (i32, i32) {
    %c0_i32 = arith.constant 0 : i32
    %c0_i32_0 = arith.constant 0 : i32
    return %arg0, %c0_i32 : i32, i32
  }
  func.func @transform_5(%arg0: i32) -> (i32, i32) {
    %c0_i32 = arith.constant 0 : i32
    %c0_i32_0 = arith.constant 0 : i32
    return %arg0, %c0_i32 : i32, i32
  }
}

module attributes {stable_mosaic.version = 14 : i64} {
  func.func @body(%arg0: i32, %arg1: memref<736x128xf32, #tpu.memory_space<vmem>>, %arg2: memref<736x128xf32, #tpu.memory_space<vmem>>, %arg3: memref<736x128xf32, #tpu.memory_space<vmem>>, %arg4: memref<736x128xf32, #tpu.memory_space<vmem>>, %arg5: memref<736x128xf32, #tpu.memory_space<vmem>>, %arg6: memref<1x128xf32, #tpu.memory_space<vmem>>, %arg7: memref<1x128xf32, #tpu.memory_space<vmem>>, %arg8: memref<128x128xf32, #tpu.memory_space<vmem>>, %arg9: memref<128x128xf32, #tpu.memory_space<vmem>>, %arg10: memref<128x128xf32, #tpu.memory_space<vmem>>, %arg11: memref<128x128xf32, #tpu.memory_space<vmem>>, %arg12: memref<736x128xf32, #tpu.memory_space<vmem>>, %arg13: memref<736x128xf32, #tpu.memory_space<vmem>>) attributes {dimension_semantics = [#tpu.dimension_semantics<arbitrary>], iteration_bounds = array<i64: 17>, scalar_prefetch = 0 : i64, scratch_operands = 0 : i64, tpu.core_type = #tpu.core_type<tc>, window_params = [{transform_indices = @transform_0, window_bounds = array<i64: 736, 128>}, {transform_indices = @transform_1, window_bounds = array<i64: 736, 128>}, {transform_indices = @transform_2, window_bounds = array<i64: 736, 128>}, {transform_indices = @transform_3, window_bounds = array<i64: 736, 128>}, {transform_indices = @transform_4, window_bounds = array<i64: 736, 128>}, {pipeline_mode = #tpu.pipeline_mode<synchronous>, transform_indices = @transform_5, window_bounds = array<i64: 1, 128>}, {pipeline_mode = #tpu.pipeline_mode<synchronous>, transform_indices = @transform_6, window_bounds = array<i64: 1, 128>}, {pipeline_mode = #tpu.pipeline_mode<synchronous>, transform_indices = @transform_7, window_bounds = array<i64: 128, 128>}, {pipeline_mode = #tpu.pipeline_mode<synchronous>, transform_indices = @transform_8, window_bounds = array<i64: 128, 128>}, {pipeline_mode = #tpu.pipeline_mode<synchronous>, transform_indices = @transform_9, window_bounds = array<i64: 128, 128>}, {pipeline_mode = #tpu.pipeline_mode<synchronous>, transform_indices = @transform_10, window_bounds = array<i64: 128, 128>}, {transform_indices = @transform_11, window_bounds = array<i64: 736, 128>}, {transform_indices = @transform_12, window_bounds = array<i64: 736, 128>}]} {
    %get3A = arith.constant 0 : index
    %get3A_0 = arith.constant 0 : index
    %get3A_1 = vector.load %arg5[%get3A, %get3A_0] : memref<736x128xf32, #tpu.memory_space<vmem>>, vector<736x128xf32>
    %get3A_2 = arith.constant 0 : index
    %get3A_3 = arith.constant 0 : index
    %get3A_4 = vector.load %arg1[%get3A_2, %get3A_3] : memref<736x128xf32, #tpu.memory_space<vmem>>, vector<736x128xf32>
    %get3A_5 = arith.constant 0 : index
    %get3A_6 = arith.constant 0 : index
    %get3A_7 = vector.load %arg3[%get3A_5, %get3A_6] : memref<736x128xf32, #tpu.memory_space<vmem>>, vector<736x128xf32>
    %add3A = arith.addf %get3A_4, %get3A_7 : vector<736x128xf32>
    %mul3A = arith.mulf %add3A, %get3A_1 : vector<736x128xf32>
    %get3A_8 = arith.constant 0 : index
    %get3A_9 = arith.constant 0 : index
    %get3A_10 = vector.load %arg6[%get3A_8, %get3A_9] : memref<1x128xf32, #tpu.memory_space<vmem>>, vector<1x128xf32>
    %add3A_11 = vector.broadcast %get3A_10 : vector<1x128xf32> to vector<736x128xf32>
    %add3A_12 = arith.addf %mul3A, %add3A_11 : vector<736x128xf32>
    %logistic3A = arith.negf %add3A_12 : vector<736x128xf32>
    %logistic3A_13 = math.exp %logistic3A : vector<736x128xf32>
    %logistic3A_14 = arith.constant 1.000000e+00 : f32
    %logistic3A_15 = vector.broadcast %logistic3A_14 : f32 to vector<736x128xf32>
    %logistic3A_16 = arith.addf %logistic3A_15, %logistic3A_13 : vector<736x128xf32>
    %logistic3A_17 = arith.divf %logistic3A_15, %logistic3A_16 : vector<736x128xf32>
    %get3A_18 = arith.constant 0 : index
    %get3A_19 = arith.constant 0 : index
    %get3A_20 = vector.load %arg2[%get3A_18, %get3A_19] : memref<736x128xf32, #tpu.memory_space<vmem>>, vector<736x128xf32>
    %get3A_21 = arith.constant 0 : index
    %get3A_22 = arith.constant 0 : index
    %get3A_23 = vector.load %arg4[%get3A_21, %get3A_22] : memref<736x128xf32, #tpu.memory_space<vmem>>, vector<736x128xf32>
    %add3A_24 = arith.addf %get3A_20, %get3A_23 : vector<736x128xf32>
    %mul3A_25 = arith.mulf %add3A_24, %get3A_1 : vector<736x128xf32>
    %get3A_26 = arith.constant 0 : index
    %get3A_27 = arith.constant 0 : index
    %get3A_28 = vector.load %arg7[%get3A_26, %get3A_27] : memref<1x128xf32, #tpu.memory_space<vmem>>, vector<1x128xf32>
    %add3A_29 = vector.broadcast %get3A_28 : vector<1x128xf32> to vector<736x128xf32>
    %add3A_30 = arith.addf %mul3A_25, %add3A_29 : vector<736x128xf32>
    %logistic3A_31 = arith.negf %add3A_30 : vector<736x128xf32>
    %logistic3A_32 = math.exp %logistic3A_31 : vector<736x128xf32>
    %logistic3A_33 = arith.constant 1.000000e+00 : f32
    %logistic3A_34 = vector.broadcast %logistic3A_33 : f32 to vector<736x128xf32>
    %logistic3A_35 = arith.addf %logistic3A_34, %logistic3A_32 : vector<736x128xf32>
    %logistic3A_36 = arith.divf %logistic3A_34, %logistic3A_35 : vector<736x128xf32>
    %get3A_37 = arith.constant 0 : index
    %get3A_38 = arith.constant 0 : index
    %get3A_39 = vector.load %arg8[%get3A_37, %get3A_38] : memref<128x128xf32, #tpu.memory_space<vmem>>, vector<128x128xf32>
    %dot_general3A = arith.constant dense<0.000000e+00> : vector<736x128xf32>
    %dot_general3A_40 = tpu.matmul %logistic3A_17, %get3A_39, %dot_general3A {dimension_numbers = #tpu.dot_dimension_numbers<[1], [0], [0], [1], [0, 0, 1, 1], [], []>, transpose_lhs_hint = false} : vector<736x128xf32>, vector<128x128xf32>, vector<736x128xf32> -> vector<736x128xf32>
    %get3A_41 = arith.constant 0 : index
    %get3A_42 = arith.constant 0 : index
    %get3A_43 = vector.load %arg10[%get3A_41, %get3A_42] : memref<128x128xf32, #tpu.memory_space<vmem>>, vector<128x128xf32>
    %dot_general3A_44 = arith.constant dense<0.000000e+00> : vector<736x128xf32>
    %dot_general3A_45 = tpu.matmul %logistic3A_36, %get3A_43, %dot_general3A_44 {dimension_numbers = #tpu.dot_dimension_numbers<[1], [0], [0], [1], [0, 0, 1, 1], [], []>, transpose_lhs_hint = false} : vector<736x128xf32>, vector<128x128xf32>, vector<736x128xf32> -> vector<736x128xf32>
    %add3A_46 = arith.addf %dot_general3A_40, %dot_general3A_45 : vector<736x128xf32>
    %mul3A_47 = arith.mulf %add3A_46, %get3A_1 : vector<736x128xf32>
    %swap3A = arith.constant 0 : index
    %swap3A_48 = arith.constant 0 : index
    %swap3A_49 = vector.load %arg12[%swap3A, %swap3A_48] : memref<736x128xf32, #tpu.memory_space<vmem>>, vector<736x128xf32>
    tpu.vector_store %arg12[%swap3A, %swap3A_48], %mul3A_47 {strides = array<i32>} : memref<736x128xf32, #tpu.memory_space<vmem>>, vector<736x128xf32>,
    %get3A_50 = arith.constant 0 : index
    %get3A_51 = arith.constant 0 : index
    %get3A_52 = vector.load %arg9[%get3A_50, %get3A_51] : memref<128x128xf32, #tpu.memory_space<vmem>>, vector<128x128xf32>
    %dot_general3A_53 = arith.constant dense<0.000000e+00> : vector<736x128xf32>
    %dot_general3A_54 = tpu.matmul %logistic3A_17, %get3A_52, %dot_general3A_53 {dimension_numbers = #tpu.dot_dimension_numbers<[1], [0], [0], [1], [0, 0, 1, 1], [], []>, transpose_lhs_hint = false} : vector<736x128xf32>, vector<128x128xf32>, vector<736x128xf32> -> vector<736x128xf32>
    %get3A_55 = arith.constant 0 : index
    %get3A_56 = arith.constant 0 : index
    %get3A_57 = vector.load %arg11[%get3A_55, %get3A_56] : memref<128x128xf32, #tpu.memory_space<vmem>>, vector<128x128xf32>
    %dot_general3A_58 = arith.constant dense<0.000000e+00> : vector<736x128xf32>
    %dot_general3A_59 = tpu.matmul %logistic3A_36, %get3A_57, %dot_general3A_58 {dimension_numbers = #tpu.dot_dimension_numbers<[1], [0], [0], [1], [0, 0, 1, 1], [], []>, transpose_lhs_hint = false} : vector<736x128xf32>, vector<128x128xf32>, vector<736x128xf32> -> vector<736x128xf32>
    %add3A_60 = arith.addf %dot_general3A_54, %dot_general3A_59 : vector<736x128xf32>
    %mul3A_61 = arith.mulf %add3A_60, %get3A_1 : vector<736x128xf32>
    %swap3A_62 = arith.constant 0 : index
    %swap3A_63 = arith.constant 0 : index
    %swap3A_64 = vector.load %arg13[%swap3A_62, %swap3A_63] : memref<736x128xf32, #tpu.memory_space<vmem>>, vector<736x128xf32>
    tpu.vector_store %arg13[%swap3A_62, %swap3A_63], %mul3A_61 {strides = array<i32>} : memref<736x128xf32, #tpu.memory_space<vmem>>, vector<736x128xf32>,
    return
  }
  func.func @transform_0(%arg0: i32) -> (i32, i32) {
    %c0_i32 = arith.constant 0 : i32
    %c0_i32_0 = arith.constant 0 : i32
    return %arg0, %c0_i32 : i32, i32
  }
  func.func @transform_1(%arg0: i32) -> (i32, i32) {
    %c0_i32 = arith.constant 0 : i32
    %c0_i32_0 = arith.constant 0 : i32
    return %arg0, %c0_i32 : i32, i32
  }
  func.func @transform_2(%arg0: i32) -> (i32, i32) {
    %c0_i32 = arith.constant 0 : i32
    %c0_i32_0 = arith.constant 0 : i32
    return %arg0, %c0_i32 : i32, i32
  }
  func.func @transform_3(%arg0: i32) -> (i32, i32) {
    %c0_i32 = arith.constant 0 : i32
    %c0_i32_0 = arith.constant 0 : i32
    return %arg0, %c0_i32 : i32, i32
  }
  func.func @transform_4(%arg0: i32) -> (i32, i32) {
    %c0_i32 = arith.constant 0 : i32
    %c0_i32_0 = arith.constant 0 : i32
    return %arg0, %c0_i32 : i32, i32
  }
  func.func @transform_5(%arg0: i32) -> (i32, i32) {
    %c0_i32 = arith.constant 0 : i32
    %c0_i32_0 = arith.constant 0 : i32
    %c0_i32_1 = arith.constant 0 : i32
    return %c0_i32, %c0_i32_0 : i32, i32
  }
  func.func @transform_6(%arg0: i32) -> (i32, i32) {
    %c0_i32 = arith.constant 0 : i32
    %c0_i32_0 = arith.constant 0 : i32
    %c0_i32_1 = arith.constant 0 : i32
    return %c0_i32, %c0_i32_0 : i32, i32
  }
  func.func @transform_7(%arg0: i32) -> (i32, i32) {
    %c0_i32 = arith.constant 0 : i32
    %c0_i32_0 = arith.constant 0 : i32
    %c0_i32_1 = arith.constant 0 : i32
    return %c0_i32, %c0_i32_0 : i32, i32
  }
  func.func @transform_8(%arg0: i32) -> (i32, i32) {
    %c0_i32 = arith.constant 0 : i32
    %c0_i32_0 = arith.constant 0 : i32
    %c0_i32_1 = arith.constant 0 : i32
    return %c0_i32, %c0_i32_0 : i32, i32
  }
  func.func @transform_9(%arg0: i32) -> (i32, i32) {
    %c0_i32 = arith.constant 0 : i32
    %c0_i32_0 = arith.constant 0 : i32
    %c0_i32_1 = arith.constant 0 : i32
    return %c0_i32, %c0_i32_0 : i32, i32
  }
  func.func @transform_10(%arg0: i32) -> (i32, i32) {
    %c0_i32 = arith.constant 0 : i32
    %c0_i32_0 = arith.constant 0 : i32
    %c0_i32_1 = arith.constant 0 : i32
    return %c0_i32, %c0_i32_0 : i32, i32
  }
  func.func @transform_11(%arg0: i32) -> (i32, i32) {
    %c0_i32 = arith.constant 0 : i32
    %c0_i32_0 = arith.constant 0 : i32
    return %arg0, %c0_i32 : i32, i32
  }
  func.func @transform_12(%arg0: i32) -> (i32, i32) {
    %c0_i32 = arith.constant 0 : i32
    %c0_i32_0 = arith.constant 0 : i32
    return %arg0, %c0_i32 : i32, i32
  }
}

module attributes {stable_mosaic.version = 14 : i64} {
  func.func @body(%arg0: i32, %arg1: memref<736x128xf32, #tpu.memory_space<vmem>>, %arg2: memref<736x128xf32, #tpu.memory_space<vmem>>, %arg3: memref<736x128xf32, #tpu.memory_space<vmem>>, %arg4: memref<736x128xf32, #tpu.memory_space<vmem>>, %arg5: memref<736x128xf32, #tpu.memory_space<vmem>>, %arg6: memref<1x128xf32, #tpu.memory_space<vmem>>, %arg7: memref<1x128xf32, #tpu.memory_space<vmem>>, %arg8: memref<128x16xf32, #tpu.memory_space<vmem>>, %arg9: memref<128x16xf32, #tpu.memory_space<vmem>>, %arg10: memref<1x16xf32, #tpu.memory_space<vmem>>, %arg11: memref<736x16xf32, #tpu.memory_space<vmem>>) attributes {dimension_semantics = [#tpu.dimension_semantics<arbitrary>], iteration_bounds = array<i64: 17>, scalar_prefetch = 0 : i64, scratch_operands = 0 : i64, tpu.core_type = #tpu.core_type<tc>, window_params = [{transform_indices = @transform_0, window_bounds = array<i64: 736, 128>}, {transform_indices = @transform_1, window_bounds = array<i64: 736, 128>}, {transform_indices = @transform_2, window_bounds = array<i64: 736, 128>}, {transform_indices = @transform_3, window_bounds = array<i64: 736, 128>}, {transform_indices = @transform_4, window_bounds = array<i64: 736, 128>}, {pipeline_mode = #tpu.pipeline_mode<synchronous>, transform_indices = @transform_5, window_bounds = array<i64: 1, 128>}, {pipeline_mode = #tpu.pipeline_mode<synchronous>, transform_indices = @transform_6, window_bounds = array<i64: 1, 128>}, {pipeline_mode = #tpu.pipeline_mode<synchronous>, transform_indices = @transform_7, window_bounds = array<i64: 128, 16>}, {pipeline_mode = #tpu.pipeline_mode<synchronous>, transform_indices = @transform_8, window_bounds = array<i64: 128, 16>}, {pipeline_mode = #tpu.pipeline_mode<synchronous>, transform_indices = @transform_9, window_bounds = array<i64: 1, 16>}, {transform_indices = @transform_10, window_bounds = array<i64: 736, 16>}]} {
    %get3A = arith.constant 0 : index
    %get3A_0 = arith.constant 0 : index
    %get3A_1 = vector.load %arg5[%get3A, %get3A_0] : memref<736x128xf32, #tpu.memory_space<vmem>>, vector<736x128xf32>
    %get3A_2 = arith.constant 0 : index
    %get3A_3 = arith.constant 0 : index
    %get3A_4 = vector.load %arg1[%get3A_2, %get3A_3] : memref<736x128xf32, #tpu.memory_space<vmem>>, vector<736x128xf32>
    %get3A_5 = arith.constant 0 : index
    %get3A_6 = arith.constant 0 : index
    %get3A_7 = vector.load %arg3[%get3A_5, %get3A_6] : memref<736x128xf32, #tpu.memory_space<vmem>>, vector<736x128xf32>
    %add3A = arith.addf %get3A_4, %get3A_7 : vector<736x128xf32>
    %mul3A = arith.mulf %add3A, %get3A_1 : vector<736x128xf32>
    %get3A_8 = arith.constant 0 : index
    %get3A_9 = arith.constant 0 : index
    %get3A_10 = vector.load %arg6[%get3A_8, %get3A_9] : memref<1x128xf32, #tpu.memory_space<vmem>>, vector<1x128xf32>
    %add3A_11 = vector.broadcast %get3A_10 : vector<1x128xf32> to vector<736x128xf32>
    %add3A_12 = arith.addf %mul3A, %add3A_11 : vector<736x128xf32>
    %logistic3A = arith.negf %add3A_12 : vector<736x128xf32>
    %logistic3A_13 = math.exp %logistic3A : vector<736x128xf32>
    %logistic3A_14 = arith.constant 1.000000e+00 : f32
    %logistic3A_15 = vector.broadcast %logistic3A_14 : f32 to vector<736x128xf32>
    %logistic3A_16 = arith.addf %logistic3A_15, %logistic3A_13 : vector<736x128xf32>
    %logistic3A_17 = arith.divf %logistic3A_15, %logistic3A_16 : vector<736x128xf32>
    %get3A_18 = arith.constant 0 : index
    %get3A_19 = arith.constant 0 : index
    %get3A_20 = vector.load %arg2[%get3A_18, %get3A_19] : memref<736x128xf32, #tpu.memory_space<vmem>>, vector<736x128xf32>
    %get3A_21 = arith.constant 0 : index
    %get3A_22 = arith.constant 0 : index
    %get3A_23 = vector.load %arg4[%get3A_21, %get3A_22] : memref<736x128xf32, #tpu.memory_space<vmem>>, vector<736x128xf32>
    %add3A_24 = arith.addf %get3A_20, %get3A_23 : vector<736x128xf32>
    %mul3A_25 = arith.mulf %add3A_24, %get3A_1 : vector<736x128xf32>
    %get3A_26 = arith.constant 0 : index
    %get3A_27 = arith.constant 0 : index
    %get3A_28 = vector.load %arg7[%get3A_26, %get3A_27] : memref<1x128xf32, #tpu.memory_space<vmem>>, vector<1x128xf32>
    %add3A_29 = vector.broadcast %get3A_28 : vector<1x128xf32> to vector<736x128xf32>
    %add3A_30 = arith.addf %mul3A_25, %add3A_29 : vector<736x128xf32>
    %logistic3A_31 = arith.negf %add3A_30 : vector<736x128xf32>
    %logistic3A_32 = math.exp %logistic3A_31 : vector<736x128xf32>
    %logistic3A_33 = arith.constant 1.000000e+00 : f32
    %logistic3A_34 = vector.broadcast %logistic3A_33 : f32 to vector<736x128xf32>
    %logistic3A_35 = arith.addf %logistic3A_34, %logistic3A_32 : vector<736x128xf32>
    %logistic3A_36 = arith.divf %logistic3A_34, %logistic3A_35 : vector<736x128xf32>
    %get3A_37 = arith.constant 0 : index
    %get3A_38 = arith.constant 0 : index
    %get3A_39 = vector.load %arg8[%get3A_37, %get3A_38] : memref<128x16xf32, #tpu.memory_space<vmem>>, vector<128x16xf32>
    %dot_general3A = arith.constant dense<0.000000e+00> : vector<736x16xf32>
    %dot_general3A_40 = tpu.matmul %logistic3A_17, %get3A_39, %dot_general3A {dimension_numbers = #tpu.dot_dimension_numbers<[1], [0], [0], [1], [0, 0, 1, 1], [], []>, transpose_lhs_hint = false} : vector<736x128xf32>, vector<128x16xf32>, vector<736x16xf32> -> vector<736x16xf32>
    %get3A_41 = arith.constant 0 : index
    %get3A_42 = arith.constant 0 : index
    %get3A_43 = vector.load %arg9[%get3A_41, %get3A_42] : memref<128x16xf32, #tpu.memory_space<vmem>>, vector<128x16xf32>
    %dot_general3A_44 = arith.constant dense<0.000000e+00> : vector<736x16xf32>
    %dot_general3A_45 = tpu.matmul %logistic3A_36, %get3A_43, %dot_general3A_44 {dimension_numbers = #tpu.dot_dimension_numbers<[1], [0], [0], [1], [0, 0, 1, 1], [], []>, transpose_lhs_hint = false} : vector<736x128xf32>, vector<128x16xf32>, vector<736x16xf32> -> vector<736x16xf32>
    %add3A_46 = arith.addf %dot_general3A_40, %dot_general3A_45 : vector<736x16xf32>
    %get3A_47 = arith.constant 0 : index
    %get3A_48 = arith.constant 0 : index
    %get3A_49 = vector.load %arg10[%get3A_47, %get3A_48] : memref<1x16xf32, #tpu.memory_space<vmem>>, vector<1x16xf32>
    %add3A_50 = vector.broadcast %get3A_49 : vector<1x16xf32> to vector<736x16xf32>
    %add3A_51 = arith.addf %add3A_46, %add3A_50 : vector<736x16xf32>
    %logistic3A_52 = arith.negf %add3A_51 : vector<736x16xf32>
    %logistic3A_53 = math.exp %logistic3A_52 : vector<736x16xf32>
    %logistic3A_54 = arith.constant 1.000000e+00 : f32
    %logistic3A_55 = vector.broadcast %logistic3A_54 : f32 to vector<736x16xf32>
    %logistic3A_56 = arith.addf %logistic3A_55, %logistic3A_53 : vector<736x16xf32>
    %logistic3A_57 = arith.divf %logistic3A_55, %logistic3A_56 : vector<736x16xf32>
    %swap3A = arith.constant 0 : index
    %swap3A_58 = arith.constant 0 : index
    %swap3A_59 = vector.load %arg11[%swap3A, %swap3A_58] : memref<736x16xf32, #tpu.memory_space<vmem>>, vector<736x16xf32>
    tpu.vector_store %arg11[%swap3A, %swap3A_58], %logistic3A_57 {strides = array<i32>} : memref<736x16xf32, #tpu.memory_space<vmem>>, vector<736x16xf32>,
    return
  }
  func.func @transform_0(%arg0: i32) -> (i32, i32) {
    %c0_i32 = arith.constant 0 : i32
    %c0_i32_0 = arith.constant 0 : i32
    return %arg0, %c0_i32 : i32, i32
  }
  func.func @transform_1(%arg0: i32) -> (i32, i32) {
    %c0_i32 = arith.constant 0 : i32
    %c0_i32_0 = arith.constant 0 : i32
    return %arg0, %c0_i32 : i32, i32
  }
  func.func @transform_2(%arg0: i32) -> (i32, i32) {
    %c0_i32 = arith.constant 0 : i32
    %c0_i32_0 = arith.constant 0 : i32
    return %arg0, %c0_i32 : i32, i32
  }
  func.func @transform_3(%arg0: i32) -> (i32, i32) {
    %c0_i32 = arith.constant 0 : i32
    %c0_i32_0 = arith.constant 0 : i32
    return %arg0, %c0_i32 : i32, i32
  }
  func.func @transform_4(%arg0: i32) -> (i32, i32) {
    %c0_i32 = arith.constant 0 : i32
    %c0_i32_0 = arith.constant 0 : i32
    return %arg0, %c0_i32 : i32, i32
  }
  func.func @transform_5(%arg0: i32) -> (i32, i32) {
    %c0_i32 = arith.constant 0 : i32
    %c0_i32_0 = arith.constant 0 : i32
    %c0_i32_1 = arith.constant 0 : i32
    return %c0_i32, %c0_i32_0 : i32, i32
  }
  func.func @transform_6(%arg0: i32) -> (i32, i32) {
    %c0_i32 = arith.constant 0 : i32
    %c0_i32_0 = arith.constant 0 : i32
    %c0_i32_1 = arith.constant 0 : i32
    return %c0_i32, %c0_i32_0 : i32, i32
  }
  func.func @transform_7(%arg0: i32) -> (i32, i32) {
    %c0_i32 = arith.constant 0 : i32
    %c0_i32_0 = arith.constant 0 : i32
    %c0_i32_1 = arith.constant 0 : i32
    return %c0_i32, %c0_i32_0 : i32, i32
  }
  func.func @transform_8(%arg0: i32) -> (i32, i32) {
    %c0_i32 = arith.constant 0 : i32
    %c0_i32_0 = arith.constant 0 : i32
    %c0_i32_1 = arith.constant 0 : i32
    return %c0_i32, %c0_i32_0 : i32, i32
  }
  func.func @transform_9(%arg0: i32) -> (i32, i32) {
    %c0_i32 = arith.constant 0 : i32
    %c0_i32_0 = arith.constant 0 : i32
    %c0_i32_1 = arith.constant 0 : i32
    return %c0_i32, %c0_i32_0 : i32, i32
  }
  func.func @transform_10(%arg0: i32) -> (i32, i32) {
    %c0_i32 = arith.constant 0 : i32
    %c0_i32_0 = arith.constant 0 : i32
    return %arg0, %c0_i32 : i32, i32
  }
}

</mosaic_0001>

<sc_bundles>
// kernel: kernel.12.cloned.1.call-start
scs
__scs_entry_jumppad:
0x0: {  	(pc) =	sbr.rel $0x88, $3  }
0x1: {  	(tag) =	ssettag $0x0;
	lr =	simm.s32 $0x1  }
0x2: {  	[smem:$0x3F99] =	sst lr;
	_ =	strace $0xD0000000  }
0x3: {  	_ = 	snop  }
0x4: {  	_ = 	snop  }
0x5: {  	_ = 	snop  }
0x6: {  	_ = 	snop  }
0x7: {  	_ = 	snop  }
__scs_overlays_trampoline_lowered:
0x8: {  	[smem:$0x3FA8] =	sst s0  }
0x9: {  	[smem:$0x3FA9] =	sst s1  }
0xa: {  	[smem:$0x3FAA] =	sst s2  }
0xb: {  	[smem:$0x3FAB] =	sst s3  }
0xc: {  	[smem:$0x3FAC] =	sst s4  }
0xd: {  	[smem:$0x3FAD] =	sst s5  }
0xe: {  	[smem:$0x3FAE] =	sst s6  }
0xf: {  	[smem:$0x3FAF] =	sst s7  }
0x10: {  	[smem:$0x3FB0] =	sst s8  }
0x11: {  	[smem:$0x3FB1] =	sst s9;
	s0 =	simm.s32 @!p0 $0x0  }
0x12: {  	s1 =	sld [smem:$0x3F97];
	s0 =	simm.s32 @p0 $0x1  }
0x13: {  	[smem:$0x3FB2] =	sst s0;
	s0 =	simm.s32 @!p1 $0x0  }
0x14: {  	s2 =	sld [smem:$0x3F96];
	s0 =	simm.s32 @p1 $0x1  }
0x15: {  	[smem:$0x3FB3] =	sst s0;
	s0 =	simm.s32 @!p2 $0x0  }
0x16: {  	s3 =	sld [smem:$0x3FDB];
	s0 =	simm.s32 @p2 $0x1  }
0x17: {  	s4 =	simm.s32 $0x1BF5;
	[smem:$0x3FB5] =	sst s0  }
0x18: {  	s0 =	sld [smem:$0x3F98];
	_ =	swait.ge [sflag:s4], $0x0  }
0x19: {  	s7 =	sld [smem:$0x3F99]  }
0x1a: {  	s8 =	sadd.s32 $0xFFFFE003, lr  }
0x1b: {  	s9 =	sadd.s32 $0xFFFFFEF7, lr;
	s5 =	simm.s32 $0xFFFFFFFF;
	p2 =	slt.u32 s8, $0xFFFFF086  }
0x1c: {  	p1 =	slt.u32 s9, $0xF7A;
	s5 =	simm.s32 @!p2 $0x0  }
0x1d: {  	s5 =	simm.s32 @p1 $0x1;
	p0 =	seq.s32 s7, s2  }
0x1e: {  	s7 =	smul.u32 @!p0 $0xF7A, s2;
	p2 =	seq.s32 @!p0 s5, $0x0  }
0x1f: {  	s9 =	smul.u32 $0xF7A, s1;
	s8 =	simm.s32 @!p0 $0x1BF5;
	p2 =	por !p2, p0  }
0x20: {  	[sflag:s8] =	ssyncset.s32 @!p0 $0xFFFFF086;
	s6 =	sadd.s32 @!p0 s3, s7;
	s7 =	simm.s32 @!p0 $0x108  }
0x21: {  	s3 =	sadd.s32 s3, s9;
	s6 =	sadd.s32 @!p0 $0x88, s6;
	s7 =	simm.s32 @p2 $0x1082  }
0x22: {  	[simem:s7], [sflag:s8] =	dma.local @!p0 [hbm:s6], $0xF7A  }
0x23: {  	s9 =	sor.u32 $0xD0000000, s2;
	s6 =	simm.s32 $0x108;
	_ =	swait.ge @!p0 [sflag:s8], $0x0  }
0x24: {  	s3 =	sadd.s32 $0x88, s3;
	s6 =	simm.s32 @!p1 $0x1082;
	[sflag:s4] =	ssyncset.s32 $0xFFFFF086  }
0x25: {  	[simem:s6], [sflag:s4] =	dma.local [hbm:s3], $0xF7A  }
0x26: {  	[smem:$0x3F99] =	sst s1;
	(tag) =	ssettag s2;
	_ =	strace s9  }
0x27: {  	s1 =	sld [smem:$0x3FA9]  }
0x28: {  	s2 =	sld [smem:$0x3FAA]  }
0x29: {  	s4 =	sld [smem:$0x3FAC]  }
0x2a: {  	p0 =	seq.s32 s5, $0x0;
	s5 =	sld [smem:$0x3FAD]  }
0x2b: {  	s6 =	sld [smem:$0x3FAE]  }
0x2c: {  	s7 =	sld [smem:$0x3FAF]  }
0x2d: {  	s3 =	simm.s32 $0x108;
	s8 =	sld [smem:$0x3FB0]  }
0x2e: {  	s3 =	simm.s32 @!p0 $0x1082;
	s9 =	sld [smem:$0x3FB1]  }
0x2f: {  	lr =	sadd.s32 s0, s3;
	s0 =	sld [smem:$0x3FA8]  }
0x30: {  	s3 =	sld [smem:$0x3FAB]  }
0x31: {  	[smem:$0x3FB4] =	sst s10  }
0x32: {  	s10 =	sld [smem:$0x3FB2];
	_ =	sdelay $0x3  }
0x33: {  	p0 =	seq.s32 s10, $0x1;
	s10 =	sld [smem:$0x3FB4];
	_ =	sdelay $0x3  }
0x34: {  	[smem:$0x3FB4] =	sst s10  }
0x35: {  	s10 =	sld [smem:$0x3FB3];
	_ =	sdelay $0x3  }
0x36: {  	p1 =	seq.s32 s10, $0x1;
	s10 =	sld [smem:$0x3FB4];
	_ =	sdelay $0x3  }
0x37: {  	[smem:$0x3FB4] =	sst s10  }
0x38: {  	s10 =	sld [smem:$0x3FB5]  }
0x39: {  	_ = 	snop;
	(pc) =	sbr.ind lr, $3  }
0x3a: {  	_ = 	snop  }
0x3b: {  	_ = 	snop  }
0x3c: {  	p2 =	seq.s32 s10, $0x1;
	s10 =	sld [smem:$0x3FB4]  }
0x3d: {  	_ =	shalt  }
0x3e: {  	_ =	shalt  }
0x3f: {  	_ =	shalt  }
0x40: {  	_ =	shalt  }
0x41: {  	_ =	shalt  }
0x42: {  	_ =	shalt  }
0x43: {  	_ =	shalt  }
0x44: {  	_ =	shalt  }
0x45: {  	_ =	shalt  }
0x46: {  	_ =	shalt  }
0x47: {  	_ =	shalt  }
0x48: {  	_ =	shalt  }
0x49: {  	_ =	shalt  }
0x4a: {  	_ =	shalt  }
0x4b: {  	_ =	shalt  }
0x4c: {  	_ =	shalt  }
0x4d: {  	_ =	shalt  }
0x4e: {  	_ =	shalt  }
0x4f: {  	_ =	shalt  }
0x50: {  	_ =	shalt  }
0x51: {  	_ =	shalt  }
0x52: {  	_ =	shalt  }
0x53: {  	_ =	shalt  }
0x54: {  	_ =	shalt  }
0x55: {  	_ =	shalt  }
0x56: {  	_ =	shalt  }
0x57: {  	_ =	shalt  }
0x58: {  	_ =	shalt  }
0x59: {  	_ =	shalt  }
0x5a: {  	_ =	shalt  }
0x5b: {  	_ =	shalt  }
0x5c: {  	_ =	shalt  }
0x5d: {  	_ =	shalt  }
0x5e: {  	_ =	shalt  }
0x5f: {  	_ =	shalt  }
0x60: {  	_ =	shalt  }
0x61: {  	_ =	shalt  }
0x62: {  	_ =	shalt  }
0x63: {  	_ =	shalt  }
0x64: {  	_ =	shalt  }
0x65: {  	_ =	shalt  }
0x66: {  	_ =	shalt  }
0x67: {  	_ =	shalt  }
0x68: {  	_ =	shalt  }
0x69: {  	_ =	shalt  }
0x6a: {  	_ =	shalt  }
0x6b: {  	_ =	shalt  }
0x6c: {  	_ =	shalt  }
0x6d: {  	_ =	shalt  }
0x6e: {  	_ =	shalt  }
0x6f: {  	_ =	shalt  }
0x70: {  	_ =	shalt  }
0x71: {  	_ =	shalt  }
0x72: {  	_ =	shalt  }
0x73: {  	_ =	shalt  }
0x74: {  	_ =	shalt  }
0x75: {  	_ =	shalt  }
0x76: {  	_ =	shalt  }
0x77: {  	_ =	shalt  }
0x78: {  	_ =	shalt  }
0x79: {  	_ =	shalt  }
0x7a: {  	_ =	shalt  }
0x7b: {  	_ =	shalt  }
0x7c: {  	_ =	shalt  }
0x7d: {  	_ =	shalt  }
0x7e: {  	_ =	shalt  }
0x7f: {  	_ =	shalt  }
0x80: {  	_ =	shalt  }
0x81: {  	_ =	shalt  }
0x82: {  	_ =	shalt  }
0x83: {  	_ =	shalt  }
0x84: {  	_ =	shalt  }
0x85: {  	_ =	shalt  }
0x86: {  	_ =	shalt  }
0x87: {  	_ =	shalt  }
.Lfunc_end0:
.L_simem_size_0:
called_computation.1_lowered:
.L_overlay_start_0:
0x88: {  	s2 =	sld [smem:$0x3FD9]  }
0x89: {  	s3 =	sld [smem:$0x3FFE];
	_ =	sdelay $0x1  }
0x8a: {  	s1 =	srdreg.scid  }
0x8b: {  	s0 =	sand.u32 $0x1, s1  }
0x8c: {  	s16 =	sshll.u32 s0, $0xA;
	s2 =	sadd.s32 s3, s2  }
0x8d: {  	s2 =	sadd.s32 s2, s16  }
0x8e: {  	[smem:$0x3FC0] =	sst s2  }
0x8f: {  	_ = 	snop  }
0x90: {  	(tm) =	ssettm $0x1  }
0x91: {  	s17 =	sld [smem:$0x3FFB];
	_ =	sdelay $0x3  }
0x92: {  	_ =	strace s17  }
0x93: {  	s2 =	sld [smem:$0x3FFC];
	_ =	sdelay $0x3  }
0x94: {  	_ =	strace s2  }
0x95: {  	s2 =	sld [smem:$0x3FFD];
	_ =	sdelay $0x3  }
0x96: {  	_ =	strace s2  }
0x97: {  	_ =	strace $0x8FFFFFFF  }
0x98: {  	s18 =	sld [smem:$0x3FDB];
	_ =	sdelay $0x1  }
0x99: {  	s19 =	simm.s32 $_scs_section_size  }
0x9a: {  	s4 =	simm.s32 $_size__tile_overlayer_lowered;
	s5 =	simm.s32 $_tile_overlayer_lowered  }
0x9b: {  	s22 =	simm.s32 $0x1BFF;
	s21 =	sshll.u32 s5, $0x1;
	s2 =	sadd.s32 s19, s18  }
0x9c: {  	s6 =	simm.s32 $0x0;
	s20 =	sshll.u32 s4, $0x1;
	s4 =	sadd.s32 s21, s2  }
0x9d: {  	[timem:s6], [sflag:s22] =	dma.local [hbm:s4], s20  }
0x9e: {  	_ =	swait.ge [sflag:s22], s20  }
0x9f: {  	s3 =	ssub.s32 $0x0, s20;
	[sflag:s22] =	ssyncset.done $0x0  }
0xa0: {  	[sflag:s22] =	ssyncadd.s32 s3;
	_ =	sdelay $0x1  }
0xa1: {  	s23 =	simm.s32 $0x1B8B  }
0xa2: {  	_ =	swait.ge [sflag:s23], $0x1  }
0xa3: {  	[sflag:s23] =	ssyncset.done $0x0  }
0xa4: {  	s25 =	simm.s32 $0x1B8E;
	s24 =	sld [smem:$0x3FFE];
	[sflag:s23] =	ssyncadd.s32 $0xFFFFFFFF  }
0xa5: {  	s26 =	simm.s32 $execute0_lowered;
	[smem:$0x3FD2] =	sst s25  }
0xa6: {  	s4 =	sshll.u32 s26, $0x1;
	_ =	strace $0x80000049;
	[dreg:$0x1] =	wrdreg $0xFFFFFFFF  }
0xa7: {  	s28 =	simm.s32 $_size_execute0_lowered;
	s2 =	sadd.s32 s2, s4;
	[dreg:$0x0] =	wrdreg $0x0  }
0xa8: {  	s4 =	sshll.u32 s28, $0x1;
	[dreg:$0x2] =	wrdreg s2  }
0xa9: {  	[dreg:$0x3] =	wrdreg s4  }
0xaa: {  	[dreg:$0x4] =	wrdreg $0xC0  }
0xab: {  	_ =	task [dreg:s6], $0x5FFFF  }
0xac: {  	[dreg:$0x1] =	wrdreg $0xFFFFFFFF  }
0xad: {  	[dreg:$0x0] =	wrdreg $0x60  }
0xae: {  	[dreg:$0x2] =	wrdreg s24  }
0xaf: {  	[dreg:$0x3] =	wrdreg $0x9  }
0xb0: {  	_ =	task.clear_ibuf [dreg:s6], $0x4FFFF;
	_ =	strace $0x90000049  }
0xb1: {  	s29 =	simm.s32 $0x9;
	_ =	strace $0x8000004B  }
0xb2: {  	_ =	swait.ge [sflag:s29], $0x1  }
0xb3: {  	[sflag:s29] =	ssyncadd.s32 $0xFFFFFFFF  }
0xb4: {  	_ =	strace $0x9000004B  }
0xb5: {  	_ =	sfence  }
0xb6: {  	s30 =	sld [smem:$0x0];
	_ =	sdelay $0x2  }
0xb7: {  	s31 =	sshll.u32 s1, $0xD;
	s1 =	sshrl.u32 s1, $0x2  }
0xb8: {  	s3 =	sand.u32 $0x4000, s31;
	s1 =	sadd.s32 s1, s30  }
0xb9: {  	s0 =	sor.u32 s3, s0;
	s1 =	sshll.u32 s1, $0x11  }
0xba: {  	s0 =	sor.u32 s1, s0  }
0xbb: {  	s0 =	sadd.s32 $0x8F2B, s0  }
0xbc: {  	[sflag:s0] =	ssyncadd.remote.s32 $0x1  }
0xbd: {  	_ =	sfence.sel $0xFFFF  }
0xbe: {  	[dreg:$0x0] =	wrdreg $0xFFFFFFFF;
	(pc) =	sbr.abs _section_cstart, $3  }
0xbf: {  	[dreg:$0x1] =	wrdreg $0xFFFFFFFF  }
0xc0: {  	_ =	task.clear_ibuf [dreg:s6], $0x2FFFF;
	_ =	strace $0x9FFFFFFF  }
0xc1: {  	(tm) =	ssettm $0x7FFFFFFF  }
tec
execute0_lowered:
.L_overlay_start_1:
0x0: {  	(tag) =	ssettag $0x1  }
0x1: {  	s0 =	srdreg.scid  }
0x2: {  	s4 =	rddreg [dreg:$0x0];
	s3 =	sand.u32 $0x1, s0  }
0x3: {  	s2 =	simm.s32 $0x0;
	s0 =	stileid.u32;
	s1 =	sshll.u32 s3, $0x4  }
0x4: {  	s8 =	simm.s32 $0x1;
	s9 =	simm.s32 $0x1880;
	s5 =	sor.u32 s0, s1  }
0x5: {  	s10 =	simm.s32 $0x2;
	s11 =	simm.s32 $0x0;
	s6 =	smul.u32 $0xC38, s5  }
0x6: {  	[smem:$0x7FF] =	sst s2;
	s3 =	ssub.s32 $0x2, s3;
	s5 =	smul.u32 $0x1870, s5  }
0x7: {  	s1 =	rddreg [dreg:$0x1];
	_ =	strace $0x8000004A;
	s6 =	sshrl.u32 s6, $0x3  }
0x8: {  	s7 =	sshrl.u32 s3, $0x1;
	s5 =	sadd.s32 s5, s4;
	s6 =	sadd.s32 s6, s4  }
0x9: {  	s7 =	ssub.s32 s3, s7;
	s5 =	sadd.s32 $0x6C800, s5;
	s3 =	sadd.s32 $0x66600, s6  }
0xa: {  	s4 =	sadd.s32 $0x696E0, s6;
	s6 =	smax.u32 s7, $0x1;
	s7 =	simm.s32 $0xC40  }
.LBB2_1:
0xb: {  	[tilespmem:s2], [sflag:$0x1] =	stream.linear.gather [hbm4b:s3+s2], $0xC38, $0x38;
	[tilespmem:$0xDC80] =	vst v63  }
0xc: {  	_ = 	snop  }
0xd: {  	[tilespmem:s7], [sflag:$0x1] =	stream.linear.gather [hbm4b:s4+s2], $0xC38, $0x38;
	[tilespmem:$0xDC80] =	vst v63  }
0xe: {  	_ =	swait.ge [sflag:s8], $0xC38  }
0xf: {  	[sflag:s8] =	ssyncset.done $0x0  }
0x10: {  	[sflag:s8] =	ssyncadd.s32 $0xFFFFF3C8  }
0x11: {  	_ =	swait.ge [sflag:s8], $0xC38  }
0x12: {  	[sflag:s8] =	ssyncset.done $0x0  }
0x13: {  	s12 =	simm.s32 $0x0;
	[sflag:s8] =	ssyncadd.s32 $0xFFFFF3C8  }
0x14: {  	v0 =	vld [tilespmem:s12+$0xC40]  }
0x15: {  	v1 =	vld [tilespmem:s12+$0x0];
	_ =	sdelay $0x4  }
0x16: {  	v0 =	vadd.f32 v0, v1;
	_ =	sdelay $0x1  }
0x17: {  	v0 =	vadd.f32 $1.000000000e+00, v0;
	_ =	sdelay $0x1  }
0x18: {  	v1 =	vshra.s32 v0, $0x1;
	v0 =	vmul.f32 $5.000000000e-01, v0  }
0x19: {  	v1 =	vsub.s32 $0x5F3759DF, v1  }
0x1a: {  	v2 =	vmul.f32 v1, v0;
	_ =	sdelay $0x1  }
0x1b: {  	v2 =	vmul.f32 v1, v2;
	_ =	sdelay $0x1  }
0x1c: {  	v2 =	vsub.f32 $1.500000000e+00, v2;
	_ =	sdelay $0x1  }
0x1d: {  	v1 =	vmul.f32 v1, v2;
	_ =	sdelay $0x1  }
0x1e: {  	v2 =	vmul.f32 v1, v0;
	_ =	sdelay $0x1  }
0x1f: {  	v2 =	vmul.f32 v2, v1;
	_ =	sdelay $0x1  }
0x20: {  	v2 =	vsub.f32 $1.500000000e+00, v2;
	_ =	sdelay $0x1  }
0x21: {  	v1 =	vmul.f32 v2, v1;
	_ =	sdelay $0x1  }
0x22: {  	v0 =	vmul.f32 v1, v0;
	_ =	sdelay $0x1  }
0x23: {  	v0 =	vmul.f32 v0, v1;
	_ =	sdelay $0x1  }
0x24: {  	v0 =	vsub.f32 $1.500000000e+00, v0;
	_ =	sdelay $0x1  }
0x25: {  	v0 =	vmul.f32 v0, v1;
	_ =	sdelay $0x1  }
0x26: {  	v1 =	vbroadcast v0, $0xF  }
0x27: {  	s12 =	simm.s32 $0x1900;
	v2 =	vbroadcast v0, $0xE  }
0x28: {  	v3 =	vbroadcast v0, $0xD;
	[tilespmem:s12+$0x70] =	vst v1  }
0x29: {  	v1 =	vbroadcast v0, $0xC;
	[tilespmem:s12+$0x60] =	vst v2  }
0x2a: {  	v2 =	vbroadcast v0, $0xB;
	[tilespmem:s12+$0x50] =	vst v3  }
0x2b: {  	v3 =	vbroadcast v0, $0xA;
	[tilespmem:s12+$0x40] =	vst v1  }
0x2c: {  	v1 =	vbroadcast v0, $0x9;
	[tilespmem:s12+$0x30] =	vst v2  }
0x2d: {  	v2 =	vbroadcast v0, $0x8;
	[tilespmem:s12+$0x20] =	vst v3  }
0x2e: {  	v3 =	vbroadcast v0, $0x7;
	[tilespmem:s12+$0x10] =	vst v1  }
0x2f: {  	v1 =	vbroadcast v0, $0x6;
	[tilespmem:s12+$0x0] =	vst v2  }
0x30: {  	v2 =	vbroadcast v0, $0x5;
	[tilespmem:s12+$0xFFFFFFF0] =	vst v3  }
0x31: {  	v3 =	vbroadcast v0, $0x4;
	[tilespmem:s12+$0xFFFFFFE0] =	vst v1  }
0x32: {  	v1 =	vbroadcast v0, $0x3;
	[tilespmem:s12+$0xFFFFFFD0] =	vst v2  }
0x33: {  	v2 =	vbroadcast v0, $0x2;
	[tilespmem:s12+$0xFFFFFFC0] =	vst v3  }
0x34: {  	v3 =	vbroadcast v0, $0x1;
	[tilespmem:s12+$0xFFFFFFB0] =	vst v1  }
0x35: {  	v0 =	vbroadcast v0, $0x0;
	[tilespmem:s12+$0xFFFFFFA0] =	vst v2  }
0x36: {  	[tilespmem:s12+$0xFFFFFF90] =	vst v3  }
0x37: {  	s14 =	simm.s32 $0x10;
	[tilespmem:s12+$0xFFFFFF80] =	vst v0  }
0x38: {  	s13 =	simm.s32 $0x80;
	v0 =	vld [tilespmem:s14+$0xC40]  }
.LBB2_2:
0x39: {  	p0 =	sne.s32 s13, $0x30C0;
	v1 =	vld [tilespmem:s14+$0x0];
	_ =	sdelay $0x4  }
0x3a: {  	v0 =	vadd.f32 v0, v1;
	_ =	sdelay $0x1  }
0x3b: {  	v0 =	vadd.f32 $1.000000000e+00, v0;
	_ =	sdelay $0x1  }
0x3c: {  	v1 =	vshra.s32 v0, $0x1;
	v0 =	vmul.f32 $5.000000000e-01, v0  }
0x3d: {  	v1 =	vsub.s32 $0x5F3759DF, v1  }
0x3e: {  	v2 =	vmul.f32 v1, v0;
	_ =	sdelay $0x1  }
0x3f: {  	v2 =	vmul.f32 v1, v2;
	_ =	sdelay $0x1  }
0x40: {  	v2 =	vsub.f32 $1.500000000e+00, v2;
	_ =	sdelay $0x1  }
0x41: {  	v1 =	vmul.f32 v1, v2;
	_ =	sdelay $0x1  }
0x42: {  	v2 =	vmul.f32 v1, v0;
	_ =	sdelay $0x1  }
0x43: {  	v2 =	vmul.f32 v2, v1;
	_ =	sdelay $0x1  }
0x44: {  	v2 =	vsub.f32 $1.500000000e+00, v2;
	_ =	sdelay $0x1  }
0x45: {  	v1 =	vmul.f32 v2, v1;
	_ =	sdelay $0x1  }
0x46: {  	v0 =	vmul.f32 v1, v0;
	_ =	sdelay $0x1  }
0x47: {  	v0 =	vmul.f32 v0, v1;
	_ =	sdelay $0x1  }
0x48: {  	v0 =	vsub.f32 $1.500000000e+00, v0;
	_ =	sdelay $0x1  }
0x49: {  	v0 =	vmul.f32 v0, v1;
	_ =	sdelay $0x1  }
0x4a: {  	v1 =	vbroadcast v0, $0xE;
	v2 =	vbroadcast v0, $0xF  }
0x4b: {  	s12 =	sadd.s32 $0x100, s12;
	v3 =	vbroadcast v0, $0xC;
	v4 =	vbroadcast v0, $0xD  }
0x4c: {  	v5 =	vbroadcast v0, $0xA;
	v6 =	vbroadcast v0, $0xB;
	[tilespmem:s12+$0x70] =	vst v2  }
0x4d: {  	v7 =	vbroadcast v0, $0x9;
	v2 =	vbroadcast v0, $0x8;
	[tilespmem:s12+$0x60] =	vst v1  }
0x4e: {  	v8 =	vbroadcast v0, $0x7;
	v1 =	vbroadcast v0, $0x6;
	[tilespmem:s12+$0x50] =	vst v4  }
0x4f: {  	v9 =	vbroadcast v0, $0x5;
	v4 =	vbroadcast v0, $0x4;
	[tilespmem:s12+$0x40] =	vst v3  }
0x50: {  	v10 =	vbroadcast v0, $0x3;
	v3 =	vbroadcast v0, $0x2;
	[tilespmem:s12+$0x30] =	vst v6  }
0x51: {  	v6 =	vbroadcast v0, $0x0;
	v0 =	vbroadcast v0, $0x1;
	[tilespmem:s12+$0x20] =	vst v5  }
0x52: {  	[tilespmem:s12+$0x10] =	vst v7  }
0x53: {  	[tilespmem:s12+$0x0] =	vst v2  }
0x54: {  	[tilespmem:s12+$0xFFFFFFF0] =	vst v8  }
0x55: {  	[tilespmem:s12+$0xFFFFFFE0] =	vst v1  }
0x56: {  	[tilespmem:s12+$0xFFFFFFD0] =	vst v9  }
0x57: {  	[tilespmem:s12+$0xFFFFFFC0] =	vst v4  }
.Ltmp0:
0x58: {  	[tilespmem:s12+$0xFFFFFFB0] =	vst v10;
	(pc) =	sbr.rel @p0 .LBB2_2-.Ltmp0, $4  }
0x59: {  	[tilespmem:s12+$0xFFFFFFA0] =	vst v3  }
0x5a: {  	[tilespmem:s12+$0xFFFFFF90] =	vst v0  }
0x5b: {  	s14 =	sshra.s32 s13, $0x2;
	[tilespmem:s12+$0xFFFFFF80] =	vst v6  }
0x5c: {  	s13 =	sadd.s32 $0x40, s13;
	v0 =	vld [tilespmem:s14+$0xC40]  }
0x5d: {  	v1 =	vld [tilespmem:s14+$0x0];
	_ =	sdelay $0x4  }
0x5e: {  	v0 =	vadd.f32 v0, v1;
	_ =	sdelay $0x1  }
0x5f: {  	v0 =	vadd.f32 $1.000000000e+00, v0;
	_ =	sdelay $0x1  }
0x60: {  	v50 =	vshra.s32 v0, $0x1;
	v0 =	vmul.f32 $5.000000000e-01, v0  }
0x61: {  	v1 =	vsub.s32 $0x5F3759DF, v50  }
0x62: {  	v2 =	vmul.f32 v1, v0;
	_ =	sdelay $0x1  }
0x63: {  	v2 =	vmul.f32 v1, v2;
	_ =	sdelay $0x1  }
0x64: {  	v2 =	vsub.f32 $1.500000000e+00, v2;
	_ =	sdelay $0x1  }
0x65: {  	v1 =	vmul.f32 v1, v2;
	_ =	sdelay $0x1  }
0x66: {  	v2 =	vmul.f32 v1, v0;
	_ =	sdelay $0x1  }
0x67: {  	v2 =	vmul.f32 v2, v1;
	_ =	sdelay $0x1  }
0x68: {  	v2 =	vsub.f32 $1.500000000e+00, v2;
	_ =	sdelay $0x1  }
0x69: {  	v1 =	vmul.f32 v2, v1;
	_ =	sdelay $0x1  }
0x6a: {  	v0 =	vmul.f32 v1, v0;
	_ =	sdelay $0x1  }
0x6b: {  	v0 =	vmul.f32 v0, v1;
	_ =	sdelay $0x1  }
0x6c: {  	v0 =	vsub.f32 $1.500000000e+00, v0;
	_ =	sdelay $0x1  }
0x6d: {  	v0 =	vmul.f32 v0, v1;
	_ =	sdelay $0x1  }
0x6e: {  	v1 =	vbroadcast v0, $0xF  }
0x6f: {  	s12 =	sadd.s32 $0x100, s12;
	v51 =	vbroadcast v0, $0xE  }
0x70: {  	v3 =	vbroadcast v0, $0xD;
	[tilespmem:s12+$0x70] =	vst v1  }
0x71: {  	v52 =	vbroadcast v0, $0xC;
	[tilespmem:s12+$0x60] =	vst v51  }
0x72: {  	v53 =	vbroadcast v0, $0xB;
	[tilespmem:s12+$0x50] =	vst v3  }
0x73: {  	v54 =	vbroadcast v0, $0xA;
	[tilespmem:s12+$0x40] =	vst v52  }
0x74: {  	v55 =	vbroadcast v0, $0x9;
	[tilespmem:s12+$0x30] =	vst v53  }
0x75: {  	v56 =	vbroadcast v0, $0x8;
	[tilespmem:s12+$0x20] =	vst v54  }
0x76: {  	v57 =	vbroadcast v0, $0x7;
	[tilespmem:s12+$0x10] =	vst v55  }
0x77: {  	v58 =	vbroadcast v0, $0x6;
	[tilespmem:s12+$0x0] =	vst v56  }
0x78: {  	v59 =	vbroadcast v0, $0x5;
	[tilespmem:s12+$0xFFFFFFF0] =	vst v57  }
0x79: {  	v60 =	vbroadcast v0, $0x4;
	[tilespmem:s12+$0xFFFFFFE0] =	vst v58  }
0x7a: {  	v61 =	vbroadcast v0, $0x3;
	[tilespmem:s12+$0xFFFFFFD0] =	vst v59  }
0x7b: {  	v62 =	vbroadcast v0, $0x2;
	[tilespmem:s12+$0xFFFFFFC0] =	vst v60  }
0x7c: {  	v63 =	vbroadcast v0, $0x1;
	[tilespmem:s12+$0xFFFFFFB0] =	vst v61  }
0x7d: {  	s11 =	sadd.s32 $0x1, s11;
	v0 =	vbroadcast v0, $0x0;
	[tilespmem:s12+$0xFFFFFFA0] =	vst v62  }
0x7e: {  	p0 =	sne.s32 s11, s6;
	[tilespmem:s12+$0xFFFFFF90] =	vst v63  }
.Ltmp1:
0x7f: {  	[tilespmem:s12+$0xFFFFFF80] =	vst v0;
	(pc) =	sbr.rel @p0 .LBB2_1-.Ltmp1, $4  }
0x80: {  	[hbm4b:s5+s2] =	stream.linear.scatter [tilespmem:s9], [sflag:$0x2], $0xC380, $0x38;
	[tilespmem:$0xDC80] =	vst v63  }
0x81: {  	_ =	swait.ge [sflag:s10], $0xC380  }
0x82: {  	[sflag:s10] =	ssyncset.done $0x0  }
0x83: {  	[sflag:s10] =	ssyncadd.s32 $0xFFFF3C80  }
0x84: {  	_ =	sfence.sel $0x180000  }
0x85: {  	[bflag:$0x0] =	sbarrier.arrive $0xFFFF  }
0x86: {  	p0 =	sne.s32 s0, $0x0;
	_ =	strace $0x9000004A  }
0x87: {  	s0 =	sadd.s32 @!p0 $0x100000, s1;
	[bflag:$0x2] =	sbarrier.arrive $0xFFFF  }
0x88: {  	[sflag:s0] =	ssyncadd.tile.s32 @!p0 $0x1;
	_ =	shalt  }
.Lfunc_end2:
_tile_overlayer_lowered:
.L_overlay_start_2:
0x89: {  	(tag) =	ssettag $0x2  }
0x8a: {  	s0 =	rddreg [dreg:$0x0];
	s2 =	stileid.u32  }
0x8b: {  	s1 =	rddreg [dreg:$0x1];
	p0 =	sne.s32 s2, $0x0  }
0x8c: {  	s3 =	rddreg [dreg:$0x2];
	[bflag:$0x3] =	sbarrier.arrive $0xFFFF;
	s2 =	simm.s32 @!p0 $0x1C02  }
0x8d: {  	[timem:s3], [sflag:s2] =	dma.local @!p0 [hbm:s0], s1  }
0x8e: {  	s0 =	simm.s32 @!p0 $0x2  }
0x8f: {  	_ =	swait.ge @!p0 [sflag:s0], s1  }
0x90: {  	s1 =	ssub.s32 @!p0 $0x0, s1;
	[sflag:s0] =	ssyncset.done @!p0 $0x0  }
0x91: {  	[sflag:s0] =	ssyncadd.s32 @!p0 s1  }
0x92: {  	[bflag:$0x3] =	sbarrier.arrive $0xFFFF  }
0x93: {  	_ =	shalt  }

// kernel: kernel.15.cloned.1.call-start
scs
__scs_entry_jumppad:
0x0: {  	(pc) =	sbr.rel $0x88, $3  }
0x1: {  	(tag) =	ssettag $0x0;
	lr =	simm.s32 $0x1  }
0x2: {  	[smem:$0x3F99] =	sst lr;
	_ =	strace $0xD0000000  }
0x3: {  	_ = 	snop  }
0x4: {  	_ = 	snop  }
0x5: {  	_ = 	snop  }
0x6: {  	_ = 	snop  }
0x7: {  	_ = 	snop  }
__scs_overlays_trampoline_lowered:
0x8: {  	[smem:$0x3FA8] =	sst s0  }
0x9: {  	[smem:$0x3FA9] =	sst s1  }
0xa: {  	[smem:$0x3FAA] =	sst s2  }
0xb: {  	[smem:$0x3FAB] =	sst s3  }
0xc: {  	[smem:$0x3FAC] =	sst s4  }
0xd: {  	[smem:$0x3FAD] =	sst s5  }
0xe: {  	[smem:$0x3FAE] =	sst s6  }
0xf: {  	[smem:$0x3FAF] =	sst s7  }
0x10: {  	[smem:$0x3FB0] =	sst s8  }
0x11: {  	[smem:$0x3FB1] =	sst s9;
	s0 =	simm.s32 @!p0 $0x0  }
0x12: {  	s1 =	sld [smem:$0x3F97];
	s0 =	simm.s32 @p0 $0x1  }
0x13: {  	[smem:$0x3FB2] =	sst s0;
	s0 =	simm.s32 @!p1 $0x0  }
0x14: {  	s2 =	sld [smem:$0x3F96];
	s0 =	simm.s32 @p1 $0x1  }
0x15: {  	[smem:$0x3FB3] =	sst s0;
	s0 =	simm.s32 @!p2 $0x0  }
0x16: {  	s3 =	sld [smem:$0x3FDB];
	s0 =	simm.s32 @p2 $0x1  }
0x17: {  	s4 =	simm.s32 $0x1BF5;
	[smem:$0x3FB5] =	sst s0  }
0x18: {  	s0 =	sld [smem:$0x3F98];
	_ =	swait.ge [sflag:s4], $0x0  }
0x19: {  	s7 =	sld [smem:$0x3F99]  }
0x1a: {  	s8 =	sadd.s32 $0xFFFFE003, lr  }
0x1b: {  	s9 =	sadd.s32 $0xFFFFFEF7, lr;
	s5 =	simm.s32 $0xFFFFFFFF;
	p2 =	slt.u32 s8, $0xFFFFF086  }
0x1c: {  	p1 =	slt.u32 s9, $0xF7A;
	s5 =	simm.s32 @!p2 $0x0  }
0x1d: {  	s5 =	simm.s32 @p1 $0x1;
	p0 =	seq.s32 s7, s2  }
0x1e: {  	s7 =	smul.u32 @!p0 $0xF7A, s2;
	p2 =	seq.s32 @!p0 s5, $0x0  }
0x1f: {  	s9 =	smul.u32 $0xF7A, s1;
	s8 =	simm.s32 @!p0 $0x1BF5;
	p2 =	por !p2, p0  }
0x20: {  	[sflag:s8] =	ssyncset.s32 @!p0 $0xFFFFF086;
	s6 =	sadd.s32 @!p0 s3, s7;
	s7 =	simm.s32 @!p0 $0x108  }
0x21: {  	s3 =	sadd.s32 s3, s9;
	s6 =	sadd.s32 @!p0 $0x88, s6;
	s7 =	simm.s32 @p2 $0x1082  }
0x22: {  	[simem:s7], [sflag:s8] =	dma.local @!p0 [hbm:s6], $0xF7A  }
0x23: {  	s9 =	sor.u32 $0xD0000000, s2;
	s6 =	simm.s32 $0x108;
	_ =	swait.ge @!p0 [sflag:s8], $0x0  }
0x24: {  	s3 =	sadd.s32 $0x88, s3;
	s6 =	simm.s32 @!p1 $0x1082;
	[sflag:s4] =	ssyncset.s32 $0xFFFFF086  }
0x25: {  	[simem:s6], [sflag:s4] =	dma.local [hbm:s3], $0xF7A  }
0x26: {  	[smem:$0x3F99] =	sst s1;
	(tag) =	ssettag s2;
	_ =	strace s9  }
0x27: {  	s1 =	sld [smem:$0x3FA9]  }
0x28: {  	s2 =	sld [smem:$0x3FAA]  }
0x29: {  	s4 =	sld [smem:$0x3FAC]  }
0x2a: {  	p0 =	seq.s32 s5, $0x0;
	s5 =	sld [smem:$0x3FAD]  }
0x2b: {  	s6 =	sld [smem:$0x3FAE]  }
0x2c: {  	s7 =	sld [smem:$0x3FAF]  }
0x2d: {  	s3 =	simm.s32 $0x108;
	s8 =	sld [smem:$0x3FB0]  }
0x2e: {  	s3 =	simm.s32 @!p0 $0x1082;
	s9 =	sld [smem:$0x3FB1]  }
0x2f: {  	lr =	sadd.s32 s0, s3;
	s0 =	sld [smem:$0x3FA8]  }
0x30: {  	s3 =	sld [smem:$0x3FAB]  }
0x31: {  	[smem:$0x3FB4] =	sst s10  }
0x32: {  	s10 =	sld [smem:$0x3FB2];
	_ =	sdelay $0x3  }
0x33: {  	p0 =	seq.s32 s10, $0x1;
	s10 =	sld [smem:$0x3FB4];
	_ =	sdelay $0x3  }
0x34: {  	[smem:$0x3FB4] =	sst s10  }
0x35: {  	s10 =	sld [smem:$0x3FB3];
	_ =	sdelay $0x3  }
0x36: {  	p1 =	seq.s32 s10, $0x1;
	s10 =	sld [smem:$0x3FB4];
	_ =	sdelay $0x3  }
0x37: {  	[smem:$0x3FB4] =	sst s10  }
0x38: {  	s10 =	sld [smem:$0x3FB5]  }
0x39: {  	_ = 	snop;
	(pc) =	sbr.ind lr, $3  }
0x3a: {  	_ = 	snop  }
0x3b: {  	_ = 	snop  }
0x3c: {  	p2 =	seq.s32 s10, $0x1;
	s10 =	sld [smem:$0x3FB4]  }
0x3d: {  	_ =	shalt  }
0x3e: {  	_ =	shalt  }
0x3f: {  	_ =	shalt  }
0x40: {  	_ =	shalt  }
0x41: {  	_ =	shalt  }
0x42: {  	_ =	shalt  }
0x43: {  	_ =	shalt  }
0x44: {  	_ =	shalt  }
0x45: {  	_ =	shalt  }
0x46: {  	_ =	shalt  }
0x47: {  	_ =	shalt  }
0x48: {  	_ =	shalt  }
0x49: {  	_ =	shalt  }
0x4a: {  	_ =	shalt  }
0x4b: {  	_ =	shalt  }
0x4c: {  	_ =	shalt  }
0x4d: {  	_ =	shalt  }
0x4e: {  	_ =	shalt  }
0x4f: {  	_ =	shalt  }
0x50: {  	_ =	shalt  }
0x51: {  	_ =	shalt  }
0x52: {  	_ =	shalt  }
0x53: {  	_ =	shalt  }
0x54: {  	_ =	shalt  }
0x55: {  	_ =	shalt  }
0x56: {  	_ =	shalt  }
0x57: {  	_ =	shalt  }
0x58: {  	_ =	shalt  }
0x59: {  	_ =	shalt  }
0x5a: {  	_ =	shalt  }
0x5b: {  	_ =	shalt  }
0x5c: {  	_ =	shalt  }
0x5d: {  	_ =	shalt  }
0x5e: {  	_ =	shalt  }
0x5f: {  	_ =	shalt  }
0x60: {  	_ =	shalt  }
0x61: {  	_ =	shalt  }
0x62: {  	_ =	shalt  }
0x63: {  	_ =	shalt  }
0x64: {  	_ =	shalt  }
0x65: {  	_ =	shalt  }
0x66: {  	_ =	shalt  }
0x67: {  	_ =	shalt  }
0x68: {  	_ =	shalt  }
0x69: {  	_ =	shalt  }
0x6a: {  	_ =	shalt  }
0x6b: {  	_ =	shalt  }
0x6c: {  	_ =	shalt  }
0x6d: {  	_ =	shalt  }
0x6e: {  	_ =	shalt  }
0x6f: {  	_ =	shalt  }
0x70: {  	_ =	shalt  }
0x71: {  	_ =	shalt  }
0x72: {  	_ =	shalt  }
0x73: {  	_ =	shalt  }
0x74: {  	_ =	shalt  }
0x75: {  	_ =	shalt  }
0x76: {  	_ =	shalt  }
0x77: {  	_ =	shalt  }
0x78: {  	_ =	shalt  }
0x79: {  	_ =	shalt  }
0x7a: {  	_ =	shalt  }
0x7b: {  	_ =	shalt  }
0x7c: {  	_ =	shalt  }
0x7d: {  	_ =	shalt  }
0x7e: {  	_ =	shalt  }
0x7f: {  	_ =	shalt  }
0x80: {  	_ =	shalt  }
0x81: {  	_ =	shalt  }
0x82: {  	_ =	shalt  }
0x83: {  	_ =	shalt  }
0x84: {  	_ =	shalt  }
0x85: {  	_ =	shalt  }
0x86: {  	_ =	shalt  }
0x87: {  	_ =	shalt  }
.Lfunc_end0:
.L_simem_size_0:
called_computation.2_lowered:
.L_overlay_start_0:
0x88: {  	s2 =	sld [smem:$0x3FD9]  }
0x89: {  	s3 =	sld [smem:$0x3FFE];
	_ =	sdelay $0x1  }
0x8a: {  	s1 =	srdreg.scid  }
0x8b: {  	s0 =	sand.u32 $0x1, s1  }
0x8c: {  	s16 =	sshll.u32 s0, $0xA;
	s2 =	sadd.s32 s3, s2  }
0x8d: {  	s2 =	sadd.s32 s2, s16  }
0x8e: {  	[smem:$0x3FC0] =	sst s2  }
0x8f: {  	_ = 	snop  }
0x90: {  	(tm) =	ssettm $0x1  }
0x91: {  	s17 =	sld [smem:$0x3FFB];
	_ =	sdelay $0x3  }
0x92: {  	_ =	strace s17  }
0x93: {  	s2 =	sld [smem:$0x3FFC];
	_ =	sdelay $0x3  }
0x94: {  	_ =	strace s2  }
0x95: {  	s2 =	sld [smem:$0x3FFD];
	_ =	sdelay $0x3  }
0x96: {  	_ =	strace s2  }
0x97: {  	_ =	strace $0x8FFFFFFF  }
0x98: {  	s18 =	sld [smem:$0x3FDB];
	_ =	sdelay $0x1  }
0x99: {  	s19 =	simm.s32 $_scs_section_size  }
0x9a: {  	s4 =	simm.s32 $_size__tile_overlayer_lowered;
	s5 =	simm.s32 $_tile_overlayer_lowered  }
0x9b: {  	s22 =	simm.s32 $0x1BFF;
	s21 =	sshll.u32 s5, $0x1;
	s2 =	sadd.s32 s19, s18  }
0x9c: {  	s6 =	simm.s32 $0x0;
	s20 =	sshll.u32 s4, $0x1;
	s4 =	sadd.s32 s21, s2  }
0x9d: {  	[timem:s6], [sflag:s22] =	dma.local [hbm:s4], s20  }
0x9e: {  	_ =	swait.ge [sflag:s22], s20  }
0x9f: {  	s3 =	ssub.s32 $0x0, s20;
	[sflag:s22] =	ssyncset.done $0x0  }
0xa0: {  	[sflag:s22] =	ssyncadd.s32 s3;
	_ =	sdelay $0x1  }
0xa1: {  	s23 =	simm.s32 $0x1B8B  }
0xa2: {  	_ =	swait.ge [sflag:s23], $0x1  }
0xa3: {  	[sflag:s23] =	ssyncset.done $0x0  }
0xa4: {  	s25 =	simm.s32 $0x1B8E;
	s24 =	sld [smem:$0x3FFE];
	[sflag:s23] =	ssyncadd.s32 $0xFFFFFFFF  }
0xa5: {  	s26 =	simm.s32 $execute0_lowered;
	[smem:$0x3FD2] =	sst s25  }
0xa6: {  	s4 =	sshll.u32 s26, $0x1;
	_ =	strace $0x8000004C;
	[dreg:$0x1] =	wrdreg $0xFFFFFFFF  }
0xa7: {  	s28 =	simm.s32 $_size_execute0_lowered;
	s2 =	sadd.s32 s2, s4;
	[dreg:$0x0] =	wrdreg $0x0  }
0xa8: {  	s4 =	sshll.u32 s28, $0x1;
	[dreg:$0x2] =	wrdreg s2  }
0xa9: {  	[dreg:$0x3] =	wrdreg s4  }
0xaa: {  	[dreg:$0x4] =	wrdreg $0xC0  }
0xab: {  	_ =	task [dreg:s6], $0x5FFFF  }
0xac: {  	[dreg:$0x1] =	wrdreg $0xFFFFFFFF  }
0xad: {  	[dreg:$0x0] =	wrdreg $0x60  }
0xae: {  	[dreg:$0x2] =	wrdreg s24  }
0xaf: {  	[dreg:$0x3] =	wrdreg $0x70800  }
0xb0: {  	[dreg:$0x4] =	wrdreg $0x9  }
0xb1: {  	_ =	task.clear_ibuf [dreg:s6], $0x5FFFF;
	_ =	strace $0x9000004C  }
0xb2: {  	s29 =	simm.s32 $0x9;
	_ =	strace $0x8000004E  }
0xb3: {  	_ =	swait.ge [sflag:s29], $0x1  }
0xb4: {  	[sflag:s29] =	ssyncadd.s32 $0xFFFFFFFF  }
0xb5: {  	_ =	strace $0x9000004E  }
0xb6: {  	_ =	sfence  }
0xb7: {  	s30 =	sld [smem:$0x0];
	_ =	sdelay $0x2  }
0xb8: {  	s31 =	sshll.u32 s1, $0xD;
	s1 =	sshrl.u32 s1, $0x2  }
0xb9: {  	s3 =	sand.u32 $0x4000, s31;
	s1 =	sadd.s32 s1, s30  }
0xba: {  	s0 =	sor.u32 s3, s0;
	s1 =	sshll.u32 s1, $0x11  }
0xbb: {  	s0 =	sor.u32 s1, s0  }
0xbc: {  	s0 =	sadd.s32 $0x8F2B, s0  }
0xbd: {  	[sflag:s0] =	ssyncadd.remote.s32 $0x1  }
0xbe: {  	_ =	sfence.sel $0xFFFF  }
0xbf: {  	[dreg:$0x0] =	wrdreg $0xFFFFFFFF;
	(pc) =	sbr.abs _section_cstart, $3  }
0xc0: {  	[dreg:$0x1] =	wrdreg $0xFFFFFFFF  }
0xc1: {  	_ =	task.clear_ibuf [dreg:s6], $0x2FFFF;
	_ =	strace $0x9FFFFFFF  }
0xc2: {  	(tm) =	ssettm $0x7FFFFFFF  }
0xc3: {  	_ =	shalt  }
tec
execute0_lowered:
.L_overlay_start_1:
0x0: {  	(tag) =	ssettag $0x1  }
0x1: {  	s0 =	rddreg [dreg:$0x0]  }
0x2: {  	s1 =	rddreg [dreg:$0x1];
	s2 =	simm.s32 $0x0  }
0x3: {  	s3 =	srdreg.scid;
	s13 =	stileid.u32;
	s28 =	simm.s32 $0x0  }
0x4: {  	[smem:$0x7FF] =	sst s2;
	s4 =	sadd.s32 $0x9D600, s0;
	s3 =	sand.u32 $0x1, s3  }
0x5: {  	s5 =	sadd.s32 $0xCE400, s0;
	s7 =	sadd.s32 $0x4A00, s0;
	s17 =	smul.u32 $0x18700, s13  }
0x6: {  	s9 =	sadd.s32 $0xFF200, s0;
	s0 =	sadd.s32 $0x130000, s0;
	s14 =	smul.u32 $0x186A0, s13  }
0x7: {  	s15 =	smul.u32 $0x30D4, s13;
	_ =	strace $0x8000004D;
	[dreg:$0x3] =	wrdreg s9  }
0x8: {  	s6 =	ssub.s32 $0x2, s3;
	[dreg:$0x4] =	wrdreg s0;
	p0 =	sne.s32 s3, $0x0  }
0x9: {  	s8 =	sshrl.u32 s6, $0x1;
	s30 =	sadd.s32 $0x3200, s17;
	s18 =	sadd.s32 $0x6400, s17  }
0xa: {  	s19 =	sadd.s32 $0x9600, s17;
	s20 =	sadd.s32 $0xC800, s17;
	s21 =	sadd.s32 $0xFA00, s17  }
0xb: {  	s22 =	sadd.s32 $0x12C00, s17;
	s14 =	sshrl.u32 s14, $0x3;
	s15 =	sadd.s32 s15, s7  }
0xc: {  	s31 =	sadd.s32 $0x15E00, s17;
	s29 =	ssub.s32 s6, s8;
	s8 =	sadd.s32 s17, s1  }
0xd: {  	s9 =	sadd.s32 s30, s1;
	s10 =	sadd.s32 s18, s1;
	s11 =	sadd.s32 s19, s1  }
0xe: {  	s12 =	sadd.s32 s20, s1;
	s13 =	sadd.s32 s21, s1;
	s17 =	sshrl.u32 s17, $0x3  }
0xf: {  	s14 =	sadd.s32 s7, s14;
	s6 =	sshrl.u32 s30, $0x3;
	[dreg:$0x5] =	wrdreg s17  }
0x10: {  	s16 =	sadd.s32 s22, s1;
	s18 =	sshrl.u32 s18, $0x3;
	[dreg:$0x6] =	wrdreg s6  }
0x11: {  	s19 =	sshrl.u32 s19, $0x3;
	s23 =	sshrl.u32 s20, $0x3;
	[dreg:$0x7] =	wrdreg s18  }
0x12: {  	s24 =	sshrl.u32 s21, $0x3;
	s25 =	sshrl.u32 s22, $0x3;
	[dreg:$0x8] =	wrdreg s19  }
0x13: {  	s3 =	sshrl.u32 s31, $0x3;
	s7 =	simm.s32 $0x640;
	[dreg:$0x9] =	wrdreg s23  }
0x14: {  	s20 =	simm.s32 $0x960;
	s21 =	simm.s32 $0x2;
	[dreg:$0xa] =	wrdreg s24  }
0x15: {  	s22 =	simm.s32 $0x3E80;
	[dreg:$0xb] =	wrdreg s25;
	s24 =	sadd.s32 s31, s1  }
0x16: {  	[dreg:$0xc] =	wrdreg s3;
	s0 =	smax.u32 s29, $0x1;
	s26 =	sadd.s32 $0x30D40, s14  }
0x17: {  	s29 =	sadd.s32 $0x64, s14;
	s30 =	sadd.s32 $0x30DA4, s14;
	s31 =	sadd.s32 $0x3070, s14  }
.Ltmp0:
0x18: {  	s3 =	simm.s32 $0xC80;
	[dreg:$0xd] =	wrdreg s0;
	(pc) =	sbr.rel .LBB2_1-.Ltmp0, $4  }
0x19: {  	s6 =	simm.s32 $0x5;
	s17 =	simm.s32 $0x1;
	[dreg:$0xe] =	wrdreg s26  }
0x1a: {  	s18 =	simm.s32 $0x320;
	s19 =	simm.s32 $0x3;
	[dreg:$0xf] =	wrdreg s29  }
0x1b: {  	s23 =	simm.s32 $0x4;
	s25 =	simm.s32 $0x6;
	[dreg:$0x10] =	wrdreg s30  }
0x1c: {  	v0 =	vimm.f32 $0.0e+00;
	[dreg:$0x11] =	wrdreg s31;
	s0 =	sadd.s32 $0x33DB0, s14;
	s26 =	simm.s32 $0x7  }
.LBB2_9:
0x1d: {  	[spmem:s1] =	stream.indirect.scatter.add.f32 [tilespmem:s22], [sflag:$0x6], $0x10, s20, s18, $0xb8;
	[tilespmem:$0x1F780] =	vst v63  }
0x1e: {  	s30 =	smov.u32 s5;
	s29 =	rddreg [dreg:$0x4]  }
.LBB2_10:
0x1f: {  	_ =	swait.ge [sflag:s6], $0x3200  }
0x20: {  	[sflag:s6] =	ssyncset.done $0x0  }
0x21: {  	s31 =	rddreg [dreg:$0x11];
	[sflag:s6] =	ssyncadd.s32 $0xFFFFCE00  }
0x22: {  	[tilespmem:s2], [sflag:$0x1] =	stream.linear.gather [hbm4b:s31+s2], $0x320, $0x38;
	[tilespmem:$0x1F780] =	vst v63  }
0x23: {  	_ = 	snop  }
0x24: {  	[tilespmem:s7], [sflag:$0x1] =	stream.linear.gather [hbm4b:s0+s2], $0x320, $0x38;
	[tilespmem:$0x1F780] =	vst v63  }
0x25: {  	_ =	swait.ge [sflag:s17], $0x320  }
0x26: {  	[sflag:s17] =	ssyncset.done $0x0  }
0x27: {  	[sflag:s17] =	ssyncadd.s32 $0xFFFFFCE0  }
0x28: {  	_ =	swait.ge [sflag:s17], $0x320  }
0x29: {  	[sflag:s17] =	ssyncset.done $0x0  }
0x2a: {  	[sflag:s17] =	ssyncadd.s32 $0xFFFFFCE0  }
0x2b: {  	[tilespmem:s3], [sflag:$0x3] =	stream.indirect.gather [hbm4b:s30+s18], $0x10, s2, s18, $0xb8;
	[tilespmem:$0x1F780] =	vst v63  }
0x2c: {  	_ =	swait.ge [sflag:s19], $0x3200  }
0x2d: {  	[sflag:s19] =	ssyncset.done $0x0  }
0x2e: {  	[sflag:s19] =	ssyncadd.s32 $0xFFFFCE00  }
0x2f: {  	[spmem:s1] =	stream.indirect.scatter.add.f32 [tilespmem:s3], [sflag:$0x5], $0x10, s7, s18, $0xb8;
	[tilespmem:$0x1F780] =	vst v63  }
0x30: {  	_ =	swait.ge [sflag:s25], $0x3200  }
0x31: {  	[sflag:s25] =	ssyncset.done $0x0  }
0x32: {  	[sflag:s25] =	ssyncadd.s32 $0xFFFFCE00  }
0x33: {  	_ =	swait.ge [sflag:s6], $0x3200  }
0x34: {  	[sflag:s6] =	ssyncset.done $0x0  }
0x35: {  	[sflag:s6] =	ssyncadd.s32 $0xFFFFCE00  }
0x36: {  	[bflag:$0x0] =	sbarrier.arrive $0xFFFF  }
0x37: {  	[tilespmem:s3], [sflag:$0x7] =	stream.linear.gather [spmem:s8], $0x3200, $0x38;
	[tilespmem:$0x1F780] =	vst v63  }
0x38: {  	_ =	swait.ge [sflag:s26], $0x3200  }
0x39: {  	[sflag:s26] =	ssyncset.done $0x0;
	s31 =	rddreg [dreg:$0x5]  }
0x3a: {  	s30 =	sadd.s32 s29, s31;
	[sflag:s26] =	ssyncadd.s32 $0xFFFFCE00  }
0x3b: {  	[hbm4b:s30+s2] =	stream.linear.scatter [tilespmem:s3], [sflag:$0x5], $0x3200, $0x38;
	[tilespmem:$0x1F780] =	vst v63  }
0x3c: {  	_ = 	snop  }
0x3d: {  	[tilespmem:s22], [sflag:$0x7] =	stream.linear.gather [spmem:s9], $0x3200, $0x38;
	[tilespmem:$0x1F780] =	vst v63  }
0x3e: {  	_ =	swait.ge [sflag:s26], $0x3200  }
0x3f: {  	[sflag:s26] =	ssyncset.done $0x0;
	s31 =	rddreg [dreg:$0x6]  }
0x40: {  	s30 =	sadd.s32 s29, s31;
	[sflag:s26] =	ssyncadd.s32 $0xFFFFCE00  }
0x41: {  	[hbm4b:s30+s2] =	stream.linear.scatter [tilespmem:s22], [sflag:$0x6], $0x3200, $0x38;
	[tilespmem:$0x1F780] =	vst v63  }
0x42: {  	_ =	swait.ge [sflag:s6], $0x3200  }
0x43: {  	[sflag:s6] =	ssyncset.done $0x0  }
0x44: {  	[sflag:s6] =	ssyncadd.s32 $0xFFFFCE00  }
0x45: {  	[tilespmem:s3], [sflag:$0x7] =	stream.linear.gather [spmem:s10], $0x3200, $0x38;
	[tilespmem:$0x1F780] =	vst v63  }
0x46: {  	_ =	swait.ge [sflag:s26], $0x3200  }
0x47: {  	[sflag:s26] =	ssyncset.done $0x0;
	s31 =	rddreg [dreg:$0x7]  }
0x48: {  	s30 =	sadd.s32 s29, s31;
	[sflag:s26] =	ssyncadd.s32 $0xFFFFCE00  }
0x49: {  	[hbm4b:s30+s2] =	stream.linear.scatter [tilespmem:s3], [sflag:$0x5], $0x3200, $0x38;
	[tilespmem:$0x1F780] =	vst v63  }
0x4a: {  	_ =	swait.ge [sflag:s25], $0x3200  }
0x4b: {  	[sflag:s25] =	ssyncset.done $0x0  }
0x4c: {  	[sflag:s25] =	ssyncadd.s32 $0xFFFFCE00  }
0x4d: {  	[tilespmem:s22], [sflag:$0x7] =	stream.linear.gather [spmem:s11], $0x3200, $0x38;
	[tilespmem:$0x1F780] =	vst v63  }
0x4e: {  	_ =	swait.ge [sflag:s26], $0x3200  }
0x4f: {  	[sflag:s26] =	ssyncset.done $0x0;
	s31 =	rddreg [dreg:$0x8]  }
0x50: {  	s30 =	sadd.s32 s29, s31;
	[sflag:s26] =	ssyncadd.s32 $0xFFFFCE00  }
0x51: {  	[hbm4b:s30+s2] =	stream.linear.scatter [tilespmem:s22], [sflag:$0x6], $0x3200, $0x38;
	[tilespmem:$0x1F780] =	vst v63  }
0x52: {  	_ =	swait.ge [sflag:s6], $0x3200  }
0x53: {  	[sflag:s6] =	ssyncset.done $0x0  }
0x54: {  	[sflag:s6] =	ssyncadd.s32 $0xFFFFCE00  }
0x55: {  	[tilespmem:s3], [sflag:$0x7] =	stream.linear.gather [spmem:s12], $0x3200, $0x38;
	[tilespmem:$0x1F780] =	vst v63  }
0x56: {  	_ =	swait.ge [sflag:s26], $0x3200  }
0x57: {  	[sflag:s26] =	ssyncset.done $0x0;
	s31 =	rddreg [dreg:$0x9]  }
0x58: {  	s30 =	sadd.s32 s29, s31;
	[sflag:s26] =	ssyncadd.s32 $0xFFFFCE00  }
0x59: {  	[hbm4b:s30+s2] =	stream.linear.scatter [tilespmem:s3], [sflag:$0x5], $0x3200, $0x38;
	[tilespmem:$0x1F780] =	vst v63  }
0x5a: {  	_ =	swait.ge [sflag:s25], $0x3200  }
0x5b: {  	[sflag:s25] =	ssyncset.done $0x0  }
0x5c: {  	[sflag:s25] =	ssyncadd.s32 $0xFFFFCE00  }
0x5d: {  	[tilespmem:s22], [sflag:$0x7] =	stream.linear.gather [spmem:s13], $0x3200, $0x38;
	[tilespmem:$0x1F780] =	vst v63  }
0x5e: {  	_ =	swait.ge [sflag:s26], $0x3200  }
0x5f: {  	[sflag:s26] =	ssyncset.done $0x0;
	s31 =	rddreg [dreg:$0xa]  }
0x60: {  	s30 =	sadd.s32 s29, s31;
	[sflag:s26] =	ssyncadd.s32 $0xFFFFCE00  }
0x61: {  	[hbm4b:s30+s2] =	stream.linear.scatter [tilespmem:s22], [sflag:$0x6], $0x3200, $0x38;
	[tilespmem:$0x1F780] =	vst v63  }
0x62: {  	_ =	swait.ge [sflag:s6], $0x3200  }
0x63: {  	[sflag:s6] =	ssyncset.done $0x0  }
0x64: {  	[sflag:s6] =	ssyncadd.s32 $0xFFFFCE00  }
0x65: {  	[tilespmem:s3], [sflag:$0x7] =	stream.linear.gather [spmem:s16], $0x3200, $0x38;
	[tilespmem:$0x1F780] =	vst v63  }
0x66: {  	_ =	swait.ge [sflag:s26], $0x3200  }
0x67: {  	[sflag:s26] =	ssyncset.done $0x0;
	s31 =	rddreg [dreg:$0xb]  }
0x68: {  	s30 =	sadd.s32 s29, s31;
	[sflag:s26] =	ssyncadd.s32 $0xFFFFCE00  }
0x69: {  	[hbm4b:s30+s2] =	stream.linear.scatter [tilespmem:s3], [sflag:$0x5], $0x3200, $0x38;
	[tilespmem:$0x1F780] =	vst v63  }
0x6a: {  	_ =	swait.ge [sflag:s25], $0x3200  }
0x6b: {  	[sflag:s25] =	ssyncset.done $0x0  }
0x6c: {  	[sflag:s25] =	ssyncadd.s32 $0xFFFFCE00  }
0x6d: {  	[tilespmem:s22], [sflag:$0x7] =	stream.linear.gather [spmem:s24], $0x2900, $0x38;
	[tilespmem:$0x1F780] =	vst v63  }
0x6e: {  	_ =	swait.ge [sflag:s26], $0x2900  }
0x6f: {  	[sflag:s26] =	ssyncset.done $0x0;
	s31 =	rddreg [dreg:$0xc]  }
0x70: {  	s30 =	sadd.s32 s29, s31;
	[sflag:s26] =	ssyncadd.s32 $0xFFFFD700  }
0x71: {  	[hbm4b:s30+s2] =	stream.linear.scatter [tilespmem:s22], [sflag:$0x6], $0x2900, $0x38;
	[tilespmem:$0x1F780] =	vst v63  }
0x72: {  	_ =	swait.ge [sflag:s6], $0x3200  }
0x73: {  	[sflag:s6] =	ssyncset.done $0x0  }
0x74: {  	[sflag:s6] =	ssyncadd.s32 $0xFFFFCE00  }
0x75: {  	_ =	swait.ge [sflag:s25], $0x2900  }
0x76: {  	s28 =	sadd.s32 $0x1, s28;
	s31 =	rddreg [dreg:$0xd]  }
0x77: {  	p1 =	sne.s32 s28, s31  }
.Ltmp1:
0x78: {  	_ = 	snop;
	(pc) =	sbr.rel @!p1 .LBB2_11-.Ltmp1, $3  }
0x79: {  	_ =	sdelay $0x1  }
0x7a: {  	[sflag:s25] =	ssyncset.done $0x0  }
0x7b: {  	[sflag:s25] =	ssyncadd.s32 $0xFFFFD700  }
.LBB2_1:
0x7c: {  	s29 =	simm.s32 $0x40;
	s30 =	simm.s32 $0x0  }
.LBB2_2:
0x7d: {  	p1 =	sne.s32 s29, $0xC7C0;
	[tilespmem:s30+$0xC80] =	vst v0;
	s30 =	smov.u32 s29;
	s29 =	sadd.s32 $0x40, s29  }
.Ltmp2:
0x7e: {  	(pc) =	sbr.rel @p1 .LBB2_2-.Ltmp2, $2  }
0x7f: {  	_ =	sdelay $0x2  }
0x80: {  	s30 =	sshra.s32 s30, $0x2  }
0x81: {  	[tilespmem:s30+$0xC80] =	vst v0  }
0x82: {  	[spmem:s8] =	stream.linear.scatter [tilespmem:s3], [sflag:$0x5], $0x3200, $0x38;
	[tilespmem:$0x1F780] =	vst v63  }
0x83: {  	_ = 	snop  }
0x84: {  	[spmem:s9] =	stream.linear.scatter [tilespmem:s3], [sflag:$0x5], $0x3200, $0x38;
	[tilespmem:$0x1F780] =	vst v63  }
0x85: {  	_ = 	snop  }
0x86: {  	[spmem:s10] =	stream.linear.scatter [tilespmem:s3], [sflag:$0x5], $0x3200, $0x38;
	[tilespmem:$0x1F780] =	vst v63  }
0x87: {  	_ = 	snop  }
0x88: {  	[spmem:s11] =	stream.linear.scatter [tilespmem:s3], [sflag:$0x5], $0x3200, $0x38;
	[tilespmem:$0x1F780] =	vst v63  }
0x89: {  	_ = 	snop  }
0x8a: {  	[spmem:s12] =	stream.linear.scatter [tilespmem:s3], [sflag:$0x5], $0x3200, $0x38;
	[tilespmem:$0x1F780] =	vst v63  }
0x8b: {  	_ = 	snop  }
0x8c: {  	[spmem:s13] =	stream.linear.scatter [tilespmem:s3], [sflag:$0x5], $0x3200, $0x38;
	[tilespmem:$0x1F780] =	vst v63  }
0x8d: {  	_ = 	snop  }
0x8e: {  	[spmem:s16] =	stream.linear.scatter [tilespmem:s3], [sflag:$0x5], $0x3200, $0x38;
	[tilespmem:$0x1F780] =	vst v63  }
0x8f: {  	_ = 	snop  }
0x90: {  	[spmem:s24] =	stream.linear.scatter [tilespmem:s3], [sflag:$0x5], $0x2900, $0x38;
	[tilespmem:$0x1F780] =	vst v63  }
0x91: {  	_ =	swait.ge [sflag:s6], $0x3200  }
0x92: {  	[sflag:s6] =	ssyncset.done $0x0  }
0x93: {  	[sflag:s6] =	ssyncadd.s32 $0xFFFFCE00  }
0x94: {  	_ =	swait.ge [sflag:s6], $0x3200  }
0x95: {  	[sflag:s6] =	ssyncset.done $0x0  }
0x96: {  	[sflag:s6] =	ssyncadd.s32 $0xFFFFCE00  }
0x97: {  	_ =	swait.ge [sflag:s6], $0x3200  }
0x98: {  	[sflag:s6] =	ssyncset.done $0x0  }
0x99: {  	[sflag:s6] =	ssyncadd.s32 $0xFFFFCE00  }
0x9a: {  	_ =	swait.ge [sflag:s6], $0x3200  }
0x9b: {  	[sflag:s6] =	ssyncset.done $0x0  }
0x9c: {  	[sflag:s6] =	ssyncadd.s32 $0xFFFFCE00  }
0x9d: {  	_ =	swait.ge [sflag:s6], $0x3200  }
0x9e: {  	[sflag:s6] =	ssyncset.done $0x0  }
0x9f: {  	[sflag:s6] =	ssyncadd.s32 $0xFFFFCE00  }
0xa0: {  	_ =	swait.ge [sflag:s6], $0x3200  }
0xa1: {  	[sflag:s6] =	ssyncset.done $0x0  }
0xa2: {  	[sflag:s6] =	ssyncadd.s32 $0xFFFFCE00  }
0xa3: {  	_ =	swait.ge [sflag:s6], $0x3200  }
0xa4: {  	[sflag:s6] =	ssyncset.done $0x0  }
0xa5: {  	[sflag:s6] =	ssyncadd.s32 $0xFFFFCE00  }
0xa6: {  	_ =	swait.ge [sflag:s6], $0x2900  }
0xa7: {  	[sflag:s6] =	ssyncset.done $0x0  }
0xa8: {  	[sflag:s6] =	ssyncadd.s32 $0xFFFFD700  }
0xa9: {  	[bflag:$0x0] =	sbarrier.arrive $0xFFFF  }
0xaa: {  	[tilespmem:s2], [sflag:$0x1] =	stream.linear.gather [hbm4b:s14+s2], $0x320, $0x38;
	[tilespmem:$0x1F780] =	vst v63  }
0xab: {  	s29 =	rddreg [dreg:$0xe]  }
0xac: {  	[tilespmem:s7], [sflag:$0x1] =	stream.linear.gather [hbm4b:s29+s2], $0x320, $0x38;
	[tilespmem:$0x1F780] =	vst v63  }
0xad: {  	_ =	swait.ge [sflag:s17], $0x320  }
.Ltmp3:
0xae: {  	[sflag:s17] =	ssyncset.done $0x0;
	(pc) =	sbr.rel @p0 .LBB2_7-.Ltmp3, $4  }
0xaf: {  	[sflag:s17] =	ssyncadd.s32 $0xFFFFFCE0  }
0xb0: {  	_ =	swait.ge [sflag:s17], $0x320  }
0xb1: {  	[sflag:s17] =	ssyncset.done $0x0  }
0xb2: {  	[sflag:s17] =	ssyncadd.s32 $0xFFFFFCE0  }
0xb3: {  	[tilespmem:s3], [sflag:$0x3] =	stream.indirect.gather [hbm4b:s4+s18], $0x10, s2, s18, $0xb8;
	[tilespmem:$0x1F780] =	vst v63  }
0xb4: {  	_ =	swait.ge [sflag:s19], $0x3200  }
0xb5: {  	[sflag:s19] =	ssyncset.done $0x0  }
0xb6: {  	[sflag:s19] =	ssyncadd.s32 $0xFFFFCE00  }
0xb7: {  	[spmem:s1] =	stream.indirect.scatter.add.f32 [tilespmem:s3], [sflag:$0x5], $0x10, s7, s18, $0xb8;
	[tilespmem:$0x1F780] =	vst v63  }
0xb8: {  	s29 =	rddreg [dreg:$0xf]  }
0xb9: {  	[tilespmem:s18], [sflag:$0x2] =	stream.linear.gather [hbm4b:s29+s2], $0x320, $0x38;
	[tilespmem:$0x1F780] =	vst v63  }
0xba: {  	s29 =	rddreg [dreg:$0x10]  }
0xbb: {  	[tilespmem:s20], [sflag:$0x2] =	stream.linear.gather [hbm4b:s29+s2], $0x320, $0x38;
	[tilespmem:$0x1F780] =	vst v63  }
0xbc: {  	_ =	swait.ge [sflag:s21], $0x320  }
0xbd: {  	[sflag:s21] =	ssyncset.done $0x0  }
0xbe: {  	[sflag:s21] =	ssyncadd.s32 $0xFFFFFCE0  }
0xbf: {  	_ =	swait.ge [sflag:s21], $0x320  }
0xc0: {  	[sflag:s21] =	ssyncset.done $0x0  }
0xc1: {  	[sflag:s21] =	ssyncadd.s32 $0xFFFFFCE0  }
0xc2: {  	[tilespmem:s22], [sflag:$0x4] =	stream.indirect.gather [hbm4b:s4+s18], $0x10, s18, s18, $0xb8;
	[tilespmem:$0x1F780] =	vst v63  }
0xc3: {  	_ =	swait.ge [sflag:s23], $0x3200  }
0xc4: {  	[sflag:s23] =	ssyncset.done $0x0  }
0xc5: {  	[sflag:s23] =	ssyncadd.s32 $0xFFFFCE00  }
0xc6: {  	[spmem:s1] =	stream.indirect.scatter.add.f32 [tilespmem:s22], [sflag:$0x6], $0x10, s20, s18, $0xb8;
	[tilespmem:$0x1F780] =	vst v63  }
0xc7: {  	_ =	swait.ge [sflag:s6], $0x3200  }
0xc8: {  	s29 =	sadd.s32 $0xFFFFD058, s15;
	[sflag:s6] =	ssyncset.done $0x0  }
0xc9: {  	s30 =	sadd.s32 $0x3070, s29;
	[sflag:s6] =	ssyncadd.s32 $0xFFFFCE00  }
0xca: {  	[tilespmem:s2], [sflag:$0x1] =	stream.linear.gather [hbm4b:s30+s2], $0x320, $0x38;
	[tilespmem:$0x1F780] =	vst v63  }
0xcb: {  	s31 =	sadd.s32 $0x33DB0, s29  }
0xcc: {  	[tilespmem:s7], [sflag:$0x1] =	stream.linear.gather [hbm4b:s31+s2], $0x320, $0x38;
	[tilespmem:$0x1F780] =	vst v63  }
0xcd: {  	_ =	swait.ge [sflag:s17], $0x320  }
0xce: {  	[sflag:s17] =	ssyncset.done $0x0  }
0xcf: {  	[sflag:s17] =	ssyncadd.s32 $0xFFFFFCE0  }
0xd0: {  	_ =	swait.ge [sflag:s17], $0x320  }
0xd1: {  	[sflag:s17] =	ssyncset.done $0x0  }
0xd2: {  	[sflag:s17] =	ssyncadd.s32 $0xFFFFFCE0  }
0xd3: {  	[tilespmem:s3], [sflag:$0x3] =	stream.indirect.gather [hbm4b:s4+s18], $0x10, s2, s18, $0xb8;
	[tilespmem:$0x1F780] =	vst v63  }
0xd4: {  	_ =	swait.ge [sflag:s19], $0x3200  }
0xd5: {  	[sflag:s19] =	ssyncset.done $0x0  }
0xd6: {  	[sflag:s19] =	ssyncadd.s32 $0xFFFFCE00  }
0xd7: {  	[spmem:s1] =	stream.indirect.scatter.add.f32 [tilespmem:s3], [sflag:$0x5], $0x10, s7, s18, $0xb8;
	[tilespmem:$0x1F780] =	vst v63  }
0xd8: {  	_ =	swait.ge [sflag:s25], $0x3200  }
0xd9: {  	[sflag:s25] =	ssyncset.done $0x0  }
0xda: {  	s31 =	sadd.s32 $0x30D4, s29;
	[sflag:s25] =	ssyncadd.s32 $0xFFFFCE00  }
0xdb: {  	[tilespmem:s18], [sflag:$0x2] =	stream.linear.gather [hbm4b:s31+s2], $0x320, $0x38;
	[tilespmem:$0x1F780] =	vst v63  }
0xdc: {  	s29 =	sadd.s32 $0x33E14, s29  }
0xdd: {  	[tilespmem:s20], [sflag:$0x2] =	stream.linear.gather [hbm4b:s29+s2], $0x320, $0x38;
	[tilespmem:$0x1F780] =	vst v63  }
0xde: {  	_ =	swait.ge [sflag:s21], $0x320  }
0xdf: {  	[sflag:s21] =	ssyncset.done $0x0  }
0xe0: {  	[sflag:s21] =	ssyncadd.s32 $0xFFFFFCE0  }
0xe1: {  	_ =	swait.ge [sflag:s21], $0x320  }
0xe2: {  	[sflag:s21] =	ssyncset.done $0x0  }
0xe3: {  	[sflag:s21] =	ssyncadd.s32 $0xFFFFFCE0  }
0xe4: {  	[tilespmem:s22], [sflag:$0x4] =	stream.indirect.gather [hbm4b:s4+s18], $0x10, s18, s18, $0xb8;
	[tilespmem:$0x1F780] =	vst v63  }
0xe5: {  	_ =	swait.ge [sflag:s23], $0x3200  }
0xe6: {  	[sflag:s23] =	ssyncset.done $0x0  }
0xe7: {  	s29 =	simm.s32 $0xFFFFD120;
	[sflag:s23] =	ssyncadd.s32 $0xFFFFCE00  }
.LBB2_5:
0xe8: {  	[spmem:s1] =	stream.indirect.scatter.add.f32 [tilespmem:s22], [sflag:$0x6], $0x10, s20, s18, $0xb8;
	[tilespmem:$0x1F780] =	vst v63  }
0xe9: {  	s30 =	smov.u32 s29  }
0xea: {  	p1 =	seq.s32 s29, $0xFFFFFF38;
	s29 =	sadd.s32 $0xC8, s29;
	_ =	swait.ge [sflag:s6], $0x3200  }
0xeb: {  	s30 =	sadd.s32 s30, s15;
	[sflag:s6] =	ssyncset.done $0x0  }
0xec: {  	s31 =	sadd.s32 $0x3070, s30;
	[sflag:s6] =	ssyncadd.s32 $0xFFFFCE00  }
0xed: {  	[tilespmem:s2], [sflag:$0x1] =	stream.linear.gather [hbm4b:s31+s2], $0x320, $0x38;
	[tilespmem:$0x1F780] =	vst v63  }
0xee: {  	s31 =	sadd.s32 $0x33DB0, s30  }
0xef: {  	[tilespmem:s7], [sflag:$0x1] =	stream.linear.gather [hbm4b:s31+s2], $0x320, $0x38;
	[tilespmem:$0x1F780] =	vst v63  }
0xf0: {  	_ =	swait.ge [sflag:s17], $0x320  }
0xf1: {  	[sflag:s17] =	ssyncset.done $0x0  }
0xf2: {  	[sflag:s17] =	ssyncadd.s32 $0xFFFFFCE0  }
0xf3: {  	_ =	swait.ge [sflag:s17], $0x320  }
0xf4: {  	[sflag:s17] =	ssyncset.done $0x0  }
0xf5: {  	[sflag:s17] =	ssyncadd.s32 $0xFFFFFCE0  }
0xf6: {  	[tilespmem:s3], [sflag:$0x3] =	stream.indirect.gather [hbm4b:s4+s18], $0x10, s2, s18, $0xb8;
	[tilespmem:$0x1F780] =	vst v63  }
0xf7: {  	_ =	swait.ge [sflag:s19], $0x3200  }
0xf8: {  	[sflag:s19] =	ssyncset.done $0x0  }
0xf9: {  	[sflag:s19] =	ssyncadd.s32 $0xFFFFCE00  }
0xfa: {  	[spmem:s1] =	stream.indirect.scatter.add.f32 [tilespmem:s3], [sflag:$0x5], $0x10, s7, s18, $0xb8;
	[tilespmem:$0x1F780] =	vst v63  }
0xfb: {  	_ =	swait.ge [sflag:s25], $0x3200  }
0xfc: {  	[sflag:s25] =	ssyncset.done $0x0  }
0xfd: {  	s31 =	sadd.s32 $0x30D4, s30;
	[sflag:s25] =	ssyncadd.s32 $0xFFFFCE00  }
0xfe: {  	[tilespmem:s18], [sflag:$0x2] =	stream.linear.gather [hbm4b:s31+s2], $0x320, $0x38;
	[tilespmem:$0x1F780] =	vst v63  }
0xff: {  	s30 =	sadd.s32 $0x33E14, s30  }
0x100: {  	[tilespmem:s20], [sflag:$0x2] =	stream.linear.gather [hbm4b:s30+s2], $0x320, $0x38;
	[tilespmem:$0x1F780] =	vst v63  }
0x101: {  	_ =	swait.ge [sflag:s21], $0x320  }
0x102: {  	[sflag:s21] =	ssyncset.done $0x0  }
0x103: {  	[sflag:s21] =	ssyncadd.s32 $0xFFFFFCE0  }
0x104: {  	_ =	swait.ge [sflag:s21], $0x320  }
0x105: {  	[sflag:s21] =	ssyncset.done $0x0  }
.Ltmp4:
0x106: {  	[sflag:s21] =	ssyncadd.s32 $0xFFFFFCE0;
	(pc) =	sbr.rel @!p1 .LBB2_5-.Ltmp4, $4  }
0x107: {  	[tilespmem:s22], [sflag:$0x4] =	stream.indirect.gather [hbm4b:s4+s18], $0x10, s18, s18, $0xb8;
	[tilespmem:$0x1F780] =	vst v63  }
0x108: {  	_ =	swait.ge [sflag:s23], $0x3200  }
0x109: {  	[sflag:s23] =	ssyncset.done $0x0  }
0x10a: {  	[sflag:s23] =	ssyncadd.s32 $0xFFFFCE00  }
.Ltmp5:
0x10b: {  	(pc) =	sbr.rel .LBB2_10-.Ltmp5, $3  }
0x10c: {  	_ =	sdelay $0x1  }
0x10d: {  	[spmem:s1] =	stream.indirect.scatter.add.f32 [tilespmem:s22], [sflag:$0x6], $0x10, s20, s18, $0xb8;
	[tilespmem:$0x1F780] =	vst v63  }
0x10e: {  	s30 =	smov.u32 s4;
	s29 =	rddreg [dreg:$0x3]  }
.LBB2_7:
0x10f: {  	[tilespmem:s3], [sflag:$0x3] =	stream.indirect.gather [hbm4b:s5+s18], $0x10, s2, s18, $0xb8;
	[tilespmem:$0x1F780] =	vst v63  }
0x110: {  	_ =	swait.ge [sflag:s19], $0x3200  }
0x111: {  	[sflag:s19] =	ssyncset.done $0x0  }
0x112: {  	[sflag:s19] =	ssyncadd.s32 $0xFFFFCE00  }
0x113: {  	[spmem:s1] =	stream.indirect.scatter.add.f32 [tilespmem:s3], [sflag:$0x5], $0x10, s7, s18, $0xb8;
	[tilespmem:$0x1F780] =	vst v63  }
0x114: {  	s29 =	rddreg [dreg:$0xf]  }
0x115: {  	[tilespmem:s18], [sflag:$0x2] =	stream.linear.gather [hbm4b:s29+s2], $0x320, $0x38;
	[tilespmem:$0x1F780] =	vst v63  }
0x116: {  	s29 =	rddreg [dreg:$0x10]  }
0x117: {  	[tilespmem:s20], [sflag:$0x2] =	stream.linear.gather [hbm4b:s29+s2], $0x320, $0x38;
	[tilespmem:$0x1F780] =	vst v63  }
0x118: {  	_ =	swait.ge [sflag:s21], $0x320  }
0x119: {  	[sflag:s21] =	ssyncset.done $0x0  }
0x11a: {  	[sflag:s21] =	ssyncadd.s32 $0xFFFFFCE0  }
0x11b: {  	_ =	swait.ge [sflag:s21], $0x320  }
0x11c: {  	[sflag:s21] =	ssyncset.done $0x0  }
0x11d: {  	[sflag:s21] =	ssyncadd.s32 $0xFFFFFCE0  }
0x11e: {  	[tilespmem:s22], [sflag:$0x4] =	stream.indirect.gather [hbm4b:s5+s18], $0x10, s18, s18, $0xb8;
	[tilespmem:$0x1F780] =	vst v63  }
0x11f: {  	_ =	swait.ge [sflag:s23], $0x3200  }
0x120: {  	[sflag:s23] =	ssyncset.done $0x0  }
0x121: {  	[sflag:s23] =	ssyncadd.s32 $0xFFFFCE00  }
0x122: {  	[spmem:s1] =	stream.indirect.scatter.add.f32 [tilespmem:s22], [sflag:$0x6], $0x10, s20, s18, $0xb8;
	[tilespmem:$0x1F780] =	vst v63  }
0x123: {  	_ =	swait.ge [sflag:s6], $0x3200  }
0x124: {  	s29 =	sadd.s32 $0xFFFFD058, s15;
	[sflag:s6] =	ssyncset.done $0x0  }
0x125: {  	s30 =	sadd.s32 $0x3070, s29;
	[sflag:s6] =	ssyncadd.s32 $0xFFFFCE00  }
0x126: {  	[tilespmem:s2], [sflag:$0x1] =	stream.linear.gather [hbm4b:s30+s2], $0x320, $0x38;
	[tilespmem:$0x1F780] =	vst v63  }
0x127: {  	s31 =	sadd.s32 $0x33DB0, s29  }
0x128: {  	[tilespmem:s7], [sflag:$0x1] =	stream.linear.gather [hbm4b:s31+s2], $0x320, $0x38;
	[tilespmem:$0x1F780] =	vst v63  }
0x129: {  	_ =	swait.ge [sflag:s17], $0x320  }
0x12a: {  	[sflag:s17] =	ssyncset.done $0x0  }
0x12b: {  	[sflag:s17] =	ssyncadd.s32 $0xFFFFFCE0  }
0x12c: {  	_ =	swait.ge [sflag:s17], $0x320  }
0x12d: {  	[sflag:s17] =	ssyncset.done $0x0  }
0x12e: {  	[sflag:s17] =	ssyncadd.s32 $0xFFFFFCE0  }
0x12f: {  	[tilespmem:s3], [sflag:$0x3] =	stream.indirect.gather [hbm4b:s5+s18], $0x10, s2, s18, $0xb8;
	[tilespmem:$0x1F780] =	vst v63  }
0x130: {  	_ =	swait.ge [sflag:s19], $0x3200  }
0x131: {  	[sflag:s19] =	ssyncset.done $0x0  }
0x132: {  	[sflag:s19] =	ssyncadd.s32 $0xFFFFCE00  }
0x133: {  	[spmem:s1] =	stream.indirect.scatter.add.f32 [tilespmem:s3], [sflag:$0x5], $0x10, s7, s18, $0xb8;
	[tilespmem:$0x1F780] =	vst v63  }
0x134: {  	_ =	swait.ge [sflag:s25], $0x3200  }
0x135: {  	[sflag:s25] =	ssyncset.done $0x0  }
0x136: {  	s31 =	sadd.s32 $0x30D4, s29;
	[sflag:s25] =	ssyncadd.s32 $0xFFFFCE00  }
0x137: {  	[tilespmem:s18], [sflag:$0x2] =	stream.linear.gather [hbm4b:s31+s2], $0x320, $0x38;
	[tilespmem:$0x1F780] =	vst v63  }
0x138: {  	s29 =	sadd.s32 $0x33E14, s29  }
0x139: {  	[tilespmem:s20], [sflag:$0x2] =	stream.linear.gather [hbm4b:s29+s2], $0x320, $0x38;
	[tilespmem:$0x1F780] =	vst v63  }
0x13a: {  	_ =	swait.ge [sflag:s21], $0x320  }
0x13b: {  	[sflag:s21] =	ssyncset.done $0x0  }
0x13c: {  	[sflag:s21] =	ssyncadd.s32 $0xFFFFFCE0  }
0x13d: {  	_ =	swait.ge [sflag:s21], $0x320  }
0x13e: {  	[sflag:s21] =	ssyncset.done $0x0  }
0x13f: {  	[sflag:s21] =	ssyncadd.s32 $0xFFFFFCE0  }
0x140: {  	[tilespmem:s22], [sflag:$0x4] =	stream.indirect.gather [hbm4b:s5+s18], $0x10, s18, s18, $0xb8;
	[tilespmem:$0x1F780] =	vst v63  }
0x141: {  	_ =	swait.ge [sflag:s23], $0x3200  }
0x142: {  	[sflag:s23] =	ssyncset.done $0x0  }
0x143: {  	s29 =	simm.s32 $0xFFFFD120;
	[sflag:s23] =	ssyncadd.s32 $0xFFFFCE00  }
.LBB2_8:
0x144: {  	[spmem:s1] =	stream.indirect.scatter.add.f32 [tilespmem:s22], [sflag:$0x6], $0x10, s20, s18, $0xb8;
	[tilespmem:$0x1F780] =	vst v63  }
0x145: {  	s30 =	smov.u32 s29  }
0x146: {  	p1 =	sne.s32 s29, $0xFFFFFF38;
	s29 =	sadd.s32 $0xC8, s29;
	_ =	swait.ge [sflag:s6], $0x3200  }
0x147: {  	s30 =	sadd.s32 s30, s15;
	[sflag:s6] =	ssyncset.done $0x0  }
0x148: {  	s31 =	sadd.s32 $0x3070, s30;
	[sflag:s6] =	ssyncadd.s32 $0xFFFFCE00  }
0x149: {  	[tilespmem:s2], [sflag:$0x1] =	stream.linear.gather [hbm4b:s31+s2], $0x320, $0x38;
	[tilespmem:$0x1F780] =	vst v63  }
0x14a: {  	s31 =	sadd.s32 $0x33DB0, s30  }
0x14b: {  	[tilespmem:s7], [sflag:$0x1] =	stream.linear.gather [hbm4b:s31+s2], $0x320, $0x38;
	[tilespmem:$0x1F780] =	vst v63  }
0x14c: {  	_ =	swait.ge [sflag:s17], $0x320  }
0x14d: {  	[sflag:s17] =	ssyncset.done $0x0  }
0x14e: {  	[sflag:s17] =	ssyncadd.s32 $0xFFFFFCE0  }
0x14f: {  	_ =	swait.ge [sflag:s17], $0x320  }
0x150: {  	[sflag:s17] =	ssyncset.done $0x0  }
0x151: {  	[sflag:s17] =	ssyncadd.s32 $0xFFFFFCE0  }
0x152: {  	[tilespmem:s3], [sflag:$0x3] =	stream.indirect.gather [hbm4b:s5+s18], $0x10, s2, s18, $0xb8;
	[tilespmem:$0x1F780] =	vst v63  }
0x153: {  	_ =	swait.ge [sflag:s19], $0x3200  }
0x154: {  	[sflag:s19] =	ssyncset.done $0x0  }
0x155: {  	[sflag:s19] =	ssyncadd.s32 $0xFFFFCE00  }
0x156: {  	[spmem:s1] =	stream.indirect.scatter.add.f32 [tilespmem:s3], [sflag:$0x5], $0x10, s7, s18, $0xb8;
	[tilespmem:$0x1F780] =	vst v63  }
0x157: {  	_ =	swait.ge [sflag:s25], $0x3200  }
0x158: {  	[sflag:s25] =	ssyncset.done $0x0  }
0x159: {  	s31 =	sadd.s32 $0x30D4, s30;
	[sflag:s25] =	ssyncadd.s32 $0xFFFFCE00  }
0x15a: {  	[tilespmem:s18], [sflag:$0x2] =	stream.linear.gather [hbm4b:s31+s2], $0x320, $0x38;
	[tilespmem:$0x1F780] =	vst v63  }
0x15b: {  	s30 =	sadd.s32 $0x33E14, s30  }
0x15c: {  	[tilespmem:s20], [sflag:$0x2] =	stream.linear.gather [hbm4b:s30+s2], $0x320, $0x38;
	[tilespmem:$0x1F780] =	vst v63  }
0x15d: {  	_ =	swait.ge [sflag:s21], $0x320  }
0x15e: {  	[sflag:s21] =	ssyncset.done $0x0  }
0x15f: {  	[sflag:s21] =	ssyncadd.s32 $0xFFFFFCE0  }
0x160: {  	_ =	swait.ge [sflag:s21], $0x320  }
0x161: {  	[sflag:s21] =	ssyncset.done $0x0  }
.Ltmp6:
0x162: {  	[sflag:s21] =	ssyncadd.s32 $0xFFFFFCE0;
	(pc) =	sbr.rel @p1 .LBB2_8-.Ltmp6, $4  }
0x163: {  	[tilespmem:s22], [sflag:$0x4] =	stream.indirect.gather [hbm4b:s5+s18], $0x10, s18, s18, $0xb8;
	[tilespmem:$0x1F780] =	vst v63  }
0x164: {  	_ =	swait.ge [sflag:s23], $0x3200  }
0x165: {  	[sflag:s23] =	ssyncset.done $0x0  }
0x166: {  	[sflag:s23] =	ssyncadd.s32 $0xFFFFCE00  }
.Ltmp7:
0x167: {  	_ = 	snop;
	(pc) =	sbr.rel .LBB2_9-.Ltmp7, $1  }
0x168: {  	_ =	sdelay $0x3  }
.LBB2_11:
0x169: {  	_ =	sfence.sel $0x180000  }
0x16a: {  	[bflag:$0x0] =	sbarrier.arrive $0xFFFF  }
0x16b: {  	_ =	strace $0x9000004D  }
0x16c: {  	s0 =	stileid.u32;
	[bflag:$0x2] =	sbarrier.arrive $0xFFFF  }
0x16d: {  	p0 =	sne.s32 s0, $0x0;
	s0 =	rddreg [dreg:$0x2]  }
0x16e: {  	s0 =	sadd.s32 @!p0 $0x100000, s0  }
0x16f: {  	[sflag:s0] =	ssyncadd.tile.s32 @!p0 $0x1;
	_ =	shalt  }
.Lfunc_end2:
_tile_overlayer_lowered:
.L_overlay_start_2:
0x170: {  	(tag) =	ssettag $0x2  }
0x171: {  	s0 =	rddreg [dreg:$0x0];
	s2 =	stileid.u32  }
0x172: {  	s1 =	rddreg [dreg:$0x1];
	p0 =	sne.s32 s2, $0x0  }
0x173: {  	s3 =	rddreg [dreg:$0x2];
	[bflag:$0x3] =	sbarrier.arrive $0xFFFF;
	s2 =	simm.s32 @!p0 $0x1C07  }
0x174: {  	[timem:s3], [sflag:s2] =	dma.local @!p0 [hbm:s0], s1  }
0x175: {  	s0 =	simm.s32 @!p0 $0x7  }
0x176: {  	_ =	swait.ge @!p0 [sflag:s0], s1  }
0x177: {  	s1 =	ssub.s32 @!p0 $0x0, s1;
	[sflag:s0] =	ssyncset.done @!p0 $0x0  }
0x178: {  	[sflag:s0] =	ssyncadd.s32 @!p0 s1  }
0x179: {  	[bflag:$0x3] =	sbarrier.arrive $0xFFFF  }
0x17a: {  	_ =	shalt  }

// kernel: kernel.18.cloned.1.call-start
scs
__scs_entry_jumppad:
0x0: {  	(pc) =	sbr.rel $0x88, $3  }
0x1: {  	(tag) =	ssettag $0x0;
	lr =	simm.s32 $0x1  }
0x2: {  	[smem:$0x3F99] =	sst lr;
	_ =	strace $0xD0000000  }
0x3: {  	_ = 	snop  }
0x4: {  	_ = 	snop  }
0x5: {  	_ = 	snop  }
0x6: {  	_ = 	snop  }
0x7: {  	_ = 	snop  }
__scs_overlays_trampoline_lowered:
0x8: {  	[smem:$0x3FA8] =	sst s0  }
0x9: {  	[smem:$0x3FA9] =	sst s1  }
0xa: {  	[smem:$0x3FAA] =	sst s2  }
0xb: {  	[smem:$0x3FAB] =	sst s3  }
0xc: {  	[smem:$0x3FAC] =	sst s4  }
0xd: {  	[smem:$0x3FAD] =	sst s5  }
0xe: {  	[smem:$0x3FAE] =	sst s6  }
0xf: {  	[smem:$0x3FAF] =	sst s7  }
0x10: {  	[smem:$0x3FB0] =	sst s8  }
0x11: {  	[smem:$0x3FB1] =	sst s9;
	s0 =	simm.s32 @!p0 $0x0  }
0x12: {  	s1 =	sld [smem:$0x3F97];
	s0 =	simm.s32 @p0 $0x1  }
0x13: {  	[smem:$0x3FB2] =	sst s0;
	s0 =	simm.s32 @!p1 $0x0  }
0x14: {  	s2 =	sld [smem:$0x3F96];
	s0 =	simm.s32 @p1 $0x1  }
0x15: {  	[smem:$0x3FB3] =	sst s0;
	s0 =	simm.s32 @!p2 $0x0  }
0x16: {  	s3 =	sld [smem:$0x3FDB];
	s0 =	simm.s32 @p2 $0x1  }
0x17: {  	s4 =	simm.s32 $0x1BF5;
	[smem:$0x3FB5] =	sst s0  }
0x18: {  	s0 =	sld [smem:$0x3F98];
	_ =	swait.ge [sflag:s4], $0x0  }
0x19: {  	s7 =	sld [smem:$0x3F99]  }
0x1a: {  	s8 =	sadd.s32 $0xFFFFE003, lr  }
0x1b: {  	s9 =	sadd.s32 $0xFFFFFEF7, lr;
	s5 =	simm.s32 $0xFFFFFFFF;
	p2 =	slt.u32 s8, $0xFFFFF086  }
0x1c: {  	p1 =	slt.u32 s9, $0xF7A;
	s5 =	simm.s32 @!p2 $0x0  }
0x1d: {  	s5 =	simm.s32 @p1 $0x1;
	p0 =	seq.s32 s7, s2  }
0x1e: {  	s7 =	smul.u32 @!p0 $0xF7A, s2;
	p2 =	seq.s32 @!p0 s5, $0x0  }
0x1f: {  	s9 =	smul.u32 $0xF7A, s1;
	s8 =	simm.s32 @!p0 $0x1BF5;
	p2 =	por !p2, p0  }
0x20: {  	[sflag:s8] =	ssyncset.s32 @!p0 $0xFFFFF086;
	s6 =	sadd.s32 @!p0 s3, s7;
	s7 =	simm.s32 @!p0 $0x108  }
0x21: {  	s3 =	sadd.s32 s3, s9;
	s6 =	sadd.s32 @!p0 $0x88, s6;
	s7 =	simm.s32 @p2 $0x1082  }
0x22: {  	[simem:s7], [sflag:s8] =	dma.local @!p0 [hbm:s6], $0xF7A  }
0x23: {  	s9 =	sor.u32 $0xD0000000, s2;
	s6 =	simm.s32 $0x108;
	_ =	swait.ge @!p0 [sflag:s8], $0x0  }
0x24: {  	s3 =	sadd.s32 $0x88, s3;
	s6 =	simm.s32 @!p1 $0x1082;
	[sflag:s4] =	ssyncset.s32 $0xFFFFF086  }
0x25: {  	[simem:s6], [sflag:s4] =	dma.local [hbm:s3], $0xF7A  }
0x26: {  	[smem:$0x3F99] =	sst s1;
	(tag) =	ssettag s2;
	_ =	strace s9  }
0x27: {  	s1 =	sld [smem:$0x3FA9]  }
0x28: {  	s2 =	sld [smem:$0x3FAA]  }
0x29: {  	s4 =	sld [smem:$0x3FAC]  }
0x2a: {  	p0 =	seq.s32 s5, $0x0;
	s5 =	sld [smem:$0x3FAD]  }
0x2b: {  	s6 =	sld [smem:$0x3FAE]  }
0x2c: {  	s7 =	sld [smem:$0x3FAF]  }
0x2d: {  	s3 =	simm.s32 $0x108;
	s8 =	sld [smem:$0x3FB0]  }
0x2e: {  	s3 =	simm.s32 @!p0 $0x1082;
	s9 =	sld [smem:$0x3FB1]  }
0x2f: {  	lr =	sadd.s32 s0, s3;
	s0 =	sld [smem:$0x3FA8]  }
0x30: {  	s3 =	sld [smem:$0x3FAB]  }
0x31: {  	[smem:$0x3FB4] =	sst s10  }
0x32: {  	s10 =	sld [smem:$0x3FB2];
	_ =	sdelay $0x3  }
0x33: {  	p0 =	seq.s32 s10, $0x1;
	s10 =	sld [smem:$0x3FB4];
	_ =	sdelay $0x3  }
0x34: {  	[smem:$0x3FB4] =	sst s10  }
0x35: {  	s10 =	sld [smem:$0x3FB3];
	_ =	sdelay $0x3  }
0x36: {  	p1 =	seq.s32 s10, $0x1;
	s10 =	sld [smem:$0x3FB4];
	_ =	sdelay $0x3  }
0x37: {  	[smem:$0x3FB4] =	sst s10  }
0x38: {  	s10 =	sld [smem:$0x3FB5]  }
0x39: {  	_ = 	snop;
	(pc) =	sbr.ind lr, $3  }
0x3a: {  	_ = 	snop  }
0x3b: {  	_ = 	snop  }
0x3c: {  	p2 =	seq.s32 s10, $0x1;
	s10 =	sld [smem:$0x3FB4]  }
0x3d: {  	_ =	shalt  }
0x3e: {  	_ =	shalt  }
0x3f: {  	_ =	shalt  }
0x40: {  	_ =	shalt  }
0x41: {  	_ =	shalt  }
0x42: {  	_ =	shalt  }
0x43: {  	_ =	shalt  }
0x44: {  	_ =	shalt  }
0x45: {  	_ =	shalt  }
0x46: {  	_ =	shalt  }
0x47: {  	_ =	shalt  }
0x48: {  	_ =	shalt  }
0x49: {  	_ =	shalt  }
0x4a: {  	_ =	shalt  }
0x4b: {  	_ =	shalt  }
0x4c: {  	_ =	shalt  }
0x4d: {  	_ =	shalt  }
0x4e: {  	_ =	shalt  }
0x4f: {  	_ =	shalt  }
0x50: {  	_ =	shalt  }
0x51: {  	_ =	shalt  }
0x52: {  	_ =	shalt  }
0x53: {  	_ =	shalt  }
0x54: {  	_ =	shalt  }
0x55: {  	_ =	shalt  }
0x56: {  	_ =	shalt  }
0x57: {  	_ =	shalt  }
0x58: {  	_ =	shalt  }
0x59: {  	_ =	shalt  }
0x5a: {  	_ =	shalt  }
0x5b: {  	_ =	shalt  }
0x5c: {  	_ =	shalt  }
0x5d: {  	_ =	shalt  }
0x5e: {  	_ =	shalt  }
0x5f: {  	_ =	shalt  }
0x60: {  	_ =	shalt  }
0x61: {  	_ =	shalt  }
0x62: {  	_ =	shalt  }
0x63: {  	_ =	shalt  }
0x64: {  	_ =	shalt  }
0x65: {  	_ =	shalt  }
0x66: {  	_ =	shalt  }
0x67: {  	_ =	shalt  }
0x68: {  	_ =	shalt  }
0x69: {  	_ =	shalt  }
0x6a: {  	_ =	shalt  }
0x6b: {  	_ =	shalt  }
0x6c: {  	_ =	shalt  }
0x6d: {  	_ =	shalt  }
0x6e: {  	_ =	shalt  }
0x6f: {  	_ =	shalt  }
0x70: {  	_ =	shalt  }
0x71: {  	_ =	shalt  }
0x72: {  	_ =	shalt  }
0x73: {  	_ =	shalt  }
0x74: {  	_ =	shalt  }
0x75: {  	_ =	shalt  }
0x76: {  	_ =	shalt  }
0x77: {  	_ =	shalt  }
0x78: {  	_ =	shalt  }
0x79: {  	_ =	shalt  }
0x7a: {  	_ =	shalt  }
0x7b: {  	_ =	shalt  }
0x7c: {  	_ =	shalt  }
0x7d: {  	_ =	shalt  }
0x7e: {  	_ =	shalt  }
0x7f: {  	_ =	shalt  }
0x80: {  	_ =	shalt  }
0x81: {  	_ =	shalt  }
0x82: {  	_ =	shalt  }
0x83: {  	_ =	shalt  }
0x84: {  	_ =	shalt  }
0x85: {  	_ =	shalt  }
0x86: {  	_ =	shalt  }
0x87: {  	_ =	shalt  }
.Lfunc_end0:
.L_simem_size_0:
called_computation.3_lowered:
.L_overlay_start_0:
0x88: {  	s2 =	sld [smem:$0x3FD9]  }
0x89: {  	s3 =	sld [smem:$0x3FFE];
	_ =	sdelay $0x1  }
0x8a: {  	s1 =	srdreg.scid  }
0x8b: {  	s0 =	sand.u32 $0x1, s1  }
0x8c: {  	s16 =	sshll.u32 s0, $0xA;
	s2 =	sadd.s32 s3, s2  }
0x8d: {  	s2 =	sadd.s32 s2, s16  }
0x8e: {  	[smem:$0x3FC0] =	sst s2  }
0x8f: {  	_ = 	snop  }
0x90: {  	(tm) =	ssettm $0x1  }
0x91: {  	s17 =	sld [smem:$0x3FFB];
	_ =	sdelay $0x3  }
0x92: {  	_ =	strace s17  }
0x93: {  	s2 =	sld [smem:$0x3FFC];
	_ =	sdelay $0x3  }
0x94: {  	_ =	strace s2  }
0x95: {  	s2 =	sld [smem:$0x3FFD];
	_ =	sdelay $0x3  }
0x96: {  	_ =	strace s2  }
0x97: {  	_ =	strace $0x8FFFFFFF  }
0x98: {  	s18 =	sld [smem:$0x3FDB];
	_ =	sdelay $0x1  }
0x99: {  	s19 =	simm.s32 $_scs_section_size  }
0x9a: {  	s4 =	simm.s32 $_size__tile_overlayer_lowered;
	s5 =	simm.s32 $_tile_overlayer_lowered  }
0x9b: {  	s22 =	simm.s32 $0x1BFF;
	s21 =	sshll.u32 s5, $0x1;
	s2 =	sadd.s32 s19, s18  }
0x9c: {  	s6 =	simm.s32 $0x0;
	s20 =	sshll.u32 s4, $0x1;
	s4 =	sadd.s32 s21, s2  }
0x9d: {  	[timem:s6], [sflag:s22] =	dma.local [hbm:s4], s20  }
0x9e: {  	_ =	swait.ge [sflag:s22], s20  }
0x9f: {  	s3 =	ssub.s32 $0x0, s20;
	[sflag:s22] =	ssyncset.done $0x0  }
0xa0: {  	[sflag:s22] =	ssyncadd.s32 s3;
	_ =	sdelay $0x1  }
0xa1: {  	s23 =	simm.s32 $0x1B8B  }
0xa2: {  	_ =	swait.ge [sflag:s23], $0x1  }
0xa3: {  	[sflag:s23] =	ssyncset.done $0x0  }
0xa4: {  	s25 =	simm.s32 $0x1B8E;
	s24 =	sld [smem:$0x3FFE];
	[sflag:s23] =	ssyncadd.s32 $0xFFFFFFFF  }
0xa5: {  	s26 =	simm.s32 $execute0_lowered;
	[smem:$0x3FD2] =	sst s25  }
0xa6: {  	s4 =	sshll.u32 s26, $0x1;
	_ =	strace $0x8000004F;
	[dreg:$0x1] =	wrdreg $0xFFFFFFFF  }
0xa7: {  	s28 =	simm.s32 $_size_execute0_lowered;
	s2 =	sadd.s32 s2, s4;
	[dreg:$0x0] =	wrdreg $0x0  }
0xa8: {  	s4 =	sshll.u32 s28, $0x1;
	[dreg:$0x2] =	wrdreg s2  }
0xa9: {  	[dreg:$0x3] =	wrdreg s4  }
0xaa: {  	[dreg:$0x4] =	wrdreg $0xC0  }
0xab: {  	_ =	task [dreg:s6], $0x5FFFF  }
0xac: {  	[dreg:$0x1] =	wrdreg $0xFFFFFFFF  }
0xad: {  	[dreg:$0x0] =	wrdreg $0x60  }
0xae: {  	[dreg:$0x2] =	wrdreg s24  }
0xaf: {  	[dreg:$0x3] =	wrdreg $0x70800  }
0xb0: {  	[dreg:$0x4] =	wrdreg $0x9  }
0xb1: {  	_ =	task.clear_ibuf [dreg:s6], $0x5FFFF;
	_ =	strace $0x9000004F  }
0xb2: {  	s29 =	simm.s32 $0x9;
	_ =	strace $0x80000051  }
0xb3: {  	_ =	swait.ge [sflag:s29], $0x1  }
0xb4: {  	[sflag:s29] =	ssyncadd.s32 $0xFFFFFFFF  }
0xb5: {  	_ =	strace $0x90000051  }
0xb6: {  	_ =	sfence  }
0xb7: {  	s30 =	sld [smem:$0x0];
	_ =	sdelay $0x2  }
0xb8: {  	s31 =	sshll.u32 s1, $0xD;
	s1 =	sshrl.u32 s1, $0x2  }
0xb9: {  	s3 =	sand.u32 $0x4000, s31;
	s1 =	sadd.s32 s1, s30  }
0xba: {  	s0 =	sor.u32 s3, s0;
	s1 =	sshll.u32 s1, $0x11  }
0xbb: {  	s0 =	sor.u32 s1, s0  }
0xbc: {  	s0 =	sadd.s32 $0x8F2B, s0  }
0xbd: {  	[sflag:s0] =	ssyncadd.remote.s32 $0x1  }
0xbe: {  	_ =	sfence.sel $0xFFFF  }
0xbf: {  	[dreg:$0x0] =	wrdreg $0xFFFFFFFF;
	(pc) =	sbr.abs _section_cstart, $3  }
0xc0: {  	[dreg:$0x1] =	wrdreg $0xFFFFFFFF  }
0xc1: {  	_ =	task.clear_ibuf [dreg:s6], $0x2FFFF;
	_ =	strace $0x9FFFFFFF  }
0xc2: {  	(tm) =	ssettm $0x7FFFFFFF  }
0xc3: {  	_ =	shalt  }
tec
execute0_lowered:
.L_overlay_start_1:
0x0: {  	(tag) =	ssettag $0x1  }
0x1: {  	s0 =	rddreg [dreg:$0x0]  }
0x2: {  	s1 =	rddreg [dreg:$0x1];
	s2 =	simm.s32 $0x0  }
0x3: {  	s3 =	srdreg.scid;
	s13 =	stileid.u32;
	s28 =	simm.s32 $0x0  }
0x4: {  	[smem:$0x7FF] =	sst s2;
	s4 =	sadd.s32 $0x9D600, s0;
	s3 =	sand.u32 $0x1, s3  }
0x5: {  	s5 =	sadd.s32 $0xCE400, s0;
	s7 =	sadd.s32 $0x4A00, s0;
	s17 =	smul.u32 $0x18700, s13  }
0x6: {  	s9 =	sadd.s32 $0xFF200, s0;
	s0 =	sadd.s32 $0x130000, s0;
	s14 =	smul.u32 $0x186A0, s13  }
0x7: {  	s15 =	smul.u32 $0x30D4, s13;
	_ =	strace $0x80000050;
	[dreg:$0x3] =	wrdreg s9  }
0x8: {  	s6 =	ssub.s32 $0x2, s3;
	[dreg:$0x4] =	wrdreg s0;
	p0 =	sne.s32 s3, $0x0  }
0x9: {  	s8 =	sshrl.u32 s6, $0x1;
	s30 =	sadd.s32 $0x3200, s17;
	s18 =	sadd.s32 $0x6400, s17  }
0xa: {  	s19 =	sadd.s32 $0x9600, s17;
	s20 =	sadd.s32 $0xC800, s17;
	s21 =	sadd.s32 $0xFA00, s17  }
0xb: {  	s22 =	sadd.s32 $0x12C00, s17;
	s14 =	sshrl.u32 s14, $0x3;
	s15 =	sadd.s32 s15, s7  }
0xc: {  	s31 =	sadd.s32 $0x15E00, s17;
	s29 =	ssub.s32 s6, s8;
	s8 =	sadd.s32 s17, s1  }
0xd: {  	s9 =	sadd.s32 s30, s1;
	s10 =	sadd.s32 s18, s1;
	s11 =	sadd.s32 s19, s1  }
0xe: {  	s12 =	sadd.s32 s20, s1;
	s13 =	sadd.s32 s21, s1;
	s17 =	sshrl.u32 s17, $0x3  }
0xf: {  	s14 =	sadd.s32 s7, s14;
	s6 =	sshrl.u32 s30, $0x3;
	[dreg:$0x5] =	wrdreg s17  }
0x10: {  	s16 =	sadd.s32 s22, s1;
	s18 =	sshrl.u32 s18, $0x3;
	[dreg:$0x6] =	wrdreg s6  }
0x11: {  	s19 =	sshrl.u32 s19, $0x3;
	s23 =	sshrl.u32 s20, $0x3;
	[dreg:$0x7] =	wrdreg s18  }
0x12: {  	s24 =	sshrl.u32 s21, $0x3;
	s25 =	sshrl.u32 s22, $0x3;
	[dreg:$0x8] =	wrdreg s19  }
0x13: {  	s3 =	sshrl.u32 s31, $0x3;
	s7 =	simm.s32 $0x640;
	[dreg:$0x9] =	wrdreg s23  }
0x14: {  	s20 =	simm.s32 $0x960;
	s21 =	simm.s32 $0x2;
	[dreg:$0xa] =	wrdreg s24  }
0x15: {  	s22 =	simm.s32 $0x3E80;
	[dreg:$0xb] =	wrdreg s25;
	s24 =	sadd.s32 s31, s1  }
0x16: {  	[dreg:$0xc] =	wrdreg s3;
	s0 =	smax.u32 s29, $0x1;
	s26 =	sadd.s32 $0x30D40, s14  }
0x17: {  	s29 =	sadd.s32 $0x64, s14;
	s30 =	sadd.s32 $0x30DA4, s14;
	s31 =	sadd.s32 $0x3070, s14  }
.Ltmp0:
0x18: {  	s3 =	simm.s32 $0xC80;
	[dreg:$0xd] =	wrdreg s0;
	(pc) =	sbr.rel .LBB2_1-.Ltmp0, $4  }
0x19: {  	s6 =	simm.s32 $0x5;
	s17 =	simm.s32 $0x1;
	[dreg:$0xe] =	wrdreg s26  }
0x1a: {  	s18 =	simm.s32 $0x320;
	s19 =	simm.s32 $0x3;
	[dreg:$0xf] =	wrdreg s29  }
0x1b: {  	s23 =	simm.s32 $0x4;
	s25 =	simm.s32 $0x6;
	[dreg:$0x10] =	wrdreg s30  }
0x1c: {  	v0 =	vimm.f32 $0.0e+00;
	[dreg:$0x11] =	wrdreg s31;
	s0 =	sadd.s32 $0x33DB0, s14;
	s26 =	simm.s32 $0x7  }
.LBB2_9:
0x1d: {  	[spmem:s1] =	stream.indirect.scatter.add.f32 [tilespmem:s22], [sflag:$0x6], $0x10, s20, s18, $0xb8;
	[tilespmem:$0x1F780] =	vst v63  }
0x1e: {  	s30 =	smov.u32 s5;
	s29 =	rddreg [dreg:$0x4]  }
.LBB2_10:
0x1f: {  	_ =	swait.ge [sflag:s6], $0x3200  }
0x20: {  	[sflag:s6] =	ssyncset.done $0x0  }
0x21: {  	s31 =	rddreg [dreg:$0x11];
	[sflag:s6] =	ssyncadd.s32 $0xFFFFCE00  }
0x22: {  	[tilespmem:s2], [sflag:$0x1] =	stream.linear.gather [hbm4b:s31+s2], $0x320, $0x38;
	[tilespmem:$0x1F780] =	vst v63  }
0x23: {  	_ = 	snop  }
0x24: {  	[tilespmem:s7], [sflag:$0x1] =	stream.linear.gather [hbm4b:s0+s2], $0x320, $0x38;
	[tilespmem:$0x1F780] =	vst v63  }
0x25: {  	_ =	swait.ge [sflag:s17], $0x320  }
0x26: {  	[sflag:s17] =	ssyncset.done $0x0  }
0x27: {  	[sflag:s17] =	ssyncadd.s32 $0xFFFFFCE0  }
0x28: {  	_ =	swait.ge [sflag:s17], $0x320  }
0x29: {  	[sflag:s17] =	ssyncset.done $0x0  }
0x2a: {  	[sflag:s17] =	ssyncadd.s32 $0xFFFFFCE0  }
0x2b: {  	[tilespmem:s3], [sflag:$0x3] =	stream.indirect.gather [hbm4b:s30+s18], $0x10, s2, s18, $0xb8;
	[tilespmem:$0x1F780] =	vst v63  }
0x2c: {  	_ =	swait.ge [sflag:s19], $0x3200  }
0x2d: {  	[sflag:s19] =	ssyncset.done $0x0  }
0x2e: {  	[sflag:s19] =	ssyncadd.s32 $0xFFFFCE00  }
0x2f: {  	[spmem:s1] =	stream.indirect.scatter.add.f32 [tilespmem:s3], [sflag:$0x5], $0x10, s7, s18, $0xb8;
	[tilespmem:$0x1F780] =	vst v63  }
0x30: {  	_ =	swait.ge [sflag:s25], $0x3200  }
0x31: {  	[sflag:s25] =	ssyncset.done $0x0  }
0x32: {  	[sflag:s25] =	ssyncadd.s32 $0xFFFFCE00  }
0x33: {  	_ =	swait.ge [sflag:s6], $0x3200  }
0x34: {  	[sflag:s6] =	ssyncset.done $0x0  }
0x35: {  	[sflag:s6] =	ssyncadd.s32 $0xFFFFCE00  }
0x36: {  	[bflag:$0x0] =	sbarrier.arrive $0xFFFF  }
0x37: {  	[tilespmem:s3], [sflag:$0x7] =	stream.linear.gather [spmem:s8], $0x3200, $0x38;
	[tilespmem:$0x1F780] =	vst v63  }
0x38: {  	_ =	swait.ge [sflag:s26], $0x3200  }
0x39: {  	[sflag:s26] =	ssyncset.done $0x0;
	s31 =	rddreg [dreg:$0x5]  }
0x3a: {  	s30 =	sadd.s32 s29, s31;
	[sflag:s26] =	ssyncadd.s32 $0xFFFFCE00  }
0x3b: {  	[hbm4b:s30+s2] =	stream.linear.scatter [tilespmem:s3], [sflag:$0x5], $0x3200, $0x38;
	[tilespmem:$0x1F780] =	vst v63  }
0x3c: {  	_ = 	snop  }
0x3d: {  	[tilespmem:s22], [sflag:$0x7] =	stream.linear.gather [spmem:s9], $0x3200, $0x38;
	[tilespmem:$0x1F780] =	vst v63  }
0x3e: {  	_ =	swait.ge [sflag:s26], $0x3200  }
0x3f: {  	[sflag:s26] =	ssyncset.done $0x0;
	s31 =	rddreg [dreg:$0x6]  }
0x40: {  	s30 =	sadd.s32 s29, s31;
	[sflag:s26] =	ssyncadd.s32 $0xFFFFCE00  }
0x41: {  	[hbm4b:s30+s2] =	stream.linear.scatter [tilespmem:s22], [sflag:$0x6], $0x3200, $0x38;
	[tilespmem:$0x1F780] =	vst v63  }
0x42: {  	_ =	swait.ge [sflag:s6], $0x3200  }
0x43: {  	[sflag:s6] =	ssyncset.done $0x0  }
0x44: {  	[sflag:s6] =	ssyncadd.s32 $0xFFFFCE00  }
0x45: {  	[tilespmem:s3], [sflag:$0x7] =	stream.linear.gather [spmem:s10], $0x3200, $0x38;
	[tilespmem:$0x1F780] =	vst v63  }
0x46: {  	_ =	swait.ge [sflag:s26], $0x3200  }
0x47: {  	[sflag:s26] =	ssyncset.done $0x0;
	s31 =	rddreg [dreg:$0x7]  }
0x48: {  	s30 =	sadd.s32 s29, s31;
	[sflag:s26] =	ssyncadd.s32 $0xFFFFCE00  }
0x49: {  	[hbm4b:s30+s2] =	stream.linear.scatter [tilespmem:s3], [sflag:$0x5], $0x3200, $0x38;
	[tilespmem:$0x1F780] =	vst v63  }
0x4a: {  	_ =	swait.ge [sflag:s25], $0x3200  }
0x4b: {  	[sflag:s25] =	ssyncset.done $0x0  }
0x4c: {  	[sflag:s25] =	ssyncadd.s32 $0xFFFFCE00  }
0x4d: {  	[tilespmem:s22], [sflag:$0x7] =	stream.linear.gather [spmem:s11], $0x3200, $0x38;
	[tilespmem:$0x1F780] =	vst v63  }
0x4e: {  	_ =	swait.ge [sflag:s26], $0x3200  }
0x4f: {  	[sflag:s26] =	ssyncset.done $0x0;
	s31 =	rddreg [dreg:$0x8]  }
0x50: {  	s30 =	sadd.s32 s29, s31;
	[sflag:s26] =	ssyncadd.s32 $0xFFFFCE00  }
0x51: {  	[hbm4b:s30+s2] =	stream.linear.scatter [tilespmem:s22], [sflag:$0x6], $0x3200, $0x38;
	[tilespmem:$0x1F780] =	vst v63  }
0x52: {  	_ =	swait.ge [sflag:s6], $0x3200  }
0x53: {  	[sflag:s6] =	ssyncset.done $0x0  }
0x54: {  	[sflag:s6] =	ssyncadd.s32 $0xFFFFCE00  }
0x55: {  	[tilespmem:s3], [sflag:$0x7] =	stream.linear.gather [spmem:s12], $0x3200, $0x38;
	[tilespmem:$0x1F780] =	vst v63  }
0x56: {  	_ =	swait.ge [sflag:s26], $0x3200  }
0x57: {  	[sflag:s26] =	ssyncset.done $0x0;
	s31 =	rddreg [dreg:$0x9]  }
0x58: {  	s30 =	sadd.s32 s29, s31;
	[sflag:s26] =	ssyncadd.s32 $0xFFFFCE00  }
0x59: {  	[hbm4b:s30+s2] =	stream.linear.scatter [tilespmem:s3], [sflag:$0x5], $0x3200, $0x38;
	[tilespmem:$0x1F780] =	vst v63  }
0x5a: {  	_ =	swait.ge [sflag:s25], $0x3200  }
0x5b: {  	[sflag:s25] =	ssyncset.done $0x0  }
0x5c: {  	[sflag:s25] =	ssyncadd.s32 $0xFFFFCE00  }
0x5d: {  	[tilespmem:s22], [sflag:$0x7] =	stream.linear.gather [spmem:s13], $0x3200, $0x38;
	[tilespmem:$0x1F780] =	vst v63  }
0x5e: {  	_ =	swait.ge [sflag:s26], $0x3200  }
0x5f: {  	[sflag:s26] =	ssyncset.done $0x0;
	s31 =	rddreg [dreg:$0xa]  }
0x60: {  	s30 =	sadd.s32 s29, s31;
	[sflag:s26] =	ssyncadd.s32 $0xFFFFCE00  }
0x61: {  	[hbm4b:s30+s2] =	stream.linear.scatter [tilespmem:s22], [sflag:$0x6], $0x3200, $0x38;
	[tilespmem:$0x1F780] =	vst v63  }
0x62: {  	_ =	swait.ge [sflag:s6], $0x3200  }
0x63: {  	[sflag:s6] =	ssyncset.done $0x0  }
0x64: {  	[sflag:s6] =	ssyncadd.s32 $0xFFFFCE00  }
0x65: {  	[tilespmem:s3], [sflag:$0x7] =	stream.linear.gather [spmem:s16], $0x3200, $0x38;
	[tilespmem:$0x1F780] =	vst v63  }
0x66: {  	_ =	swait.ge [sflag:s26], $0x3200  }
0x67: {  	[sflag:s26] =	ssyncset.done $0x0;
	s31 =	rddreg [dreg:$0xb]  }
0x68: {  	s30 =	sadd.s32 s29, s31;
	[sflag:s26] =	ssyncadd.s32 $0xFFFFCE00  }
0x69: {  	[hbm4b:s30+s2] =	stream.linear.scatter [tilespmem:s3], [sflag:$0x5], $0x3200, $0x38;
	[tilespmem:$0x1F780] =	vst v63  }
0x6a: {  	_ =	swait.ge [sflag:s25], $0x3200  }
0x6b: {  	[sflag:s25] =	ssyncset.done $0x0  }
0x6c: {  	[sflag:s25] =	ssyncadd.s32 $0xFFFFCE00  }
0x6d: {  	[tilespmem:s22], [sflag:$0x7] =	stream.linear.gather [spmem:s24], $0x2900, $0x38;
	[tilespmem:$0x1F780] =	vst v63  }
0x6e: {  	_ =	swait.ge [sflag:s26], $0x2900  }
0x6f: {  	[sflag:s26] =	ssyncset.done $0x0;
	s31 =	rddreg [dreg:$0xc]  }
0x70: {  	s30 =	sadd.s32 s29, s31;
	[sflag:s26] =	ssyncadd.s32 $0xFFFFD700  }
0x71: {  	[hbm4b:s30+s2] =	stream.linear.scatter [tilespmem:s22], [sflag:$0x6], $0x2900, $0x38;
	[tilespmem:$0x1F780] =	vst v63  }
0x72: {  	_ =	swait.ge [sflag:s6], $0x3200  }
0x73: {  	[sflag:s6] =	ssyncset.done $0x0  }
0x74: {  	[sflag:s6] =	ssyncadd.s32 $0xFFFFCE00  }
0x75: {  	_ =	swait.ge [sflag:s25], $0x2900  }
0x76: {  	s28 =	sadd.s32 $0x1, s28;
	s31 =	rddreg [dreg:$0xd]  }
0x77: {  	p1 =	sne.s32 s28, s31  }
.Ltmp1:
0x78: {  	_ = 	snop;
	(pc) =	sbr.rel @!p1 .LBB2_11-.Ltmp1, $3  }
0x79: {  	_ =	sdelay $0x1  }
0x7a: {  	[sflag:s25] =	ssyncset.done $0x0  }
0x7b: {  	[sflag:s25] =	ssyncadd.s32 $0xFFFFD700  }
.LBB2_1:
0x7c: {  	s29 =	simm.s32 $0x40;
	s30 =	simm.s32 $0x0  }
.LBB2_2:
0x7d: {  	p1 =	sne.s32 s29, $0xC7C0;
	[tilespmem:s30+$0xC80] =	vst v0;
	s30 =	smov.u32 s29;
	s29 =	sadd.s32 $0x40, s29  }
.Ltmp2:
0x7e: {  	(pc) =	sbr.rel @p1 .LBB2_2-.Ltmp2, $2  }
0x7f: {  	_ =	sdelay $0x2  }
0x80: {  	s30 =	sshra.s32 s30, $0x2  }
0x81: {  	[tilespmem:s30+$0xC80] =	vst v0  }
0x82: {  	[spmem:s8] =	stream.linear.scatter [tilespmem:s3], [sflag:$0x5], $0x3200, $0x38;
	[tilespmem:$0x1F780] =	vst v63  }
0x83: {  	_ = 	snop  }
0x84: {  	[spmem:s9] =	stream.linear.scatter [tilespmem:s3], [sflag:$0x5], $0x3200, $0x38;
	[tilespmem:$0x1F780] =	vst v63  }
0x85: {  	_ = 	snop  }
0x86: {  	[spmem:s10] =	stream.linear.scatter [tilespmem:s3], [sflag:$0x5], $0x3200, $0x38;
	[tilespmem:$0x1F780] =	vst v63  }
0x87: {  	_ = 	snop  }
0x88: {  	[spmem:s11] =	stream.linear.scatter [tilespmem:s3], [sflag:$0x5], $0x3200, $0x38;
	[tilespmem:$0x1F780] =	vst v63  }
0x89: {  	_ = 	snop  }
0x8a: {  	[spmem:s12] =	stream.linear.scatter [tilespmem:s3], [sflag:$0x5], $0x3200, $0x38;
	[tilespmem:$0x1F780] =	vst v63  }
0x8b: {  	_ = 	snop  }
0x8c: {  	[spmem:s13] =	stream.linear.scatter [tilespmem:s3], [sflag:$0x5], $0x3200, $0x38;
	[tilespmem:$0x1F780] =	vst v63  }
0x8d: {  	_ = 	snop  }
0x8e: {  	[spmem:s16] =	stream.linear.scatter [tilespmem:s3], [sflag:$0x5], $0x3200, $0x38;
	[tilespmem:$0x1F780] =	vst v63  }
0x8f: {  	_ = 	snop  }
0x90: {  	[spmem:s24] =	stream.linear.scatter [tilespmem:s3], [sflag:$0x5], $0x2900, $0x38;
	[tilespmem:$0x1F780] =	vst v63  }
0x91: {  	_ =	swait.ge [sflag:s6], $0x3200  }
0x92: {  	[sflag:s6] =	ssyncset.done $0x0  }
0x93: {  	[sflag:s6] =	ssyncadd.s32 $0xFFFFCE00  }
0x94: {  	_ =	swait.ge [sflag:s6], $0x3200  }
0x95: {  	[sflag:s6] =	ssyncset.done $0x0  }
0x96: {  	[sflag:s6] =	ssyncadd.s32 $0xFFFFCE00  }
0x97: {  	_ =	swait.ge [sflag:s6], $0x3200  }
0x98: {  	[sflag:s6] =	ssyncset.done $0x0  }
0x99: {  	[sflag:s6] =	ssyncadd.s32 $0xFFFFCE00  }
0x9a: {  	_ =	swait.ge [sflag:s6], $0x3200  }
0x9b: {  	[sflag:s6] =	ssyncset.done $0x0  }
0x9c: {  	[sflag:s6] =	ssyncadd.s32 $0xFFFFCE00  }
0x9d: {  	_ =	swait.ge [sflag:s6], $0x3200  }
0x9e: {  	[sflag:s6] =	ssyncset.done $0x0  }
0x9f: {  	[sflag:s6] =	ssyncadd.s32 $0xFFFFCE00  }
0xa0: {  	_ =	swait.ge [sflag:s6], $0x3200  }
0xa1: {  	[sflag:s6] =	ssyncset.done $0x0  }
0xa2: {  	[sflag:s6] =	ssyncadd.s32 $0xFFFFCE00  }
0xa3: {  	_ =	swait.ge [sflag:s6], $0x3200  }
0xa4: {  	[sflag:s6] =	ssyncset.done $0x0  }
0xa5: {  	[sflag:s6] =	ssyncadd.s32 $0xFFFFCE00  }
0xa6: {  	_ =	swait.ge [sflag:s6], $0x2900  }
0xa7: {  	[sflag:s6] =	ssyncset.done $0x0  }
0xa8: {  	[sflag:s6] =	ssyncadd.s32 $0xFFFFD700  }
0xa9: {  	[bflag:$0x0] =	sbarrier.arrive $0xFFFF  }
0xaa: {  	[tilespmem:s2], [sflag:$0x1] =	stream.linear.gather [hbm4b:s14+s2], $0x320, $0x38;
	[tilespmem:$0x1F780] =	vst v63  }
0xab: {  	s29 =	rddreg [dreg:$0xe]  }
0xac: {  	[tilespmem:s7], [sflag:$0x1] =	stream.linear.gather [hbm4b:s29+s2], $0x320, $0x38;
	[tilespmem:$0x1F780] =	vst v63  }
0xad: {  	_ =	swait.ge [sflag:s17], $0x320  }
.Ltmp3:
0xae: {  	[sflag:s17] =	ssyncset.done $0x0;
	(pc) =	sbr.rel @p0 .LBB2_7-.Ltmp3, $4  }
0xaf: {  	[sflag:s17] =	ssyncadd.s32 $0xFFFFFCE0  }
0xb0: {  	_ =	swait.ge [sflag:s17], $0x320  }
0xb1: {  	[sflag:s17] =	ssyncset.done $0x0  }
0xb2: {  	[sflag:s17] =	ssyncadd.s32 $0xFFFFFCE0  }
0xb3: {  	[tilespmem:s3], [sflag:$0x3] =	stream.indirect.gather [hbm4b:s4+s18], $0x10, s2, s18, $0xb8;
	[tilespmem:$0x1F780] =	vst v63  }
0xb4: {  	_ =	swait.ge [sflag:s19], $0x3200  }
0xb5: {  	[sflag:s19] =	ssyncset.done $0x0  }
0xb6: {  	[sflag:s19] =	ssyncadd.s32 $0xFFFFCE00  }
0xb7: {  	[spmem:s1] =	stream.indirect.scatter.add.f32 [tilespmem:s3], [sflag:$0x5], $0x10, s7, s18, $0xb8;
	[tilespmem:$0x1F780] =	vst v63  }
0xb8: {  	s29 =	rddreg [dreg:$0xf]  }
0xb9: {  	[tilespmem:s18], [sflag:$0x2] =	stream.linear.gather [hbm4b:s29+s2], $0x320, $0x38;
	[tilespmem:$0x1F780] =	vst v63  }
0xba: {  	s29 =	rddreg [dreg:$0x10]  }
0xbb: {  	[tilespmem:s20], [sflag:$0x2] =	stream.linear.gather [hbm4b:s29+s2], $0x320, $0x38;
	[tilespmem:$0x1F780] =	vst v63  }
0xbc: {  	_ =	swait.ge [sflag:s21], $0x320  }
0xbd: {  	[sflag:s21] =	ssyncset.done $0x0  }
0xbe: {  	[sflag:s21] =	ssyncadd.s32 $0xFFFFFCE0  }
0xbf: {  	_ =	swait.ge [sflag:s21], $0x320  }
0xc0: {  	[sflag:s21] =	ssyncset.done $0x0  }
0xc1: {  	[sflag:s21] =	ssyncadd.s32 $0xFFFFFCE0  }
0xc2: {  	[tilespmem:s22], [sflag:$0x4] =	stream.indirect.gather [hbm4b:s4+s18], $0x10, s18, s18, $0xb8;
	[tilespmem:$0x1F780] =	vst v63  }
0xc3: {  	_ =	swait.ge [sflag:s23], $0x3200  }
0xc4: {  	[sflag:s23] =	ssyncset.done $0x0  }
0xc5: {  	[sflag:s23] =	ssyncadd.s32 $0xFFFFCE00  }
0xc6: {  	[spmem:s1] =	stream.indirect.scatter.add.f32 [tilespmem:s22], [sflag:$0x6], $0x10, s20, s18, $0xb8;
	[tilespmem:$0x1F780] =	vst v63  }
0xc7: {  	_ =	swait.ge [sflag:s6], $0x3200  }
0xc8: {  	s29 =	sadd.s32 $0xFFFFD058, s15;
	[sflag:s6] =	ssyncset.done $0x0  }
0xc9: {  	s30 =	sadd.s32 $0x3070, s29;
	[sflag:s6] =	ssyncadd.s32 $0xFFFFCE00  }
0xca: {  	[tilespmem:s2], [sflag:$0x1] =	stream.linear.gather [hbm4b:s30+s2], $0x320, $0x38;
	[tilespmem:$0x1F780] =	vst v63  }
0xcb: {  	s31 =	sadd.s32 $0x33DB0, s29  }
0xcc: {  	[tilespmem:s7], [sflag:$0x1] =	stream.linear.gather [hbm4b:s31+s2], $0x320, $0x38;
	[tilespmem:$0x1F780] =	vst v63  }
0xcd: {  	_ =	swait.ge [sflag:s17], $0x320  }
0xce: {  	[sflag:s17] =	ssyncset.done $0x0  }
0xcf: {  	[sflag:s17] =	ssyncadd.s32 $0xFFFFFCE0  }
0xd0: {  	_ =	swait.ge [sflag:s17], $0x320  }
0xd1: {  	[sflag:s17] =	ssyncset.done $0x0  }
0xd2: {  	[sflag:s17] =	ssyncadd.s32 $0xFFFFFCE0  }
0xd3: {  	[tilespmem:s3], [sflag:$0x3] =	stream.indirect.gather [hbm4b:s4+s18], $0x10, s2, s18, $0xb8;
	[tilespmem:$0x1F780] =	vst v63  }
0xd4: {  	_ =	swait.ge [sflag:s19], $0x3200  }
0xd5: {  	[sflag:s19] =	ssyncset.done $0x0  }
0xd6: {  	[sflag:s19] =	ssyncadd.s32 $0xFFFFCE00  }
0xd7: {  	[spmem:s1] =	stream.indirect.scatter.add.f32 [tilespmem:s3], [sflag:$0x5], $0x10, s7, s18, $0xb8;
	[tilespmem:$0x1F780] =	vst v63  }
0xd8: {  	_ =	swait.ge [sflag:s25], $0x3200  }
0xd9: {  	[sflag:s25] =	ssyncset.done $0x0  }
0xda: {  	s31 =	sadd.s32 $0x30D4, s29;
	[sflag:s25] =	ssyncadd.s32 $0xFFFFCE00  }
0xdb: {  	[tilespmem:s18], [sflag:$0x2] =	stream.linear.gather [hbm4b:s31+s2], $0x320, $0x38;
	[tilespmem:$0x1F780] =	vst v63  }
0xdc: {  	s29 =	sadd.s32 $0x33E14, s29  }
0xdd: {  	[tilespmem:s20], [sflag:$0x2] =	stream.linear.gather [hbm4b:s29+s2], $0x320, $0x38;
	[tilespmem:$0x1F780] =	vst v63  }
0xde: {  	_ =	swait.ge [sflag:s21], $0x320  }
0xdf: {  	[sflag:s21] =	ssyncset.done $0x0  }
0xe0: {  	[sflag:s21] =	ssyncadd.s32 $0xFFFFFCE0  }
0xe1: {  	_ =	swait.ge [sflag:s21], $0x320  }
0xe2: {  	[sflag:s21] =	ssyncset.done $0x0  }
0xe3: {  	[sflag:s21] =	ssyncadd.s32 $0xFFFFFCE0  }
0xe4: {  	[tilespmem:s22], [sflag:$0x4] =	stream.indirect.gather [hbm4b:s4+s18], $0x10, s18, s18, $0xb8;
	[tilespmem:$0x1F780] =	vst v63  }
0xe5: {  	_ =	swait.ge [sflag:s23], $0x3200  }
0xe6: {  	[sflag:s23] =	ssyncset.done $0x0  }
0xe7: {  	s29 =	simm.s32 $0xFFFFD120;
	[sflag:s23] =	ssyncadd.s32 $0xFFFFCE00  }
.LBB2_5:
0xe8: {  	[spmem:s1] =	stream.indirect.scatter.add.f32 [tilespmem:s22], [sflag:$0x6], $0x10, s20, s18, $0xb8;
	[tilespmem:$0x1F780] =	vst v63  }
0xe9: {  	s30 =	smov.u32 s29  }
0xea: {  	p1 =	seq.s32 s29, $0xFFFFFF38;
	s29 =	sadd.s32 $0xC8, s29;
	_ =	swait.ge [sflag:s6], $0x3200  }
0xeb: {  	s30 =	sadd.s32 s30, s15;
	[sflag:s6] =	ssyncset.done $0x0  }
0xec: {  	s31 =	sadd.s32 $0x3070, s30;
	[sflag:s6] =	ssyncadd.s32 $0xFFFFCE00  }
0xed: {  	[tilespmem:s2], [sflag:$0x1] =	stream.linear.gather [hbm4b:s31+s2], $0x320, $0x38;
	[tilespmem:$0x1F780] =	vst v63  }
0xee: {  	s31 =	sadd.s32 $0x33DB0, s30  }
0xef: {  	[tilespmem:s7], [sflag:$0x1] =	stream.linear.gather [hbm4b:s31+s2], $0x320, $0x38;
	[tilespmem:$0x1F780] =	vst v63  }
0xf0: {  	_ =	swait.ge [sflag:s17], $0x320  }
0xf1: {  	[sflag:s17] =	ssyncset.done $0x0  }
0xf2: {  	[sflag:s17] =	ssyncadd.s32 $0xFFFFFCE0  }
0xf3: {  	_ =	swait.ge [sflag:s17], $0x320  }
0xf4: {  	[sflag:s17] =	ssyncset.done $0x0  }
0xf5: {  	[sflag:s17] =	ssyncadd.s32 $0xFFFFFCE0  }
0xf6: {  	[tilespmem:s3], [sflag:$0x3] =	stream.indirect.gather [hbm4b:s4+s18], $0x10, s2, s18, $0xb8;
	[tilespmem:$0x1F780] =	vst v63  }
0xf7: {  	_ =	swait.ge [sflag:s19], $0x3200  }
0xf8: {  	[sflag:s19] =	ssyncset.done $0x0  }
0xf9: {  	[sflag:s19] =	ssyncadd.s32 $0xFFFFCE00  }
0xfa: {  	[spmem:s1] =	stream.indirect.scatter.add.f32 [tilespmem:s3], [sflag:$0x5], $0x10, s7, s18, $0xb8;
	[tilespmem:$0x1F780] =	vst v63  }
0xfb: {  	_ =	swait.ge [sflag:s25], $0x3200  }
0xfc: {  	[sflag:s25] =	ssyncset.done $0x0  }
0xfd: {  	s31 =	sadd.s32 $0x30D4, s30;
	[sflag:s25] =	ssyncadd.s32 $0xFFFFCE00  }
0xfe: {  	[tilespmem:s18], [sflag:$0x2] =	stream.linear.gather [hbm4b:s31+s2], $0x320, $0x38;
	[tilespmem:$0x1F780] =	vst v63  }
0xff: {  	s30 =	sadd.s32 $0x33E14, s30  }
0x100: {  	[tilespmem:s20], [sflag:$0x2] =	stream.linear.gather [hbm4b:s30+s2], $0x320, $0x38;
	[tilespmem:$0x1F780] =	vst v63  }
0x101: {  	_ =	swait.ge [sflag:s21], $0x320  }
0x102: {  	[sflag:s21] =	ssyncset.done $0x0  }
0x103: {  	[sflag:s21] =	ssyncadd.s32 $0xFFFFFCE0  }
0x104: {  	_ =	swait.ge [sflag:s21], $0x320  }
0x105: {  	[sflag:s21] =	ssyncset.done $0x0  }
.Ltmp4:
0x106: {  	[sflag:s21] =	ssyncadd.s32 $0xFFFFFCE0;
	(pc) =	sbr.rel @!p1 .LBB2_5-.Ltmp4, $4  }
0x107: {  	[tilespmem:s22], [sflag:$0x4] =	stream.indirect.gather [hbm4b:s4+s18], $0x10, s18, s18, $0xb8;
	[tilespmem:$0x1F780] =	vst v63  }
0x108: {  	_ =	swait.ge [sflag:s23], $0x3200  }
0x109: {  	[sflag:s23] =	ssyncset.done $0x0  }
0x10a: {  	[sflag:s23] =	ssyncadd.s32 $0xFFFFCE00  }
.Ltmp5:
0x10b: {  	(pc) =	sbr.rel .LBB2_10-.Ltmp5, $3  }
0x10c: {  	_ =	sdelay $0x1  }
0x10d: {  	[spmem:s1] =	stream.indirect.scatter.add.f32 [tilespmem:s22], [sflag:$0x6], $0x10, s20, s18, $0xb8;
	[tilespmem:$0x1F780] =	vst v63  }
0x10e: {  	s30 =	smov.u32 s4;
	s29 =	rddreg [dreg:$0x3]  }
.LBB2_7:
0x10f: {  	[tilespmem:s3], [sflag:$0x3] =	stream.indirect.gather [hbm4b:s5+s18], $0x10, s2, s18, $0xb8;
	[tilespmem:$0x1F780] =	vst v63  }
0x110: {  	_ =	swait.ge [sflag:s19], $0x3200  }
0x111: {  	[sflag:s19] =	ssyncset.done $0x0  }
0x112: {  	[sflag:s19] =	ssyncadd.s32 $0xFFFFCE00  }
0x113: {  	[spmem:s1] =	stream.indirect.scatter.add.f32 [tilespmem:s3], [sflag:$0x5], $0x10, s7, s18, $0xb8;
	[tilespmem:$0x1F780] =	vst v63  }
0x114: {  	s29 =	rddreg [dreg:$0xf]  }
0x115: {  	[tilespmem:s18], [sflag:$0x2] =	stream.linear.gather [hbm4b:s29+s2], $0x320, $0x38;
	[tilespmem:$0x1F780] =	vst v63  }
0x116: {  	s29 =	rddreg [dreg:$0x10]  }
0x117: {  	[tilespmem:s20], [sflag:$0x2] =	stream.linear.gather [hbm4b:s29+s2], $0x320, $0x38;
	[tilespmem:$0x1F780] =	vst v63  }
0x118: {  	_ =	swait.ge [sflag:s21], $0x320  }
0x119: {  	[sflag:s21] =	ssyncset.done $0x0  }
0x11a: {  	[sflag:s21] =	ssyncadd.s32 $0xFFFFFCE0  }
0x11b: {  	_ =	swait.ge [sflag:s21], $0x320  }
0x11c: {  	[sflag:s21] =	ssyncset.done $0x0  }
0x11d: {  	[sflag:s21] =	ssyncadd.s32 $0xFFFFFCE0  }
0x11e: {  	[tilespmem:s22], [sflag:$0x4] =	stream.indirect.gather [hbm4b:s5+s18], $0x10, s18, s18, $0xb8;
	[tilespmem:$0x1F780] =	vst v63  }
0x11f: {  	_ =	swait.ge [sflag:s23], $0x3200  }
0x120: {  	[sflag:s23] =	ssyncset.done $0x0  }
0x121: {  	[sflag:s23] =	ssyncadd.s32 $0xFFFFCE00  }
0x122: {  	[spmem:s1] =	stream.indirect.scatter.add.f32 [tilespmem:s22], [sflag:$0x6], $0x10, s20, s18, $0xb8;
	[tilespmem:$0x1F780] =	vst v63  }
0x123: {  	_ =	swait.ge [sflag:s6], $0x3200  }
0x124: {  	s29 =	sadd.s32 $0xFFFFD058, s15;
	[sflag:s6] =	ssyncset.done $0x0  }
0x125: {  	s30 =	sadd.s32 $0x3070, s29;
	[sflag:s6] =	ssyncadd.s32 $0xFFFFCE00  }
0x126: {  	[tilespmem:s2], [sflag:$0x1] =	stream.linear.gather [hbm4b:s30+s2], $0x320, $0x38;
	[tilespmem:$0x1F780] =	vst v63  }
0x127: {  	s31 =	sadd.s32 $0x33DB0, s29  }
0x128: {  	[tilespmem:s7], [sflag:$0x1] =	stream.linear.gather [hbm4b:s31+s2], $0x320, $0x38;
	[tilespmem:$0x1F780] =	vst v63  }
0x129: {  	_ =	swait.ge [sflag:s17], $0x320  }
0x12a: {  	[sflag:s17] =	ssyncset.done $0x0  }
0x12b: {  	[sflag:s17] =	ssyncadd.s32 $0xFFFFFCE0  }
0x12c: {  	_ =	swait.ge [sflag:s17], $0x320  }
0x12d: {  	[sflag:s17] =	ssyncset.done $0x0  }
0x12e: {  	[sflag:s17] =	ssyncadd.s32 $0xFFFFFCE0  }
0x12f: {  	[tilespmem:s3], [sflag:$0x3] =	stream.indirect.gather [hbm4b:s5+s18], $0x10, s2, s18, $0xb8;
	[tilespmem:$0x1F780] =	vst v63  }
0x130: {  	_ =	swait.ge [sflag:s19], $0x3200  }
0x131: {  	[sflag:s19] =	ssyncset.done $0x0  }
0x132: {  	[sflag:s19] =	ssyncadd.s32 $0xFFFFCE00  }
0x133: {  	[spmem:s1] =	stream.indirect.scatter.add.f32 [tilespmem:s3], [sflag:$0x5], $0x10, s7, s18, $0xb8;
	[tilespmem:$0x1F780] =	vst v63  }
0x134: {  	_ =	swait.ge [sflag:s25], $0x3200  }
0x135: {  	[sflag:s25] =	ssyncset.done $0x0  }
0x136: {  	s31 =	sadd.s32 $0x30D4, s29;
	[sflag:s25] =	ssyncadd.s32 $0xFFFFCE00  }
0x137: {  	[tilespmem:s18], [sflag:$0x2] =	stream.linear.gather [hbm4b:s31+s2], $0x320, $0x38;
	[tilespmem:$0x1F780] =	vst v63  }
0x138: {  	s29 =	sadd.s32 $0x33E14, s29  }
0x139: {  	[tilespmem:s20], [sflag:$0x2] =	stream.linear.gather [hbm4b:s29+s2], $0x320, $0x38;
	[tilespmem:$0x1F780] =	vst v63  }
0x13a: {  	_ =	swait.ge [sflag:s21], $0x320  }
0x13b: {  	[sflag:s21] =	ssyncset.done $0x0  }
0x13c: {  	[sflag:s21] =	ssyncadd.s32 $0xFFFFFCE0  }
0x13d: {  	_ =	swait.ge [sflag:s21], $0x320  }
0x13e: {  	[sflag:s21] =	ssyncset.done $0x0  }
0x13f: {  	[sflag:s21] =	ssyncadd.s32 $0xFFFFFCE0  }
0x140: {  	[tilespmem:s22], [sflag:$0x4] =	stream.indirect.gather [hbm4b:s5+s18], $0x10, s18, s18, $0xb8;
	[tilespmem:$0x1F780] =	vst v63  }
0x141: {  	_ =	swait.ge [sflag:s23], $0x3200  }
0x142: {  	[sflag:s23] =	ssyncset.done $0x0  }
0x143: {  	s29 =	simm.s32 $0xFFFFD120;
	[sflag:s23] =	ssyncadd.s32 $0xFFFFCE00  }
.LBB2_8:
0x144: {  	[spmem:s1] =	stream.indirect.scatter.add.f32 [tilespmem:s22], [sflag:$0x6], $0x10, s20, s18, $0xb8;
	[tilespmem:$0x1F780] =	vst v63  }
0x145: {  	s30 =	smov.u32 s29  }
0x146: {  	p1 =	sne.s32 s29, $0xFFFFFF38;
	s29 =	sadd.s32 $0xC8, s29;
	_ =	swait.ge [sflag:s6], $0x3200  }
0x147: {  	s30 =	sadd.s32 s30, s15;
	[sflag:s6] =	ssyncset.done $0x0  }
0x148: {  	s31 =	sadd.s32 $0x3070, s30;
	[sflag:s6] =	ssyncadd.s32 $0xFFFFCE00  }
0x149: {  	[tilespmem:s2], [sflag:$0x1] =	stream.linear.gather [hbm4b:s31+s2], $0x320, $0x38;
	[tilespmem:$0x1F780] =	vst v63  }
0x14a: {  	s31 =	sadd.s32 $0x33DB0, s30  }
0x14b: {  	[tilespmem:s7], [sflag:$0x1] =	stream.linear.gather [hbm4b:s31+s2], $0x320, $0x38;
	[tilespmem:$0x1F780] =	vst v63  }
0x14c: {  	_ =	swait.ge [sflag:s17], $0x320  }
0x14d: {  	[sflag:s17] =	ssyncset.done $0x0  }
0x14e: {  	[sflag:s17] =	ssyncadd.s32 $0xFFFFFCE0  }
0x14f: {  	_ =	swait.ge [sflag:s17], $0x320  }
0x150: {  	[sflag:s17] =	ssyncset.done $0x0  }
0x151: {  	[sflag:s17] =	ssyncadd.s32 $0xFFFFFCE0  }
0x152: {  	[tilespmem:s3], [sflag:$0x3] =	stream.indirect.gather [hbm4b:s5+s18], $0x10, s2, s18, $0xb8;
	[tilespmem:$0x1F780] =	vst v63  }
0x153: {  	_ =	swait.ge [sflag:s19], $0x3200  }
0x154: {  	[sflag:s19] =	ssyncset.done $0x0  }
0x155: {  	[sflag:s19] =	ssyncadd.s32 $0xFFFFCE00  }
0x156: {  	[spmem:s1] =	stream.indirect.scatter.add.f32 [tilespmem:s3], [sflag:$0x5], $0x10, s7, s18, $0xb8;
	[tilespmem:$0x1F780] =	vst v63  }
0x157: {  	_ =	swait.ge [sflag:s25], $0x3200  }
0x158: {  	[sflag:s25] =	ssyncset.done $0x0  }
0x159: {  	s31 =	sadd.s32 $0x30D4, s30;
	[sflag:s25] =	ssyncadd.s32 $0xFFFFCE00  }
0x15a: {  	[tilespmem:s18], [sflag:$0x2] =	stream.linear.gather [hbm4b:s31+s2], $0x320, $0x38;
	[tilespmem:$0x1F780] =	vst v63  }
0x15b: {  	s30 =	sadd.s32 $0x33E14, s30  }
0x15c: {  	[tilespmem:s20], [sflag:$0x2] =	stream.linear.gather [hbm4b:s30+s2], $0x320, $0x38;
	[tilespmem:$0x1F780] =	vst v63  }
0x15d: {  	_ =	swait.ge [sflag:s21], $0x320  }
0x15e: {  	[sflag:s21] =	ssyncset.done $0x0  }
0x15f: {  	[sflag:s21] =	ssyncadd.s32 $0xFFFFFCE0  }
0x160: {  	_ =	swait.ge [sflag:s21], $0x320  }
0x161: {  	[sflag:s21] =	ssyncset.done $0x0  }
.Ltmp6:
0x162: {  	[sflag:s21] =	ssyncadd.s32 $0xFFFFFCE0;
	(pc) =	sbr.rel @p1 .LBB2_8-.Ltmp6, $4  }
0x163: {  	[tilespmem:s22], [sflag:$0x4] =	stream.indirect.gather [hbm4b:s5+s18], $0x10, s18, s18, $0xb8;
	[tilespmem:$0x1F780] =	vst v63  }
0x164: {  	_ =	swait.ge [sflag:s23], $0x3200  }
0x165: {  	[sflag:s23] =	ssyncset.done $0x0  }
0x166: {  	[sflag:s23] =	ssyncadd.s32 $0xFFFFCE00  }
.Ltmp7:
0x167: {  	_ = 	snop;
	(pc) =	sbr.rel .LBB2_9-.Ltmp7, $1  }
0x168: {  	_ =	sdelay $0x3  }
.LBB2_11:
0x169: {  	_ =	sfence.sel $0x180000  }
0x16a: {  	[bflag:$0x0] =	sbarrier.arrive $0xFFFF  }
0x16b: {  	_ =	strace $0x90000050  }
0x16c: {  	s0 =	stileid.u32;
	[bflag:$0x2] =	sbarrier.arrive $0xFFFF  }
0x16d: {  	p0 =	sne.s32 s0, $0x0;
	s0 =	rddreg [dreg:$0x2]  }
0x16e: {  	s0 =	sadd.s32 @!p0 $0x100000, s0  }
0x16f: {  	[sflag:s0] =	ssyncadd.tile.s32 @!p0 $0x1;
	_ =	shalt  }
.Lfunc_end2:
_tile_overlayer_lowered:
.L_overlay_start_2:
0x170: {  	(tag) =	ssettag $0x2  }
0x171: {  	s0 =	rddreg [dreg:$0x0];
	s2 =	stileid.u32  }
0x172: {  	s1 =	rddreg [dreg:$0x1];
	p0 =	sne.s32 s2, $0x0  }
0x173: {  	s3 =	rddreg [dreg:$0x2];
	[bflag:$0x3] =	sbarrier.arrive $0xFFFF;
	s2 =	simm.s32 @!p0 $0x1C07  }
0x174: {  	[timem:s3], [sflag:s2] =	dma.local @!p0 [hbm:s0], s1  }
0x175: {  	s0 =	simm.s32 @!p0 $0x7  }
0x176: {  	_ =	swait.ge @!p0 [sflag:s0], s1  }
0x177: {  	s1 =	ssub.s32 @!p0 $0x0, s1;
	[sflag:s0] =	ssyncset.done @!p0 $0x0  }
0x178: {  	[sflag:s0] =	ssyncadd.s32 @!p0 s1  }
0x179: {  	[bflag:$0x3] =	sbarrier.arrive $0xFFFF  }
0x17a: {  	_ =	shalt  }

// kernel: kernel.9.cloned.1.call-start
scs
__scs_entry_jumppad:
0x0: {  	(pc) =	sbr.rel $0x88, $3  }
0x1: {  	(tag) =	ssettag $0x0;
	lr =	simm.s32 $0x1  }
0x2: {  	[smem:$0x3F99] =	sst lr;
	_ =	strace $0xD0000000  }
0x3: {  	_ = 	snop  }
0x4: {  	_ = 	snop  }
0x5: {  	_ = 	snop  }
0x6: {  	_ = 	snop  }
0x7: {  	_ = 	snop  }
__scs_overlays_trampoline_lowered:
0x8: {  	[smem:$0x3FA8] =	sst s0  }
0x9: {  	[smem:$0x3FA9] =	sst s1  }
0xa: {  	[smem:$0x3FAA] =	sst s2  }
0xb: {  	[smem:$0x3FAB] =	sst s3  }
0xc: {  	[smem:$0x3FAC] =	sst s4  }
0xd: {  	[smem:$0x3FAD] =	sst s5  }
0xe: {  	[smem:$0x3FAE] =	sst s6  }
0xf: {  	[smem:$0x3FAF] =	sst s7  }
0x10: {  	[smem:$0x3FB0] =	sst s8  }
0x11: {  	[smem:$0x3FB1] =	sst s9;
	s0 =	simm.s32 @!p0 $0x0  }
0x12: {  	s1 =	sld [smem:$0x3F97];
	s0 =	simm.s32 @p0 $0x1  }
0x13: {  	[smem:$0x3FB2] =	sst s0;
	s0 =	simm.s32 @!p1 $0x0  }
0x14: {  	s2 =	sld [smem:$0x3F96];
	s0 =	simm.s32 @p1 $0x1  }
0x15: {  	[smem:$0x3FB3] =	sst s0;
	s0 =	simm.s32 @!p2 $0x0  }
0x16: {  	s3 =	sld [smem:$0x3FDB];
	s0 =	simm.s32 @p2 $0x1  }
0x17: {  	s4 =	simm.s32 $0x1BF5;
	[smem:$0x3FB5] =	sst s0  }
0x18: {  	s0 =	sld [smem:$0x3F98];
	_ =	swait.ge [sflag:s4], $0x0  }
0x19: {  	s7 =	sld [smem:$0x3F99]  }
0x1a: {  	s8 =	sadd.s32 $0xFFFFE003, lr  }
0x1b: {  	s9 =	sadd.s32 $0xFFFFFEF7, lr;
	s5 =	simm.s32 $0xFFFFFFFF;
	p2 =	slt.u32 s8, $0xFFFFF086  }
0x1c: {  	p1 =	slt.u32 s9, $0xF7A;
	s5 =	simm.s32 @!p2 $0x0  }
0x1d: {  	s5 =	simm.s32 @p1 $0x1;
	p0 =	seq.s32 s7, s2  }
0x1e: {  	s7 =	smul.u32 @!p0 $0xF7A, s2;
	p2 =	seq.s32 @!p0 s5, $0x0  }
0x1f: {  	s9 =	smul.u32 $0xF7A, s1;
	s8 =	simm.s32 @!p0 $0x1BF5;
	p2 =	por !p2, p0  }
0x20: {  	[sflag:s8] =	ssyncset.s32 @!p0 $0xFFFFF086;
	s6 =	sadd.s32 @!p0 s3, s7;
	s7 =	simm.s32 @!p0 $0x108  }
0x21: {  	s3 =	sadd.s32 s3, s9;
	s6 =	sadd.s32 @!p0 $0x88, s6;
	s7 =	simm.s32 @p2 $0x1082  }
0x22: {  	[simem:s7], [sflag:s8] =	dma.local @!p0 [hbm:s6], $0xF7A  }
0x23: {  	s9 =	sor.u32 $0xD0000000, s2;
	s6 =	simm.s32 $0x108;
	_ =	swait.ge @!p0 [sflag:s8], $0x0  }
0x24: {  	s3 =	sadd.s32 $0x88, s3;
	s6 =	simm.s32 @!p1 $0x1082;
	[sflag:s4] =	ssyncset.s32 $0xFFFFF086  }
0x25: {  	[simem:s6], [sflag:s4] =	dma.local [hbm:s3], $0xF7A  }
0x26: {  	[smem:$0x3F99] =	sst s1;
	(tag) =	ssettag s2;
	_ =	strace s9  }
0x27: {  	s1 =	sld [smem:$0x3FA9]  }
0x28: {  	s2 =	sld [smem:$0x3FAA]  }
0x29: {  	s4 =	sld [smem:$0x3FAC]  }
0x2a: {  	p0 =	seq.s32 s5, $0x0;
	s5 =	sld [smem:$0x3FAD]  }
0x2b: {  	s6 =	sld [smem:$0x3FAE]  }
0x2c: {  	s7 =	sld [smem:$0x3FAF]  }
0x2d: {  	s3 =	simm.s32 $0x108;
	s8 =	sld [smem:$0x3FB0]  }
0x2e: {  	s3 =	simm.s32 @!p0 $0x1082;
	s9 =	sld [smem:$0x3FB1]  }
0x2f: {  	lr =	sadd.s32 s0, s3;
	s0 =	sld [smem:$0x3FA8]  }
0x30: {  	s3 =	sld [smem:$0x3FAB]  }
0x31: {  	[smem:$0x3FB4] =	sst s10  }
0x32: {  	s10 =	sld [smem:$0x3FB2];
	_ =	sdelay $0x3  }
0x33: {  	p0 =	seq.s32 s10, $0x1;
	s10 =	sld [smem:$0x3FB4];
	_ =	sdelay $0x3  }
0x34: {  	[smem:$0x3FB4] =	sst s10  }
0x35: {  	s10 =	sld [smem:$0x3FB3];
	_ =	sdelay $0x3  }
0x36: {  	p1 =	seq.s32 s10, $0x1;
	s10 =	sld [smem:$0x3FB4];
	_ =	sdelay $0x3  }
0x37: {  	[smem:$0x3FB4] =	sst s10  }
0x38: {  	s10 =	sld [smem:$0x3FB5]  }
0x39: {  	_ = 	snop;
	(pc) =	sbr.ind lr, $3  }
0x3a: {  	_ = 	snop  }
0x3b: {  	_ = 	snop  }
0x3c: {  	p2 =	seq.s32 s10, $0x1;
	s10 =	sld [smem:$0x3FB4]  }
0x3d: {  	_ =	shalt  }
0x3e: {  	_ =	shalt  }
0x3f: {  	_ =	shalt  }
0x40: {  	_ =	shalt  }
0x41: {  	_ =	shalt  }
0x42: {  	_ =	shalt  }
0x43: {  	_ =	shalt  }
0x44: {  	_ =	shalt  }
0x45: {  	_ =	shalt  }
0x46: {  	_ =	shalt  }
0x47: {  	_ =	shalt  }
0x48: {  	_ =	shalt  }
0x49: {  	_ =	shalt  }
0x4a: {  	_ =	shalt  }
0x4b: {  	_ =	shalt  }
0x4c: {  	_ =	shalt  }
0x4d: {  	_ =	shalt  }
0x4e: {  	_ =	shalt  }
0x4f: {  	_ =	shalt  }
0x50: {  	_ =	shalt  }
0x51: {  	_ =	shalt  }
0x52: {  	_ =	shalt  }
0x53: {  	_ =	shalt  }
0x54: {  	_ =	shalt  }
0x55: {  	_ =	shalt  }
0x56: {  	_ =	shalt  }
0x57: {  	_ =	shalt  }
0x58: {  	_ =	shalt  }
0x59: {  	_ =	shalt  }
0x5a: {  	_ =	shalt  }
0x5b: {  	_ =	shalt  }
0x5c: {  	_ =	shalt  }
0x5d: {  	_ =	shalt  }
0x5e: {  	_ =	shalt  }
0x5f: {  	_ =	shalt  }
0x60: {  	_ =	shalt  }
0x61: {  	_ =	shalt  }
0x62: {  	_ =	shalt  }
0x63: {  	_ =	shalt  }
0x64: {  	_ =	shalt  }
0x65: {  	_ =	shalt  }
0x66: {  	_ =	shalt  }
0x67: {  	_ =	shalt  }
0x68: {  	_ =	shalt  }
0x69: {  	_ =	shalt  }
0x6a: {  	_ =	shalt  }
0x6b: {  	_ =	shalt  }
0x6c: {  	_ =	shalt  }
0x6d: {  	_ =	shalt  }
0x6e: {  	_ =	shalt  }
0x6f: {  	_ =	shalt  }
0x70: {  	_ =	shalt  }
0x71: {  	_ =	shalt  }
0x72: {  	_ =	shalt  }
0x73: {  	_ =	shalt  }
0x74: {  	_ =	shalt  }
0x75: {  	_ =	shalt  }
0x76: {  	_ =	shalt  }
0x77: {  	_ =	shalt  }
0x78: {  	_ =	shalt  }
0x79: {  	_ =	shalt  }
0x7a: {  	_ =	shalt  }
0x7b: {  	_ =	shalt  }
0x7c: {  	_ =	shalt  }
0x7d: {  	_ =	shalt  }
0x7e: {  	_ =	shalt  }
0x7f: {  	_ =	shalt  }
0x80: {  	_ =	shalt  }
0x81: {  	_ =	shalt  }
0x82: {  	_ =	shalt  }
0x83: {  	_ =	shalt  }
0x84: {  	_ =	shalt  }
0x85: {  	_ =	shalt  }
0x86: {  	_ =	shalt  }
0x87: {  	_ =	shalt  }
.Lfunc_end0:
.L_simem_size_0:
called_computation_lowered:
.L_overlay_start_0:
0x88: {  	s2 =	sld [smem:$0x3FD9]  }
0x89: {  	s3 =	sld [smem:$0x3FFE];
	_ =	sdelay $0x1  }
0x8a: {  	s1 =	srdreg.scid  }
0x8b: {  	s0 =	sand.u32 $0x1, s1  }
0x8c: {  	s16 =	sshll.u32 s0, $0xA;
	s2 =	sadd.s32 s3, s2  }
0x8d: {  	s2 =	sadd.s32 s2, s16  }
0x8e: {  	[smem:$0x3FC0] =	sst s2  }
0x8f: {  	_ = 	snop  }
0x90: {  	(tm) =	ssettm $0x1  }
0x91: {  	s17 =	sld [smem:$0x3FFB];
	_ =	sdelay $0x3  }
0x92: {  	_ =	strace s17  }
0x93: {  	s2 =	sld [smem:$0x3FFC];
	_ =	sdelay $0x3  }
0x94: {  	_ =	strace s2  }
0x95: {  	s2 =	sld [smem:$0x3FFD];
	_ =	sdelay $0x3  }
0x96: {  	_ =	strace s2  }
0x97: {  	_ =	strace $0x8FFFFFFF  }
0x98: {  	s18 =	sld [smem:$0x3FDB];
	_ =	sdelay $0x1  }
0x99: {  	s19 =	simm.s32 $_scs_section_size  }
0x9a: {  	s4 =	simm.s32 $_size__tile_overlayer_lowered;
	s5 =	simm.s32 $_tile_overlayer_lowered  }
0x9b: {  	s22 =	simm.s32 $0x1BFF;
	s21 =	sshll.u32 s5, $0x1;
	s2 =	sadd.s32 s19, s18  }
0x9c: {  	s6 =	simm.s32 $0x0;
	s20 =	sshll.u32 s4, $0x1;
	s4 =	sadd.s32 s21, s2  }
0x9d: {  	[timem:s6], [sflag:s22] =	dma.local [hbm:s4], s20  }
0x9e: {  	_ =	swait.ge [sflag:s22], s20  }
0x9f: {  	s3 =	ssub.s32 $0x0, s20;
	[sflag:s22] =	ssyncset.done $0x0  }
0xa0: {  	[sflag:s22] =	ssyncadd.s32 s3;
	_ =	sdelay $0x1  }
0xa1: {  	s23 =	simm.s32 $0x1B8B  }
0xa2: {  	_ =	swait.ge [sflag:s23], $0x1  }
0xa3: {  	[sflag:s23] =	ssyncset.done $0x0  }
0xa4: {  	s25 =	simm.s32 $0x1B8E;
	s24 =	sld [smem:$0x3FFE];
	[sflag:s23] =	ssyncadd.s32 $0xFFFFFFFF  }
0xa5: {  	s26 =	simm.s32 $execute0_lowered;
	[smem:$0x3FD2] =	sst s25  }
0xa6: {  	s4 =	sshll.u32 s26, $0x1;
	_ =	strace $0x80000046;
	[dreg:$0x1] =	wrdreg $0xFFFFFFFF  }
0xa7: {  	s28 =	simm.s32 $_size_execute0_lowered;
	s2 =	sadd.s32 s2, s4;
	[dreg:$0x0] =	wrdreg $0x0  }
0xa8: {  	s4 =	sshll.u32 s28, $0x1;
	[dreg:$0x2] =	wrdreg s2  }
0xa9: {  	[dreg:$0x3] =	wrdreg s4  }
0xaa: {  	[dreg:$0x4] =	wrdreg $0xC0  }
0xab: {  	_ =	task [dreg:s6], $0x5FFFF  }
0xac: {  	[dreg:$0x1] =	wrdreg $0xFFFFFFFF  }
0xad: {  	[dreg:$0x0] =	wrdreg $0x60  }
0xae: {  	[dreg:$0x2] =	wrdreg s24  }
0xaf: {  	[dreg:$0x3] =	wrdreg $0x2BF80  }
0xb0: {  	[dreg:$0x4] =	wrdreg $0x9  }
0xb1: {  	_ =	task.clear_ibuf [dreg:s6], $0x5FFFF;
	_ =	strace $0x90000046  }
0xb2: {  	s29 =	simm.s32 $0x9;
	_ =	strace $0x80000048  }
0xb3: {  	_ =	swait.ge [sflag:s29], $0x1  }
0xb4: {  	[sflag:s29] =	ssyncadd.s32 $0xFFFFFFFF  }
0xb5: {  	_ =	strace $0x90000048  }
0xb6: {  	_ =	sfence  }
0xb7: {  	s30 =	sld [smem:$0x0];
	_ =	sdelay $0x2  }
0xb8: {  	s31 =	sshll.u32 s1, $0xD;
	s1 =	sshrl.u32 s1, $0x2  }
0xb9: {  	s3 =	sand.u32 $0x4000, s31;
	s1 =	sadd.s32 s1, s30  }
0xba: {  	s0 =	sor.u32 s3, s0;
	s1 =	sshll.u32 s1, $0x11  }
0xbb: {  	s0 =	sor.u32 s1, s0  }
0xbc: {  	s0 =	sadd.s32 $0x8F2B, s0  }
0xbd: {  	[sflag:s0] =	ssyncadd.remote.s32 $0x1  }
0xbe: {  	_ =	sfence.sel $0xFFFF  }
0xbf: {  	[dreg:$0x0] =	wrdreg $0xFFFFFFFF;
	(pc) =	sbr.abs _section_cstart, $3  }
0xc0: {  	[dreg:$0x1] =	wrdreg $0xFFFFFFFF  }
0xc1: {  	_ =	task.clear_ibuf [dreg:s6], $0x2FFFF;
	_ =	strace $0x9FFFFFFF  }
0xc2: {  	(tm) =	ssettm $0x7FFFFFFF  }
0xc3: {  	_ =	shalt  }
tec
execute0_lowered:
.L_overlay_start_1:
0x0: {  	(tag) =	ssettag $0x1  }
0x1: {  	s4 =	rddreg [dreg:$0x0]  }
0x2: {  	s2 =	rddreg [dreg:$0x1]  }
0x3: {  	s0 =	rddreg [dreg:$0x2];
	s5 =	srdreg.scid  }
0x4: {  	s1 =	stileid.u32;
	s3 =	simm.s32 $0x0;
	s18 =	simm.s32 $0x1  }
0x5: {  	s19 =	simm.s32 $0x0;
	s5 =	sand.u32 $0x1, s5;
	s6 =	smul.u32 $0x1870, s1  }
0x6: {  	[smem:$0x7FF] =	sst s3;
	s7 =	smul.u32 $0x18700, s5;
	s8 =	sshll.u32 s5, $0x4  }
0x7: {  	s16 =	sadd.s32 $0x4A00, s4;
	s5 =	ssub.s32 $0x2, s5;
	s8 =	sor.u32 s1, s8  }
0x8: {  	s30 =	sshrl.u32 s5, $0x1;
	s7 =	sadd.s32 s6, s7;
	s13 =	smul.u32 $0xC350, s8  }
0x9: {  	_ =	strace $0x80000047;
	s8 =	ssub.s32 s5, s30;
	s7 =	sshrl.u32 s7, $0x3  }
0xa: {  	s7 =	sadd.s32 s7, s4;
	s31 =	sshrl.u32 s13, $0x3;
	s9 =	sadd.s32 $0x187D88, s13  }
0xb: {  	s4 =	sadd.s32 s6, s2;
	s10 =	sadd.s32 $0x18A498, s13;
	s12 =	sadd.s32 $0x18CBA8, s13  }
0xc: {  	s14 =	sadd.s32 $0x18F2B8, s13;
	s17 =	sadd.s32 $0x1919C8, s13;
	s15 =	sadd.s32 s16, s31  }
0xd: {  	s5 =	sadd.s32 $0x66600, s7;
	s9 =	sshrl.u32 s9, $0x3;
	s7 =	smax.u32 s8, $0x1  }
0xe: {  	s10 =	sshrl.u32 s10, $0x3;
	s12 =	sshrl.u32 s12, $0x3;
	s14 =	sshrl.u32 s14, $0x3  }
0xf: {  	s17 =	sshrl.u32 s17, $0x3;
	s6 =	sadd.s32 $0x30D40, s15;
	s8 =	sadd.s32 s16, s9  }
0x10: {  	s9 =	sadd.s32 $0x31222, s15;
	s10 =	sadd.s32 s16, s10;
	s11 =	sadd.s32 $0x31704, s15  }
0x11: {  	s12 =	sadd.s32 s16, s12;
	s13 =	sadd.s32 $0x31BE6, s15;
	s14 =	sadd.s32 s16, s14  }
0x12: {  	v0 =	vimm.f32 $0.0e+00;
	v1 =	vimm.f32 $1.000000000e+00;
	s15 =	sadd.s32 $0x320C8, s15;
	s16 =	sadd.s32 s16, s17;
	s17 =	simm.s32 $0x1388  }
.LBB2_1:
0x13: {  	s20 =	simm.s32 $0x40;
	s21 =	simm.s32 $0x0  }
.LBB2_2:
0x14: {  	p0 =	sne.s32 s20, $0x6180;
	[tilespmem:s21+$0x1388] =	vst v0;
	s21 =	smov.u32 s20;
	s20 =	sadd.s32 $0x40, s20  }
.Ltmp0:
0x15: {  	(pc) =	sbr.rel @p0 .LBB2_2-.Ltmp0, $2  }
0x16: {  	_ =	sdelay $0x2  }
0x17: {  	s21 =	sshra.s32 s21, $0x2  }
0x18: {  	[tilespmem:s21+$0x1388] =	vst v0  }
0x19: {  	[spmem:s4] =	stream.linear.scatter [tilespmem:s17], [sflag:$0x1], $0x1870, $0x38;
	[tilespmem:$0x4468] =	vst v63  }
0x1a: {  	_ =	swait.ge [sflag:s18], $0x1870  }
0x1b: {  	[sflag:s18] =	ssyncset.done $0x0  }
0x1c: {  	s20 =	simm.s32 $0x40;
	s21 =	simm.s32 $0x0;
	[sflag:s18] =	ssyncadd.s32 $0xFFFFE790  }
.LBB2_4:
0x1d: {  	p0 =	sne.s32 s20, $0x6180;
	[tilespmem:s21+$0x1388] =	vst v1;
	s21 =	smov.u32 s20;
	s20 =	sadd.s32 $0x40, s20  }
.Ltmp1:
0x1e: {  	(pc) =	sbr.rel @p0 .LBB2_4-.Ltmp1, $2  }
0x1f: {  	_ =	sdelay $0x2  }
0x20: {  	s21 =	sshra.s32 s21, $0x2  }
0x21: {  	[tilespmem:s21+$0x1388] =	vst v1  }
0x22: {  	[bflag:$0x0] =	sbarrier.arrive $0xFFFF  }
0x23: {  	[tilespmem:s3], [sflag:$0x1] =	stream.linear.gather [hbm4b:s6+s3], $0x1388, $0x38;
	[tilespmem:$0x4468] =	vst v63  }
0x24: {  	_ =	swait.ge [sflag:s18], $0x1388  }
0x25: {  	[sflag:s18] =	ssyncset.done $0x0  }
0x26: {  	[sflag:s18] =	ssyncadd.s32 $0xFFFFEC78  }
0x27: {  	[spmem:s2] =	stream.indirect.scatter.add.f32 [tilespmem:s17], [sflag:$0x1], $0x1, s3, s17, $0xb8;
	[tilespmem:$0x4468] =	vst v63  }
0x28: {  	_ =	swait.ge [sflag:s18], $0x1388  }
0x29: {  	[sflag:s18] =	ssyncset.done $0x0  }
0x2a: {  	[sflag:s18] =	ssyncadd.s32 $0xFFFFEC78  }
0x2b: {  	[tilespmem:s3], [sflag:$0x1] =	stream.linear.gather [hbm4b:s8+s3], $0x1388, $0x38;
	[tilespmem:$0x4468] =	vst v63  }
0x2c: {  	_ =	swait.ge [sflag:s18], $0x1388  }
0x2d: {  	[sflag:s18] =	ssyncset.done $0x0  }
0x2e: {  	[sflag:s18] =	ssyncadd.s32 $0xFFFFEC78  }
0x2f: {  	[spmem:s2] =	stream.indirect.scatter.add.f32 [tilespmem:s17], [sflag:$0x1], $0x1, s3, s17, $0xb8;
	[tilespmem:$0x4468] =	vst v63  }
0x30: {  	_ =	swait.ge [sflag:s18], $0x1388  }
0x31: {  	[sflag:s18] =	ssyncset.done $0x0  }
0x32: {  	[sflag:s18] =	ssyncadd.s32 $0xFFFFEC78  }
0x33: {  	[tilespmem:s3], [sflag:$0x1] =	stream.linear.gather [hbm4b:s9+s3], $0x1388, $0x38;
	[tilespmem:$0x4468] =	vst v63  }
0x34: {  	_ =	swait.ge [sflag:s18], $0x1388  }
0x35: {  	[sflag:s18] =	ssyncset.done $0x0  }
0x36: {  	[sflag:s18] =	ssyncadd.s32 $0xFFFFEC78  }
0x37: {  	[spmem:s2] =	stream.indirect.scatter.add.f32 [tilespmem:s17], [sflag:$0x1], $0x1, s3, s17, $0xb8;
	[tilespmem:$0x4468] =	vst v63  }
0x38: {  	_ =	swait.ge [sflag:s18], $0x1388  }
0x39: {  	[sflag:s18] =	ssyncset.done $0x0  }
0x3a: {  	[sflag:s18] =	ssyncadd.s32 $0xFFFFEC78  }
0x3b: {  	[tilespmem:s3], [sflag:$0x1] =	stream.linear.gather [hbm4b:s10+s3], $0x1388, $0x38;
	[tilespmem:$0x4468] =	vst v63  }
0x3c: {  	_ =	swait.ge [sflag:s18], $0x1388  }
0x3d: {  	[sflag:s18] =	ssyncset.done $0x0  }
0x3e: {  	[sflag:s18] =	ssyncadd.s32 $0xFFFFEC78  }
0x3f: {  	[spmem:s2] =	stream.indirect.scatter.add.f32 [tilespmem:s17], [sflag:$0x1], $0x1, s3, s17, $0xb8;
	[tilespmem:$0x4468] =	vst v63  }
0x40: {  	_ =	swait.ge [sflag:s18], $0x1388  }
0x41: {  	[sflag:s18] =	ssyncset.done $0x0  }
0x42: {  	[sflag:s18] =	ssyncadd.s32 $0xFFFFEC78  }
0x43: {  	[tilespmem:s3], [sflag:$0x1] =	stream.linear.gather [hbm4b:s11+s3], $0x1388, $0x38;
	[tilespmem:$0x4468] =	vst v63  }
0x44: {  	_ =	swait.ge [sflag:s18], $0x1388  }
0x45: {  	[sflag:s18] =	ssyncset.done $0x0  }
0x46: {  	[sflag:s18] =	ssyncadd.s32 $0xFFFFEC78  }
0x47: {  	[spmem:s2] =	stream.indirect.scatter.add.f32 [tilespmem:s17], [sflag:$0x1], $0x1, s3, s17, $0xb8;
	[tilespmem:$0x4468] =	vst v63  }
0x48: {  	_ =	swait.ge [sflag:s18], $0x1388  }
0x49: {  	[sflag:s18] =	ssyncset.done $0x0  }
0x4a: {  	[sflag:s18] =	ssyncadd.s32 $0xFFFFEC78  }
0x4b: {  	[tilespmem:s3], [sflag:$0x1] =	stream.linear.gather [hbm4b:s12+s3], $0x1388, $0x38;
	[tilespmem:$0x4468] =	vst v63  }
0x4c: {  	_ =	swait.ge [sflag:s18], $0x1388  }
0x4d: {  	[sflag:s18] =	ssyncset.done $0x0  }
0x4e: {  	[sflag:s18] =	ssyncadd.s32 $0xFFFFEC78  }
0x4f: {  	[spmem:s2] =	stream.indirect.scatter.add.f32 [tilespmem:s17], [sflag:$0x1], $0x1, s3, s17, $0xb8;
	[tilespmem:$0x4468] =	vst v63  }
0x50: {  	_ =	swait.ge [sflag:s18], $0x1388  }
0x51: {  	[sflag:s18] =	ssyncset.done $0x0  }
0x52: {  	[sflag:s18] =	ssyncadd.s32 $0xFFFFEC78  }
0x53: {  	[tilespmem:s3], [sflag:$0x1] =	stream.linear.gather [hbm4b:s13+s3], $0x1388, $0x38;
	[tilespmem:$0x4468] =	vst v63  }
0x54: {  	_ =	swait.ge [sflag:s18], $0x1388  }
0x55: {  	[sflag:s18] =	ssyncset.done $0x0  }
0x56: {  	[sflag:s18] =	ssyncadd.s32 $0xFFFFEC78  }
0x57: {  	[spmem:s2] =	stream.indirect.scatter.add.f32 [tilespmem:s17], [sflag:$0x1], $0x1, s3, s17, $0xb8;
	[tilespmem:$0x4468] =	vst v63  }
0x58: {  	_ =	swait.ge [sflag:s18], $0x1388  }
0x59: {  	[sflag:s18] =	ssyncset.done $0x0  }
0x5a: {  	[sflag:s18] =	ssyncadd.s32 $0xFFFFEC78  }
0x5b: {  	[tilespmem:s3], [sflag:$0x1] =	stream.linear.gather [hbm4b:s14+s3], $0x1388, $0x38;
	[tilespmem:$0x4468] =	vst v63  }
0x5c: {  	_ =	swait.ge [sflag:s18], $0x1388  }
0x5d: {  	[sflag:s18] =	ssyncset.done $0x0  }
0x5e: {  	[sflag:s18] =	ssyncadd.s32 $0xFFFFEC78  }
0x5f: {  	[spmem:s2] =	stream.indirect.scatter.add.f32 [tilespmem:s17], [sflag:$0x1], $0x1, s3, s17, $0xb8;
	[tilespmem:$0x4468] =	vst v63  }
0x60: {  	_ =	swait.ge [sflag:s18], $0x1388  }
0x61: {  	[sflag:s18] =	ssyncset.done $0x0  }
0x62: {  	[sflag:s18] =	ssyncadd.s32 $0xFFFFEC78  }
0x63: {  	[tilespmem:s3], [sflag:$0x1] =	stream.linear.gather [hbm4b:s15+s3], $0x1388, $0x38;
	[tilespmem:$0x4468] =	vst v63  }
0x64: {  	_ =	swait.ge [sflag:s18], $0x1388  }
0x65: {  	[sflag:s18] =	ssyncset.done $0x0  }
0x66: {  	[sflag:s18] =	ssyncadd.s32 $0xFFFFEC78  }
0x67: {  	[spmem:s2] =	stream.indirect.scatter.add.f32 [tilespmem:s17], [sflag:$0x1], $0x1, s3, s17, $0xb8;
	[tilespmem:$0x4468] =	vst v63  }
0x68: {  	_ =	swait.ge [sflag:s18], $0x1388  }
0x69: {  	[sflag:s18] =	ssyncset.done $0x0  }
0x6a: {  	[sflag:s18] =	ssyncadd.s32 $0xFFFFEC78  }
0x6b: {  	[tilespmem:s3], [sflag:$0x1] =	stream.linear.gather [hbm4b:s16+s3], $0x1388, $0x38;
	[tilespmem:$0x4468] =	vst v63  }
0x6c: {  	_ =	swait.ge [sflag:s18], $0x1388  }
0x6d: {  	[sflag:s18] =	ssyncset.done $0x0  }
0x6e: {  	[sflag:s18] =	ssyncadd.s32 $0xFFFFEC78  }
0x6f: {  	[spmem:s2] =	stream.indirect.scatter.add.f32 [tilespmem:s17], [sflag:$0x1], $0x1, s3, s17, $0xb8;
	[tilespmem:$0x4468] =	vst v63  }
0x70: {  	_ =	swait.ge [sflag:s18], $0x1388  }
0x71: {  	[sflag:s18] =	ssyncset.done $0x0  }
0x72: {  	[sflag:s18] =	ssyncadd.s32 $0xFFFFEC78  }
0x73: {  	[bflag:$0x0] =	sbarrier.arrive $0xFFFF  }
0x74: {  	[tilespmem:s17], [sflag:$0x1] =	stream.linear.gather [spmem:s4], $0x1870, $0x38;
	[tilespmem:$0x4468] =	vst v63  }
0x75: {  	s19 =	sadd.s32 $0x1, s19;
	_ =	swait.ge [sflag:s18], $0x1870  }
0x76: {  	p0 =	sne.s32 s19, s7;
	[sflag:s18] =	ssyncset.done $0x0  }
.Ltmp2:
0x77: {  	[sflag:s18] =	ssyncadd.s32 $0xFFFFE790;
	(pc) =	sbr.rel @p0 .LBB2_1-.Ltmp2, $4  }
0x78: {  	[hbm4b:s5+s3] =	stream.linear.scatter [tilespmem:s17], [sflag:$0x1], $0x1870, $0x38;
	[tilespmem:$0x4468] =	vst v63  }
0x79: {  	_ =	swait.ge [sflag:s18], $0x1870  }
0x7a: {  	[sflag:s18] =	ssyncset.done $0x0  }
0x7b: {  	[sflag:s18] =	ssyncadd.s32 $0xFFFFE790  }
0x7c: {  	_ =	sfence.sel $0x180000  }
0x7d: {  	[bflag:$0x0] =	sbarrier.arrive $0xFFFF  }
0x7e: {  	p0 =	sne.s32 s1, $0x0;
	_ =	strace $0x90000047  }
0x7f: {  	s0 =	sadd.s32 @!p0 $0x100000, s0;
	[bflag:$0x2] =	sbarrier.arrive $0xFFFF  }
0x80: {  	[sflag:s0] =	ssyncadd.tile.s32 @!p0 $0x1;
	_ =	shalt  }
.Lfunc_end2:
_tile_overlayer_lowered:
.L_overlay_start_2:
0x81: {  	(tag) =	ssettag $0x2  }
0x82: {  	s0 =	rddreg [dreg:$0x0];
	s2 =	stileid.u32  }
0x83: {  	s1 =	rddreg [dreg:$0x1];
	p0 =	sne.s32 s2, $0x0  }
0x84: {  	s3 =	rddreg [dreg:$0x2];
	[bflag:$0x3] =	sbarrier.arrive $0xFFFF;
	s2 =	simm.s32 @!p0 $0x1C01  }
0x85: {  	[timem:s3], [sflag:s2] =	dma.local @!p0 [hbm:s0], s1  }
0x86: {  	s0 =	simm.s32 @!p0 $0x1  }
0x87: {  	_ =	swait.ge @!p0 [sflag:s0], s1  }
0x88: {  	s1 =	ssub.s32 @!p0 $0x0, s1;
	[sflag:s0] =	ssyncset.done @!p0 $0x0  }
0x89: {  	[sflag:s0] =	ssyncadd.s32 @!p0 s1  }
0x8a: {  	[bflag:$0x3] =	sbarrier.arrive $0xFFFF  }
0x8b: {  	_ =	shalt  }

</sc_bundles>
